<compile_context>
chip_gen: v7x
topology: tpu7x:2x2x1
jax: 0.10.2.dev20260603
libtpu: 0.0.44.dev20260713+nightly
codegen_flags: <defaults>
</compile_context>

<pallas_src>
import functools

import jax
import jax.numpy as jnp
from jax import lax
from jax.experimental import pallas as pl
from jax.experimental.pallas import tpu as pltpu
from jax.experimental.pallas import tpu_sc as plsc

N = 10000
E = 320000
D = 128
H1 = 8
C1 = 16
OUT = 128

LANES = 16
NC = 2
NS = 16
DH = D // NC
GPC = DH // LANES
EPT = E // NS
K = 80
NCHUNK = EPT // K
ROWS_PT = 624
TAIL = N - NS * ROWS_PT
TAIL_BASE = NS * ROWS_PT
HS_W = DH + LANES
N2 = 2 * N

_f32 = jnp.float32


def _splat_lane(v, lane):
    idx = jnp.full((LANES, 1), lane, jnp.int32)
    dn = lax.GatherDimensionNumbers(
        offset_dims=(), collapsed_slice_dims=(0,), start_index_map=(0,))
    return lax.gather(v, idx, dn, (1,),
                      mode=lax.GatherScatterMode.PROMISE_IN_BOUNDS)



def _interleave(h, lg):
    hsplit = h.reshape(N, NC, DH)
    lg2 = jnp.broadcast_to(lg[:, None, :], (N, NC, LANES))
    return jnp.concatenate([hsplit, lg2], axis=2)


def _logit_bound(nheads, lg, ad):
    coll = lax.broadcasted_iota(jnp.int32, lg.shape, 1)
    cola = lax.broadcasted_iota(jnp.int32, ad.shape, 1)
    ninf = jnp.float32(-jnp.inf)
    asmax = jnp.max(jnp.where(coll < nheads, lg, ninf))
    admax = jnp.max(jnp.where(cola < nheads, ad, ninf))
    return jnp.maximum(asmax + admax, 0.0)


def _prep_body(nheads, x_ref, wf_ref, wl_ref, wd_ref, hsrc_ref, adp_ref,
               m_ref):
    x = x_ref[...]
    h = jnp.dot(x, wf_ref[...], preferred_element_type=_f32)
    lg = jnp.dot(x, wl_ref[...], preferred_element_type=_f32)
    adp = jnp.dot(x, wd_ref[...], preferred_element_type=_f32)
    hsrc_ref[...] = _interleave(h, lg)
    adp_ref[...] = adp
    m_ref[...] = jnp.full((1, D), _logit_bound(nheads, lg, adp), _f32)


def _prep_call(nheads, x, wf, wl, wd):
    return pl.pallas_call(
        functools.partial(_prep_body, nheads),
        out_shape=(
            jax.ShapeDtypeStruct((N, NC, HS_W), _f32),
            jax.ShapeDtypeStruct((N, LANES), _f32),
            jax.ShapeDtypeStruct((1, D), _f32),
        ),
    )(x, wf, wl, wd)


def _mid_body(acc_ref, b1_ref, wf_ref, wl_ref, wd_ref,
              hsrc_ref, adp_ref, m_ref):
    num = jnp.concatenate([acc_ref[0, :, :DH], acc_ref[1, :, :DH]], axis=1)
    den = acc_ref[0, :, DH:]
    srow = lax.broadcasted_iota(jnp.int32, (LANES, D), 0)
    scol = lax.broadcasted_iota(jnp.int32, (LANES, D), 1)
    sel = (srow == scol // C1).astype(_f32)
    dexp = jnp.dot(den, sel, preferred_element_type=_f32)
    x2 = num / (dexp + 1e-16) + b1_ref[...]
    x2 = jnp.where(x2 > 0, x2, jnp.exp(x2) - 1.0)
    h = jnp.dot(x2, wf_ref[...], preferred_element_type=_f32)
    lg = jnp.dot(x2, wl_ref[...], preferred_element_type=_f32)
    adp = jnp.dot(x2, wd_ref[...], preferred_element_type=_f32)
    hsrc_ref[...] = _interleave(h, lg)
    adp_ref[...] = adp
    m_ref[...] = jnp.full((1, D), _logit_bound(1, lg, adp), _f32)


def _mid_call(acc, b1r, wf, wl, wd):
    return pl.pallas_call(
        _mid_body,
        out_shape=(
            jax.ShapeDtypeStruct((N, NC, HS_W), _f32),
            jax.ShapeDtypeStruct((N, LANES), _f32),
            jax.ShapeDtypeStruct((1, D), _f32),
        ),
    )(acc, b1r, wf, wl, wd)


def _final_body(acc_ref, b2_ref, out_ref):
    num = jnp.concatenate([acc_ref[0, :, :DH], acc_ref[1, :, :DH]], axis=1)
    den = acc_ref[0, :, DH:]
    srow = lax.broadcasted_iota(jnp.int32, (LANES, D), 0)
    sel = (srow == 0).astype(_f32)
    dexp = jnp.dot(den, sel, preferred_element_type=_f32)
    out_ref[...] = num / (dexp + 1e-16) + b2_ref[...]


def _final_call(acc, b2r):
    return pl.pallas_call(
        _final_body,
        out_shape=jax.ShapeDtypeStruct((N, OUT), _f32),
    )(acc, b2r)



def _edge_body(nheads, ei_ref, hsrc_ref, adp_ref, m_ref,
               acc_out,
               srcall, dstall, idx20, idx21, hrows0, hrows1,
               adrows0, adrows1, wrows0, wrows1, mvec,
               accs, sem_h0, sem_h1, sem_a0, sem_a1, sem_s0, sem_s1):
    idx2_b = (idx20, idx21)
    hrows_b = (hrows0, hrows1)
    adrows_b = (adrows0, adrows1)
    wrows_b = (wrows0, wrows1)
    sem_h = (sem_h0, sem_h1)
    sem_a = (sem_a0, sem_a1)
    sem_s = (sem_s0, sem_s1)
    wrows = wrows0
    cid = lax.axis_index("c")
    sid = lax.axis_index("s")
    rbase = sid * ROWS_PT
    cbase = cid * GPC

    def _zrow(i, _):
        for g in range(HS_W // LANES):
            wrows[i, pl.ds(g * LANES, LANES)] = jnp.zeros((LANES,), _f32)
        return 0
    lax.fori_loop(0, K, _zrow, 0)
    for r in range(ROWS_PT // K):
        pltpu.sync_copy(wrows, accs.at[pl.ds(rbase + r * K, K)])
    rleft = ROWS_PT - (ROWS_PT // K) * K
    if rleft:
        off = rbase + (ROWS_PT // K) * K
        pltpu.sync_copy(wrows.at[pl.ds(0, rleft)], accs.at[pl.ds(off, rleft)])

    @pl.when(sid == 0)
    def _zero_tail():
        pltpu.sync_copy(wrows.at[pl.ds(0, TAIL)],
                        accs.at[pl.ds(TAIL_BASE, TAIL)])
    plsc.subcore_barrier()

    pltpu.sync_copy(ei_ref.at[0, sid], srcall)
    pltpu.sync_copy(ei_ref.at[1, sid], dstall)
    pltpu.sync_copy(m_ref.at[0, pl.ds(0, LANES)], mvec)

    mv0 = mvec[...]

    def _mk_idx(j, ib):
        for i in range(K // LANES):
            s = srcall[j, pl.ds(i * LANES, LANES)]
            ib[pl.ds(i * LANES, LANES)] = s * 2 + cid

    for b in range(2):
        _mk_idx(b, idx2_b[b])
        pltpu.async_copy(hsrc_ref.at[idx2_b[b]], hrows_b[b], sem_h[b])
        pltpu.async_copy(adp_ref.at[dstall.at[b]], adrows_b[b], sem_a[b])

    def _super(jj, _):
        for b in range(2):
            j = jj * 2 + b
            hrows = hrows_b[b]
            adrows = adrows_b[b]
            wrows = wrows_b[b]
            pltpu.make_async_copy(hsrc_ref.at[idx2_b[b]],
                                  hrows, sem_h[b]).wait()
            pltpu.make_async_copy(adp_ref.at[dstall.at[j]],
                                  adrows, sem_a[b]).wait()

            @pl.when(jj > 0)
            def _drain():
                pltpu.make_async_copy(wrows, accs.at[dstall.at[j]],
                                      sem_s[b]).wait()

            @plsc.parallel_loop(0, K, step=1, unroll=8)
            def _edge(k):
                e16 = hrows[k, pl.ds(DH, LANES)] + adrows[k, :]
                e16 = jnp.where(e16 > 0, e16, 0.2 * e16)
                w16 = jnp.exp(e16 - mv0)
                wrows[k, pl.ds(DH, LANES)] = w16
                if nheads == 1:
                    ws = _splat_lane(w16, 0)
                    for g in range(GPC):
                        wrows[k, pl.ds(g * LANES, LANES)] = (
                            hrows[k, pl.ds(g * LANES, LANES)] * ws)
                else:
                    for g in range(GPC):
                        ws = _splat_lane(w16, cbase + g)
                        wrows[k, pl.ds(g * LANES, LANES)] = (
                            hrows[k, pl.ds(g * LANES, LANES)] * ws)

            jn = j + 2

            @pl.when(jn < NCHUNK)
            def _next():
                _mk_idx(jn, idx2_b[b])
                pltpu.async_copy(hsrc_ref.at[idx2_b[b]],
                                 hrows, sem_h[b])
                pltpu.async_copy(adp_ref.at[dstall.at[jn]],
                                 adrows, sem_a[b])

            pltpu.async_copy(wrows, accs.at[dstall.at[j]], sem_s[b],
                             add=True)
        return 0
    lax.fori_loop(0, NCHUNK // 2, _super, 0)

    for b in range(2):
        pltpu.make_async_copy(wrows_b[b], accs.at[dstall.at[b]],
                              sem_s[b]).wait()

    plsc.subcore_barrier()
    pltpu.sync_copy(accs.at[pl.ds(rbase, ROWS_PT)],
                    acc_out.at[cid, pl.ds(rbase, ROWS_PT)])

    @pl.when(sid == 0)
    def _pub_tail():
        pltpu.sync_copy(accs.at[pl.ds(TAIL_BASE, TAIL)],
                        acc_out.at[cid, pl.ds(TAIL_BASE, TAIL)])


def _edge_call(nheads, ei4, hsrc, adp, m):
    mesh = plsc.VectorSubcoreMesh(
        core_axis_name="c", subcore_axis_name="s",
        num_cores=NC, num_subcores=NS)
    kern = pl.kernel(
        functools.partial(_edge_body, nheads),
        out_type=jax.ShapeDtypeStruct((NC, N, HS_W), _f32),
        mesh=mesh,
        compiler_params=pltpu.CompilerParams(use_tc_tiling_on_sc=False),
        scratch_types=(
            pltpu.VMEM((NCHUNK, K), jnp.int32),
            pltpu.VMEM((NCHUNK, K), jnp.int32),
            pltpu.VMEM((K,), jnp.int32),
            pltpu.VMEM((K,), jnp.int32),
            pltpu.VMEM((K, HS_W), _f32),
            pltpu.VMEM((K, HS_W), _f32),
            pltpu.VMEM((K, LANES), _f32),
            pltpu.VMEM((K, LANES), _f32),
            pltpu.VMEM((K, HS_W), _f32),
            pltpu.VMEM((K, HS_W), _f32),
            pltpu.VMEM((LANES,), _f32),
            pltpu.VMEM_SHARED((N, HS_W), _f32),
            pltpu.SemaphoreType.DMA,
            pltpu.SemaphoreType.DMA,
            pltpu.SemaphoreType.DMA,
            pltpu.SemaphoreType.DMA,
            pltpu.SemaphoreType.DMA,
            pltpu.SemaphoreType.DMA,
        ),
    )
    return kern(ei4, hsrc, adp, m)



def kernel(x, edge_index, W1, a_src1, a_dst1, b1, W2, a_src2, a_dst2, b2):
    ar = jnp.arange(D)
    A1s = jnp.zeros((D, H1), _f32).at[ar, ar // C1].set(a_src1.reshape(-1))
    A1d = jnp.zeros((D, H1), _f32).at[ar, ar // C1].set(a_dst1.reshape(-1))
    zpad = jnp.zeros((D, LANES - H1), _f32)
    wl1 = jnp.concatenate([W1 @ A1s, zpad], axis=1)
    wd1 = jnp.concatenate([W1 @ A1d, zpad], axis=1)
    zpad2 = jnp.zeros((D, LANES - 1), _f32)
    wl2 = jnp.concatenate([W2 @ a_src2.T, zpad2], axis=1)
    wd2 = jnp.concatenate([W2 @ a_dst2.T, zpad2], axis=1)
    ei4 = edge_index.reshape(2, NS, NCHUNK, K)
    b1r = b1.reshape(1, D)
    b2r = b2.reshape(1, OUT)

    hsrc1, adp1, m1 = _prep_call(H1, x, W1, wl1, wd1)
    acc1 = _edge_call(H1, ei4, hsrc1.reshape(N2, HS_W), adp1, m1)
    hsrc2, adp2, m2 = _mid_call(acc1, b1r, W2, wl2, wd2)
    acc2 = _edge_call(1, ei4, hsrc2.reshape(N2, HS_W), adp2, m2)
    return _final_call(acc2, b2r)

# --- scband reference (transcript-rebuilt; emitter-appended) ---
"""Pipeline reference for scband-gat-22058952032367 (READ-ONLY COPY).

The authoritative reference and input builder live on the scoring server;
editing this copy changes nothing except your own understanding.
"""

import jax, jax.numpy as jnp
import numpy as np

N = 10000
E = 320000
D = 128
H1 = 8
C1 = 16
OUT = 128


def _xavier(key, shape):
    fan_in, fan_out = shape[0], shape[-1]
    if len(shape) > 2:
        fan_in = int(np.prod(shape[:-1]))
    limit = float(np.sqrt(6.0 / (fan_in + fan_out)))
    return jax.random.uniform(key, shape, dtype=jnp.float32, minval=-limit, maxval=limit)


def setup_inputs(seed: int = 0):
    key = jax.random.key(seed)
    ks = jax.random.split(key, 10)
    x = jax.random.normal(ks[0], (N, D), dtype=jnp.float32)
    edge_index = jax.random.randint(ks[1], (2, E), 0, N, dtype=jnp.int32)
    # conv1: in=D, heads=H1, out per head=C1
    W1 = _xavier(ks[2], (D, H1 * C1))
    a_src1 = _xavier(ks[3], (H1, C1))
    a_dst1 = _xavier(ks[4], (H1, C1))
    b1 = jnp.zeros((H1 * C1,), dtype=jnp.float32)
    # conv2: in=H1*C1, heads=1, out=OUT, concat=False
    W2 = _xavier(ks[5], (H1 * C1, OUT))
    a_src2 = _xavier(ks[6], (1, OUT))
    a_dst2 = _xavier(ks[7], (1, OUT))
    b2 = jnp.zeros((OUT,), dtype=jnp.float32)
    return {"x": x, "edge_index": edge_index, "W1": W1, "a_src1": a_src1,
            "a_dst1": a_dst1, "b1": b1, "W2": W2, "a_src2": a_src2,
            "a_dst2": a_dst2, "b2": b2}


def _gat_layer(x, src, dst, W, a_s, a_d, b, heads, ch, concat):
    h = (x @ W).reshape(-1, heads, ch)
    alpha_src = jnp.sum(h * a_s[None, :, :], axis=-1)  # [N, heads]
    alpha_dst = jnp.sum(h * a_d[None, :, :], axis=-1)  # [N, heads]
    e = alpha_src[src] + alpha_dst[dst]                # [E, heads]
    e = jax.nn.leaky_relu(e, negative_slope=0.2)
    emax = jax.ops.segment_max(e, dst, num_segments=N)
    emax = jnp.where(jnp.isfinite(emax), emax, 0.0)
    ee = jnp.exp(e - emax[dst])
    denom = jax.ops.segment_sum(ee, dst, num_segments=N)
    alpha = ee / (denom[dst] + 1e-16)                  # segment softmax over incoming edges
    msg = h[src] * alpha[..., None]                    # [E, heads, ch]
    out = jax.ops.segment_sum(msg, dst, num_segments=N)
    if concat:
        out = out.reshape(-1, heads * ch)
    else:
        out = out.mean(axis=1)
    return out + b


def reference(x, edge_index, W1, a_src1, a_dst1, b1, W2, a_src2, a_dst2, b2):
    src = edge_index[0]
    dst = edge_index[1]
    # dropout is identity in eval mode
    h = _gat_layer(x, src, dst, W1, a_src1, a_dst1, b1, H1, C1, True)
    h = jax.nn.elu(h)
    out = _gat_layer(h, src, dst, W2, a_src2, a_dst2, b2, 1, OUT, False)
    return out

if __name__ == "__main__":
    import jax
    _d = setup_inputs()
    print(jax.jit(kernel)(*tuple(_d.values())))

</pallas_src>

<mosaic_0001>
#map = affine_map<(d0, d1) -> (0, 0, 0, 0)>
#map1 = affine_map<(d0, d1) -> (0, 0)>
#map2 = affine_map<(d0, d1) -> (0, 0, 0)>
module attributes {stable_mosaic.version = 14 : i64} {
  func.func @_edge_body(%arg0: i32, %arg1: i32, %arg2: memref<2x16x250x80xi32, #tpu.memory_space<hbm>>, %arg3: memref<20000x80xf32, #tpu.memory_space<hbm>>, %arg4: memref<10000x16xf32, #tpu.memory_space<hbm>>, %arg5: memref<1x128xf32, #tpu.memory_space<hbm>>, %arg6: memref<2x10000x80xf32, #tpu.memory_space<hbm>>, %arg7: memref<250x80xi32, #tpu.memory_space<vmem>>, %arg8: memref<250x80xi32, #tpu.memory_space<vmem>>, %arg9: memref<80xi32, #tpu.memory_space<vmem>>, %arg10: memref<80xi32, #tpu.memory_space<vmem>>, %arg11: memref<80x80xf32, #tpu.memory_space<vmem>>, %arg12: memref<80x80xf32, #tpu.memory_space<vmem>>, %arg13: memref<80x16xf32, #tpu.memory_space<vmem>>, %arg14: memref<80x16xf32, #tpu.memory_space<vmem>>, %arg15: memref<80x80xf32, #tpu.memory_space<vmem>>, %arg16: memref<80x80xf32, #tpu.memory_space<vmem>>, %arg17: memref<16xf32, #tpu.memory_space<vmem>>, %arg18: memref<10000x80xf32, #tpu.memory_space<vmem_shared>>, %arg19: memref<!tpu.dma_semaphore, #tpu.memory_space<semaphore_mem>>, %arg20: memref<!tpu.dma_semaphore, #tpu.memory_space<semaphore_mem>>, %arg21: memref<!tpu.dma_semaphore, #tpu.memory_space<semaphore_mem>>, %arg22: memref<!tpu.dma_semaphore, #tpu.memory_space<semaphore_mem>>, %arg23: memref<!tpu.dma_semaphore, #tpu.memory_space<semaphore_mem>>, %arg24: memref<!tpu.dma_semaphore, #tpu.memory_space<semaphore_mem>>) attributes {dimension_semantics = [#tpu.dimension_semantics<core_parallel>, #tpu.dimension_semantics<subcore_parallel>], iteration_bounds = array<i64: 2, 16>, scalar_prefetch = 0 : i64, scratch_operands = 18 : i64, tpu.core_type = #tpu.core_type<sc_vector_subcore>, window_params = [{transform_indices = #map}, {transform_indices = #map1}, {transform_indices = #map1}, {transform_indices = #map1}, {transform_indices = #map2}]} {
    %mul3A = arith.constant 624 : i32
    %mul3A_0 = arith.muli %arg1, %mul3A : i32
    %mul3A_1 = arith.constant 4 : i32
    %mul3A_2 = arith.muli %arg0, %mul3A_1 : i32
    %scan3A = arith.constant 0 : i32
    %scan3A_3 = arith.constant 0 : i32
    %scan3A_4 = arith.constant 80 : i32
    %scan3A_5 = arith.addi %scan3A_3, %scan3A_4 : i32
    %scan3A_6 = arith.constant 1 : i32
    %scan3A_7 = scf.for %scan3A_214 = %scan3A_3 to %scan3A_5 step %scan3A_6 iter_args(%scan3A_215 = %scan3A) -> (i32)  : i32 {
      %broadcast_in_dim3A = arith.constant 0.000000e+00 : f32
      %broadcast_in_dim3A_216 = vector.broadcast %broadcast_in_dim3A : f32 to vector<16xf32>
      %swap3A_217 = arith.index_cast %scan3A_214 : i32 to index
      %swap3A_218 = arith.constant 0 : index
      %swap3A_219 = tpu.vector_load %arg15[%swap3A_217, %swap3A_218] {strides = array<i32>} : memref<80x80xf32, #tpu.memory_space<vmem>>, vector<1x16xf32>,
      %swap3A_220 = vector.shape_cast %swap3A_219 : vector<1x16xf32> to vector<16xf32>
      %swap3A_221 = vector.shape_cast %broadcast_in_dim3A_216 : vector<16xf32> to vector<1x16xf32>
      tpu.vector_store %arg15[%swap3A_217, %swap3A_218], %swap3A_221 {strides = array<i32>} : memref<80x80xf32, #tpu.memory_space<vmem>>, vector<1x16xf32>,
      %broadcast_in_dim3A_222 = arith.constant 0.000000e+00 : f32
      %broadcast_in_dim3A_223 = vector.broadcast %broadcast_in_dim3A_222 : f32 to vector<16xf32>
      %swap3A_224 = arith.index_cast %scan3A_214 : i32 to index
      %swap3A_225 = arith.constant 16 : index
      %swap3A_226 = tpu.vector_load %arg15[%swap3A_224, %swap3A_225] {strides = array<i32>} : memref<80x80xf32, #tpu.memory_space<vmem>>, vector<1x16xf32>,
      %swap3A_227 = vector.shape_cast %swap3A_226 : vector<1x16xf32> to vector<16xf32>
      %swap3A_228 = vector.shape_cast %broadcast_in_dim3A_223 : vector<16xf32> to vector<1x16xf32>
      tpu.vector_store %arg15[%swap3A_224, %swap3A_225], %swap3A_228 {strides = array<i32>} : memref<80x80xf32, #tpu.memory_space<vmem>>, vector<1x16xf32>,
      %broadcast_in_dim3A_229 = arith.constant 0.000000e+00 : f32
      %broadcast_in_dim3A_230 = vector.broadcast %broadcast_in_dim3A_229 : f32 to vector<16xf32>
      %swap3A_231 = arith.index_cast %scan3A_214 : i32 to index
      %swap3A_232 = arith.constant 32 : index
      %swap3A_233 = tpu.vector_load %arg15[%swap3A_231, %swap3A_232] {strides = array<i32>} : memref<80x80xf32, #tpu.memory_space<vmem>>, vector<1x16xf32>,
      %swap3A_234 = vector.shape_cast %swap3A_233 : vector<1x16xf32> to vector<16xf32>
      %swap3A_235 = vector.shape_cast %broadcast_in_dim3A_230 : vector<16xf32> to vector<1x16xf32>
      tpu.vector_store %arg15[%swap3A_231, %swap3A_232], %swap3A_235 {strides = array<i32>} : memref<80x80xf32, #tpu.memory_space<vmem>>, vector<1x16xf32>,
      %broadcast_in_dim3A_236 = arith.constant 0.000000e+00 : f32
      %broadcast_in_dim3A_237 = vector.broadcast %broadcast_in_dim3A_236 : f32 to vector<16xf32>
      %swap3A_238 = arith.index_cast %scan3A_214 : i32 to index
      %swap3A_239 = arith.constant 48 : index
      %swap3A_240 = tpu.vector_load %arg15[%swap3A_238, %swap3A_239] {strides = array<i32>} : memref<80x80xf32, #tpu.memory_space<vmem>>, vector<1x16xf32>,
      %swap3A_241 = vector.shape_cast %swap3A_240 : vector<1x16xf32> to vector<16xf32>
      %swap3A_242 = vector.shape_cast %broadcast_in_dim3A_237 : vector<16xf32> to vector<1x16xf32>
      tpu.vector_store %arg15[%swap3A_238, %swap3A_239], %swap3A_242 {strides = array<i32>} : memref<80x80xf32, #tpu.memory_space<vmem>>, vector<1x16xf32>,
      %broadcast_in_dim3A_243 = arith.constant 0.000000e+00 : f32
      %broadcast_in_dim3A_244 = vector.broadcast %broadcast_in_dim3A_243 : f32 to vector<16xf32>
      %swap3A_245 = arith.index_cast %scan3A_214 : i32 to index
      %swap3A_246 = arith.constant 64 : index
      %swap3A_247 = tpu.vector_load %arg15[%swap3A_245, %swap3A_246] {strides = array<i32>} : memref<80x80xf32, #tpu.memory_space<vmem>>, vector<1x16xf32>,
      %swap3A_248 = vector.shape_cast %swap3A_247 : vector<1x16xf32> to vector<16xf32>
      %swap3A_249 = vector.shape_cast %broadcast_in_dim3A_244 : vector<16xf32> to vector<1x16xf32>
      tpu.vector_store %arg15[%swap3A_245, %swap3A_246], %swap3A_249 {strides = array<i32>} : memref<80x80xf32, #tpu.memory_space<vmem>>, vector<1x16xf32>,
      %scan3A_250 = arith.constant 0 : i32
      scf.yield %scan3A_250 : i32
    }
    %scan3A_8 = arith.constant 80 : i32
    %add3A = arith.constant 0 : i32
    %add3A_9 = arith.addi %mul3A_0, %add3A : i32
    "tpu.region"() ({
      %run_scoped3A_214 = tpu.sem_alloc : memref<!tpu.dma_semaphore, #tpu.memory_space<semaphore_mem>>
      %dma_start3A_215 = arith.constant 0 : i32
      %dma_start3A_216 = tpu.memref_slice %arg18[%add3A_9, %dma_start3A_215] : memref<10000x80xf32, #tpu.memory_space<vmem_shared>> -> memref<80x80xf32, #tpu.memory_space<vmem_shared>>
      %dma_start3A_217 = arith.constant 0 : i32
      %dma_start3A_218 = tpu.memref_slice %arg18[%add3A_9, %dma_start3A_217] : memref<10000x80xf32, #tpu.memory_space<vmem_shared>> -> memref<80x80xf32, #tpu.memory_space<vmem_shared>>
      tpu.enqueue_dma source(%arg15 : memref<80x80xf32, #tpu.memory_space<vmem>>) target(%dma_start3A_218 : memref<80x80xf32, #tpu.memory_space<vmem_shared>>) target_semaphore(%run_scoped3A_214 : memref<!tpu.dma_semaphore, #tpu.memory_space<semaphore_mem>>)
      %dma_wait3A_219 = arith.constant 0 : i32
      %dma_wait3A_220 = tpu.memref_slice %arg18[%add3A_9, %dma_wait3A_219] : memref<10000x80xf32, #tpu.memory_space<vmem_shared>> -> memref<80x80xf32, #tpu.memory_space<vmem_shared>>
      %dma_wait3A_221 = arith.constant 0 : i32
      %dma_wait3A_222 = tpu.memref_slice %arg18[%add3A_9, %dma_wait3A_221] : memref<10000x80xf32, #tpu.memory_space<vmem_shared>> -> memref<80x80xf32, #tpu.memory_space<vmem_shared>>
      tpu.wait_dma2 semaphore(%run_scoped3A_214 : memref<!tpu.dma_semaphore, #tpu.memory_space<semaphore_mem>>) src(%arg15 : memref<80x80xf32, #tpu.memory_space<vmem>>) dst(%dma_wait3A_222 : memref<80x80xf32, #tpu.memory_space<vmem_shared>>)
      tpu.yield
    }) : () -> ()
    %add3A_10 = arith.constant 80 : i32
    %add3A_11 = arith.addi %mul3A_0, %add3A_10 : i32
    "tpu.region"() ({
      %run_scoped3A_214 = tpu.sem_alloc : memref<!tpu.dma_semaphore, #tpu.memory_space<semaphore_mem>>
      %dma_start3A_215 = arith.constant 0 : i32
      %dma_start3A_216 = tpu.memref_slice %arg18[%add3A_11, %dma_start3A_215] : memref<10000x80xf32, #tpu.memory_space<vmem_shared>> -> memref<80x80xf32, #tpu.memory_space<vmem_shared>>
      %dma_start3A_217 = arith.constant 0 : i32
      %dma_start3A_218 = tpu.memref_slice %arg18[%add3A_11, %dma_start3A_217] : memref<10000x80xf32, #tpu.memory_space<vmem_shared>> -> memref<80x80xf32, #tpu.memory_space<vmem_shared>>
      tpu.enqueue_dma source(%arg15 : memref<80x80xf32, #tpu.memory_space<vmem>>) target(%dma_start3A_218 : memref<80x80xf32, #tpu.memory_space<vmem_shared>>) target_semaphore(%run_scoped3A_214 : memref<!tpu.dma_semaphore, #tpu.memory_space<semaphore_mem>>)
      %dma_wait3A_219 = arith.constant 0 : i32
      %dma_wait3A_220 = tpu.memref_slice %arg18[%add3A_11, %dma_wait3A_219] : memref<10000x80xf32, #tpu.memory_space<vmem_shared>> -> memref<80x80xf32, #tpu.memory_space<vmem_shared>>
      %dma_wait3A_221 = arith.constant 0 : i32
      %dma_wait3A_222 = tpu.memref_slice %arg18[%add3A_11, %dma_wait3A_221] : memref<10000x80xf32, #tpu.memory_space<vmem_shared>> -> memref<80x80xf32, #tpu.memory_space<vmem_shared>>
      tpu.wait_dma2 semaphore(%run_scoped3A_214 : memref<!tpu.dma_semaphore, #tpu.memory_space<semaphore_mem>>) src(%arg15 : memref<80x80xf32, #tpu.memory_space<vmem>>) dst(%dma_wait3A_222 : memref<80x80xf32, #tpu.memory_space<vmem_shared>>)
      tpu.yield
    }) : () -> ()
    %add3A_12 = arith.constant 160 : i32
    %add3A_13 = arith.addi %mul3A_0, %add3A_12 : i32
    "tpu.region"() ({
      %run_scoped3A_214 = tpu.sem_alloc : memref<!tpu.dma_semaphore, #tpu.memory_space<semaphore_mem>>
      %dma_start3A_215 = arith.constant 0 : i32
      %dma_start3A_216 = tpu.memref_slice %arg18[%add3A_13, %dma_start3A_215] : memref<10000x80xf32, #tpu.memory_space<vmem_shared>> -> memref<80x80xf32, #tpu.memory_space<vmem_shared>>
      %dma_start3A_217 = arith.constant 0 : i32
      %dma_start3A_218 = tpu.memref_slice %arg18[%add3A_13, %dma_start3A_217] : memref<10000x80xf32, #tpu.memory_space<vmem_shared>> -> memref<80x80xf32, #tpu.memory_space<vmem_shared>>
      tpu.enqueue_dma source(%arg15 : memref<80x80xf32, #tpu.memory_space<vmem>>) target(%dma_start3A_218 : memref<80x80xf32, #tpu.memory_space<vmem_shared>>) target_semaphore(%run_scoped3A_214 : memref<!tpu.dma_semaphore, #tpu.memory_space<semaphore_mem>>)
      %dma_wait3A_219 = arith.constant 0 : i32
      %dma_wait3A_220 = tpu.memref_slice %arg18[%add3A_13, %dma_wait3A_219] : memref<10000x80xf32, #tpu.memory_space<vmem_shared>> -> memref<80x80xf32, #tpu.memory_space<vmem_shared>>
      %dma_wait3A_221 = arith.constant 0 : i32
      %dma_wait3A_222 = tpu.memref_slice %arg18[%add3A_13, %dma_wait3A_221] : memref<10000x80xf32, #tpu.memory_space<vmem_shared>> -> memref<80x80xf32, #tpu.memory_space<vmem_shared>>
      tpu.wait_dma2 semaphore(%run_scoped3A_214 : memref<!tpu.dma_semaphore, #tpu.memory_space<semaphore_mem>>) src(%arg15 : memref<80x80xf32, #tpu.memory_space<vmem>>) dst(%dma_wait3A_222 : memref<80x80xf32, #tpu.memory_space<vmem_shared>>)
      tpu.yield
    }) : () -> ()
    %add3A_14 = arith.constant 240 : i32
    %add3A_15 = arith.addi %mul3A_0, %add3A_14 : i32
    "tpu.region"() ({
      %run_scoped3A_214 = tpu.sem_alloc : memref<!tpu.dma_semaphore, #tpu.memory_space<semaphore_mem>>
      %dma_start3A_215 = arith.constant 0 : i32
      %dma_start3A_216 = tpu.memref_slice %arg18[%add3A_15, %dma_start3A_215] : memref<10000x80xf32, #tpu.memory_space<vmem_shared>> -> memref<80x80xf32, #tpu.memory_space<vmem_shared>>
      %dma_start3A_217 = arith.constant 0 : i32
      %dma_start3A_218 = tpu.memref_slice %arg18[%add3A_15, %dma_start3A_217] : memref<10000x80xf32, #tpu.memory_space<vmem_shared>> -> memref<80x80xf32, #tpu.memory_space<vmem_shared>>
      tpu.enqueue_dma source(%arg15 : memref<80x80xf32, #tpu.memory_space<vmem>>) target(%dma_start3A_218 : memref<80x80xf32, #tpu.memory_space<vmem_shared>>) target_semaphore(%run_scoped3A_214 : memref<!tpu.dma_semaphore, #tpu.memory_space<semaphore_mem>>)
      %dma_wait3A_219 = arith.constant 0 : i32
      %dma_wait3A_220 = tpu.memref_slice %arg18[%add3A_15, %dma_wait3A_219] : memref<10000x80xf32, #tpu.memory_space<vmem_shared>> -> memref<80x80xf32, #tpu.memory_space<vmem_shared>>
      %dma_wait3A_221 = arith.constant 0 : i32
      %dma_wait3A_222 = tpu.memref_slice %arg18[%add3A_15, %dma_wait3A_221] : memref<10000x80xf32, #tpu.memory_space<vmem_shared>> -> memref<80x80xf32, #tpu.memory_space<vmem_shared>>
      tpu.wait_dma2 semaphore(%run_scoped3A_214 : memref<!tpu.dma_semaphore, #tpu.memory_space<semaphore_mem>>) src(%arg15 : memref<80x80xf32, #tpu.memory_space<vmem>>) dst(%dma_wait3A_222 : memref<80x80xf32, #tpu.memory_space<vmem_shared>>)
      tpu.yield
    }) : () -> ()
    %add3A_16 = arith.constant 320 : i32
    %add3A_17 = arith.addi %mul3A_0, %add3A_16 : i32
    "tpu.region"() ({
      %run_scoped3A_214 = tpu.sem_alloc : memref<!tpu.dma_semaphore, #tpu.memory_space<semaphore_mem>>
      %dma_start3A_215 = arith.constant 0 : i32
      %dma_start3A_216 = tpu.memref_slice %arg18[%add3A_17, %dma_start3A_215] : memref<10000x80xf32, #tpu.memory_space<vmem_shared>> -> memref<80x80xf32, #tpu.memory_space<vmem_shared>>
      %dma_start3A_217 = arith.constant 0 : i32
      %dma_start3A_218 = tpu.memref_slice %arg18[%add3A_17, %dma_start3A_217] : memref<10000x80xf32, #tpu.memory_space<vmem_shared>> -> memref<80x80xf32, #tpu.memory_space<vmem_shared>>
      tpu.enqueue_dma source(%arg15 : memref<80x80xf32, #tpu.memory_space<vmem>>) target(%dma_start3A_218 : memref<80x80xf32, #tpu.memory_space<vmem_shared>>) target_semaphore(%run_scoped3A_214 : memref<!tpu.dma_semaphore, #tpu.memory_space<semaphore_mem>>)
      %dma_wait3A_219 = arith.constant 0 : i32
      %dma_wait3A_220 = tpu.memref_slice %arg18[%add3A_17, %dma_wait3A_219] : memref<10000x80xf32, #tpu.memory_space<vmem_shared>> -> memref<80x80xf32, #tpu.memory_space<vmem_shared>>
      %dma_wait3A_221 = arith.constant 0 : i32
      %dma_wait3A_222 = tpu.memref_slice %arg18[%add3A_17, %dma_wait3A_221] : memref<10000x80xf32, #tpu.memory_space<vmem_shared>> -> memref<80x80xf32, #tpu.memory_space<vmem_shared>>
      tpu.wait_dma2 semaphore(%run_scoped3A_214 : memref<!tpu.dma_semaphore, #tpu.memory_space<semaphore_mem>>) src(%arg15 : memref<80x80xf32, #tpu.memory_space<vmem>>) dst(%dma_wait3A_222 : memref<80x80xf32, #tpu.memory_space<vmem_shared>>)
      tpu.yield
    }) : () -> ()
    %add3A_18 = arith.constant 400 : i32
    %add3A_19 = arith.addi %mul3A_0, %add3A_18 : i32
    "tpu.region"() ({
      %run_scoped3A_214 = tpu.sem_alloc : memref<!tpu.dma_semaphore, #tpu.memory_space<semaphore_mem>>
      %dma_start3A_215 = arith.constant 0 : i32
      %dma_start3A_216 = tpu.memref_slice %arg18[%add3A_19, %dma_start3A_215] : memref<10000x80xf32, #tpu.memory_space<vmem_shared>> -> memref<80x80xf32, #tpu.memory_space<vmem_shared>>
      %dma_start3A_217 = arith.constant 0 : i32
      %dma_start3A_218 = tpu.memref_slice %arg18[%add3A_19, %dma_start3A_217] : memref<10000x80xf32, #tpu.memory_space<vmem_shared>> -> memref<80x80xf32, #tpu.memory_space<vmem_shared>>
      tpu.enqueue_dma source(%arg15 : memref<80x80xf32, #tpu.memory_space<vmem>>) target(%dma_start3A_218 : memref<80x80xf32, #tpu.memory_space<vmem_shared>>) target_semaphore(%run_scoped3A_214 : memref<!tpu.dma_semaphore, #tpu.memory_space<semaphore_mem>>)
      %dma_wait3A_219 = arith.constant 0 : i32
      %dma_wait3A_220 = tpu.memref_slice %arg18[%add3A_19, %dma_wait3A_219] : memref<10000x80xf32, #tpu.memory_space<vmem_shared>> -> memref<80x80xf32, #tpu.memory_space<vmem_shared>>
      %dma_wait3A_221 = arith.constant 0 : i32
      %dma_wait3A_222 = tpu.memref_slice %arg18[%add3A_19, %dma_wait3A_221] : memref<10000x80xf32, #tpu.memory_space<vmem_shared>> -> memref<80x80xf32, #tpu.memory_space<vmem_shared>>
      tpu.wait_dma2 semaphore(%run_scoped3A_214 : memref<!tpu.dma_semaphore, #tpu.memory_space<semaphore_mem>>) src(%arg15 : memref<80x80xf32, #tpu.memory_space<vmem>>) dst(%dma_wait3A_222 : memref<80x80xf32, #tpu.memory_space<vmem_shared>>)
      tpu.yield
    }) : () -> ()
    %add3A_20 = arith.constant 480 : i32
    %add3A_21 = arith.addi %mul3A_0, %add3A_20 : i32
    "tpu.region"() ({
      %run_scoped3A_214 = tpu.sem_alloc : memref<!tpu.dma_semaphore, #tpu.memory_space<semaphore_mem>>
      %dma_start3A_215 = arith.constant 0 : i32
      %dma_start3A_216 = tpu.memref_slice %arg18[%add3A_21, %dma_start3A_215] : memref<10000x80xf32, #tpu.memory_space<vmem_shared>> -> memref<80x80xf32, #tpu.memory_space<vmem_shared>>
      %dma_start3A_217 = arith.constant 0 : i32
      %dma_start3A_218 = tpu.memref_slice %arg18[%add3A_21, %dma_start3A_217] : memref<10000x80xf32, #tpu.memory_space<vmem_shared>> -> memref<80x80xf32, #tpu.memory_space<vmem_shared>>
      tpu.enqueue_dma source(%arg15 : memref<80x80xf32, #tpu.memory_space<vmem>>) target(%dma_start3A_218 : memref<80x80xf32, #tpu.memory_space<vmem_shared>>) target_semaphore(%run_scoped3A_214 : memref<!tpu.dma_semaphore, #tpu.memory_space<semaphore_mem>>)
      %dma_wait3A_219 = arith.constant 0 : i32
      %dma_wait3A_220 = tpu.memref_slice %arg18[%add3A_21, %dma_wait3A_219] : memref<10000x80xf32, #tpu.memory_space<vmem_shared>> -> memref<80x80xf32, #tpu.memory_space<vmem_shared>>
      %dma_wait3A_221 = arith.constant 0 : i32
      %dma_wait3A_222 = tpu.memref_slice %arg18[%add3A_21, %dma_wait3A_221] : memref<10000x80xf32, #tpu.memory_space<vmem_shared>> -> memref<80x80xf32, #tpu.memory_space<vmem_shared>>
      tpu.wait_dma2 semaphore(%run_scoped3A_214 : memref<!tpu.dma_semaphore, #tpu.memory_space<semaphore_mem>>) src(%arg15 : memref<80x80xf32, #tpu.memory_space<vmem>>) dst(%dma_wait3A_222 : memref<80x80xf32, #tpu.memory_space<vmem_shared>>)
      tpu.yield
    }) : () -> ()
    %add3A_22 = arith.constant 560 : i32
    %add3A_23 = arith.addi %mul3A_0, %add3A_22 : i32
    "tpu.region"() ({
      %run_scoped3A_214 = tpu.sem_alloc : memref<!tpu.dma_semaphore, #tpu.memory_space<semaphore_mem>>
      %dma_start3A_215 = arith.constant 0 : i32
      %dma_start3A_216 = arith.constant 0 : i32
      %dma_start3A_217 = tpu.memref_slice %arg15[%dma_start3A_215, %dma_start3A_216] : memref<80x80xf32, #tpu.memory_space<vmem>> -> memref<64x80xf32, #tpu.memory_space<vmem>>
      %dma_start3A_218 = arith.constant 0 : i32
      %dma_start3A_219 = tpu.memref_slice %arg18[%add3A_23, %dma_start3A_218] : memref<10000x80xf32, #tpu.memory_space<vmem_shared>> -> memref<64x80xf32, #tpu.memory_space<vmem_shared>>
      %dma_start3A_220 = arith.constant 0 : i32
      %dma_start3A_221 = tpu.memref_slice %arg18[%add3A_23, %dma_start3A_220] : memref<10000x80xf32, #tpu.memory_space<vmem_shared>> -> memref<64x80xf32, #tpu.memory_space<vmem_shared>>
      %dma_start3A_222 = arith.constant 0 : i32
      %dma_start3A_223 = arith.constant 0 : i32
      %dma_start3A_224 = tpu.memref_slice %arg15[%dma_start3A_222, %dma_start3A_223] : memref<80x80xf32, #tpu.memory_space<vmem>> -> memref<64x80xf32, #tpu.memory_space<vmem>>
      tpu.enqueue_dma source(%dma_start3A_224 : memref<64x80xf32, #tpu.memory_space<vmem>>) target(%dma_start3A_221 : memref<64x80xf32, #tpu.memory_space<vmem_shared>>) target_semaphore(%run_scoped3A_214 : memref<!tpu.dma_semaphore, #tpu.memory_space<semaphore_mem>>)
      %dma_wait3A_225 = arith.constant 0 : i32
      %dma_wait3A_226 = arith.constant 0 : i32
      %dma_wait3A_227 = tpu.memref_slice %arg15[%dma_wait3A_225, %dma_wait3A_226] : memref<80x80xf32, #tpu.memory_space<vmem>> -> memref<64x80xf32, #tpu.memory_space<vmem>>
      %dma_wait3A_228 = arith.constant 0 : i32
      %dma_wait3A_229 = tpu.memref_slice %arg18[%add3A_23, %dma_wait3A_228] : memref<10000x80xf32, #tpu.memory_space<vmem_shared>> -> memref<64x80xf32, #tpu.memory_space<vmem_shared>>
      %dma_wait3A_230 = arith.constant 0 : i32
      %dma_wait3A_231 = tpu.memref_slice %arg18[%add3A_23, %dma_wait3A_230] : memref<10000x80xf32, #tpu.memory_space<vmem_shared>> -> memref<64x80xf32, #tpu.memory_space<vmem_shared>>
      %dma_wait3A_232 = arith.constant 0 : i32
      %dma_wait3A_233 = arith.constant 0 : i32
      %dma_wait3A_234 = tpu.memref_slice %arg15[%dma_wait3A_232, %dma_wait3A_233] : memref<80x80xf32, #tpu.memory_space<vmem>> -> memref<64x80xf32, #tpu.memory_space<vmem>>
      tpu.wait_dma2 semaphore(%run_scoped3A_214 : memref<!tpu.dma_semaphore, #tpu.memory_space<semaphore_mem>>) src(%dma_wait3A_234 : memref<64x80xf32, #tpu.memory_space<vmem>>) dst(%dma_wait3A_231 : memref<64x80xf32, #tpu.memory_space<vmem_shared>>)
      tpu.yield
    }) : () -> ()
    %eq3A = arith.constant 0 : i32
    %eq3A_24 = arith.cmpi eq, %arg1, %eq3A : i32
    %convert_element_type3A = arith.extui %eq3A_24 : i1 to i32
    %cond3A = arith.constant 0 : i32
    %cond3A_25 = arith.cmpi ne, %convert_element_type3A, %cond3A : i32
    scf.if %cond3A_25 {
      "tpu.region"() ({
        %run_scoped3A_214 = tpu.sem_alloc : memref<!tpu.dma_semaphore, #tpu.memory_space<semaphore_mem>>
        %dma_start3A_215 = arith.constant 0 : i32
        %dma_start3A_216 = arith.constant 0 : i32
        %dma_start3A_217 = tpu.memref_slice %arg15[%dma_start3A_215, %dma_start3A_216] : memref<80x80xf32, #tpu.memory_space<vmem>> -> memref<16x80xf32, #tpu.memory_space<vmem>>
        %dma_start3A_218 = arith.constant 9984 : i32
        %dma_start3A_219 = arith.constant 0 : i32
        %dma_start3A_220 = tpu.memref_slice %arg18[%dma_start3A_218, %dma_start3A_219] : memref<10000x80xf32, #tpu.memory_space<vmem_shared>> -> memref<16x80xf32, #tpu.memory_space<vmem_shared>>
        %dma_start3A_221 = arith.constant 9984 : i32
        %dma_start3A_222 = arith.constant 0 : i32
        %dma_start3A_223 = tpu.memref_slice %arg18[%dma_start3A_221, %dma_start3A_222] : memref<10000x80xf32, #tpu.memory_space<vmem_shared>> -> memref<16x80xf32, #tpu.memory_space<vmem_shared>>
        %dma_start3A_224 = arith.constant 0 : i32
        %dma_start3A_225 = arith.constant 0 : i32
        %dma_start3A_226 = tpu.memref_slice %arg15[%dma_start3A_224, %dma_start3A_225] : memref<80x80xf32, #tpu.memory_space<vmem>> -> memref<16x80xf32, #tpu.memory_space<vmem>>
        tpu.enqueue_dma source(%dma_start3A_226 : memref<16x80xf32, #tpu.memory_space<vmem>>) target(%dma_start3A_223 : memref<16x80xf32, #tpu.memory_space<vmem_shared>>) target_semaphore(%run_scoped3A_214 : memref<!tpu.dma_semaphore, #tpu.memory_space<semaphore_mem>>)
        %dma_wait3A_227 = arith.constant 0 : i32
        %dma_wait3A_228 = arith.constant 0 : i32
        %dma_wait3A_229 = tpu.memref_slice %arg15[%dma_wait3A_227, %dma_wait3A_228] : memref<80x80xf32, #tpu.memory_space<vmem>> -> memref<16x80xf32, #tpu.memory_space<vmem>>
        %dma_wait3A_230 = arith.constant 9984 : i32
        %dma_wait3A_231 = arith.constant 0 : i32
        %dma_wait3A_232 = tpu.memref_slice %arg18[%dma_wait3A_230, %dma_wait3A_231] : memref<10000x80xf32, #tpu.memory_space<vmem_shared>> -> memref<16x80xf32, #tpu.memory_space<vmem_shared>>
        %dma_wait3A_233 = arith.constant 9984 : i32
        %dma_wait3A_234 = arith.constant 0 : i32
        %dma_wait3A_235 = tpu.memref_slice %arg18[%dma_wait3A_233, %dma_wait3A_234] : memref<10000x80xf32, #tpu.memory_space<vmem_shared>> -> memref<16x80xf32, #tpu.memory_space<vmem_shared>>
        %dma_wait3A_236 = arith.constant 0 : i32
        %dma_wait3A_237 = arith.constant 0 : i32
        %dma_wait3A_238 = tpu.memref_slice %arg15[%dma_wait3A_236, %dma_wait3A_237] : memref<80x80xf32, #tpu.memory_space<vmem>> -> memref<16x80xf32, #tpu.memory_space<vmem>>
        tpu.wait_dma2 semaphore(%run_scoped3A_214 : memref<!tpu.dma_semaphore, #tpu.memory_space<semaphore_mem>>) src(%dma_wait3A_238 : memref<16x80xf32, #tpu.memory_space<vmem>>) dst(%dma_wait3A_235 : memref<16x80xf32, #tpu.memory_space<vmem_shared>>)
        tpu.yield
      }) : () -> ()
    } else {
    }
    %barrier3A = arith.constant 0 : index
    tpu.barrier barrier_id(%barrier3A)
    %run_scoped3A = arith.constant 0 : i32
    "tpu.region"() ({
      %run_scoped3A_214 = tpu.sem_alloc : memref<!tpu.dma_semaphore, #tpu.memory_space<semaphore_mem>>
      %dma_start3A_215 = arith.constant 0 : i32
      %dma_start3A_216 = arith.constant 0 : i32
      %dma_start3A_217 = tpu.memref_slice %arg2[%run_scoped3A, %arg1, %dma_start3A_215, %dma_start3A_216] : memref<2x16x250x80xi32, #tpu.memory_space<hbm>> -> memref<1x1x250x80xi32, #tpu.memory_space<hbm>>
      %dma_start3A_218 = tpu.memref_squeeze %dma_start3A_217 : memref<1x1x250x80xi32, #tpu.memory_space<hbm>> -> memref<250x80xi32, #tpu.memory_space<hbm>>
      %dma_start3A_219 = arith.constant 0 : i32
      %dma_start3A_220 = arith.constant 0 : i32
      %dma_start3A_221 = tpu.memref_slice %arg2[%run_scoped3A, %arg1, %dma_start3A_219, %dma_start3A_220] : memref<2x16x250x80xi32, #tpu.memory_space<hbm>> -> memref<1x1x250x80xi32, #tpu.memory_space<hbm>>
      %dma_start3A_222 = tpu.memref_squeeze %dma_start3A_221 : memref<1x1x250x80xi32, #tpu.memory_space<hbm>> -> memref<250x80xi32, #tpu.memory_space<hbm>>
      tpu.enqueue_dma source(%dma_start3A_222 : memref<250x80xi32, #tpu.memory_space<hbm>>) target(%arg7 : memref<250x80xi32, #tpu.memory_space<vmem>>) target_semaphore(%run_scoped3A_214 : memref<!tpu.dma_semaphore, #tpu.memory_space<semaphore_mem>>)
      %dma_wait3A_223 = arith.constant 0 : i32
      %dma_wait3A_224 = arith.constant 0 : i32
      %dma_wait3A_225 = tpu.memref_slice %arg2[%run_scoped3A, %arg1, %dma_wait3A_223, %dma_wait3A_224] : memref<2x16x250x80xi32, #tpu.memory_space<hbm>> -> memref<1x1x250x80xi32, #tpu.memory_space<hbm>>
      %dma_wait3A_226 = tpu.memref_squeeze %dma_wait3A_225 : memref<1x1x250x80xi32, #tpu.memory_space<hbm>> -> memref<250x80xi32, #tpu.memory_space<hbm>>
      %dma_wait3A_227 = arith.constant 0 : i32
      %dma_wait3A_228 = arith.constant 0 : i32
      %dma_wait3A_229 = tpu.memref_slice %arg2[%run_scoped3A, %arg1, %dma_wait3A_227, %dma_wait3A_228] : memref<2x16x250x80xi32, #tpu.memory_space<hbm>> -> memref<1x1x250x80xi32, #tpu.memory_space<hbm>>
      %dma_wait3A_230 = tpu.memref_squeeze %dma_wait3A_229 : memref<1x1x250x80xi32, #tpu.memory_space<hbm>> -> memref<250x80xi32, #tpu.memory_space<hbm>>
      tpu.wait_dma2 semaphore(%run_scoped3A_214 : memref<!tpu.dma_semaphore, #tpu.memory_space<semaphore_mem>>) src(%dma_wait3A_230 : memref<250x80xi32, #tpu.memory_space<hbm>>) dst(%arg7 : memref<250x80xi32, #tpu.memory_space<vmem>>)
      tpu.yield
    }) : () -> ()
    %run_scoped3A_26 = arith.constant 1 : i32
    "tpu.region"() ({
      %run_scoped3A_214 = tpu.sem_alloc : memref<!tpu.dma_semaphore, #tpu.memory_space<semaphore_mem>>
      %dma_start3A_215 = arith.constant 0 : i32
      %dma_start3A_216 = arith.constant 0 : i32
      %dma_start3A_217 = tpu.memref_slice %arg2[%run_scoped3A_26, %arg1, %dma_start3A_215, %dma_start3A_216] : memref<2x16x250x80xi32, #tpu.memory_space<hbm>> -> memref<1x1x250x80xi32, #tpu.memory_space<hbm>>
      %dma_start3A_218 = tpu.memref_squeeze %dma_start3A_217 : memref<1x1x250x80xi32, #tpu.memory_space<hbm>> -> memref<250x80xi32, #tpu.memory_space<hbm>>
      %dma_start3A_219 = arith.constant 0 : i32
      %dma_start3A_220 = arith.constant 0 : i32
      %dma_start3A_221 = tpu.memref_slice %arg2[%run_scoped3A_26, %arg1, %dma_start3A_219, %dma_start3A_220] : memref<2x16x250x80xi32, #tpu.memory_space<hbm>> -> memref<1x1x250x80xi32, #tpu.memory_space<hbm>>
      %dma_start3A_222 = tpu.memref_squeeze %dma_start3A_221 : memref<1x1x250x80xi32, #tpu.memory_space<hbm>> -> memref<250x80xi32, #tpu.memory_space<hbm>>
      tpu.enqueue_dma source(%dma_start3A_222 : memref<250x80xi32, #tpu.memory_space<hbm>>) target(%arg8 : memref<250x80xi32, #tpu.memory_space<vmem>>) target_semaphore(%run_scoped3A_214 : memref<!tpu.dma_semaphore, #tpu.memory_space<semaphore_mem>>)
      %dma_wait3A_223 = arith.constant 0 : i32
      %dma_wait3A_224 = arith.constant 0 : i32
      %dma_wait3A_225 = tpu.memref_slice %arg2[%run_scoped3A_26, %arg1, %dma_wait3A_223, %dma_wait3A_224] : memref<2x16x250x80xi32, #tpu.memory_space<hbm>> -> memref<1x1x250x80xi32, #tpu.memory_space<hbm>>
      %dma_wait3A_226 = tpu.memref_squeeze %dma_wait3A_225 : memref<1x1x250x80xi32, #tpu.memory_space<hbm>> -> memref<250x80xi32, #tpu.memory_space<hbm>>
      %dma_wait3A_227 = arith.constant 0 : i32
      %dma_wait3A_228 = arith.constant 0 : i32
      %dma_wait3A_229 = tpu.memref_slice %arg2[%run_scoped3A_26, %arg1, %dma_wait3A_227, %dma_wait3A_228] : memref<2x16x250x80xi32, #tpu.memory_space<hbm>> -> memref<1x1x250x80xi32, #tpu.memory_space<hbm>>
      %dma_wait3A_230 = tpu.memref_squeeze %dma_wait3A_229 : memref<1x1x250x80xi32, #tpu.memory_space<hbm>> -> memref<250x80xi32, #tpu.memory_space<hbm>>
      tpu.wait_dma2 semaphore(%run_scoped3A_214 : memref<!tpu.dma_semaphore, #tpu.memory_space<semaphore_mem>>) src(%dma_wait3A_230 : memref<250x80xi32, #tpu.memory_space<hbm>>) dst(%arg8 : memref<250x80xi32, #tpu.memory_space<vmem>>)
      tpu.yield
    }) : () -> ()
    %run_scoped3A_27 = arith.constant 0 : i32
    "tpu.region"() ({
      %run_scoped3A_214 = tpu.sem_alloc : memref<!tpu.dma_semaphore, #tpu.memory_space<semaphore_mem>>
      %dma_start3A_215 = arith.constant 0 : i32
      %dma_start3A_216 = tpu.memref_slice %arg5[%run_scoped3A_27, %dma_start3A_215] : memref<1x128xf32, #tpu.memory_space<hbm>> -> memref<1x16xf32, #tpu.memory_space<hbm>>
      %dma_start3A_217 = tpu.memref_squeeze %dma_start3A_216 : memref<1x16xf32, #tpu.memory_space<hbm>> -> memref<16xf32, #tpu.memory_space<hbm>>
      %dma_start3A_218 = arith.constant 0 : i32
      %dma_start3A_219 = tpu.memref_slice %arg5[%run_scoped3A_27, %dma_start3A_218] : memref<1x128xf32, #tpu.memory_space<hbm>> -> memref<1x16xf32, #tpu.memory_space<hbm>>
      %dma_start3A_220 = tpu.memref_squeeze %dma_start3A_219 : memref<1x16xf32, #tpu.memory_space<hbm>> -> memref<16xf32, #tpu.memory_space<hbm>>
      tpu.enqueue_dma source(%dma_start3A_220 : memref<16xf32, #tpu.memory_space<hbm>>) target(%arg17 : memref<16xf32, #tpu.memory_space<vmem>>) target_semaphore(%run_scoped3A_214 : memref<!tpu.dma_semaphore, #tpu.memory_space<semaphore_mem>>)
      %dma_wait3A_221 = arith.constant 0 : i32
      %dma_wait3A_222 = tpu.memref_slice %arg5[%run_scoped3A_27, %dma_wait3A_221] : memref<1x128xf32, #tpu.memory_space<hbm>> -> memref<1x16xf32, #tpu.memory_space<hbm>>
      %dma_wait3A_223 = tpu.memref_squeeze %dma_wait3A_222 : memref<1x16xf32, #tpu.memory_space<hbm>> -> memref<16xf32, #tpu.memory_space<hbm>>
      %dma_wait3A_224 = arith.constant 0 : i32
      %dma_wait3A_225 = tpu.memref_slice %arg5[%run_scoped3A_27, %dma_wait3A_224] : memref<1x128xf32, #tpu.memory_space<hbm>> -> memref<1x16xf32, #tpu.memory_space<hbm>>
      %dma_wait3A_226 = tpu.memref_squeeze %dma_wait3A_225 : memref<1x16xf32, #tpu.memory_space<hbm>> -> memref<16xf32, #tpu.memory_space<hbm>>
      tpu.wait_dma2 semaphore(%run_scoped3A_214 : memref<!tpu.dma_semaphore, #tpu.memory_space<semaphore_mem>>) src(%dma_wait3A_226 : memref<16xf32, #tpu.memory_space<hbm>>) dst(%arg17 : memref<16xf32, #tpu.memory_space<vmem>>)
      tpu.yield
    }) : () -> ()
    %get3A = arith.constant 0 : index
    %get3A_28 = tpu.vector_load %arg17[%get3A] {strides = array<i32>} : memref<16xf32, #tpu.memory_space<vmem>>, vector<16xf32>,
    %get3A_29 = vector.shape_cast %get3A_28 : vector<16xf32> to vector<16xf32>
    %get3A_30 = arith.constant 0 : i32
    %get3A_31 = arith.index_cast %get3A_30 : i32 to index
    %get3A_32 = arith.constant 0 : index
    %get3A_33 = tpu.vector_load %arg7[%get3A_31, %get3A_32] {strides = array<i32>} : memref<250x80xi32, #tpu.memory_space<vmem>>, vector<1x16xi32>,
    %get3A_34 = vector.shape_cast %get3A_33 : vector<1x16xi32> to vector<16xi32>
    %mul3A_35 = arith.constant 2 : i32
    %mul3A_36 = vector.broadcast %mul3A_35 : i32 to vector<16xi32>
    %mul3A_37 = arith.muli %get3A_34, %mul3A_36 : vector<16xi32>
    %add3A_38 = vector.broadcast %arg0 : i32 to vector<16xi32>
    %add3A_39 = arith.addi %mul3A_37, %add3A_38 : vector<16xi32>
    %swap3A = arith.constant 0 : index
    %swap3A_40 = tpu.vector_load %arg9[%swap3A] {strides = array<i32>} : memref<80xi32, #tpu.memory_space<vmem>>, vector<16xi32>,
    %swap3A_41 = vector.shape_cast %swap3A_40 : vector<16xi32> to vector<16xi32>
    %swap3A_42 = vector.shape_cast %add3A_39 : vector<16xi32> to vector<16xi32>
    tpu.vector_store %arg9[%swap3A], %swap3A_42 {strides = array<i32>} : memref<80xi32, #tpu.memory_space<vmem>>, vector<16xi32>,
    %get3A_43 = arith.constant 0 : i32
    %get3A_44 = arith.index_cast %get3A_43 : i32 to index
    %get3A_45 = arith.constant 16 : index
    %get3A_46 = tpu.vector_load %arg7[%get3A_44, %get3A_45] {strides = array<i32>} : memref<250x80xi32, #tpu.memory_space<vmem>>, vector<1x16xi32>,
    %get3A_47 = vector.shape_cast %get3A_46 : vector<1x16xi32> to vector<16xi32>
    %mul3A_48 = arith.constant 2 : i32
    %mul3A_49 = vector.broadcast %mul3A_48 : i32 to vector<16xi32>
    %mul3A_50 = arith.muli %get3A_47, %mul3A_49 : vector<16xi32>
    %add3A_51 = vector.broadcast %arg0 : i32 to vector<16xi32>
    %add3A_52 = arith.addi %mul3A_50, %add3A_51 : vector<16xi32>
    %swap3A_53 = arith.constant 16 : index
    %swap3A_54 = tpu.vector_load %arg9[%swap3A_53] {strides = array<i32>} : memref<80xi32, #tpu.memory_space<vmem>>, vector<16xi32>,
    %swap3A_55 = vector.shape_cast %swap3A_54 : vector<16xi32> to vector<16xi32>
    %swap3A_56 = vector.shape_cast %add3A_52 : vector<16xi32> to vector<16xi32>
    tpu.vector_store %arg9[%swap3A_53], %swap3A_56 {strides = array<i32>} : memref<80xi32, #tpu.memory_space<vmem>>, vector<16xi32>,
    %get3A_57 = arith.constant 0 : i32
    %get3A_58 = arith.index_cast %get3A_57 : i32 to index
    %get3A_59 = arith.constant 32 : index
    %get3A_60 = tpu.vector_load %arg7[%get3A_58, %get3A_59] {strides = array<i32>} : memref<250x80xi32, #tpu.memory_space<vmem>>, vector<1x16xi32>,
    %get3A_61 = vector.shape_cast %get3A_60 : vector<1x16xi32> to vector<16xi32>
    %mul3A_62 = arith.constant 2 : i32
    %mul3A_63 = vector.broadcast %mul3A_62 : i32 to vector<16xi32>
    %mul3A_64 = arith.muli %get3A_61, %mul3A_63 : vector<16xi32>
    %add3A_65 = vector.broadcast %arg0 : i32 to vector<16xi32>
    %add3A_66 = arith.addi %mul3A_64, %add3A_65 : vector<16xi32>
    %swap3A_67 = arith.constant 32 : index
    %swap3A_68 = tpu.vector_load %arg9[%swap3A_67] {strides = array<i32>} : memref<80xi32, #tpu.memory_space<vmem>>, vector<16xi32>,
    %swap3A_69 = vector.shape_cast %swap3A_68 : vector<16xi32> to vector<16xi32>
    %swap3A_70 = vector.shape_cast %add3A_66 : vector<16xi32> to vector<16xi32>
    tpu.vector_store %arg9[%swap3A_67], %swap3A_70 {strides = array<i32>} : memref<80xi32, #tpu.memory_space<vmem>>, vector<16xi32>,
    %get3A_71 = arith.constant 0 : i32
    %get3A_72 = arith.index_cast %get3A_71 : i32 to index
    %get3A_73 = arith.constant 48 : index
    %get3A_74 = tpu.vector_load %arg7[%get3A_72, %get3A_73] {strides = array<i32>} : memref<250x80xi32, #tpu.memory_space<vmem>>, vector<1x16xi32>,
    %get3A_75 = vector.shape_cast %get3A_74 : vector<1x16xi32> to vector<16xi32>
    %mul3A_76 = arith.constant 2 : i32
    %mul3A_77 = vector.broadcast %mul3A_76 : i32 to vector<16xi32>
    %mul3A_78 = arith.muli %get3A_75, %mul3A_77 : vector<16xi32>
    %add3A_79 = vector.broadcast %arg0 : i32 to vector<16xi32>
    %add3A_80 = arith.addi %mul3A_78, %add3A_79 : vector<16xi32>
    %swap3A_81 = arith.constant 48 : index
    %swap3A_82 = tpu.vector_load %arg9[%swap3A_81] {strides = array<i32>} : memref<80xi32, #tpu.memory_space<vmem>>, vector<16xi32>,
    %swap3A_83 = vector.shape_cast %swap3A_82 : vector<16xi32> to vector<16xi32>
    %swap3A_84 = vector.shape_cast %add3A_80 : vector<16xi32> to vector<16xi32>
    tpu.vector_store %arg9[%swap3A_81], %swap3A_84 {strides = array<i32>} : memref<80xi32, #tpu.memory_space<vmem>>, vector<16xi32>,
    %get3A_85 = arith.constant 0 : i32
    %get3A_86 = arith.index_cast %get3A_85 : i32 to index
    %get3A_87 = arith.constant 64 : index
    %get3A_88 = tpu.vector_load %arg7[%get3A_86, %get3A_87] {strides = array<i32>} : memref<250x80xi32, #tpu.memory_space<vmem>>, vector<1x16xi32>,
    %get3A_89 = vector.shape_cast %get3A_88 : vector<1x16xi32> to vector<16xi32>
    %mul3A_90 = arith.constant 2 : i32
    %mul3A_91 = vector.broadcast %mul3A_90 : i32 to vector<16xi32>
    %mul3A_92 = arith.muli %get3A_89, %mul3A_91 : vector<16xi32>
    %add3A_93 = vector.broadcast %arg0 : i32 to vector<16xi32>
    %add3A_94 = arith.addi %mul3A_92, %add3A_93 : vector<16xi32>
    %swap3A_95 = arith.constant 64 : index
    %swap3A_96 = tpu.vector_load %arg9[%swap3A_95] {strides = array<i32>} : memref<80xi32, #tpu.memory_space<vmem>>, vector<16xi32>,
    %swap3A_97 = vector.shape_cast %swap3A_96 : vector<16xi32> to vector<16xi32>
    %swap3A_98 = vector.shape_cast %add3A_94 : vector<16xi32> to vector<16xi32>
    tpu.vector_store %arg9[%swap3A_95], %swap3A_98 {strides = array<i32>} : memref<80xi32, #tpu.memory_space<vmem>>, vector<16xi32>,
    %dma_start3A = arith.constant 0 : i32
    %dma_start3A_99 = arith.constant 0 : i32
    %dma_start3A_100 = tpu.memref_slice %arg3[%dma_start3A, %dma_start3A_99] : memref<20000x80xf32, #tpu.memory_space<hbm>> -> memref<20000x80xf32, #tpu.memory_space<hbm>>
    tpu.enqueue_indirect_dma source(%dma_start3A_100 : memref<20000x80xf32, #tpu.memory_space<hbm>>) target(%arg11 : memref<80x80xf32, #tpu.memory_space<vmem>>) offsets(%arg9 : memref<80xi32, #tpu.memory_space<vmem>>) semaphore(%arg19 : memref<!tpu.dma_semaphore, #tpu.memory_space<semaphore_mem>>)
    %dma_start3A_101 = arith.constant 0 : i32
    %dma_start3A_102 = arith.constant 0 : i32
    %dma_start3A_103 = tpu.memref_slice %arg8[%dma_start3A_101, %dma_start3A_102] : memref<250x80xi32, #tpu.memory_space<vmem>> -> memref<1x80xi32, #tpu.memory_space<vmem>>
    %dma_start3A_104 = tpu.memref_squeeze %dma_start3A_103 : memref<1x80xi32, #tpu.memory_space<vmem>> -> memref<80xi32, #tpu.memory_space<vmem>>
    %dma_start3A_105 = arith.constant 0 : i32
    %dma_start3A_106 = arith.constant 0 : i32
    %dma_start3A_107 = tpu.memref_slice %arg4[%dma_start3A_105, %dma_start3A_106] : memref<10000x16xf32, #tpu.memory_space<hbm>> -> memref<10000x16xf32, #tpu.memory_space<hbm>>
    tpu.enqueue_indirect_dma source(%dma_start3A_107 : memref<10000x16xf32, #tpu.memory_space<hbm>>) target(%arg13 : memref<80x16xf32, #tpu.memory_space<vmem>>) offsets(%dma_start3A_104 : memref<80xi32, #tpu.memory_space<vmem>>) semaphore(%arg21 : memref<!tpu.dma_semaphore, #tpu.memory_space<semaphore_mem>>)
    %get3A_108 = arith.constant 1 : i32
    %get3A_109 = arith.index_cast %get3A_108 : i32 to index
    %get3A_110 = arith.constant 0 : index
    %get3A_111 = tpu.vector_load %arg7[%get3A_109, %get3A_110] {strides = array<i32>} : memref<250x80xi32, #tpu.memory_space<vmem>>, vector<1x16xi32>,
    %get3A_112 = vector.shape_cast %get3A_111 : vector<1x16xi32> to vector<16xi32>
    %mul3A_113 = arith.constant 2 : i32
    %mul3A_114 = vector.broadcast %mul3A_113 : i32 to vector<16xi32>
    %mul3A_115 = arith.muli %get3A_112, %mul3A_114 : vector<16xi32>
    %add3A_116 = vector.broadcast %arg0 : i32 to vector<16xi32>
    %add3A_117 = arith.addi %mul3A_115, %add3A_116 : vector<16xi32>
    %swap3A_118 = arith.constant 0 : index
    %swap3A_119 = tpu.vector_load %arg10[%swap3A_118] {strides = array<i32>} : memref<80xi32, #tpu.memory_space<vmem>>, vector<16xi32>,
    %swap3A_120 = vector.shape_cast %swap3A_119 : vector<16xi32> to vector<16xi32>
    %swap3A_121 = vector.shape_cast %add3A_117 : vector<16xi32> to vector<16xi32>
    tpu.vector_store %arg10[%swap3A_118], %swap3A_121 {strides = array<i32>} : memref<80xi32, #tpu.memory_space<vmem>>, vector<16xi32>,
    %get3A_122 = arith.constant 1 : i32
    %get3A_123 = arith.index_cast %get3A_122 : i32 to index
    %get3A_124 = arith.constant 16 : index
    %get3A_125 = tpu.vector_load %arg7[%get3A_123, %get3A_124] {strides = array<i32>} : memref<250x80xi32, #tpu.memory_space<vmem>>, vector<1x16xi32>,
    %get3A_126 = vector.shape_cast %get3A_125 : vector<1x16xi32> to vector<16xi32>
    %mul3A_127 = arith.constant 2 : i32
    %mul3A_128 = vector.broadcast %mul3A_127 : i32 to vector<16xi32>
    %mul3A_129 = arith.muli %get3A_126, %mul3A_128 : vector<16xi32>
    %add3A_130 = vector.broadcast %arg0 : i32 to vector<16xi32>
    %add3A_131 = arith.addi %mul3A_129, %add3A_130 : vector<16xi32>
    %swap3A_132 = arith.constant 16 : index
    %swap3A_133 = tpu.vector_load %arg10[%swap3A_132] {strides = array<i32>} : memref<80xi32, #tpu.memory_space<vmem>>, vector<16xi32>,
    %swap3A_134 = vector.shape_cast %swap3A_133 : vector<16xi32> to vector<16xi32>
    %swap3A_135 = vector.shape_cast %add3A_131 : vector<16xi32> to vector<16xi32>
    tpu.vector_store %arg10[%swap3A_132], %swap3A_135 {strides = array<i32>} : memref<80xi32, #tpu.memory_space<vmem>>, vector<16xi32>,
    %get3A_136 = arith.constant 1 : i32
    %get3A_137 = arith.index_cast %get3A_136 : i32 to index
    %get3A_138 = arith.constant 32 : index
    %get3A_139 = tpu.vector_load %arg7[%get3A_137, %get3A_138] {strides = array<i32>} : memref<250x80xi32, #tpu.memory_space<vmem>>, vector<1x16xi32>,
    %get3A_140 = vector.shape_cast %get3A_139 : vector<1x16xi32> to vector<16xi32>
    %mul3A_141 = arith.constant 2 : i32
    %mul3A_142 = vector.broadcast %mul3A_141 : i32 to vector<16xi32>
    %mul3A_143 = arith.muli %get3A_140, %mul3A_142 : vector<16xi32>
    %add3A_144 = vector.broadcast %arg0 : i32 to vector<16xi32>
    %add3A_145 = arith.addi %mul3A_143, %add3A_144 : vector<16xi32>
    %swap3A_146 = arith.constant 32 : index
    %swap3A_147 = tpu.vector_load %arg10[%swap3A_146] {strides = array<i32>} : memref<80xi32, #tpu.memory_space<vmem>>, vector<16xi32>,
    %swap3A_148 = vector.shape_cast %swap3A_147 : vector<16xi32> to vector<16xi32>
    %swap3A_149 = vector.shape_cast %add3A_145 : vector<16xi32> to vector<16xi32>
    tpu.vector_store %arg10[%swap3A_146], %swap3A_149 {strides = array<i32>} : memref<80xi32, #tpu.memory_space<vmem>>, vector<16xi32>,
    %get3A_150 = arith.constant 1 : i32
    %get3A_151 = arith.index_cast %get3A_150 : i32 to index
    %get3A_152 = arith.constant 48 : index
    %get3A_153 = tpu.vector_load %arg7[%get3A_151, %get3A_152] {strides = array<i32>} : memref<250x80xi32, #tpu.memory_space<vmem>>, vector<1x16xi32>,
    %get3A_154 = vector.shape_cast %get3A_153 : vector<1x16xi32> to vector<16xi32>
    %mul3A_155 = arith.constant 2 : i32
    %mul3A_156 = vector.broadcast %mul3A_155 : i32 to vector<16xi32>
    %mul3A_157 = arith.muli %get3A_154, %mul3A_156 : vector<16xi32>
    %add3A_158 = vector.broadcast %arg0 : i32 to vector<16xi32>
    %add3A_159 = arith.addi %mul3A_157, %add3A_158 : vector<16xi32>
    %swap3A_160 = arith.constant 48 : index
    %swap3A_161 = tpu.vector_load %arg10[%swap3A_160] {strides = array<i32>} : memref<80xi32, #tpu.memory_space<vmem>>, vector<16xi32>,
    %swap3A_162 = vector.shape_cast %swap3A_161 : vector<16xi32> to vector<16xi32>
    %swap3A_163 = vector.shape_cast %add3A_159 : vector<16xi32> to vector<16xi32>
    tpu.vector_store %arg10[%swap3A_160], %swap3A_163 {strides = array<i32>} : memref<80xi32, #tpu.memory_space<vmem>>, vector<16xi32>,
    %get3A_164 = arith.constant 1 : i32
    %get3A_165 = arith.index_cast %get3A_164 : i32 to index
    %get3A_166 = arith.constant 64 : index
    %get3A_167 = tpu.vector_load %arg7[%get3A_165, %get3A_166] {strides = array<i32>} : memref<250x80xi32, #tpu.memory_space<vmem>>, vector<1x16xi32>,
    %get3A_168 = vector.shape_cast %get3A_167 : vector<1x16xi32> to vector<16xi32>
    %mul3A_169 = arith.constant 2 : i32
    %mul3A_170 = vector.broadcast %mul3A_169 : i32 to vector<16xi32>
    %mul3A_171 = arith.muli %get3A_168, %mul3A_170 : vector<16xi32>
    %add3A_172 = vector.broadcast %arg0 : i32 to vector<16xi32>
    %add3A_173 = arith.addi %mul3A_171, %add3A_172 : vector<16xi32>
    %swap3A_174 = arith.constant 64 : index
    %swap3A_175 = tpu.vector_load %arg10[%swap3A_174] {strides = array<i32>} : memref<80xi32, #tpu.memory_space<vmem>>, vector<16xi32>,
    %swap3A_176 = vector.shape_cast %swap3A_175 : vector<16xi32> to vector<16xi32>
    %swap3A_177 = vector.shape_cast %add3A_173 : vector<16xi32> to vector<16xi32>
    tpu.vector_store %arg10[%swap3A_174], %swap3A_177 {strides = array<i32>} : memref<80xi32, #tpu.memory_space<vmem>>, vector<16xi32>,
    %dma_start3A_178 = arith.constant 0 : i32
    %dma_start3A_179 = arith.constant 0 : i32
    %dma_start3A_180 = tpu.memref_slice %arg3[%dma_start3A_178, %dma_start3A_179] : memref<20000x80xf32, #tpu.memory_space<hbm>> -> memref<20000x80xf32, #tpu.memory_space<hbm>>
    tpu.enqueue_indirect_dma source(%dma_start3A_180 : memref<20000x80xf32, #tpu.memory_space<hbm>>) target(%arg12 : memref<80x80xf32, #tpu.memory_space<vmem>>) offsets(%arg10 : memref<80xi32, #tpu.memory_space<vmem>>) semaphore(%arg20 : memref<!tpu.dma_semaphore, #tpu.memory_space<semaphore_mem>>)
    %dma_start3A_181 = arith.constant 1 : i32
    %dma_start3A_182 = arith.constant 0 : i32
    %dma_start3A_183 = tpu.memref_slice %arg8[%dma_start3A_181, %dma_start3A_182] : memref<250x80xi32, #tpu.memory_space<vmem>> -> memref<1x80xi32, #tpu.memory_space<vmem>>
    %dma_start3A_184 = tpu.memref_squeeze %dma_start3A_183 : memref<1x80xi32, #tpu.memory_space<vmem>> -> memref<80xi32, #tpu.memory_space<vmem>>
    %dma_start3A_185 = arith.constant 0 : i32
    %dma_start3A_186 = arith.constant 0 : i32
    %dma_start3A_187 = tpu.memref_slice %arg4[%dma_start3A_185, %dma_start3A_186] : memref<10000x16xf32, #tpu.memory_space<hbm>> -> memref<10000x16xf32, #tpu.memory_space<hbm>>
    tpu.enqueue_indirect_dma source(%dma_start3A_187 : memref<10000x16xf32, #tpu.memory_space<hbm>>) target(%arg14 : memref<80x16xf32, #tpu.memory_space<vmem>>) offsets(%dma_start3A_184 : memref<80xi32, #tpu.memory_space<vmem>>) semaphore(%arg22 : memref<!tpu.dma_semaphore, #tpu.memory_space<semaphore_mem>>)
    %scan3A_188 = arith.constant 0 : i32
    %scan3A_189 = arith.constant 0 : i32
    %scan3A_190 = arith.constant 125 : i32
    %scan3A_191 = arith.addi %scan3A_189, %scan3A_190 : i32
    %scan3A_192 = arith.constant 1 : i32
    %scan3A_193 = scf.for %scan3A_214 = %scan3A_189 to %scan3A_191 step %scan3A_192 iter_args(%scan3A_215 = %scan3A_188) -> (i32)  : i32 {
      %mul3A_216 = arith.constant 2 : i32
      %mul3A_217 = arith.muli %scan3A_214, %mul3A_216 : i32
      %add3A_218 = arith.constant 0 : i32
      %add3A_219 = arith.addi %mul3A_217, %add3A_218 : i32
      %dma_wait3A_220 = arith.constant 0 : i32
      %dma_wait3A_221 = arith.constant 0 : i32
      %dma_wait3A_222 = tpu.memref_slice %arg3[%dma_wait3A_220, %dma_wait3A_221] : memref<20000x80xf32, #tpu.memory_space<hbm>> -> memref<20000x80xf32, #tpu.memory_space<hbm>>
      tpu.wait_indirect_dma semaphore(%arg19 : memref<!tpu.dma_semaphore, #tpu.memory_space<semaphore_mem>>) src(%dma_wait3A_222 : memref<20000x80xf32, #tpu.memory_space<hbm>>) dst(%arg11 : memref<80x80xf32, #tpu.memory_space<vmem>>)
      %dma_wait3A_223 = arith.constant 0 : i32
      %dma_wait3A_224 = tpu.memref_slice %arg8[%add3A_219, %dma_wait3A_223] : memref<250x80xi32, #tpu.memory_space<vmem>> -> memref<1x80xi32, #tpu.memory_space<vmem>>
      %dma_wait3A_225 = tpu.memref_squeeze %dma_wait3A_224 : memref<1x80xi32, #tpu.memory_space<vmem>> -> memref<80xi32, #tpu.memory_space<vmem>>
      %dma_wait3A_226 = arith.constant 0 : i32
      %dma_wait3A_227 = arith.constant 0 : i32
      %dma_wait3A_228 = tpu.memref_slice %arg4[%dma_wait3A_226, %dma_wait3A_227] : memref<10000x16xf32, #tpu.memory_space<hbm>> -> memref<10000x16xf32, #tpu.memory_space<hbm>>
      tpu.wait_indirect_dma semaphore(%arg21 : memref<!tpu.dma_semaphore, #tpu.memory_space<semaphore_mem>>) src(%dma_wait3A_228 : memref<10000x16xf32, #tpu.memory_space<hbm>>) dst(%arg13 : memref<80x16xf32, #tpu.memory_space<vmem>>)
      %gt3A = arith.constant 0 : i32
      %gt3A_229 = arith.cmpi sgt, %scan3A_214, %gt3A : i32
      %convert_element_type3A_230 = arith.extui %gt3A_229 : i1 to i32
      %cond3A_231 = arith.constant 0 : i32
      %cond3A_232 = arith.cmpi ne, %convert_element_type3A_230, %cond3A_231 : i32
      scf.if %cond3A_232 {
        %dma_wait3A_282 = arith.constant 0 : i32
        %dma_wait3A_283 = tpu.memref_slice %arg8[%add3A_219, %dma_wait3A_282] : memref<250x80xi32, #tpu.memory_space<vmem>> -> memref<1x80xi32, #tpu.memory_space<vmem>>
        %dma_wait3A_284 = tpu.memref_squeeze %dma_wait3A_283 : memref<1x80xi32, #tpu.memory_space<vmem>> -> memref<80xi32, #tpu.memory_space<vmem>>
        %dma_wait3A_285 = arith.constant 0 : i32
        %dma_wait3A_286 = arith.constant 0 : i32
        %dma_wait3A_287 = tpu.memref_slice %arg18[%dma_wait3A_285, %dma_wait3A_286] : memref<10000x80xf32, #tpu.memory_space<vmem_shared>> -> memref<10000x80xf32, #tpu.memory_space<vmem_shared>>
        tpu.wait_indirect_dma semaphore(%arg23 : memref<!tpu.dma_semaphore, #tpu.memory_space<semaphore_mem>>) src(%arg15 : memref<80x80xf32, #tpu.memory_space<vmem>>) dst(%dma_wait3A_287 : memref<10000x80xf32, #tpu.memory_space<vmem_shared>>)
      } else {
      }
      %parallel_loop3A = arith.constant 0 : i32
      %parallel_loop3A_233 = arith.constant 80 : i32
      %parallel_loop3A_234 = arith.constant 1 : i32
      scf.for %parallel_loop3A_282 = %parallel_loop3A to %parallel_loop3A_233 step %parallel_loop3A_234  : i32 {
        %parallel_loop3A_283 = arith.index_cast %parallel_loop3A_282 : i32 to index
        %parallel_loop3A_284 = arith.constant 64 : index
        %parallel_loop3A_285 = tpu.vector_load %arg11[%parallel_loop3A_283, %parallel_loop3A_284] {strides = array<i32>} : memref<80x80xf32, #tpu.memory_space<vmem>>, vector<1x16xf32>,
        %parallel_loop3A_286 = vector.shape_cast %parallel_loop3A_285 : vector<1x16xf32> to vector<16xf32>
        %parallel_loop3A_287 = arith.index_cast %parallel_loop3A_282 : i32 to index
        %parallel_loop3A_288 = arith.constant 0 : index
        %parallel_loop3A_289 = tpu.vector_load %arg13[%parallel_loop3A_287, %parallel_loop3A_288] {strides = array<i32>} : memref<80x16xf32, #tpu.memory_space<vmem>>, vector<1x16xf32>,
        %parallel_loop3A_290 = vector.shape_cast %parallel_loop3A_289 : vector<1x16xf32> to vector<16xf32>
        %parallel_loop3A_291 = arith.addf %parallel_loop3A_286, %parallel_loop3A_290 : vector<16xf32>
        %parallel_loop3A_292 = arith.constant 0.000000e+00 : f32
        %parallel_loop3A_293 = vector.broadcast %parallel_loop3A_292 : f32 to vector<16xf32>
        %parallel_loop3A_294 = arith.cmpf ogt, %parallel_loop3A_291, %parallel_loop3A_293 : vector<16xf32>
        %parallel_loop3A_295 = arith.constant 2.000000e-01 : f32
        %parallel_loop3A_296 = vector.broadcast %parallel_loop3A_295 : f32 to vector<16xf32>
        %parallel_loop3A_297 = arith.mulf %parallel_loop3A_296, %parallel_loop3A_291 : vector<16xf32>
        %parallel_loop3A_298 = arith.select %parallel_loop3A_294, %parallel_loop3A_291, %parallel_loop3A_297 : vector<16xi1>, vector<16xf32>
        %parallel_loop3A_299 = arith.subf %parallel_loop3A_298, %get3A_29 : vector<16xf32>
        %parallel_loop3A_300 = math.exp %parallel_loop3A_299 : vector<16xf32>
        %parallel_loop3A_301 = arith.index_cast %parallel_loop3A_282 : i32 to index
        %parallel_loop3A_302 = arith.constant 64 : index
        %parallel_loop3A_303 = tpu.vector_load %arg15[%parallel_loop3A_301, %parallel_loop3A_302] {strides = array<i32>} : memref<80x80xf32, #tpu.memory_space<vmem>>, vector<1x16xf32>,
        %parallel_loop3A_304 = vector.shape_cast %parallel_loop3A_303 : vector<1x16xf32> to vector<16xf32>
        %parallel_loop3A_305 = vector.shape_cast %parallel_loop3A_300 : vector<16xf32> to vector<1x16xf32>
        tpu.vector_store %arg15[%parallel_loop3A_301, %parallel_loop3A_302], %parallel_loop3A_305 {strides = array<i32>} : memref<80x80xf32, #tpu.memory_space<vmem>>, vector<1x16xf32>,
        %parallel_loop3A_306 = arith.constant 0 : i32
        %parallel_loop3A_307 = arith.addi %mul3A_2, %parallel_loop3A_306 : i32
        %parallel_loop3A_308 = vector.broadcast %parallel_loop3A_307 : i32 to vector<16x1xi32>
        %parallel_loop3A_309 = vector.shape_cast %parallel_loop3A_308 : vector<16x1xi32> to vector<16xi32>
        %parallel_loop3A_310 = tpu.dynamic_gather %parallel_loop3A_300[%parallel_loop3A_309] in [0] : vector<16xf32>, vector<16xi32> -> vector<16xf32>
        %parallel_loop3A_311 = arith.index_cast %parallel_loop3A_282 : i32 to index
        %parallel_loop3A_312 = arith.constant 0 : index
        %parallel_loop3A_313 = tpu.vector_load %arg11[%parallel_loop3A_311, %parallel_loop3A_312] {strides = array<i32>} : memref<80x80xf32, #tpu.memory_space<vmem>>, vector<1x16xf32>,
        %parallel_loop3A_314 = vector.shape_cast %parallel_loop3A_313 : vector<1x16xf32> to vector<16xf32>
        %parallel_loop3A_315 = arith.mulf %parallel_loop3A_314, %parallel_loop3A_310 : vector<16xf32>
        %parallel_loop3A_316 = arith.index_cast %parallel_loop3A_282 : i32 to index
        %parallel_loop3A_317 = arith.constant 0 : index
        %parallel_loop3A_318 = tpu.vector_load %arg15[%parallel_loop3A_316, %parallel_loop3A_317] {strides = array<i32>} : memref<80x80xf32, #tpu.memory_space<vmem>>, vector<1x16xf32>,
        %parallel_loop3A_319 = vector.shape_cast %parallel_loop3A_318 : vector<1x16xf32> to vector<16xf32>
        %parallel_loop3A_320 = vector.shape_cast %parallel_loop3A_315 : vector<16xf32> to vector<1x16xf32>
        tpu.vector_store %arg15[%parallel_loop3A_316, %parallel_loop3A_317], %parallel_loop3A_320 {strides = array<i32>} : memref<80x80xf32, #tpu.memory_space<vmem>>, vector<1x16xf32>,
        %parallel_loop3A_321 = arith.constant 1 : i32
        %parallel_loop3A_322 = arith.addi %mul3A_2, %parallel_loop3A_321 : i32
        %parallel_loop3A_323 = vector.broadcast %parallel_loop3A_322 : i32 to vector<16x1xi32>
        %parallel_loop3A_324 = vector.shape_cast %parallel_loop3A_323 : vector<16x1xi32> to vector<16xi32>
        %parallel_loop3A_325 = tpu.dynamic_gather %parallel_loop3A_300[%parallel_loop3A_324] in [0] : vector<16xf32>, vector<16xi32> -> vector<16xf32>
        %parallel_loop3A_326 = arith.index_cast %parallel_loop3A_282 : i32 to index
        %parallel_loop3A_327 = arith.constant 16 : index
        %parallel_loop3A_328 = tpu.vector_load %arg11[%parallel_loop3A_326, %parallel_loop3A_327] {strides = array<i32>} : memref<80x80xf32, #tpu.memory_space<vmem>>, vector<1x16xf32>,
        %parallel_loop3A_329 = vector.shape_cast %parallel_loop3A_328 : vector<1x16xf32> to vector<16xf32>
        %parallel_loop3A_330 = arith.mulf %parallel_loop3A_329, %parallel_loop3A_325 : vector<16xf32>
        %parallel_loop3A_331 = arith.index_cast %parallel_loop3A_282 : i32 to index
        %parallel_loop3A_332 = arith.constant 16 : index
        %parallel_loop3A_333 = tpu.vector_load %arg15[%parallel_loop3A_331, %parallel_loop3A_332] {strides = array<i32>} : memref<80x80xf32, #tpu.memory_space<vmem>>, vector<1x16xf32>,
        %parallel_loop3A_334 = vector.shape_cast %parallel_loop3A_333 : vector<1x16xf32> to vector<16xf32>
        %parallel_loop3A_335 = vector.shape_cast %parallel_loop3A_330 : vector<16xf32> to vector<1x16xf32>
        tpu.vector_store %arg15[%parallel_loop3A_331, %parallel_loop3A_332], %parallel_loop3A_335 {strides = array<i32>} : memref<80x80xf32, #tpu.memory_space<vmem>>, vector<1x16xf32>,
        %parallel_loop3A_336 = arith.constant 2 : i32
        %parallel_loop3A_337 = arith.addi %mul3A_2, %parallel_loop3A_336 : i32
        %parallel_loop3A_338 = vector.broadcast %parallel_loop3A_337 : i32 to vector<16x1xi32>
        %parallel_loop3A_339 = vector.shape_cast %parallel_loop3A_338 : vector<16x1xi32> to vector<16xi32>
        %parallel_loop3A_340 = tpu.dynamic_gather %parallel_loop3A_300[%parallel_loop3A_339] in [0] : vector<16xf32>, vector<16xi32> -> vector<16xf32>
        %parallel_loop3A_341 = arith.index_cast %parallel_loop3A_282 : i32 to index
        %parallel_loop3A_342 = arith.constant 32 : index
        %parallel_loop3A_343 = tpu.vector_load %arg11[%parallel_loop3A_341, %parallel_loop3A_342] {strides = array<i32>} : memref<80x80xf32, #tpu.memory_space<vmem>>, vector<1x16xf32>,
        %parallel_loop3A_344 = vector.shape_cast %parallel_loop3A_343 : vector<1x16xf32> to vector<16xf32>
        %parallel_loop3A_345 = arith.mulf %parallel_loop3A_344, %parallel_loop3A_340 : vector<16xf32>
        %parallel_loop3A_346 = arith.index_cast %parallel_loop3A_282 : i32 to index
        %parallel_loop3A_347 = arith.constant 32 : index
        %parallel_loop3A_348 = tpu.vector_load %arg15[%parallel_loop3A_346, %parallel_loop3A_347] {strides = array<i32>} : memref<80x80xf32, #tpu.memory_space<vmem>>, vector<1x16xf32>,
        %parallel_loop3A_349 = vector.shape_cast %parallel_loop3A_348 : vector<1x16xf32> to vector<16xf32>
        %parallel_loop3A_350 = vector.shape_cast %parallel_loop3A_345 : vector<16xf32> to vector<1x16xf32>
        tpu.vector_store %arg15[%parallel_loop3A_346, %parallel_loop3A_347], %parallel_loop3A_350 {strides = array<i32>} : memref<80x80xf32, #tpu.memory_space<vmem>>, vector<1x16xf32>,
        %parallel_loop3A_351 = arith.constant 3 : i32
        %parallel_loop3A_352 = arith.addi %mul3A_2, %parallel_loop3A_351 : i32
        %parallel_loop3A_353 = vector.broadcast %parallel_loop3A_352 : i32 to vector<16x1xi32>
        %parallel_loop3A_354 = vector.shape_cast %parallel_loop3A_353 : vector<16x1xi32> to vector<16xi32>
        %parallel_loop3A_355 = tpu.dynamic_gather %parallel_loop3A_300[%parallel_loop3A_354] in [0] : vector<16xf32>, vector<16xi32> -> vector<16xf32>
        %parallel_loop3A_356 = arith.index_cast %parallel_loop3A_282 : i32 to index
        %parallel_loop3A_357 = arith.constant 48 : index
        %parallel_loop3A_358 = tpu.vector_load %arg11[%parallel_loop3A_356, %parallel_loop3A_357] {strides = array<i32>} : memref<80x80xf32, #tpu.memory_space<vmem>>, vector<1x16xf32>,
        %parallel_loop3A_359 = vector.shape_cast %parallel_loop3A_358 : vector<1x16xf32> to vector<16xf32>
        %parallel_loop3A_360 = arith.mulf %parallel_loop3A_359, %parallel_loop3A_355 : vector<16xf32>
        %parallel_loop3A_361 = arith.index_cast %parallel_loop3A_282 : i32 to index
        %parallel_loop3A_362 = arith.constant 48 : index
        %parallel_loop3A_363 = tpu.vector_load %arg15[%parallel_loop3A_361, %parallel_loop3A_362] {strides = array<i32>} : memref<80x80xf32, #tpu.memory_space<vmem>>, vector<1x16xf32>,
        %parallel_loop3A_364 = vector.shape_cast %parallel_loop3A_363 : vector<1x16xf32> to vector<16xf32>
        %parallel_loop3A_365 = vector.shape_cast %parallel_loop3A_360 : vector<16xf32> to vector<1x16xf32>
        tpu.vector_store %arg15[%parallel_loop3A_361, %parallel_loop3A_362], %parallel_loop3A_365 {strides = array<i32>} : memref<80x80xf32, #tpu.memory_space<vmem>>, vector<1x16xf32>,
      } {sc.loop_unroll_factor = 8 : i64, sc.parallel_access}
      %add3A_235 = arith.constant 2 : i32
      %add3A_236 = arith.addi %add3A_219, %add3A_235 : i32
      %lt3A = arith.constant 250 : i32
      %lt3A_237 = arith.cmpi slt, %add3A_236, %lt3A : i32
      %convert_element_type3A_238 = arith.extui %lt3A_237 : i1 to i32
      %cond3A_239 = arith.constant 0 : i32
      %cond3A_240 = arith.cmpi ne, %convert_element_type3A_238, %cond3A_239 : i32
      scf.if %cond3A_240 {
        %get3A_282 = arith.index_cast %add3A_236 : i32 to index
        %get3A_283 = arith.constant 0 : index
        %get3A_284 = tpu.vector_load %arg7[%get3A_282, %get3A_283] {strides = array<i32>} : memref<250x80xi32, #tpu.memory_space<vmem>>, vector<1x16xi32>,
        %get3A_285 = vector.shape_cast %get3A_284 : vector<1x16xi32> to vector<16xi32>
        %mul3A_286 = arith.constant 2 : i32
        %mul3A_287 = vector.broadcast %mul3A_286 : i32 to vector<16xi32>
        %mul3A_288 = arith.muli %get3A_285, %mul3A_287 : vector<16xi32>
        %add3A_289 = vector.broadcast %arg0 : i32 to vector<16xi32>
        %add3A_290 = arith.addi %mul3A_288, %add3A_289 : vector<16xi32>
        %swap3A_291 = arith.constant 0 : index
        %swap3A_292 = tpu.vector_load %arg9[%swap3A_291] {strides = array<i32>} : memref<80xi32, #tpu.memory_space<vmem>>, vector<16xi32>,
        %swap3A_293 = vector.shape_cast %swap3A_292 : vector<16xi32> to vector<16xi32>
        %swap3A_294 = vector.shape_cast %add3A_290 : vector<16xi32> to vector<16xi32>
        tpu.vector_store %arg9[%swap3A_291], %swap3A_294 {strides = array<i32>} : memref<80xi32, #tpu.memory_space<vmem>>, vector<16xi32>,
        %get3A_295 = arith.index_cast %add3A_236 : i32 to index
        %get3A_296 = arith.constant 16 : index
        %get3A_297 = tpu.vector_load %arg7[%get3A_295, %get3A_296] {strides = array<i32>} : memref<250x80xi32, #tpu.memory_space<vmem>>, vector<1x16xi32>,
        %get3A_298 = vector.shape_cast %get3A_297 : vector<1x16xi32> to vector<16xi32>
        %mul3A_299 = arith.constant 2 : i32
        %mul3A_300 = vector.broadcast %mul3A_299 : i32 to vector<16xi32>
        %mul3A_301 = arith.muli %get3A_298, %mul3A_300 : vector<16xi32>
        %add3A_302 = vector.broadcast %arg0 : i32 to vector<16xi32>
        %add3A_303 = arith.addi %mul3A_301, %add3A_302 : vector<16xi32>
        %swap3A_304 = arith.constant 16 : index
        %swap3A_305 = tpu.vector_load %arg9[%swap3A_304] {strides = array<i32>} : memref<80xi32, #tpu.memory_space<vmem>>, vector<16xi32>,
        %swap3A_306 = vector.shape_cast %swap3A_305 : vector<16xi32> to vector<16xi32>
        %swap3A_307 = vector.shape_cast %add3A_303 : vector<16xi32> to vector<16xi32>
        tpu.vector_store %arg9[%swap3A_304], %swap3A_307 {strides = array<i32>} : memref<80xi32, #tpu.memory_space<vmem>>, vector<16xi32>,
        %get3A_308 = arith.index_cast %add3A_236 : i32 to index
        %get3A_309 = arith.constant 32 : index
        %get3A_310 = tpu.vector_load %arg7[%get3A_308, %get3A_309] {strides = array<i32>} : memref<250x80xi32, #tpu.memory_space<vmem>>, vector<1x16xi32>,
        %get3A_311 = vector.shape_cast %get3A_310 : vector<1x16xi32> to vector<16xi32>
        %mul3A_312 = arith.constant 2 : i32
        %mul3A_313 = vector.broadcast %mul3A_312 : i32 to vector<16xi32>
        %mul3A_314 = arith.muli %get3A_311, %mul3A_313 : vector<16xi32>
        %add3A_315 = vector.broadcast %arg0 : i32 to vector<16xi32>
        %add3A_316 = arith.addi %mul3A_314, %add3A_315 : vector<16xi32>
        %swap3A_317 = arith.constant 32 : index
        %swap3A_318 = tpu.vector_load %arg9[%swap3A_317] {strides = array<i32>} : memref<80xi32, #tpu.memory_space<vmem>>, vector<16xi32>,
        %swap3A_319 = vector.shape_cast %swap3A_318 : vector<16xi32> to vector<16xi32>
        %swap3A_320 = vector.shape_cast %add3A_316 : vector<16xi32> to vector<16xi32>
        tpu.vector_store %arg9[%swap3A_317], %swap3A_320 {strides = array<i32>} : memref<80xi32, #tpu.memory_space<vmem>>, vector<16xi32>,
        %get3A_321 = arith.index_cast %add3A_236 : i32 to index
        %get3A_322 = arith.constant 48 : index
        %get3A_323 = tpu.vector_load %arg7[%get3A_321, %get3A_322] {strides = array<i32>} : memref<250x80xi32, #tpu.memory_space<vmem>>, vector<1x16xi32>,
        %get3A_324 = vector.shape_cast %get3A_323 : vector<1x16xi32> to vector<16xi32>
        %mul3A_325 = arith.constant 2 : i32
        %mul3A_326 = vector.broadcast %mul3A_325 : i32 to vector<16xi32>
        %mul3A_327 = arith.muli %get3A_324, %mul3A_326 : vector<16xi32>
        %add3A_328 = vector.broadcast %arg0 : i32 to vector<16xi32>
        %add3A_329 = arith.addi %mul3A_327, %add3A_328 : vector<16xi32>
        %swap3A_330 = arith.constant 48 : index
        %swap3A_331 = tpu.vector_load %arg9[%swap3A_330] {strides = array<i32>} : memref<80xi32, #tpu.memory_space<vmem>>, vector<16xi32>,
        %swap3A_332 = vector.shape_cast %swap3A_331 : vector<16xi32> to vector<16xi32>
        %swap3A_333 = vector.shape_cast %add3A_329 : vector<16xi32> to vector<16xi32>
        tpu.vector_store %arg9[%swap3A_330], %swap3A_333 {strides = array<i32>} : memref<80xi32, #tpu.memory_space<vmem>>, vector<16xi32>,
        %get3A_334 = arith.index_cast %add3A_236 : i32 to index
        %get3A_335 = arith.constant 64 : index
        %get3A_336 = tpu.vector_load %arg7[%get3A_334, %get3A_335] {strides = array<i32>} : memref<250x80xi32, #tpu.memory_space<vmem>>, vector<1x16xi32>,
        %get3A_337 = vector.shape_cast %get3A_336 : vector<1x16xi32> to vector<16xi32>
        %mul3A_338 = arith.constant 2 : i32
        %mul3A_339 = vector.broadcast %mul3A_338 : i32 to vector<16xi32>
        %mul3A_340 = arith.muli %get3A_337, %mul3A_339 : vector<16xi32>
        %add3A_341 = vector.broadcast %arg0 : i32 to vector<16xi32>
        %add3A_342 = arith.addi %mul3A_340, %add3A_341 : vector<16xi32>
        %swap3A_343 = arith.constant 64 : index
        %swap3A_344 = tpu.vector_load %arg9[%swap3A_343] {strides = array<i32>} : memref<80xi32, #tpu.memory_space<vmem>>, vector<16xi32>,
        %swap3A_345 = vector.shape_cast %swap3A_344 : vector<16xi32> to vector<16xi32>
        %swap3A_346 = vector.shape_cast %add3A_342 : vector<16xi32> to vector<16xi32>
        tpu.vector_store %arg9[%swap3A_343], %swap3A_346 {strides = array<i32>} : memref<80xi32, #tpu.memory_space<vmem>>, vector<16xi32>,
        %dma_start3A_347 = arith.constant 0 : i32
        %dma_start3A_348 = arith.constant 0 : i32
        %dma_start3A_349 = tpu.memref_slice %arg3[%dma_start3A_347, %dma_start3A_348] : memref<20000x80xf32, #tpu.memory_space<hbm>> -> memref<20000x80xf32, #tpu.memory_space<hbm>>
        tpu.enqueue_indirect_dma source(%dma_start3A_349 : memref<20000x80xf32, #tpu.memory_space<hbm>>) target(%arg11 : memref<80x80xf32, #tpu.memory_space<vmem>>) offsets(%arg9 : memref<80xi32, #tpu.memory_space<vmem>>) semaphore(%arg19 : memref<!tpu.dma_semaphore, #tpu.memory_space<semaphore_mem>>)
        %dma_start3A_350 = arith.constant 0 : i32
        %dma_start3A_351 = tpu.memref_slice %arg8[%add3A_236, %dma_start3A_350] : memref<250x80xi32, #tpu.memory_space<vmem>> -> memref<1x80xi32, #tpu.memory_space<vmem>>
        %dma_start3A_352 = tpu.memref_squeeze %dma_start3A_351 : memref<1x80xi32, #tpu.memory_space<vmem>> -> memref<80xi32, #tpu.memory_space<vmem>>
        %dma_start3A_353 = arith.constant 0 : i32
        %dma_start3A_354 = arith.constant 0 : i32
        %dma_start3A_355 = tpu.memref_slice %arg4[%dma_start3A_353, %dma_start3A_354] : memref<10000x16xf32, #tpu.memory_space<hbm>> -> memref<10000x16xf32, #tpu.memory_space<hbm>>
        tpu.enqueue_indirect_dma source(%dma_start3A_355 : memref<10000x16xf32, #tpu.memory_space<hbm>>) target(%arg13 : memref<80x16xf32, #tpu.memory_space<vmem>>) offsets(%dma_start3A_352 : memref<80xi32, #tpu.memory_space<vmem>>) semaphore(%arg21 : memref<!tpu.dma_semaphore, #tpu.memory_space<semaphore_mem>>)
      } else {
      }
      %dma_start3A_241 = arith.constant 0 : i32
      %dma_start3A_242 = tpu.memref_slice %arg8[%add3A_219, %dma_start3A_241] : memref<250x80xi32, #tpu.memory_space<vmem>> -> memref<1x80xi32, #tpu.memory_space<vmem>>
      %dma_start3A_243 = tpu.memref_squeeze %dma_start3A_242 : memref<1x80xi32, #tpu.memory_space<vmem>> -> memref<80xi32, #tpu.memory_space<vmem>>
      %dma_start3A_244 = arith.constant 0 : i32
      %dma_start3A_245 = arith.constant 0 : i32
      %dma_start3A_246 = tpu.memref_slice %arg18[%dma_start3A_244, %dma_start3A_245] : memref<10000x80xf32, #tpu.memory_space<vmem_shared>> -> memref<10000x80xf32, #tpu.memory_space<vmem_shared>>
      tpu.enqueue_indirect_dma source(%arg15 : memref<80x80xf32, #tpu.memory_space<vmem>>) target(%dma_start3A_246 : memref<10000x80xf32, #tpu.memory_space<vmem_shared>>) offsets(%dma_start3A_243 : memref<80xi32, #tpu.memory_space<vmem>>) semaphore(%arg23 : memref<!tpu.dma_semaphore, #tpu.memory_space<semaphore_mem>>) {add = true}
      %mul3A_247 = arith.constant 2 : i32
      %mul3A_248 = arith.muli %scan3A_214, %mul3A_247 : i32
      %add3A_249 = arith.constant 1 : i32
      %add3A_250 = arith.addi %mul3A_248, %add3A_249 : i32
      %dma_wait3A_251 = arith.constant 0 : i32
      %dma_wait3A_252 = arith.constant 0 : i32
      %dma_wait3A_253 = tpu.memref_slice %arg3[%dma_wait3A_251, %dma_wait3A_252] : memref<20000x80xf32, #tpu.memory_space<hbm>> -> memref<20000x80xf32, #tpu.memory_space<hbm>>
      tpu.wait_indirect_dma semaphore(%arg20 : memref<!tpu.dma_semaphore, #tpu.memory_space<semaphore_mem>>) src(%dma_wait3A_253 : memref<20000x80xf32, #tpu.memory_space<hbm>>) dst(%arg12 : memref<80x80xf32, #tpu.memory_space<vmem>>)
      %dma_wait3A_254 = arith.constant 0 : i32
      %dma_wait3A_255 = tpu.memref_slice %arg8[%add3A_250, %dma_wait3A_254] : memref<250x80xi32, #tpu.memory_space<vmem>> -> memref<1x80xi32, #tpu.memory_space<vmem>>
      %dma_wait3A_256 = tpu.memref_squeeze %dma_wait3A_255 : memref<1x80xi32, #tpu.memory_space<vmem>> -> memref<80xi32, #tpu.memory_space<vmem>>
      %dma_wait3A_257 = arith.constant 0 : i32
      %dma_wait3A_258 = arith.constant 0 : i32
      %dma_wait3A_259 = tpu.memref_slice %arg4[%dma_wait3A_257, %dma_wait3A_258] : memref<10000x16xf32, #tpu.memory_space<hbm>> -> memref<10000x16xf32, #tpu.memory_space<hbm>>
      tpu.wait_indirect_dma semaphore(%arg22 : memref<!tpu.dma_semaphore, #tpu.memory_space<semaphore_mem>>) src(%dma_wait3A_259 : memref<10000x16xf32, #tpu.memory_space<hbm>>) dst(%arg14 : memref<80x16xf32, #tpu.memory_space<vmem>>)
      %gt3A_260 = arith.constant 0 : i32
      %gt3A_261 = arith.cmpi sgt, %scan3A_214, %gt3A_260 : i32
      %convert_element_type3A_262 = arith.extui %gt3A_261 : i1 to i32
      %cond3A_263 = arith.constant 0 : i32
      %cond3A_264 = arith.cmpi ne, %convert_element_type3A_262, %cond3A_263 : i32
      scf.if %cond3A_264 {
        %dma_wait3A_282 = arith.constant 0 : i32
        %dma_wait3A_283 = tpu.memref_slice %arg8[%add3A_250, %dma_wait3A_282] : memref<250x80xi32, #tpu.memory_space<vmem>> -> memref<1x80xi32, #tpu.memory_space<vmem>>
        %dma_wait3A_284 = tpu.memref_squeeze %dma_wait3A_283 : memref<1x80xi32, #tpu.memory_space<vmem>> -> memref<80xi32, #tpu.memory_space<vmem>>
        %dma_wait3A_285 = arith.constant 0 : i32
        %dma_wait3A_286 = arith.constant 0 : i32
        %dma_wait3A_287 = tpu.memref_slice %arg18[%dma_wait3A_285, %dma_wait3A_286] : memref<10000x80xf32, #tpu.memory_space<vmem_shared>> -> memref<10000x80xf32, #tpu.memory_space<vmem_shared>>
        tpu.wait_indirect_dma semaphore(%arg24 : memref<!tpu.dma_semaphore, #tpu.memory_space<semaphore_mem>>) src(%arg16 : memref<80x80xf32, #tpu.memory_space<vmem>>) dst(%dma_wait3A_287 : memref<10000x80xf32, #tpu.memory_space<vmem_shared>>)
      } else {
      }
      %parallel_loop3A_265 = arith.constant 0 : i32
      %parallel_loop3A_266 = arith.constant 80 : i32
      %parallel_loop3A_267 = arith.constant 1 : i32
      scf.for %parallel_loop3A_282 = %parallel_loop3A_265 to %parallel_loop3A_266 step %parallel_loop3A_267  : i32 {
        %parallel_loop3A_283 = arith.index_cast %parallel_loop3A_282 : i32 to index
        %parallel_loop3A_284 = arith.constant 64 : index
        %parallel_loop3A_285 = tpu.vector_load %arg12[%parallel_loop3A_283, %parallel_loop3A_284] {strides = array<i32>} : memref<80x80xf32, #tpu.memory_space<vmem>>, vector<1x16xf32>,
        %parallel_loop3A_286 = vector.shape_cast %parallel_loop3A_285 : vector<1x16xf32> to vector<16xf32>
        %parallel_loop3A_287 = arith.index_cast %parallel_loop3A_282 : i32 to index
        %parallel_loop3A_288 = arith.constant 0 : index
        %parallel_loop3A_289 = tpu.vector_load %arg14[%parallel_loop3A_287, %parallel_loop3A_288] {strides = array<i32>} : memref<80x16xf32, #tpu.memory_space<vmem>>, vector<1x16xf32>,
        %parallel_loop3A_290 = vector.shape_cast %parallel_loop3A_289 : vector<1x16xf32> to vector<16xf32>
        %parallel_loop3A_291 = arith.addf %parallel_loop3A_286, %parallel_loop3A_290 : vector<16xf32>
        %parallel_loop3A_292 = arith.constant 0.000000e+00 : f32
        %parallel_loop3A_293 = vector.broadcast %parallel_loop3A_292 : f32 to vector<16xf32>
        %parallel_loop3A_294 = arith.cmpf ogt, %parallel_loop3A_291, %parallel_loop3A_293 : vector<16xf32>
        %parallel_loop3A_295 = arith.constant 2.000000e-01 : f32
        %parallel_loop3A_296 = vector.broadcast %parallel_loop3A_295 : f32 to vector<16xf32>
        %parallel_loop3A_297 = arith.mulf %parallel_loop3A_296, %parallel_loop3A_291 : vector<16xf32>
        %parallel_loop3A_298 = arith.select %parallel_loop3A_294, %parallel_loop3A_291, %parallel_loop3A_297 : vector<16xi1>, vector<16xf32>
        %parallel_loop3A_299 = arith.subf %parallel_loop3A_298, %get3A_29 : vector<16xf32>
        %parallel_loop3A_300 = math.exp %parallel_loop3A_299 : vector<16xf32>
        %parallel_loop3A_301 = arith.index_cast %parallel_loop3A_282 : i32 to index
        %parallel_loop3A_302 = arith.constant 64 : index
        %parallel_loop3A_303 = tpu.vector_load %arg16[%parallel_loop3A_301, %parallel_loop3A_302] {strides = array<i32>} : memref<80x80xf32, #tpu.memory_space<vmem>>, vector<1x16xf32>,
        %parallel_loop3A_304 = vector.shape_cast %parallel_loop3A_303 : vector<1x16xf32> to vector<16xf32>
        %parallel_loop3A_305 = vector.shape_cast %parallel_loop3A_300 : vector<16xf32> to vector<1x16xf32>
        tpu.vector_store %arg16[%parallel_loop3A_301, %parallel_loop3A_302], %parallel_loop3A_305 {strides = array<i32>} : memref<80x80xf32, #tpu.memory_space<vmem>>, vector<1x16xf32>,
        %parallel_loop3A_306 = arith.constant 0 : i32
        %parallel_loop3A_307 = arith.addi %mul3A_2, %parallel_loop3A_306 : i32
        %parallel_loop3A_308 = vector.broadcast %parallel_loop3A_307 : i32 to vector<16x1xi32>
        %parallel_loop3A_309 = vector.shape_cast %parallel_loop3A_308 : vector<16x1xi32> to vector<16xi32>
        %parallel_loop3A_310 = tpu.dynamic_gather %parallel_loop3A_300[%parallel_loop3A_309] in [0] : vector<16xf32>, vector<16xi32> -> vector<16xf32>
        %parallel_loop3A_311 = arith.index_cast %parallel_loop3A_282 : i32 to index
        %parallel_loop3A_312 = arith.constant 0 : index
        %parallel_loop3A_313 = tpu.vector_load %arg12[%parallel_loop3A_311, %parallel_loop3A_312] {strides = array<i32>} : memref<80x80xf32, #tpu.memory_space<vmem>>, vector<1x16xf32>,
        %parallel_loop3A_314 = vector.shape_cast %parallel_loop3A_313 : vector<1x16xf32> to vector<16xf32>
        %parallel_loop3A_315 = arith.mulf %parallel_loop3A_314, %parallel_loop3A_310 : vector<16xf32>
        %parallel_loop3A_316 = arith.index_cast %parallel_loop3A_282 : i32 to index
        %parallel_loop3A_317 = arith.constant 0 : index
        %parallel_loop3A_318 = tpu.vector_load %arg16[%parallel_loop3A_316, %parallel_loop3A_317] {strides = array<i32>} : memref<80x80xf32, #tpu.memory_space<vmem>>, vector<1x16xf32>,
        %parallel_loop3A_319 = vector.shape_cast %parallel_loop3A_318 : vector<1x16xf32> to vector<16xf32>
        %parallel_loop3A_320 = vector.shape_cast %parallel_loop3A_315 : vector<16xf32> to vector<1x16xf32>
        tpu.vector_store %arg16[%parallel_loop3A_316, %parallel_loop3A_317], %parallel_loop3A_320 {strides = array<i32>} : memref<80x80xf32, #tpu.memory_space<vmem>>, vector<1x16xf32>,
        %parallel_loop3A_321 = arith.constant 1 : i32
        %parallel_loop3A_322 = arith.addi %mul3A_2, %parallel_loop3A_321 : i32
        %parallel_loop3A_323 = vector.broadcast %parallel_loop3A_322 : i32 to vector<16x1xi32>
        %parallel_loop3A_324 = vector.shape_cast %parallel_loop3A_323 : vector<16x1xi32> to vector<16xi32>
        %parallel_loop3A_325 = tpu.dynamic_gather %parallel_loop3A_300[%parallel_loop3A_324] in [0] : vector<16xf32>, vector<16xi32> -> vector<16xf32>
        %parallel_loop3A_326 = arith.index_cast %parallel_loop3A_282 : i32 to index
        %parallel_loop3A_327 = arith.constant 16 : index
        %parallel_loop3A_328 = tpu.vector_load %arg12[%parallel_loop3A_326, %parallel_loop3A_327] {strides = array<i32>} : memref<80x80xf32, #tpu.memory_space<vmem>>, vector<1x16xf32>,
        %parallel_loop3A_329 = vector.shape_cast %parallel_loop3A_328 : vector<1x16xf32> to vector<16xf32>
        %parallel_loop3A_330 = arith.mulf %parallel_loop3A_329, %parallel_loop3A_325 : vector<16xf32>
        %parallel_loop3A_331 = arith.index_cast %parallel_loop3A_282 : i32 to index
        %parallel_loop3A_332 = arith.constant 16 : index
        %parallel_loop3A_333 = tpu.vector_load %arg16[%parallel_loop3A_331, %parallel_loop3A_332] {strides = array<i32>} : memref<80x80xf32, #tpu.memory_space<vmem>>, vector<1x16xf32>,
        %parallel_loop3A_334 = vector.shape_cast %parallel_loop3A_333 : vector<1x16xf32> to vector<16xf32>
        %parallel_loop3A_335 = vector.shape_cast %parallel_loop3A_330 : vector<16xf32> to vector<1x16xf32>
        tpu.vector_store %arg16[%parallel_loop3A_331, %parallel_loop3A_332], %parallel_loop3A_335 {strides = array<i32>} : memref<80x80xf32, #tpu.memory_space<vmem>>, vector<1x16xf32>,
        %parallel_loop3A_336 = arith.constant 2 : i32
        %parallel_loop3A_337 = arith.addi %mul3A_2, %parallel_loop3A_336 : i32
        %parallel_loop3A_338 = vector.broadcast %parallel_loop3A_337 : i32 to vector<16x1xi32>
        %parallel_loop3A_339 = vector.shape_cast %parallel_loop3A_338 : vector<16x1xi32> to vector<16xi32>
        %parallel_loop3A_340 = tpu.dynamic_gather %parallel_loop3A_300[%parallel_loop3A_339] in [0] : vector<16xf32>, vector<16xi32> -> vector<16xf32>
        %parallel_loop3A_341 = arith.index_cast %parallel_loop3A_282 : i32 to index
        %parallel_loop3A_342 = arith.constant 32 : index
        %parallel_loop3A_343 = tpu.vector_load %arg12[%parallel_loop3A_341, %parallel_loop3A_342] {strides = array<i32>} : memref<80x80xf32, #tpu.memory_space<vmem>>, vector<1x16xf32>,
        %parallel_loop3A_344 = vector.shape_cast %parallel_loop3A_343 : vector<1x16xf32> to vector<16xf32>
        %parallel_loop3A_345 = arith.mulf %parallel_loop3A_344, %parallel_loop3A_340 : vector<16xf32>
        %parallel_loop3A_346 = arith.index_cast %parallel_loop3A_282 : i32 to index
        %parallel_loop3A_347 = arith.constant 32 : index
        %parallel_loop3A_348 = tpu.vector_load %arg16[%parallel_loop3A_346, %parallel_loop3A_347] {strides = array<i32>} : memref<80x80xf32, #tpu.memory_space<vmem>>, vector<1x16xf32>,
        %parallel_loop3A_349 = vector.shape_cast %parallel_loop3A_348 : vector<1x16xf32> to vector<16xf32>
        %parallel_loop3A_350 = vector.shape_cast %parallel_loop3A_345 : vector<16xf32> to vector<1x16xf32>
        tpu.vector_store %arg16[%parallel_loop3A_346, %parallel_loop3A_347], %parallel_loop3A_350 {strides = array<i32>} : memref<80x80xf32, #tpu.memory_space<vmem>>, vector<1x16xf32>,
        %parallel_loop3A_351 = arith.constant 3 : i32
        %parallel_loop3A_352 = arith.addi %mul3A_2, %parallel_loop3A_351 : i32
        %parallel_loop3A_353 = vector.broadcast %parallel_loop3A_352 : i32 to vector<16x1xi32>
        %parallel_loop3A_354 = vector.shape_cast %parallel_loop3A_353 : vector<16x1xi32> to vector<16xi32>
        %parallel_loop3A_355 = tpu.dynamic_gather %parallel_loop3A_300[%parallel_loop3A_354] in [0] : vector<16xf32>, vector<16xi32> -> vector<16xf32>
        %parallel_loop3A_356 = arith.index_cast %parallel_loop3A_282 : i32 to index
        %parallel_loop3A_357 = arith.constant 48 : index
        %parallel_loop3A_358 = tpu.vector_load %arg12[%parallel_loop3A_356, %parallel_loop3A_357] {strides = array<i32>} : memref<80x80xf32, #tpu.memory_space<vmem>>, vector<1x16xf32>,
        %parallel_loop3A_359 = vector.shape_cast %parallel_loop3A_358 : vector<1x16xf32> to vector<16xf32>
        %parallel_loop3A_360 = arith.mulf %parallel_loop3A_359, %parallel_loop3A_355 : vector<16xf32>
        %parallel_loop3A_361 = arith.index_cast %parallel_loop3A_282 : i32 to index
        %parallel_loop3A_362 = arith.constant 48 : index
        %parallel_loop3A_363 = tpu.vector_load %arg16[%parallel_loop3A_361, %parallel_loop3A_362] {strides = array<i32>} : memref<80x80xf32, #tpu.memory_space<vmem>>, vector<1x16xf32>,
        %parallel_loop3A_364 = vector.shape_cast %parallel_loop3A_363 : vector<1x16xf32> to vector<16xf32>
        %parallel_loop3A_365 = vector.shape_cast %parallel_loop3A_360 : vector<16xf32> to vector<1x16xf32>
        tpu.vector_store %arg16[%parallel_loop3A_361, %parallel_loop3A_362], %parallel_loop3A_365 {strides = array<i32>} : memref<80x80xf32, #tpu.memory_space<vmem>>, vector<1x16xf32>,
      } {sc.loop_unroll_factor = 8 : i64, sc.parallel_access}
      %add3A_268 = arith.constant 2 : i32
      %add3A_269 = arith.addi %add3A_250, %add3A_268 : i32
      %lt3A_270 = arith.constant 250 : i32
      %lt3A_271 = arith.cmpi slt, %add3A_269, %lt3A_270 : i32
      %convert_element_type3A_272 = arith.extui %lt3A_271 : i1 to i32
      %cond3A_273 = arith.constant 0 : i32
      %cond3A_274 = arith.cmpi ne, %convert_element_type3A_272, %cond3A_273 : i32
      scf.if %cond3A_274 {
        %get3A_282 = arith.index_cast %add3A_269 : i32 to index
        %get3A_283 = arith.constant 0 : index
        %get3A_284 = tpu.vector_load %arg7[%get3A_282, %get3A_283] {strides = array<i32>} : memref<250x80xi32, #tpu.memory_space<vmem>>, vector<1x16xi32>,
        %get3A_285 = vector.shape_cast %get3A_284 : vector<1x16xi32> to vector<16xi32>
        %mul3A_286 = arith.constant 2 : i32
        %mul3A_287 = vector.broadcast %mul3A_286 : i32 to vector<16xi32>
        %mul3A_288 = arith.muli %get3A_285, %mul3A_287 : vector<16xi32>
        %add3A_289 = vector.broadcast %arg0 : i32 to vector<16xi32>
        %add3A_290 = arith.addi %mul3A_288, %add3A_289 : vector<16xi32>
        %swap3A_291 = arith.constant 0 : index
        %swap3A_292 = tpu.vector_load %arg10[%swap3A_291] {strides = array<i32>} : memref<80xi32, #tpu.memory_space<vmem>>, vector<16xi32>,
        %swap3A_293 = vector.shape_cast %swap3A_292 : vector<16xi32> to vector<16xi32>
        %swap3A_294 = vector.shape_cast %add3A_290 : vector<16xi32> to vector<16xi32>
        tpu.vector_store %arg10[%swap3A_291], %swap3A_294 {strides = array<i32>} : memref<80xi32, #tpu.memory_space<vmem>>, vector<16xi32>,
        %get3A_295 = arith.index_cast %add3A_269 : i32 to index
        %get3A_296 = arith.constant 16 : index
        %get3A_297 = tpu.vector_load %arg7[%get3A_295, %get3A_296] {strides = array<i32>} : memref<250x80xi32, #tpu.memory_space<vmem>>, vector<1x16xi32>,
        %get3A_298 = vector.shape_cast %get3A_297 : vector<1x16xi32> to vector<16xi32>
        %mul3A_299 = arith.constant 2 : i32
        %mul3A_300 = vector.broadcast %mul3A_299 : i32 to vector<16xi32>
        %mul3A_301 = arith.muli %get3A_298, %mul3A_300 : vector<16xi32>
        %add3A_302 = vector.broadcast %arg0 : i32 to vector<16xi32>
        %add3A_303 = arith.addi %mul3A_301, %add3A_302 : vector<16xi32>
        %swap3A_304 = arith.constant 16 : index
        %swap3A_305 = tpu.vector_load %arg10[%swap3A_304] {strides = array<i32>} : memref<80xi32, #tpu.memory_space<vmem>>, vector<16xi32>,
        %swap3A_306 = vector.shape_cast %swap3A_305 : vector<16xi32> to vector<16xi32>
        %swap3A_307 = vector.shape_cast %add3A_303 : vector<16xi32> to vector<16xi32>
        tpu.vector_store %arg10[%swap3A_304], %swap3A_307 {strides = array<i32>} : memref<80xi32, #tpu.memory_space<vmem>>, vector<16xi32>,
        %get3A_308 = arith.index_cast %add3A_269 : i32 to index
        %get3A_309 = arith.constant 32 : index
        %get3A_310 = tpu.vector_load %arg7[%get3A_308, %get3A_309] {strides = array<i32>} : memref<250x80xi32, #tpu.memory_space<vmem>>, vector<1x16xi32>,
        %get3A_311 = vector.shape_cast %get3A_310 : vector<1x16xi32> to vector<16xi32>
        %mul3A_312 = arith.constant 2 : i32
        %mul3A_313 = vector.broadcast %mul3A_312 : i32 to vector<16xi32>
        %mul3A_314 = arith.muli %get3A_311, %mul3A_313 : vector<16xi32>
        %add3A_315 = vector.broadcast %arg0 : i32 to vector<16xi32>
        %add3A_316 = arith.addi %mul3A_314, %add3A_315 : vector<16xi32>
        %swap3A_317 = arith.constant 32 : index
        %swap3A_318 = tpu.vector_load %arg10[%swap3A_317] {strides = array<i32>} : memref<80xi32, #tpu.memory_space<vmem>>, vector<16xi32>,
        %swap3A_319 = vector.shape_cast %swap3A_318 : vector<16xi32> to vector<16xi32>
        %swap3A_320 = vector.shape_cast %add3A_316 : vector<16xi32> to vector<16xi32>
        tpu.vector_store %arg10[%swap3A_317], %swap3A_320 {strides = array<i32>} : memref<80xi32, #tpu.memory_space<vmem>>, vector<16xi32>,
        %get3A_321 = arith.index_cast %add3A_269 : i32 to index
        %get3A_322 = arith.constant 48 : index
        %get3A_323 = tpu.vector_load %arg7[%get3A_321, %get3A_322] {strides = array<i32>} : memref<250x80xi32, #tpu.memory_space<vmem>>, vector<1x16xi32>,
        %get3A_324 = vector.shape_cast %get3A_323 : vector<1x16xi32> to vector<16xi32>
        %mul3A_325 = arith.constant 2 : i32
        %mul3A_326 = vector.broadcast %mul3A_325 : i32 to vector<16xi32>
        %mul3A_327 = arith.muli %get3A_324, %mul3A_326 : vector<16xi32>
        %add3A_328 = vector.broadcast %arg0 : i32 to vector<16xi32>
        %add3A_329 = arith.addi %mul3A_327, %add3A_328 : vector<16xi32>
        %swap3A_330 = arith.constant 48 : index
        %swap3A_331 = tpu.vector_load %arg10[%swap3A_330] {strides = array<i32>} : memref<80xi32, #tpu.memory_space<vmem>>, vector<16xi32>,
        %swap3A_332 = vector.shape_cast %swap3A_331 : vector<16xi32> to vector<16xi32>
        %swap3A_333 = vector.shape_cast %add3A_329 : vector<16xi32> to vector<16xi32>
        tpu.vector_store %arg10[%swap3A_330], %swap3A_333 {strides = array<i32>} : memref<80xi32, #tpu.memory_space<vmem>>, vector<16xi32>,
        %get3A_334 = arith.index_cast %add3A_269 : i32 to index
        %get3A_335 = arith.constant 64 : index
        %get3A_336 = tpu.vector_load %arg7[%get3A_334, %get3A_335] {strides = array<i32>} : memref<250x80xi32, #tpu.memory_space<vmem>>, vector<1x16xi32>,
        %get3A_337 = vector.shape_cast %get3A_336 : vector<1x16xi32> to vector<16xi32>
        %mul3A_338 = arith.constant 2 : i32
        %mul3A_339 = vector.broadcast %mul3A_338 : i32 to vector<16xi32>
        %mul3A_340 = arith.muli %get3A_337, %mul3A_339 : vector<16xi32>
        %add3A_341 = vector.broadcast %arg0 : i32 to vector<16xi32>
        %add3A_342 = arith.addi %mul3A_340, %add3A_341 : vector<16xi32>
        %swap3A_343 = arith.constant 64 : index
        %swap3A_344 = tpu.vector_load %arg10[%swap3A_343] {strides = array<i32>} : memref<80xi32, #tpu.memory_space<vmem>>, vector<16xi32>,
        %swap3A_345 = vector.shape_cast %swap3A_344 : vector<16xi32> to vector<16xi32>
        %swap3A_346 = vector.shape_cast %add3A_342 : vector<16xi32> to vector<16xi32>
        tpu.vector_store %arg10[%swap3A_343], %swap3A_346 {strides = array<i32>} : memref<80xi32, #tpu.memory_space<vmem>>, vector<16xi32>,
        %dma_start3A_347 = arith.constant 0 : i32
        %dma_start3A_348 = arith.constant 0 : i32
        %dma_start3A_349 = tpu.memref_slice %arg3[%dma_start3A_347, %dma_start3A_348] : memref<20000x80xf32, #tpu.memory_space<hbm>> -> memref<20000x80xf32, #tpu.memory_space<hbm>>
        tpu.enqueue_indirect_dma source(%dma_start3A_349 : memref<20000x80xf32, #tpu.memory_space<hbm>>) target(%arg12 : memref<80x80xf32, #tpu.memory_space<vmem>>) offsets(%arg10 : memref<80xi32, #tpu.memory_space<vmem>>) semaphore(%arg20 : memref<!tpu.dma_semaphore, #tpu.memory_space<semaphore_mem>>)
        %dma_start3A_350 = arith.constant 0 : i32
        %dma_start3A_351 = tpu.memref_slice %arg8[%add3A_269, %dma_start3A_350] : memref<250x80xi32, #tpu.memory_space<vmem>> -> memref<1x80xi32, #tpu.memory_space<vmem>>
        %dma_start3A_352 = tpu.memref_squeeze %dma_start3A_351 : memref<1x80xi32, #tpu.memory_space<vmem>> -> memref<80xi32, #tpu.memory_space<vmem>>
        %dma_start3A_353 = arith.constant 0 : i32
        %dma_start3A_354 = arith.constant 0 : i32
        %dma_start3A_355 = tpu.memref_slice %arg4[%dma_start3A_353, %dma_start3A_354] : memref<10000x16xf32, #tpu.memory_space<hbm>> -> memref<10000x16xf32, #tpu.memory_space<hbm>>
        tpu.enqueue_indirect_dma source(%dma_start3A_355 : memref<10000x16xf32, #tpu.memory_space<hbm>>) target(%arg14 : memref<80x16xf32, #tpu.memory_space<vmem>>) offsets(%dma_start3A_352 : memref<80xi32, #tpu.memory_space<vmem>>) semaphore(%arg22 : memref<!tpu.dma_semaphore, #tpu.memory_space<semaphore_mem>>)
      } else {
      }
      %dma_start3A_275 = arith.constant 0 : i32
      %dma_start3A_276 = tpu.memref_slice %arg8[%add3A_250, %dma_start3A_275] : memref<250x80xi32, #tpu.memory_space<vmem>> -> memref<1x80xi32, #tpu.memory_space<vmem>>
      %dma_start3A_277 = tpu.memref_squeeze %dma_start3A_276 : memref<1x80xi32, #tpu.memory_space<vmem>> -> memref<80xi32, #tpu.memory_space<vmem>>
      %dma_start3A_278 = arith.constant 0 : i32
      %dma_start3A_279 = arith.constant 0 : i32
      %dma_start3A_280 = tpu.memref_slice %arg18[%dma_start3A_278, %dma_start3A_279] : memref<10000x80xf32, #tpu.memory_space<vmem_shared>> -> memref<10000x80xf32, #tpu.memory_space<vmem_shared>>
      tpu.enqueue_indirect_dma source(%arg16 : memref<80x80xf32, #tpu.memory_space<vmem>>) target(%dma_start3A_280 : memref<10000x80xf32, #tpu.memory_space<vmem_shared>>) offsets(%dma_start3A_277 : memref<80xi32, #tpu.memory_space<vmem>>) semaphore(%arg24 : memref<!tpu.dma_semaphore, #tpu.memory_space<semaphore_mem>>) {add = true}
      %scan3A_281 = arith.constant 0 : i32
      scf.yield %scan3A_281 : i32
    }
    %scan3A_194 = arith.constant 125 : i32
    %dma_wait3A = arith.constant 0 : i32
    %dma_wait3A_195 = arith.constant 0 : i32
    %dma_wait3A_196 = tpu.memref_slice %arg8[%dma_wait3A, %dma_wait3A_195] : memref<250x80xi32, #tpu.memory_space<vmem>> -> memref<1x80xi32, #tpu.memory_space<vmem>>
    %dma_wait3A_197 = tpu.memref_squeeze %dma_wait3A_196 : memref<1x80xi32, #tpu.memory_space<vmem>> -> memref<80xi32, #tpu.memory_space<vmem>>
    %dma_wait3A_198 = arith.constant 0 : i32
    %dma_wait3A_199 = arith.constant 0 : i32
    %dma_wait3A_200 = tpu.memref_slice %arg18[%dma_wait3A_198, %dma_wait3A_199] : memref<10000x80xf32, #tpu.memory_space<vmem_shared>> -> memref<10000x80xf32, #tpu.memory_space<vmem_shared>>
    tpu.wait_indirect_dma semaphore(%arg23 : memref<!tpu.dma_semaphore, #tpu.memory_space<semaphore_mem>>) src(%arg15 : memref<80x80xf32, #tpu.memory_space<vmem>>) dst(%dma_wait3A_200 : memref<10000x80xf32, #tpu.memory_space<vmem_shared>>)
    %dma_wait3A_201 = arith.constant 1 : i32
    %dma_wait3A_202 = arith.constant 0 : i32
    %dma_wait3A_203 = tpu.memref_slice %arg8[%dma_wait3A_201, %dma_wait3A_202] : memref<250x80xi32, #tpu.memory_space<vmem>> -> memref<1x80xi32, #tpu.memory_space<vmem>>
    %dma_wait3A_204 = tpu.memref_squeeze %dma_wait3A_203 : memref<1x80xi32, #tpu.memory_space<vmem>> -> memref<80xi32, #tpu.memory_space<vmem>>
    %dma_wait3A_205 = arith.constant 0 : i32
    %dma_wait3A_206 = arith.constant 0 : i32
    %dma_wait3A_207 = tpu.memref_slice %arg18[%dma_wait3A_205, %dma_wait3A_206] : memref<10000x80xf32, #tpu.memory_space<vmem_shared>> -> memref<10000x80xf32, #tpu.memory_space<vmem_shared>>
    tpu.wait_indirect_dma semaphore(%arg24 : memref<!tpu.dma_semaphore, #tpu.memory_space<semaphore_mem>>) src(%arg16 : memref<80x80xf32, #tpu.memory_space<vmem>>) dst(%dma_wait3A_207 : memref<10000x80xf32, #tpu.memory_space<vmem_shared>>)
    %barrier3A_208 = arith.constant 0 : index
    tpu.barrier barrier_id(%barrier3A_208)
    "tpu.region"() ({
      %run_scoped3A_214 = tpu.sem_alloc : memref<!tpu.dma_semaphore, #tpu.memory_space<semaphore_mem>>
      %dma_start3A_215 = arith.constant 0 : i32
      %dma_start3A_216 = tpu.memref_slice %arg6[%arg0, %mul3A_0, %dma_start3A_215] : memref<2x10000x80xf32, #tpu.memory_space<hbm>> -> memref<1x624x80xf32, #tpu.memory_space<hbm>>
      %dma_start3A_217 = tpu.memref_squeeze %dma_start3A_216 : memref<1x624x80xf32, #tpu.memory_space<hbm>> -> memref<624x80xf32, #tpu.memory_space<hbm>>
      %dma_start3A_218 = arith.constant 0 : i32
      %dma_start3A_219 = tpu.memref_slice %arg18[%mul3A_0, %dma_start3A_218] : memref<10000x80xf32, #tpu.memory_space<vmem_shared>> -> memref<624x80xf32, #tpu.memory_space<vmem_shared>>
      tpu.enqueue_dma source(%dma_start3A_219 : memref<624x80xf32, #tpu.memory_space<vmem_shared>>) target(%dma_start3A_217 : memref<624x80xf32, #tpu.memory_space<hbm>>) target_semaphore(%run_scoped3A_214 : memref<!tpu.dma_semaphore, #tpu.memory_space<semaphore_mem>>)
      %dma_wait3A_220 = arith.constant 0 : i32
      %dma_wait3A_221 = tpu.memref_slice %arg6[%arg0, %mul3A_0, %dma_wait3A_220] : memref<2x10000x80xf32, #tpu.memory_space<hbm>> -> memref<1x624x80xf32, #tpu.memory_space<hbm>>
      %dma_wait3A_222 = tpu.memref_squeeze %dma_wait3A_221 : memref<1x624x80xf32, #tpu.memory_space<hbm>> -> memref<624x80xf32, #tpu.memory_space<hbm>>
      %dma_wait3A_223 = arith.constant 0 : i32
      %dma_wait3A_224 = tpu.memref_slice %arg18[%mul3A_0, %dma_wait3A_223] : memref<10000x80xf32, #tpu.memory_space<vmem_shared>> -> memref<624x80xf32, #tpu.memory_space<vmem_shared>>
      tpu.wait_dma2 semaphore(%run_scoped3A_214 : memref<!tpu.dma_semaphore, #tpu.memory_space<semaphore_mem>>) src(%dma_wait3A_224 : memref<624x80xf32, #tpu.memory_space<vmem_shared>>) dst(%dma_wait3A_222 : memref<624x80xf32, #tpu.memory_space<hbm>>)
      tpu.yield
    }) : () -> ()
    %eq3A_209 = arith.constant 0 : i32
    %eq3A_210 = arith.cmpi eq, %arg1, %eq3A_209 : i32
    %convert_element_type3A_211 = arith.extui %eq3A_210 : i1 to i32
    %cond3A_212 = arith.constant 0 : i32
    %cond3A_213 = arith.cmpi ne, %convert_element_type3A_211, %cond3A_212 : i32
    scf.if %cond3A_213 {
      "tpu.region"() ({
        %run_scoped3A_214 = tpu.sem_alloc : memref<!tpu.dma_semaphore, #tpu.memory_space<semaphore_mem>>
        %dma_start3A_215 = arith.constant 9984 : i32
        %dma_start3A_216 = arith.constant 0 : i32
        %dma_start3A_217 = tpu.memref_slice %arg6[%arg0, %dma_start3A_215, %dma_start3A_216] : memref<2x10000x80xf32, #tpu.memory_space<hbm>> -> memref<1x16x80xf32, #tpu.memory_space<hbm>>
        %dma_start3A_218 = tpu.memref_squeeze %dma_start3A_217 : memref<1x16x80xf32, #tpu.memory_space<hbm>> -> memref<16x80xf32, #tpu.memory_space<hbm>>
        %dma_start3A_219 = arith.constant 9984 : i32
        %dma_start3A_220 = arith.constant 0 : i32
        %dma_start3A_221 = tpu.memref_slice %arg18[%dma_start3A_219, %dma_start3A_220] : memref<10000x80xf32, #tpu.memory_space<vmem_shared>> -> memref<16x80xf32, #tpu.memory_space<vmem_shared>>
        tpu.enqueue_dma source(%dma_start3A_221 : memref<16x80xf32, #tpu.memory_space<vmem_shared>>) target(%dma_start3A_218 : memref<16x80xf32, #tpu.memory_space<hbm>>) target_semaphore(%run_scoped3A_214 : memref<!tpu.dma_semaphore, #tpu.memory_space<semaphore_mem>>)
        %dma_wait3A_222 = arith.constant 9984 : i32
        %dma_wait3A_223 = arith.constant 0 : i32
        %dma_wait3A_224 = tpu.memref_slice %arg6[%arg0, %dma_wait3A_222, %dma_wait3A_223] : memref<2x10000x80xf32, #tpu.memory_space<hbm>> -> memref<1x16x80xf32, #tpu.memory_space<hbm>>
        %dma_wait3A_225 = tpu.memref_squeeze %dma_wait3A_224 : memref<1x16x80xf32, #tpu.memory_space<hbm>> -> memref<16x80xf32, #tpu.memory_space<hbm>>
        %dma_wait3A_226 = arith.constant 9984 : i32
        %dma_wait3A_227 = arith.constant 0 : i32
        %dma_wait3A_228 = tpu.memref_slice %arg18[%dma_wait3A_226, %dma_wait3A_227] : memref<10000x80xf32, #tpu.memory_space<vmem_shared>> -> memref<16x80xf32, #tpu.memory_space<vmem_shared>>
        tpu.wait_dma2 semaphore(%run_scoped3A_214 : memref<!tpu.dma_semaphore, #tpu.memory_space<semaphore_mem>>) src(%dma_wait3A_228 : memref<16x80xf32, #tpu.memory_space<vmem_shared>>) dst(%dma_wait3A_225 : memref<16x80xf32, #tpu.memory_space<hbm>>)
        tpu.yield
      }) : () -> ()
    } else {
    }
    return
  }
}

#map = affine_map<(d0, d1) -> (0, 0, 0, 0)>
#map1 = affine_map<(d0, d1) -> (0, 0)>
#map2 = affine_map<(d0, d1) -> (0, 0, 0)>
module attributes {stable_mosaic.version = 14 : i64} {
  func.func @_edge_body(%arg0: i32, %arg1: i32, %arg2: memref<2x16x250x80xi32, #tpu.memory_space<hbm>>, %arg3: memref<20000x80xf32, #tpu.memory_space<hbm>>, %arg4: memref<10000x16xf32, #tpu.memory_space<hbm>>, %arg5: memref<1x128xf32, #tpu.memory_space<hbm>>, %arg6: memref<2x10000x80xf32, #tpu.memory_space<hbm>>, %arg7: memref<250x80xi32, #tpu.memory_space<vmem>>, %arg8: memref<250x80xi32, #tpu.memory_space<vmem>>, %arg9: memref<80xi32, #tpu.memory_space<vmem>>, %arg10: memref<80xi32, #tpu.memory_space<vmem>>, %arg11: memref<80x80xf32, #tpu.memory_space<vmem>>, %arg12: memref<80x80xf32, #tpu.memory_space<vmem>>, %arg13: memref<80x16xf32, #tpu.memory_space<vmem>>, %arg14: memref<80x16xf32, #tpu.memory_space<vmem>>, %arg15: memref<80x80xf32, #tpu.memory_space<vmem>>, %arg16: memref<80x80xf32, #tpu.memory_space<vmem>>, %arg17: memref<16xf32, #tpu.memory_space<vmem>>, %arg18: memref<10000x80xf32, #tpu.memory_space<vmem_shared>>, %arg19: memref<!tpu.dma_semaphore, #tpu.memory_space<semaphore_mem>>, %arg20: memref<!tpu.dma_semaphore, #tpu.memory_space<semaphore_mem>>, %arg21: memref<!tpu.dma_semaphore, #tpu.memory_space<semaphore_mem>>, %arg22: memref<!tpu.dma_semaphore, #tpu.memory_space<semaphore_mem>>, %arg23: memref<!tpu.dma_semaphore, #tpu.memory_space<semaphore_mem>>, %arg24: memref<!tpu.dma_semaphore, #tpu.memory_space<semaphore_mem>>) attributes {dimension_semantics = [#tpu.dimension_semantics<core_parallel>, #tpu.dimension_semantics<subcore_parallel>], iteration_bounds = array<i64: 2, 16>, scalar_prefetch = 0 : i64, scratch_operands = 18 : i64, tpu.core_type = #tpu.core_type<sc_vector_subcore>, window_params = [{transform_indices = #map}, {transform_indices = #map1}, {transform_indices = #map1}, {transform_indices = #map1}, {transform_indices = #map2}]} {
    %mul3A = arith.constant 624 : i32
    %mul3A_0 = arith.muli %arg1, %mul3A : i32
    %mul3A_1 = arith.constant 4 : i32
    %mul3A_2 = arith.muli %arg0, %mul3A_1 : i32
    %scan3A = arith.constant 0 : i32
    %scan3A_3 = arith.constant 0 : i32
    %scan3A_4 = arith.constant 80 : i32
    %scan3A_5 = arith.addi %scan3A_3, %scan3A_4 : i32
    %scan3A_6 = arith.constant 1 : i32
    %scan3A_7 = scf.for %scan3A_214 = %scan3A_3 to %scan3A_5 step %scan3A_6 iter_args(%scan3A_215 = %scan3A) -> (i32)  : i32 {
      %broadcast_in_dim3A = arith.constant 0.000000e+00 : f32
      %broadcast_in_dim3A_216 = vector.broadcast %broadcast_in_dim3A : f32 to vector<16xf32>
      %swap3A_217 = arith.index_cast %scan3A_214 : i32 to index
      %swap3A_218 = arith.constant 0 : index
      %swap3A_219 = tpu.vector_load %arg15[%swap3A_217, %swap3A_218] {strides = array<i32>} : memref<80x80xf32, #tpu.memory_space<vmem>>, vector<1x16xf32>,
      %swap3A_220 = vector.shape_cast %swap3A_219 : vector<1x16xf32> to vector<16xf32>
      %swap3A_221 = vector.shape_cast %broadcast_in_dim3A_216 : vector<16xf32> to vector<1x16xf32>
      tpu.vector_store %arg15[%swap3A_217, %swap3A_218], %swap3A_221 {strides = array<i32>} : memref<80x80xf32, #tpu.memory_space<vmem>>, vector<1x16xf32>,
      %broadcast_in_dim3A_222 = arith.constant 0.000000e+00 : f32
      %broadcast_in_dim3A_223 = vector.broadcast %broadcast_in_dim3A_222 : f32 to vector<16xf32>
      %swap3A_224 = arith.index_cast %scan3A_214 : i32 to index
      %swap3A_225 = arith.constant 16 : index
      %swap3A_226 = tpu.vector_load %arg15[%swap3A_224, %swap3A_225] {strides = array<i32>} : memref<80x80xf32, #tpu.memory_space<vmem>>, vector<1x16xf32>,
      %swap3A_227 = vector.shape_cast %swap3A_226 : vector<1x16xf32> to vector<16xf32>
      %swap3A_228 = vector.shape_cast %broadcast_in_dim3A_223 : vector<16xf32> to vector<1x16xf32>
      tpu.vector_store %arg15[%swap3A_224, %swap3A_225], %swap3A_228 {strides = array<i32>} : memref<80x80xf32, #tpu.memory_space<vmem>>, vector<1x16xf32>,
      %broadcast_in_dim3A_229 = arith.constant 0.000000e+00 : f32
      %broadcast_in_dim3A_230 = vector.broadcast %broadcast_in_dim3A_229 : f32 to vector<16xf32>
      %swap3A_231 = arith.index_cast %scan3A_214 : i32 to index
      %swap3A_232 = arith.constant 32 : index
      %swap3A_233 = tpu.vector_load %arg15[%swap3A_231, %swap3A_232] {strides = array<i32>} : memref<80x80xf32, #tpu.memory_space<vmem>>, vector<1x16xf32>,
      %swap3A_234 = vector.shape_cast %swap3A_233 : vector<1x16xf32> to vector<16xf32>
      %swap3A_235 = vector.shape_cast %broadcast_in_dim3A_230 : vector<16xf32> to vector<1x16xf32>
      tpu.vector_store %arg15[%swap3A_231, %swap3A_232], %swap3A_235 {strides = array<i32>} : memref<80x80xf32, #tpu.memory_space<vmem>>, vector<1x16xf32>,
      %broadcast_in_dim3A_236 = arith.constant 0.000000e+00 : f32
      %broadcast_in_dim3A_237 = vector.broadcast %broadcast_in_dim3A_236 : f32 to vector<16xf32>
      %swap3A_238 = arith.index_cast %scan3A_214 : i32 to index
      %swap3A_239 = arith.constant 48 : index
      %swap3A_240 = tpu.vector_load %arg15[%swap3A_238, %swap3A_239] {strides = array<i32>} : memref<80x80xf32, #tpu.memory_space<vmem>>, vector<1x16xf32>,
      %swap3A_241 = vector.shape_cast %swap3A_240 : vector<1x16xf32> to vector<16xf32>
      %swap3A_242 = vector.shape_cast %broadcast_in_dim3A_237 : vector<16xf32> to vector<1x16xf32>
      tpu.vector_store %arg15[%swap3A_238, %swap3A_239], %swap3A_242 {strides = array<i32>} : memref<80x80xf32, #tpu.memory_space<vmem>>, vector<1x16xf32>,
      %broadcast_in_dim3A_243 = arith.constant 0.000000e+00 : f32
      %broadcast_in_dim3A_244 = vector.broadcast %broadcast_in_dim3A_243 : f32 to vector<16xf32>
      %swap3A_245 = arith.index_cast %scan3A_214 : i32 to index
      %swap3A_246 = arith.constant 64 : index
      %swap3A_247 = tpu.vector_load %arg15[%swap3A_245, %swap3A_246] {strides = array<i32>} : memref<80x80xf32, #tpu.memory_space<vmem>>, vector<1x16xf32>,
      %swap3A_248 = vector.shape_cast %swap3A_247 : vector<1x16xf32> to vector<16xf32>
      %swap3A_249 = vector.shape_cast %broadcast_in_dim3A_244 : vector<16xf32> to vector<1x16xf32>
      tpu.vector_store %arg15[%swap3A_245, %swap3A_246], %swap3A_249 {strides = array<i32>} : memref<80x80xf32, #tpu.memory_space<vmem>>, vector<1x16xf32>,
      %scan3A_250 = arith.constant 0 : i32
      scf.yield %scan3A_250 : i32
    }
    %scan3A_8 = arith.constant 80 : i32
    %add3A = arith.constant 0 : i32
    %add3A_9 = arith.addi %mul3A_0, %add3A : i32
    "tpu.region"() ({
      %run_scoped3A_214 = tpu.sem_alloc : memref<!tpu.dma_semaphore, #tpu.memory_space<semaphore_mem>>
      %dma_start3A_215 = arith.constant 0 : i32
      %dma_start3A_216 = tpu.memref_slice %arg18[%add3A_9, %dma_start3A_215] : memref<10000x80xf32, #tpu.memory_space<vmem_shared>> -> memref<80x80xf32, #tpu.memory_space<vmem_shared>>
      %dma_start3A_217 = arith.constant 0 : i32
      %dma_start3A_218 = tpu.memref_slice %arg18[%add3A_9, %dma_start3A_217] : memref<10000x80xf32, #tpu.memory_space<vmem_shared>> -> memref<80x80xf32, #tpu.memory_space<vmem_shared>>
      tpu.enqueue_dma source(%arg15 : memref<80x80xf32, #tpu.memory_space<vmem>>) target(%dma_start3A_218 : memref<80x80xf32, #tpu.memory_space<vmem_shared>>) target_semaphore(%run_scoped3A_214 : memref<!tpu.dma_semaphore, #tpu.memory_space<semaphore_mem>>)
      %dma_wait3A_219 = arith.constant 0 : i32
      %dma_wait3A_220 = tpu.memref_slice %arg18[%add3A_9, %dma_wait3A_219] : memref<10000x80xf32, #tpu.memory_space<vmem_shared>> -> memref<80x80xf32, #tpu.memory_space<vmem_shared>>
      %dma_wait3A_221 = arith.constant 0 : i32
      %dma_wait3A_222 = tpu.memref_slice %arg18[%add3A_9, %dma_wait3A_221] : memref<10000x80xf32, #tpu.memory_space<vmem_shared>> -> memref<80x80xf32, #tpu.memory_space<vmem_shared>>
      tpu.wait_dma2 semaphore(%run_scoped3A_214 : memref<!tpu.dma_semaphore, #tpu.memory_space<semaphore_mem>>) src(%arg15 : memref<80x80xf32, #tpu.memory_space<vmem>>) dst(%dma_wait3A_222 : memref<80x80xf32, #tpu.memory_space<vmem_shared>>)
      tpu.yield
    }) : () -> ()
    %add3A_10 = arith.constant 80 : i32
    %add3A_11 = arith.addi %mul3A_0, %add3A_10 : i32
    "tpu.region"() ({
      %run_scoped3A_214 = tpu.sem_alloc : memref<!tpu.dma_semaphore, #tpu.memory_space<semaphore_mem>>
      %dma_start3A_215 = arith.constant 0 : i32
      %dma_start3A_216 = tpu.memref_slice %arg18[%add3A_11, %dma_start3A_215] : memref<10000x80xf32, #tpu.memory_space<vmem_shared>> -> memref<80x80xf32, #tpu.memory_space<vmem_shared>>
      %dma_start3A_217 = arith.constant 0 : i32
      %dma_start3A_218 = tpu.memref_slice %arg18[%add3A_11, %dma_start3A_217] : memref<10000x80xf32, #tpu.memory_space<vmem_shared>> -> memref<80x80xf32, #tpu.memory_space<vmem_shared>>
      tpu.enqueue_dma source(%arg15 : memref<80x80xf32, #tpu.memory_space<vmem>>) target(%dma_start3A_218 : memref<80x80xf32, #tpu.memory_space<vmem_shared>>) target_semaphore(%run_scoped3A_214 : memref<!tpu.dma_semaphore, #tpu.memory_space<semaphore_mem>>)
      %dma_wait3A_219 = arith.constant 0 : i32
      %dma_wait3A_220 = tpu.memref_slice %arg18[%add3A_11, %dma_wait3A_219] : memref<10000x80xf32, #tpu.memory_space<vmem_shared>> -> memref<80x80xf32, #tpu.memory_space<vmem_shared>>
      %dma_wait3A_221 = arith.constant 0 : i32
      %dma_wait3A_222 = tpu.memref_slice %arg18[%add3A_11, %dma_wait3A_221] : memref<10000x80xf32, #tpu.memory_space<vmem_shared>> -> memref<80x80xf32, #tpu.memory_space<vmem_shared>>
      tpu.wait_dma2 semaphore(%run_scoped3A_214 : memref<!tpu.dma_semaphore, #tpu.memory_space<semaphore_mem>>) src(%arg15 : memref<80x80xf32, #tpu.memory_space<vmem>>) dst(%dma_wait3A_222 : memref<80x80xf32, #tpu.memory_space<vmem_shared>>)
      tpu.yield
    }) : () -> ()
    %add3A_12 = arith.constant 160 : i32
    %add3A_13 = arith.addi %mul3A_0, %add3A_12 : i32
    "tpu.region"() ({
      %run_scoped3A_214 = tpu.sem_alloc : memref<!tpu.dma_semaphore, #tpu.memory_space<semaphore_mem>>
      %dma_start3A_215 = arith.constant 0 : i32
      %dma_start3A_216 = tpu.memref_slice %arg18[%add3A_13, %dma_start3A_215] : memref<10000x80xf32, #tpu.memory_space<vmem_shared>> -> memref<80x80xf32, #tpu.memory_space<vmem_shared>>
      %dma_start3A_217 = arith.constant 0 : i32
      %dma_start3A_218 = tpu.memref_slice %arg18[%add3A_13, %dma_start3A_217] : memref<10000x80xf32, #tpu.memory_space<vmem_shared>> -> memref<80x80xf32, #tpu.memory_space<vmem_shared>>
      tpu.enqueue_dma source(%arg15 : memref<80x80xf32, #tpu.memory_space<vmem>>) target(%dma_start3A_218 : memref<80x80xf32, #tpu.memory_space<vmem_shared>>) target_semaphore(%run_scoped3A_214 : memref<!tpu.dma_semaphore, #tpu.memory_space<semaphore_mem>>)
      %dma_wait3A_219 = arith.constant 0 : i32
      %dma_wait3A_220 = tpu.memref_slice %arg18[%add3A_13, %dma_wait3A_219] : memref<10000x80xf32, #tpu.memory_space<vmem_shared>> -> memref<80x80xf32, #tpu.memory_space<vmem_shared>>
      %dma_wait3A_221 = arith.constant 0 : i32
      %dma_wait3A_222 = tpu.memref_slice %arg18[%add3A_13, %dma_wait3A_221] : memref<10000x80xf32, #tpu.memory_space<vmem_shared>> -> memref<80x80xf32, #tpu.memory_space<vmem_shared>>
      tpu.wait_dma2 semaphore(%run_scoped3A_214 : memref<!tpu.dma_semaphore, #tpu.memory_space<semaphore_mem>>) src(%arg15 : memref<80x80xf32, #tpu.memory_space<vmem>>) dst(%dma_wait3A_222 : memref<80x80xf32, #tpu.memory_space<vmem_shared>>)
      tpu.yield
    }) : () -> ()
    %add3A_14 = arith.constant 240 : i32
    %add3A_15 = arith.addi %mul3A_0, %add3A_14 : i32
    "tpu.region"() ({
      %run_scoped3A_214 = tpu.sem_alloc : memref<!tpu.dma_semaphore, #tpu.memory_space<semaphore_mem>>
      %dma_start3A_215 = arith.constant 0 : i32
      %dma_start3A_216 = tpu.memref_slice %arg18[%add3A_15, %dma_start3A_215] : memref<10000x80xf32, #tpu.memory_space<vmem_shared>> -> memref<80x80xf32, #tpu.memory_space<vmem_shared>>
      %dma_start3A_217 = arith.constant 0 : i32
      %dma_start3A_218 = tpu.memref_slice %arg18[%add3A_15, %dma_start3A_217] : memref<10000x80xf32, #tpu.memory_space<vmem_shared>> -> memref<80x80xf32, #tpu.memory_space<vmem_shared>>
      tpu.enqueue_dma source(%arg15 : memref<80x80xf32, #tpu.memory_space<vmem>>) target(%dma_start3A_218 : memref<80x80xf32, #tpu.memory_space<vmem_shared>>) target_semaphore(%run_scoped3A_214 : memref<!tpu.dma_semaphore, #tpu.memory_space<semaphore_mem>>)
      %dma_wait3A_219 = arith.constant 0 : i32
      %dma_wait3A_220 = tpu.memref_slice %arg18[%add3A_15, %dma_wait3A_219] : memref<10000x80xf32, #tpu.memory_space<vmem_shared>> -> memref<80x80xf32, #tpu.memory_space<vmem_shared>>
      %dma_wait3A_221 = arith.constant 0 : i32
      %dma_wait3A_222 = tpu.memref_slice %arg18[%add3A_15, %dma_wait3A_221] : memref<10000x80xf32, #tpu.memory_space<vmem_shared>> -> memref<80x80xf32, #tpu.memory_space<vmem_shared>>
      tpu.wait_dma2 semaphore(%run_scoped3A_214 : memref<!tpu.dma_semaphore, #tpu.memory_space<semaphore_mem>>) src(%arg15 : memref<80x80xf32, #tpu.memory_space<vmem>>) dst(%dma_wait3A_222 : memref<80x80xf32, #tpu.memory_space<vmem_shared>>)
      tpu.yield
    }) : () -> ()
    %add3A_16 = arith.constant 320 : i32
    %add3A_17 = arith.addi %mul3A_0, %add3A_16 : i32
    "tpu.region"() ({
      %run_scoped3A_214 = tpu.sem_alloc : memref<!tpu.dma_semaphore, #tpu.memory_space<semaphore_mem>>
      %dma_start3A_215 = arith.constant 0 : i32
      %dma_start3A_216 = tpu.memref_slice %arg18[%add3A_17, %dma_start3A_215] : memref<10000x80xf32, #tpu.memory_space<vmem_shared>> -> memref<80x80xf32, #tpu.memory_space<vmem_shared>>
      %dma_start3A_217 = arith.constant 0 : i32
      %dma_start3A_218 = tpu.memref_slice %arg18[%add3A_17, %dma_start3A_217] : memref<10000x80xf32, #tpu.memory_space<vmem_shared>> -> memref<80x80xf32, #tpu.memory_space<vmem_shared>>
      tpu.enqueue_dma source(%arg15 : memref<80x80xf32, #tpu.memory_space<vmem>>) target(%dma_start3A_218 : memref<80x80xf32, #tpu.memory_space<vmem_shared>>) target_semaphore(%run_scoped3A_214 : memref<!tpu.dma_semaphore, #tpu.memory_space<semaphore_mem>>)
      %dma_wait3A_219 = arith.constant 0 : i32
      %dma_wait3A_220 = tpu.memref_slice %arg18[%add3A_17, %dma_wait3A_219] : memref<10000x80xf32, #tpu.memory_space<vmem_shared>> -> memref<80x80xf32, #tpu.memory_space<vmem_shared>>
      %dma_wait3A_221 = arith.constant 0 : i32
      %dma_wait3A_222 = tpu.memref_slice %arg18[%add3A_17, %dma_wait3A_221] : memref<10000x80xf32, #tpu.memory_space<vmem_shared>> -> memref<80x80xf32, #tpu.memory_space<vmem_shared>>
      tpu.wait_dma2 semaphore(%run_scoped3A_214 : memref<!tpu.dma_semaphore, #tpu.memory_space<semaphore_mem>>) src(%arg15 : memref<80x80xf32, #tpu.memory_space<vmem>>) dst(%dma_wait3A_222 : memref<80x80xf32, #tpu.memory_space<vmem_shared>>)
      tpu.yield
    }) : () -> ()
    %add3A_18 = arith.constant 400 : i32
    %add3A_19 = arith.addi %mul3A_0, %add3A_18 : i32
    "tpu.region"() ({
      %run_scoped3A_214 = tpu.sem_alloc : memref<!tpu.dma_semaphore, #tpu.memory_space<semaphore_mem>>
      %dma_start3A_215 = arith.constant 0 : i32
      %dma_start3A_216 = tpu.memref_slice %arg18[%add3A_19, %dma_start3A_215] : memref<10000x80xf32, #tpu.memory_space<vmem_shared>> -> memref<80x80xf32, #tpu.memory_space<vmem_shared>>
      %dma_start3A_217 = arith.constant 0 : i32
      %dma_start3A_218 = tpu.memref_slice %arg18[%add3A_19, %dma_start3A_217] : memref<10000x80xf32, #tpu.memory_space<vmem_shared>> -> memref<80x80xf32, #tpu.memory_space<vmem_shared>>
      tpu.enqueue_dma source(%arg15 : memref<80x80xf32, #tpu.memory_space<vmem>>) target(%dma_start3A_218 : memref<80x80xf32, #tpu.memory_space<vmem_shared>>) target_semaphore(%run_scoped3A_214 : memref<!tpu.dma_semaphore, #tpu.memory_space<semaphore_mem>>)
      %dma_wait3A_219 = arith.constant 0 : i32
      %dma_wait3A_220 = tpu.memref_slice %arg18[%add3A_19, %dma_wait3A_219] : memref<10000x80xf32, #tpu.memory_space<vmem_shared>> -> memref<80x80xf32, #tpu.memory_space<vmem_shared>>
      %dma_wait3A_221 = arith.constant 0 : i32
      %dma_wait3A_222 = tpu.memref_slice %arg18[%add3A_19, %dma_wait3A_221] : memref<10000x80xf32, #tpu.memory_space<vmem_shared>> -> memref<80x80xf32, #tpu.memory_space<vmem_shared>>
      tpu.wait_dma2 semaphore(%run_scoped3A_214 : memref<!tpu.dma_semaphore, #tpu.memory_space<semaphore_mem>>) src(%arg15 : memref<80x80xf32, #tpu.memory_space<vmem>>) dst(%dma_wait3A_222 : memref<80x80xf32, #tpu.memory_space<vmem_shared>>)
      tpu.yield
    }) : () -> ()
    %add3A_20 = arith.constant 480 : i32
    %add3A_21 = arith.addi %mul3A_0, %add3A_20 : i32
    "tpu.region"() ({
      %run_scoped3A_214 = tpu.sem_alloc : memref<!tpu.dma_semaphore, #tpu.memory_space<semaphore_mem>>
      %dma_start3A_215 = arith.constant 0 : i32
      %dma_start3A_216 = tpu.memref_slice %arg18[%add3A_21, %dma_start3A_215] : memref<10000x80xf32, #tpu.memory_space<vmem_shared>> -> memref<80x80xf32, #tpu.memory_space<vmem_shared>>
      %dma_start3A_217 = arith.constant 0 : i32
      %dma_start3A_218 = tpu.memref_slice %arg18[%add3A_21, %dma_start3A_217] : memref<10000x80xf32, #tpu.memory_space<vmem_shared>> -> memref<80x80xf32, #tpu.memory_space<vmem_shared>>
      tpu.enqueue_dma source(%arg15 : memref<80x80xf32, #tpu.memory_space<vmem>>) target(%dma_start3A_218 : memref<80x80xf32, #tpu.memory_space<vmem_shared>>) target_semaphore(%run_scoped3A_214 : memref<!tpu.dma_semaphore, #tpu.memory_space<semaphore_mem>>)
      %dma_wait3A_219 = arith.constant 0 : i32
      %dma_wait3A_220 = tpu.memref_slice %arg18[%add3A_21, %dma_wait3A_219] : memref<10000x80xf32, #tpu.memory_space<vmem_shared>> -> memref<80x80xf32, #tpu.memory_space<vmem_shared>>
      %dma_wait3A_221 = arith.constant 0 : i32
      %dma_wait3A_222 = tpu.memref_slice %arg18[%add3A_21, %dma_wait3A_221] : memref<10000x80xf32, #tpu.memory_space<vmem_shared>> -> memref<80x80xf32, #tpu.memory_space<vmem_shared>>
      tpu.wait_dma2 semaphore(%run_scoped3A_214 : memref<!tpu.dma_semaphore, #tpu.memory_space<semaphore_mem>>) src(%arg15 : memref<80x80xf32, #tpu.memory_space<vmem>>) dst(%dma_wait3A_222 : memref<80x80xf32, #tpu.memory_space<vmem_shared>>)
      tpu.yield
    }) : () -> ()
    %add3A_22 = arith.constant 560 : i32
    %add3A_23 = arith.addi %mul3A_0, %add3A_22 : i32
    "tpu.region"() ({
      %run_scoped3A_214 = tpu.sem_alloc : memref<!tpu.dma_semaphore, #tpu.memory_space<semaphore_mem>>
      %dma_start3A_215 = arith.constant 0 : i32
      %dma_start3A_216 = arith.constant 0 : i32
      %dma_start3A_217 = tpu.memref_slice %arg15[%dma_start3A_215, %dma_start3A_216] : memref<80x80xf32, #tpu.memory_space<vmem>> -> memref<64x80xf32, #tpu.memory_space<vmem>>
      %dma_start3A_218 = arith.constant 0 : i32
      %dma_start3A_219 = tpu.memref_slice %arg18[%add3A_23, %dma_start3A_218] : memref<10000x80xf32, #tpu.memory_space<vmem_shared>> -> memref<64x80xf32, #tpu.memory_space<vmem_shared>>
      %dma_start3A_220 = arith.constant 0 : i32
      %dma_start3A_221 = tpu.memref_slice %arg18[%add3A_23, %dma_start3A_220] : memref<10000x80xf32, #tpu.memory_space<vmem_shared>> -> memref<64x80xf32, #tpu.memory_space<vmem_shared>>
      %dma_start3A_222 = arith.constant 0 : i32
      %dma_start3A_223 = arith.constant 0 : i32
      %dma_start3A_224 = tpu.memref_slice %arg15[%dma_start3A_222, %dma_start3A_223] : memref<80x80xf32, #tpu.memory_space<vmem>> -> memref<64x80xf32, #tpu.memory_space<vmem>>
      tpu.enqueue_dma source(%dma_start3A_224 : memref<64x80xf32, #tpu.memory_space<vmem>>) target(%dma_start3A_221 : memref<64x80xf32, #tpu.memory_space<vmem_shared>>) target_semaphore(%run_scoped3A_214 : memref<!tpu.dma_semaphore, #tpu.memory_space<semaphore_mem>>)
      %dma_wait3A_225 = arith.constant 0 : i32
      %dma_wait3A_226 = arith.constant 0 : i32
      %dma_wait3A_227 = tpu.memref_slice %arg15[%dma_wait3A_225, %dma_wait3A_226] : memref<80x80xf32, #tpu.memory_space<vmem>> -> memref<64x80xf32, #tpu.memory_space<vmem>>
      %dma_wait3A_228 = arith.constant 0 : i32
      %dma_wait3A_229 = tpu.memref_slice %arg18[%add3A_23, %dma_wait3A_228] : memref<10000x80xf32, #tpu.memory_space<vmem_shared>> -> memref<64x80xf32, #tpu.memory_space<vmem_shared>>
      %dma_wait3A_230 = arith.constant 0 : i32
      %dma_wait3A_231 = tpu.memref_slice %arg18[%add3A_23, %dma_wait3A_230] : memref<10000x80xf32, #tpu.memory_space<vmem_shared>> -> memref<64x80xf32, #tpu.memory_space<vmem_shared>>
      %dma_wait3A_232 = arith.constant 0 : i32
      %dma_wait3A_233 = arith.constant 0 : i32
      %dma_wait3A_234 = tpu.memref_slice %arg15[%dma_wait3A_232, %dma_wait3A_233] : memref<80x80xf32, #tpu.memory_space<vmem>> -> memref<64x80xf32, #tpu.memory_space<vmem>>
      tpu.wait_dma2 semaphore(%run_scoped3A_214 : memref<!tpu.dma_semaphore, #tpu.memory_space<semaphore_mem>>) src(%dma_wait3A_234 : memref<64x80xf32, #tpu.memory_space<vmem>>) dst(%dma_wait3A_231 : memref<64x80xf32, #tpu.memory_space<vmem_shared>>)
      tpu.yield
    }) : () -> ()
    %eq3A = arith.constant 0 : i32
    %eq3A_24 = arith.cmpi eq, %arg1, %eq3A : i32
    %convert_element_type3A = arith.extui %eq3A_24 : i1 to i32
    %cond3A = arith.constant 0 : i32
    %cond3A_25 = arith.cmpi ne, %convert_element_type3A, %cond3A : i32
    scf.if %cond3A_25 {
      "tpu.region"() ({
        %run_scoped3A_214 = tpu.sem_alloc : memref<!tpu.dma_semaphore, #tpu.memory_space<semaphore_mem>>
        %dma_start3A_215 = arith.constant 0 : i32
        %dma_start3A_216 = arith.constant 0 : i32
        %dma_start3A_217 = tpu.memref_slice %arg15[%dma_start3A_215, %dma_start3A_216] : memref<80x80xf32, #tpu.memory_space<vmem>> -> memref<16x80xf32, #tpu.memory_space<vmem>>
        %dma_start3A_218 = arith.constant 9984 : i32
        %dma_start3A_219 = arith.constant 0 : i32
        %dma_start3A_220 = tpu.memref_slice %arg18[%dma_start3A_218, %dma_start3A_219] : memref<10000x80xf32, #tpu.memory_space<vmem_shared>> -> memref<16x80xf32, #tpu.memory_space<vmem_shared>>
        %dma_start3A_221 = arith.constant 9984 : i32
        %dma_start3A_222 = arith.constant 0 : i32
        %dma_start3A_223 = tpu.memref_slice %arg18[%dma_start3A_221, %dma_start3A_222] : memref<10000x80xf32, #tpu.memory_space<vmem_shared>> -> memref<16x80xf32, #tpu.memory_space<vmem_shared>>
        %dma_start3A_224 = arith.constant 0 : i32
        %dma_start3A_225 = arith.constant 0 : i32
        %dma_start3A_226 = tpu.memref_slice %arg15[%dma_start3A_224, %dma_start3A_225] : memref<80x80xf32, #tpu.memory_space<vmem>> -> memref<16x80xf32, #tpu.memory_space<vmem>>
        tpu.enqueue_dma source(%dma_start3A_226 : memref<16x80xf32, #tpu.memory_space<vmem>>) target(%dma_start3A_223 : memref<16x80xf32, #tpu.memory_space<vmem_shared>>) target_semaphore(%run_scoped3A_214 : memref<!tpu.dma_semaphore, #tpu.memory_space<semaphore_mem>>)
        %dma_wait3A_227 = arith.constant 0 : i32
        %dma_wait3A_228 = arith.constant 0 : i32
        %dma_wait3A_229 = tpu.memref_slice %arg15[%dma_wait3A_227, %dma_wait3A_228] : memref<80x80xf32, #tpu.memory_space<vmem>> -> memref<16x80xf32, #tpu.memory_space<vmem>>
        %dma_wait3A_230 = arith.constant 9984 : i32
        %dma_wait3A_231 = arith.constant 0 : i32
        %dma_wait3A_232 = tpu.memref_slice %arg18[%dma_wait3A_230, %dma_wait3A_231] : memref<10000x80xf32, #tpu.memory_space<vmem_shared>> -> memref<16x80xf32, #tpu.memory_space<vmem_shared>>
        %dma_wait3A_233 = arith.constant 9984 : i32
        %dma_wait3A_234 = arith.constant 0 : i32
        %dma_wait3A_235 = tpu.memref_slice %arg18[%dma_wait3A_233, %dma_wait3A_234] : memref<10000x80xf32, #tpu.memory_space<vmem_shared>> -> memref<16x80xf32, #tpu.memory_space<vmem_shared>>
        %dma_wait3A_236 = arith.constant 0 : i32
        %dma_wait3A_237 = arith.constant 0 : i32
        %dma_wait3A_238 = tpu.memref_slice %arg15[%dma_wait3A_236, %dma_wait3A_237] : memref<80x80xf32, #tpu.memory_space<vmem>> -> memref<16x80xf32, #tpu.memory_space<vmem>>
        tpu.wait_dma2 semaphore(%run_scoped3A_214 : memref<!tpu.dma_semaphore, #tpu.memory_space<semaphore_mem>>) src(%dma_wait3A_238 : memref<16x80xf32, #tpu.memory_space<vmem>>) dst(%dma_wait3A_235 : memref<16x80xf32, #tpu.memory_space<vmem_shared>>)
        tpu.yield
      }) : () -> ()
    } else {
    }
    %barrier3A = arith.constant 0 : index
    tpu.barrier barrier_id(%barrier3A)
    %run_scoped3A = arith.constant 0 : i32
    "tpu.region"() ({
      %run_scoped3A_214 = tpu.sem_alloc : memref<!tpu.dma_semaphore, #tpu.memory_space<semaphore_mem>>
      %dma_start3A_215 = arith.constant 0 : i32
      %dma_start3A_216 = arith.constant 0 : i32
      %dma_start3A_217 = tpu.memref_slice %arg2[%run_scoped3A, %arg1, %dma_start3A_215, %dma_start3A_216] : memref<2x16x250x80xi32, #tpu.memory_space<hbm>> -> memref<1x1x250x80xi32, #tpu.memory_space<hbm>>
      %dma_start3A_218 = tpu.memref_squeeze %dma_start3A_217 : memref<1x1x250x80xi32, #tpu.memory_space<hbm>> -> memref<250x80xi32, #tpu.memory_space<hbm>>
      %dma_start3A_219 = arith.constant 0 : i32
      %dma_start3A_220 = arith.constant 0 : i32
      %dma_start3A_221 = tpu.memref_slice %arg2[%run_scoped3A, %arg1, %dma_start3A_219, %dma_start3A_220] : memref<2x16x250x80xi32, #tpu.memory_space<hbm>> -> memref<1x1x250x80xi32, #tpu.memory_space<hbm>>
      %dma_start3A_222 = tpu.memref_squeeze %dma_start3A_221 : memref<1x1x250x80xi32, #tpu.memory_space<hbm>> -> memref<250x80xi32, #tpu.memory_space<hbm>>
      tpu.enqueue_dma source(%dma_start3A_222 : memref<250x80xi32, #tpu.memory_space<hbm>>) target(%arg7 : memref<250x80xi32, #tpu.memory_space<vmem>>) target_semaphore(%run_scoped3A_214 : memref<!tpu.dma_semaphore, #tpu.memory_space<semaphore_mem>>)
      %dma_wait3A_223 = arith.constant 0 : i32
      %dma_wait3A_224 = arith.constant 0 : i32
      %dma_wait3A_225 = tpu.memref_slice %arg2[%run_scoped3A, %arg1, %dma_wait3A_223, %dma_wait3A_224] : memref<2x16x250x80xi32, #tpu.memory_space<hbm>> -> memref<1x1x250x80xi32, #tpu.memory_space<hbm>>
      %dma_wait3A_226 = tpu.memref_squeeze %dma_wait3A_225 : memref<1x1x250x80xi32, #tpu.memory_space<hbm>> -> memref<250x80xi32, #tpu.memory_space<hbm>>
      %dma_wait3A_227 = arith.constant 0 : i32
      %dma_wait3A_228 = arith.constant 0 : i32
      %dma_wait3A_229 = tpu.memref_slice %arg2[%run_scoped3A, %arg1, %dma_wait3A_227, %dma_wait3A_228] : memref<2x16x250x80xi32, #tpu.memory_space<hbm>> -> memref<1x1x250x80xi32, #tpu.memory_space<hbm>>
      %dma_wait3A_230 = tpu.memref_squeeze %dma_wait3A_229 : memref<1x1x250x80xi32, #tpu.memory_space<hbm>> -> memref<250x80xi32, #tpu.memory_space<hbm>>
      tpu.wait_dma2 semaphore(%run_scoped3A_214 : memref<!tpu.dma_semaphore, #tpu.memory_space<semaphore_mem>>) src(%dma_wait3A_230 : memref<250x80xi32, #tpu.memory_space<hbm>>) dst(%arg7 : memref<250x80xi32, #tpu.memory_space<vmem>>)
      tpu.yield
    }) : () -> ()
    %run_scoped3A_26 = arith.constant 1 : i32
    "tpu.region"() ({
      %run_scoped3A_214 = tpu.sem_alloc : memref<!tpu.dma_semaphore, #tpu.memory_space<semaphore_mem>>
      %dma_start3A_215 = arith.constant 0 : i32
      %dma_start3A_216 = arith.constant 0 : i32
      %dma_start3A_217 = tpu.memref_slice %arg2[%run_scoped3A_26, %arg1, %dma_start3A_215, %dma_start3A_216] : memref<2x16x250x80xi32, #tpu.memory_space<hbm>> -> memref<1x1x250x80xi32, #tpu.memory_space<hbm>>
      %dma_start3A_218 = tpu.memref_squeeze %dma_start3A_217 : memref<1x1x250x80xi32, #tpu.memory_space<hbm>> -> memref<250x80xi32, #tpu.memory_space<hbm>>
      %dma_start3A_219 = arith.constant 0 : i32
      %dma_start3A_220 = arith.constant 0 : i32
      %dma_start3A_221 = tpu.memref_slice %arg2[%run_scoped3A_26, %arg1, %dma_start3A_219, %dma_start3A_220] : memref<2x16x250x80xi32, #tpu.memory_space<hbm>> -> memref<1x1x250x80xi32, #tpu.memory_space<hbm>>
      %dma_start3A_222 = tpu.memref_squeeze %dma_start3A_221 : memref<1x1x250x80xi32, #tpu.memory_space<hbm>> -> memref<250x80xi32, #tpu.memory_space<hbm>>
      tpu.enqueue_dma source(%dma_start3A_222 : memref<250x80xi32, #tpu.memory_space<hbm>>) target(%arg8 : memref<250x80xi32, #tpu.memory_space<vmem>>) target_semaphore(%run_scoped3A_214 : memref<!tpu.dma_semaphore, #tpu.memory_space<semaphore_mem>>)
      %dma_wait3A_223 = arith.constant 0 : i32
      %dma_wait3A_224 = arith.constant 0 : i32
      %dma_wait3A_225 = tpu.memref_slice %arg2[%run_scoped3A_26, %arg1, %dma_wait3A_223, %dma_wait3A_224] : memref<2x16x250x80xi32, #tpu.memory_space<hbm>> -> memref<1x1x250x80xi32, #tpu.memory_space<hbm>>
      %dma_wait3A_226 = tpu.memref_squeeze %dma_wait3A_225 : memref<1x1x250x80xi32, #tpu.memory_space<hbm>> -> memref<250x80xi32, #tpu.memory_space<hbm>>
      %dma_wait3A_227 = arith.constant 0 : i32
      %dma_wait3A_228 = arith.constant 0 : i32
      %dma_wait3A_229 = tpu.memref_slice %arg2[%run_scoped3A_26, %arg1, %dma_wait3A_227, %dma_wait3A_228] : memref<2x16x250x80xi32, #tpu.memory_space<hbm>> -> memref<1x1x250x80xi32, #tpu.memory_space<hbm>>
      %dma_wait3A_230 = tpu.memref_squeeze %dma_wait3A_229 : memref<1x1x250x80xi32, #tpu.memory_space<hbm>> -> memref<250x80xi32, #tpu.memory_space<hbm>>
      tpu.wait_dma2 semaphore(%run_scoped3A_214 : memref<!tpu.dma_semaphore, #tpu.memory_space<semaphore_mem>>) src(%dma_wait3A_230 : memref<250x80xi32, #tpu.memory_space<hbm>>) dst(%arg8 : memref<250x80xi32, #tpu.memory_space<vmem>>)
      tpu.yield
    }) : () -> ()
    %run_scoped3A_27 = arith.constant 0 : i32
    "tpu.region"() ({
      %run_scoped3A_214 = tpu.sem_alloc : memref<!tpu.dma_semaphore, #tpu.memory_space<semaphore_mem>>
      %dma_start3A_215 = arith.constant 0 : i32
      %dma_start3A_216 = tpu.memref_slice %arg5[%run_scoped3A_27, %dma_start3A_215] : memref<1x128xf32, #tpu.memory_space<hbm>> -> memref<1x16xf32, #tpu.memory_space<hbm>>
      %dma_start3A_217 = tpu.memref_squeeze %dma_start3A_216 : memref<1x16xf32, #tpu.memory_space<hbm>> -> memref<16xf32, #tpu.memory_space<hbm>>
      %dma_start3A_218 = arith.constant 0 : i32
      %dma_start3A_219 = tpu.memref_slice %arg5[%run_scoped3A_27, %dma_start3A_218] : memref<1x128xf32, #tpu.memory_space<hbm>> -> memref<1x16xf32, #tpu.memory_space<hbm>>
      %dma_start3A_220 = tpu.memref_squeeze %dma_start3A_219 : memref<1x16xf32, #tpu.memory_space<hbm>> -> memref<16xf32, #tpu.memory_space<hbm>>
      tpu.enqueue_dma source(%dma_start3A_220 : memref<16xf32, #tpu.memory_space<hbm>>) target(%arg17 : memref<16xf32, #tpu.memory_space<vmem>>) target_semaphore(%run_scoped3A_214 : memref<!tpu.dma_semaphore, #tpu.memory_space<semaphore_mem>>)
      %dma_wait3A_221 = arith.constant 0 : i32
      %dma_wait3A_222 = tpu.memref_slice %arg5[%run_scoped3A_27, %dma_wait3A_221] : memref<1x128xf32, #tpu.memory_space<hbm>> -> memref<1x16xf32, #tpu.memory_space<hbm>>
      %dma_wait3A_223 = tpu.memref_squeeze %dma_wait3A_222 : memref<1x16xf32, #tpu.memory_space<hbm>> -> memref<16xf32, #tpu.memory_space<hbm>>
      %dma_wait3A_224 = arith.constant 0 : i32
      %dma_wait3A_225 = tpu.memref_slice %arg5[%run_scoped3A_27, %dma_wait3A_224] : memref<1x128xf32, #tpu.memory_space<hbm>> -> memref<1x16xf32, #tpu.memory_space<hbm>>
      %dma_wait3A_226 = tpu.memref_squeeze %dma_wait3A_225 : memref<1x16xf32, #tpu.memory_space<hbm>> -> memref<16xf32, #tpu.memory_space<hbm>>
      tpu.wait_dma2 semaphore(%run_scoped3A_214 : memref<!tpu.dma_semaphore, #tpu.memory_space<semaphore_mem>>) src(%dma_wait3A_226 : memref<16xf32, #tpu.memory_space<hbm>>) dst(%arg17 : memref<16xf32, #tpu.memory_space<vmem>>)
      tpu.yield
    }) : () -> ()
    %get3A = arith.constant 0 : index
    %get3A_28 = tpu.vector_load %arg17[%get3A] {strides = array<i32>} : memref<16xf32, #tpu.memory_space<vmem>>, vector<16xf32>,
    %get3A_29 = vector.shape_cast %get3A_28 : vector<16xf32> to vector<16xf32>
    %get3A_30 = arith.constant 0 : i32
    %get3A_31 = arith.index_cast %get3A_30 : i32 to index
    %get3A_32 = arith.constant 0 : index
    %get3A_33 = tpu.vector_load %arg7[%get3A_31, %get3A_32] {strides = array<i32>} : memref<250x80xi32, #tpu.memory_space<vmem>>, vector<1x16xi32>,
    %get3A_34 = vector.shape_cast %get3A_33 : vector<1x16xi32> to vector<16xi32>
    %mul3A_35 = arith.constant 2 : i32
    %mul3A_36 = vector.broadcast %mul3A_35 : i32 to vector<16xi32>
    %mul3A_37 = arith.muli %get3A_34, %mul3A_36 : vector<16xi32>
    %add3A_38 = vector.broadcast %arg0 : i32 to vector<16xi32>
    %add3A_39 = arith.addi %mul3A_37, %add3A_38 : vector<16xi32>
    %swap3A = arith.constant 0 : index
    %swap3A_40 = tpu.vector_load %arg9[%swap3A] {strides = array<i32>} : memref<80xi32, #tpu.memory_space<vmem>>, vector<16xi32>,
    %swap3A_41 = vector.shape_cast %swap3A_40 : vector<16xi32> to vector<16xi32>
    %swap3A_42 = vector.shape_cast %add3A_39 : vector<16xi32> to vector<16xi32>
    tpu.vector_store %arg9[%swap3A], %swap3A_42 {strides = array<i32>} : memref<80xi32, #tpu.memory_space<vmem>>, vector<16xi32>,
    %get3A_43 = arith.constant 0 : i32
    %get3A_44 = arith.index_cast %get3A_43 : i32 to index
    %get3A_45 = arith.constant 16 : index
    %get3A_46 = tpu.vector_load %arg7[%get3A_44, %get3A_45] {strides = array<i32>} : memref<250x80xi32, #tpu.memory_space<vmem>>, vector<1x16xi32>,
    %get3A_47 = vector.shape_cast %get3A_46 : vector<1x16xi32> to vector<16xi32>
    %mul3A_48 = arith.constant 2 : i32
    %mul3A_49 = vector.broadcast %mul3A_48 : i32 to vector<16xi32>
    %mul3A_50 = arith.muli %get3A_47, %mul3A_49 : vector<16xi32>
    %add3A_51 = vector.broadcast %arg0 : i32 to vector<16xi32>
    %add3A_52 = arith.addi %mul3A_50, %add3A_51 : vector<16xi32>
    %swap3A_53 = arith.constant 16 : index
    %swap3A_54 = tpu.vector_load %arg9[%swap3A_53] {strides = array<i32>} : memref<80xi32, #tpu.memory_space<vmem>>, vector<16xi32>,
    %swap3A_55 = vector.shape_cast %swap3A_54 : vector<16xi32> to vector<16xi32>
    %swap3A_56 = vector.shape_cast %add3A_52 : vector<16xi32> to vector<16xi32>
    tpu.vector_store %arg9[%swap3A_53], %swap3A_56 {strides = array<i32>} : memref<80xi32, #tpu.memory_space<vmem>>, vector<16xi32>,
    %get3A_57 = arith.constant 0 : i32
    %get3A_58 = arith.index_cast %get3A_57 : i32 to index
    %get3A_59 = arith.constant 32 : index
    %get3A_60 = tpu.vector_load %arg7[%get3A_58, %get3A_59] {strides = array<i32>} : memref<250x80xi32, #tpu.memory_space<vmem>>, vector<1x16xi32>,
    %get3A_61 = vector.shape_cast %get3A_60 : vector<1x16xi32> to vector<16xi32>
    %mul3A_62 = arith.constant 2 : i32
    %mul3A_63 = vector.broadcast %mul3A_62 : i32 to vector<16xi32>
    %mul3A_64 = arith.muli %get3A_61, %mul3A_63 : vector<16xi32>
    %add3A_65 = vector.broadcast %arg0 : i32 to vector<16xi32>
    %add3A_66 = arith.addi %mul3A_64, %add3A_65 : vector<16xi32>
    %swap3A_67 = arith.constant 32 : index
    %swap3A_68 = tpu.vector_load %arg9[%swap3A_67] {strides = array<i32>} : memref<80xi32, #tpu.memory_space<vmem>>, vector<16xi32>,
    %swap3A_69 = vector.shape_cast %swap3A_68 : vector<16xi32> to vector<16xi32>
    %swap3A_70 = vector.shape_cast %add3A_66 : vector<16xi32> to vector<16xi32>
    tpu.vector_store %arg9[%swap3A_67], %swap3A_70 {strides = array<i32>} : memref<80xi32, #tpu.memory_space<vmem>>, vector<16xi32>,
    %get3A_71 = arith.constant 0 : i32
    %get3A_72 = arith.index_cast %get3A_71 : i32 to index
    %get3A_73 = arith.constant 48 : index
    %get3A_74 = tpu.vector_load %arg7[%get3A_72, %get3A_73] {strides = array<i32>} : memref<250x80xi32, #tpu.memory_space<vmem>>, vector<1x16xi32>,
    %get3A_75 = vector.shape_cast %get3A_74 : vector<1x16xi32> to vector<16xi32>
    %mul3A_76 = arith.constant 2 : i32
    %mul3A_77 = vector.broadcast %mul3A_76 : i32 to vector<16xi32>
    %mul3A_78 = arith.muli %get3A_75, %mul3A_77 : vector<16xi32>
    %add3A_79 = vector.broadcast %arg0 : i32 to vector<16xi32>
    %add3A_80 = arith.addi %mul3A_78, %add3A_79 : vector<16xi32>
    %swap3A_81 = arith.constant 48 : index
    %swap3A_82 = tpu.vector_load %arg9[%swap3A_81] {strides = array<i32>} : memref<80xi32, #tpu.memory_space<vmem>>, vector<16xi32>,
    %swap3A_83 = vector.shape_cast %swap3A_82 : vector<16xi32> to vector<16xi32>
    %swap3A_84 = vector.shape_cast %add3A_80 : vector<16xi32> to vector<16xi32>
    tpu.vector_store %arg9[%swap3A_81], %swap3A_84 {strides = array<i32>} : memref<80xi32, #tpu.memory_space<vmem>>, vector<16xi32>,
    %get3A_85 = arith.constant 0 : i32
    %get3A_86 = arith.index_cast %get3A_85 : i32 to index
    %get3A_87 = arith.constant 64 : index
    %get3A_88 = tpu.vector_load %arg7[%get3A_86, %get3A_87] {strides = array<i32>} : memref<250x80xi32, #tpu.memory_space<vmem>>, vector<1x16xi32>,
    %get3A_89 = vector.shape_cast %get3A_88 : vector<1x16xi32> to vector<16xi32>
    %mul3A_90 = arith.constant 2 : i32
    %mul3A_91 = vector.broadcast %mul3A_90 : i32 to vector<16xi32>
    %mul3A_92 = arith.muli %get3A_89, %mul3A_91 : vector<16xi32>
    %add3A_93 = vector.broadcast %arg0 : i32 to vector<16xi32>
    %add3A_94 = arith.addi %mul3A_92, %add3A_93 : vector<16xi32>
    %swap3A_95 = arith.constant 64 : index
    %swap3A_96 = tpu.vector_load %arg9[%swap3A_95] {strides = array<i32>} : memref<80xi32, #tpu.memory_space<vmem>>, vector<16xi32>,
    %swap3A_97 = vector.shape_cast %swap3A_96 : vector<16xi32> to vector<16xi32>
    %swap3A_98 = vector.shape_cast %add3A_94 : vector<16xi32> to vector<16xi32>
    tpu.vector_store %arg9[%swap3A_95], %swap3A_98 {strides = array<i32>} : memref<80xi32, #tpu.memory_space<vmem>>, vector<16xi32>,
    %dma_start3A = arith.constant 0 : i32
    %dma_start3A_99 = arith.constant 0 : i32
    %dma_start3A_100 = tpu.memref_slice %arg3[%dma_start3A, %dma_start3A_99] : memref<20000x80xf32, #tpu.memory_space<hbm>> -> memref<20000x80xf32, #tpu.memory_space<hbm>>
    tpu.enqueue_indirect_dma source(%dma_start3A_100 : memref<20000x80xf32, #tpu.memory_space<hbm>>) target(%arg11 : memref<80x80xf32, #tpu.memory_space<vmem>>) offsets(%arg9 : memref<80xi32, #tpu.memory_space<vmem>>) semaphore(%arg19 : memref<!tpu.dma_semaphore, #tpu.memory_space<semaphore_mem>>)
    %dma_start3A_101 = arith.constant 0 : i32
    %dma_start3A_102 = arith.constant 0 : i32
    %dma_start3A_103 = tpu.memref_slice %arg8[%dma_start3A_101, %dma_start3A_102] : memref<250x80xi32, #tpu.memory_space<vmem>> -> memref<1x80xi32, #tpu.memory_space<vmem>>
    %dma_start3A_104 = tpu.memref_squeeze %dma_start3A_103 : memref<1x80xi32, #tpu.memory_space<vmem>> -> memref<80xi32, #tpu.memory_space<vmem>>
    %dma_start3A_105 = arith.constant 0 : i32
    %dma_start3A_106 = arith.constant 0 : i32
    %dma_start3A_107 = tpu.memref_slice %arg4[%dma_start3A_105, %dma_start3A_106] : memref<10000x16xf32, #tpu.memory_space<hbm>> -> memref<10000x16xf32, #tpu.memory_space<hbm>>
    tpu.enqueue_indirect_dma source(%dma_start3A_107 : memref<10000x16xf32, #tpu.memory_space<hbm>>) target(%arg13 : memref<80x16xf32, #tpu.memory_space<vmem>>) offsets(%dma_start3A_104 : memref<80xi32, #tpu.memory_space<vmem>>) semaphore(%arg21 : memref<!tpu.dma_semaphore, #tpu.memory_space<semaphore_mem>>)
    %get3A_108 = arith.constant 1 : i32
    %get3A_109 = arith.index_cast %get3A_108 : i32 to index
    %get3A_110 = arith.constant 0 : index
    %get3A_111 = tpu.vector_load %arg7[%get3A_109, %get3A_110] {strides = array<i32>} : memref<250x80xi32, #tpu.memory_space<vmem>>, vector<1x16xi32>,
    %get3A_112 = vector.shape_cast %get3A_111 : vector<1x16xi32> to vector<16xi32>
    %mul3A_113 = arith.constant 2 : i32
    %mul3A_114 = vector.broadcast %mul3A_113 : i32 to vector<16xi32>
    %mul3A_115 = arith.muli %get3A_112, %mul3A_114 : vector<16xi32>
    %add3A_116 = vector.broadcast %arg0 : i32 to vector<16xi32>
    %add3A_117 = arith.addi %mul3A_115, %add3A_116 : vector<16xi32>
    %swap3A_118 = arith.constant 0 : index
    %swap3A_119 = tpu.vector_load %arg10[%swap3A_118] {strides = array<i32>} : memref<80xi32, #tpu.memory_space<vmem>>, vector<16xi32>,
    %swap3A_120 = vector.shape_cast %swap3A_119 : vector<16xi32> to vector<16xi32>
    %swap3A_121 = vector.shape_cast %add3A_117 : vector<16xi32> to vector<16xi32>
    tpu.vector_store %arg10[%swap3A_118], %swap3A_121 {strides = array<i32>} : memref<80xi32, #tpu.memory_space<vmem>>, vector<16xi32>,
    %get3A_122 = arith.constant 1 : i32
    %get3A_123 = arith.index_cast %get3A_122 : i32 to index
    %get3A_124 = arith.constant 16 : index
    %get3A_125 = tpu.vector_load %arg7[%get3A_123, %get3A_124] {strides = array<i32>} : memref<250x80xi32, #tpu.memory_space<vmem>>, vector<1x16xi32>,
    %get3A_126 = vector.shape_cast %get3A_125 : vector<1x16xi32> to vector<16xi32>
    %mul3A_127 = arith.constant 2 : i32
    %mul3A_128 = vector.broadcast %mul3A_127 : i32 to vector<16xi32>
    %mul3A_129 = arith.muli %get3A_126, %mul3A_128 : vector<16xi32>
    %add3A_130 = vector.broadcast %arg0 : i32 to vector<16xi32>
    %add3A_131 = arith.addi %mul3A_129, %add3A_130 : vector<16xi32>
    %swap3A_132 = arith.constant 16 : index
    %swap3A_133 = tpu.vector_load %arg10[%swap3A_132] {strides = array<i32>} : memref<80xi32, #tpu.memory_space<vmem>>, vector<16xi32>,
    %swap3A_134 = vector.shape_cast %swap3A_133 : vector<16xi32> to vector<16xi32>
    %swap3A_135 = vector.shape_cast %add3A_131 : vector<16xi32> to vector<16xi32>
    tpu.vector_store %arg10[%swap3A_132], %swap3A_135 {strides = array<i32>} : memref<80xi32, #tpu.memory_space<vmem>>, vector<16xi32>,
    %get3A_136 = arith.constant 1 : i32
    %get3A_137 = arith.index_cast %get3A_136 : i32 to index
    %get3A_138 = arith.constant 32 : index
    %get3A_139 = tpu.vector_load %arg7[%get3A_137, %get3A_138] {strides = array<i32>} : memref<250x80xi32, #tpu.memory_space<vmem>>, vector<1x16xi32>,
    %get3A_140 = vector.shape_cast %get3A_139 : vector<1x16xi32> to vector<16xi32>
    %mul3A_141 = arith.constant 2 : i32
    %mul3A_142 = vector.broadcast %mul3A_141 : i32 to vector<16xi32>
    %mul3A_143 = arith.muli %get3A_140, %mul3A_142 : vector<16xi32>
    %add3A_144 = vector.broadcast %arg0 : i32 to vector<16xi32>
    %add3A_145 = arith.addi %mul3A_143, %add3A_144 : vector<16xi32>
    %swap3A_146 = arith.constant 32 : index
    %swap3A_147 = tpu.vector_load %arg10[%swap3A_146] {strides = array<i32>} : memref<80xi32, #tpu.memory_space<vmem>>, vector<16xi32>,
    %swap3A_148 = vector.shape_cast %swap3A_147 : vector<16xi32> to vector<16xi32>
    %swap3A_149 = vector.shape_cast %add3A_145 : vector<16xi32> to vector<16xi32>
    tpu.vector_store %arg10[%swap3A_146], %swap3A_149 {strides = array<i32>} : memref<80xi32, #tpu.memory_space<vmem>>, vector<16xi32>,
    %get3A_150 = arith.constant 1 : i32
    %get3A_151 = arith.index_cast %get3A_150 : i32 to index
    %get3A_152 = arith.constant 48 : index
    %get3A_153 = tpu.vector_load %arg7[%get3A_151, %get3A_152] {strides = array<i32>} : memref<250x80xi32, #tpu.memory_space<vmem>>, vector<1x16xi32>,
    %get3A_154 = vector.shape_cast %get3A_153 : vector<1x16xi32> to vector<16xi32>
    %mul3A_155 = arith.constant 2 : i32
    %mul3A_156 = vector.broadcast %mul3A_155 : i32 to vector<16xi32>
    %mul3A_157 = arith.muli %get3A_154, %mul3A_156 : vector<16xi32>
    %add3A_158 = vector.broadcast %arg0 : i32 to vector<16xi32>
    %add3A_159 = arith.addi %mul3A_157, %add3A_158 : vector<16xi32>
    %swap3A_160 = arith.constant 48 : index
    %swap3A_161 = tpu.vector_load %arg10[%swap3A_160] {strides = array<i32>} : memref<80xi32, #tpu.memory_space<vmem>>, vector<16xi32>,
    %swap3A_162 = vector.shape_cast %swap3A_161 : vector<16xi32> to vector<16xi32>
    %swap3A_163 = vector.shape_cast %add3A_159 : vector<16xi32> to vector<16xi32>
    tpu.vector_store %arg10[%swap3A_160], %swap3A_163 {strides = array<i32>} : memref<80xi32, #tpu.memory_space<vmem>>, vector<16xi32>,
    %get3A_164 = arith.constant 1 : i32
    %get3A_165 = arith.index_cast %get3A_164 : i32 to index
    %get3A_166 = arith.constant 64 : index
    %get3A_167 = tpu.vector_load %arg7[%get3A_165, %get3A_166] {strides = array<i32>} : memref<250x80xi32, #tpu.memory_space<vmem>>, vector<1x16xi32>,
    %get3A_168 = vector.shape_cast %get3A_167 : vector<1x16xi32> to vector<16xi32>
    %mul3A_169 = arith.constant 2 : i32
    %mul3A_170 = vector.broadcast %mul3A_169 : i32 to vector<16xi32>
    %mul3A_171 = arith.muli %get3A_168, %mul3A_170 : vector<16xi32>
    %add3A_172 = vector.broadcast %arg0 : i32 to vector<16xi32>
    %add3A_173 = arith.addi %mul3A_171, %add3A_172 : vector<16xi32>
    %swap3A_174 = arith.constant 64 : index
    %swap3A_175 = tpu.vector_load %arg10[%swap3A_174] {strides = array<i32>} : memref<80xi32, #tpu.memory_space<vmem>>, vector<16xi32>,
    %swap3A_176 = vector.shape_cast %swap3A_175 : vector<16xi32> to vector<16xi32>
    %swap3A_177 = vector.shape_cast %add3A_173 : vector<16xi32> to vector<16xi32>
    tpu.vector_store %arg10[%swap3A_174], %swap3A_177 {strides = array<i32>} : memref<80xi32, #tpu.memory_space<vmem>>, vector<16xi32>,
    %dma_start3A_178 = arith.constant 0 : i32
    %dma_start3A_179 = arith.constant 0 : i32
    %dma_start3A_180 = tpu.memref_slice %arg3[%dma_start3A_178, %dma_start3A_179] : memref<20000x80xf32, #tpu.memory_space<hbm>> -> memref<20000x80xf32, #tpu.memory_space<hbm>>
    tpu.enqueue_indirect_dma source(%dma_start3A_180 : memref<20000x80xf32, #tpu.memory_space<hbm>>) target(%arg12 : memref<80x80xf32, #tpu.memory_space<vmem>>) offsets(%arg10 : memref<80xi32, #tpu.memory_space<vmem>>) semaphore(%arg20 : memref<!tpu.dma_semaphore, #tpu.memory_space<semaphore_mem>>)
    %dma_start3A_181 = arith.constant 1 : i32
    %dma_start3A_182 = arith.constant 0 : i32
    %dma_start3A_183 = tpu.memref_slice %arg8[%dma_start3A_181, %dma_start3A_182] : memref<250x80xi32, #tpu.memory_space<vmem>> -> memref<1x80xi32, #tpu.memory_space<vmem>>
    %dma_start3A_184 = tpu.memref_squeeze %dma_start3A_183 : memref<1x80xi32, #tpu.memory_space<vmem>> -> memref<80xi32, #tpu.memory_space<vmem>>
    %dma_start3A_185 = arith.constant 0 : i32
    %dma_start3A_186 = arith.constant 0 : i32
    %dma_start3A_187 = tpu.memref_slice %arg4[%dma_start3A_185, %dma_start3A_186] : memref<10000x16xf32, #tpu.memory_space<hbm>> -> memref<10000x16xf32, #tpu.memory_space<hbm>>
    tpu.enqueue_indirect_dma source(%dma_start3A_187 : memref<10000x16xf32, #tpu.memory_space<hbm>>) target(%arg14 : memref<80x16xf32, #tpu.memory_space<vmem>>) offsets(%dma_start3A_184 : memref<80xi32, #tpu.memory_space<vmem>>) semaphore(%arg22 : memref<!tpu.dma_semaphore, #tpu.memory_space<semaphore_mem>>)
    %scan3A_188 = arith.constant 0 : i32
    %scan3A_189 = arith.constant 0 : i32
    %scan3A_190 = arith.constant 125 : i32
    %scan3A_191 = arith.addi %scan3A_189, %scan3A_190 : i32
    %scan3A_192 = arith.constant 1 : i32
    %scan3A_193 = scf.for %scan3A_214 = %scan3A_189 to %scan3A_191 step %scan3A_192 iter_args(%scan3A_215 = %scan3A_188) -> (i32)  : i32 {
      %mul3A_216 = arith.constant 2 : i32
      %mul3A_217 = arith.muli %scan3A_214, %mul3A_216 : i32
      %add3A_218 = arith.constant 0 : i32
      %add3A_219 = arith.addi %mul3A_217, %add3A_218 : i32
      %dma_wait3A_220 = arith.constant 0 : i32
      %dma_wait3A_221 = arith.constant 0 : i32
      %dma_wait3A_222 = tpu.memref_slice %arg3[%dma_wait3A_220, %dma_wait3A_221] : memref<20000x80xf32, #tpu.memory_space<hbm>> -> memref<20000x80xf32, #tpu.memory_space<hbm>>
      tpu.wait_indirect_dma semaphore(%arg19 : memref<!tpu.dma_semaphore, #tpu.memory_space<semaphore_mem>>) src(%dma_wait3A_222 : memref<20000x80xf32, #tpu.memory_space<hbm>>) dst(%arg11 : memref<80x80xf32, #tpu.memory_space<vmem>>)
      %dma_wait3A_223 = arith.constant 0 : i32
      %dma_wait3A_224 = tpu.memref_slice %arg8[%add3A_219, %dma_wait3A_223] : memref<250x80xi32, #tpu.memory_space<vmem>> -> memref<1x80xi32, #tpu.memory_space<vmem>>
      %dma_wait3A_225 = tpu.memref_squeeze %dma_wait3A_224 : memref<1x80xi32, #tpu.memory_space<vmem>> -> memref<80xi32, #tpu.memory_space<vmem>>
      %dma_wait3A_226 = arith.constant 0 : i32
      %dma_wait3A_227 = arith.constant 0 : i32
      %dma_wait3A_228 = tpu.memref_slice %arg4[%dma_wait3A_226, %dma_wait3A_227] : memref<10000x16xf32, #tpu.memory_space<hbm>> -> memref<10000x16xf32, #tpu.memory_space<hbm>>
      tpu.wait_indirect_dma semaphore(%arg21 : memref<!tpu.dma_semaphore, #tpu.memory_space<semaphore_mem>>) src(%dma_wait3A_228 : memref<10000x16xf32, #tpu.memory_space<hbm>>) dst(%arg13 : memref<80x16xf32, #tpu.memory_space<vmem>>)
      %gt3A = arith.constant 0 : i32
      %gt3A_229 = arith.cmpi sgt, %scan3A_214, %gt3A : i32
      %convert_element_type3A_230 = arith.extui %gt3A_229 : i1 to i32
      %cond3A_231 = arith.constant 0 : i32
      %cond3A_232 = arith.cmpi ne, %convert_element_type3A_230, %cond3A_231 : i32
      scf.if %cond3A_232 {
        %dma_wait3A_282 = arith.constant 0 : i32
        %dma_wait3A_283 = tpu.memref_slice %arg8[%add3A_219, %dma_wait3A_282] : memref<250x80xi32, #tpu.memory_space<vmem>> -> memref<1x80xi32, #tpu.memory_space<vmem>>
        %dma_wait3A_284 = tpu.memref_squeeze %dma_wait3A_283 : memref<1x80xi32, #tpu.memory_space<vmem>> -> memref<80xi32, #tpu.memory_space<vmem>>
        %dma_wait3A_285 = arith.constant 0 : i32
        %dma_wait3A_286 = arith.constant 0 : i32
        %dma_wait3A_287 = tpu.memref_slice %arg18[%dma_wait3A_285, %dma_wait3A_286] : memref<10000x80xf32, #tpu.memory_space<vmem_shared>> -> memref<10000x80xf32, #tpu.memory_space<vmem_shared>>
        tpu.wait_indirect_dma semaphore(%arg23 : memref<!tpu.dma_semaphore, #tpu.memory_space<semaphore_mem>>) src(%arg15 : memref<80x80xf32, #tpu.memory_space<vmem>>) dst(%dma_wait3A_287 : memref<10000x80xf32, #tpu.memory_space<vmem_shared>>)
      } else {
      }
      %parallel_loop3A = arith.constant 0 : i32
      %parallel_loop3A_233 = arith.constant 80 : i32
      %parallel_loop3A_234 = arith.constant 1 : i32
      scf.for %parallel_loop3A_282 = %parallel_loop3A to %parallel_loop3A_233 step %parallel_loop3A_234  : i32 {
        %parallel_loop3A_283 = arith.index_cast %parallel_loop3A_282 : i32 to index
        %parallel_loop3A_284 = arith.constant 64 : index
        %parallel_loop3A_285 = tpu.vector_load %arg11[%parallel_loop3A_283, %parallel_loop3A_284] {strides = array<i32>} : memref<80x80xf32, #tpu.memory_space<vmem>>, vector<1x16xf32>,
        %parallel_loop3A_286 = vector.shape_cast %parallel_loop3A_285 : vector<1x16xf32> to vector<16xf32>
        %parallel_loop3A_287 = arith.index_cast %parallel_loop3A_282 : i32 to index
        %parallel_loop3A_288 = arith.constant 0 : index
        %parallel_loop3A_289 = tpu.vector_load %arg13[%parallel_loop3A_287, %parallel_loop3A_288] {strides = array<i32>} : memref<80x16xf32, #tpu.memory_space<vmem>>, vector<1x16xf32>,
        %parallel_loop3A_290 = vector.shape_cast %parallel_loop3A_289 : vector<1x16xf32> to vector<16xf32>
        %parallel_loop3A_291 = arith.addf %parallel_loop3A_286, %parallel_loop3A_290 : vector<16xf32>
        %parallel_loop3A_292 = arith.constant 0.000000e+00 : f32
        %parallel_loop3A_293 = vector.broadcast %parallel_loop3A_292 : f32 to vector<16xf32>
        %parallel_loop3A_294 = arith.cmpf ogt, %parallel_loop3A_291, %parallel_loop3A_293 : vector<16xf32>
        %parallel_loop3A_295 = arith.constant 2.000000e-01 : f32
        %parallel_loop3A_296 = vector.broadcast %parallel_loop3A_295 : f32 to vector<16xf32>
        %parallel_loop3A_297 = arith.mulf %parallel_loop3A_296, %parallel_loop3A_291 : vector<16xf32>
        %parallel_loop3A_298 = arith.select %parallel_loop3A_294, %parallel_loop3A_291, %parallel_loop3A_297 : vector<16xi1>, vector<16xf32>
        %parallel_loop3A_299 = arith.subf %parallel_loop3A_298, %get3A_29 : vector<16xf32>
        %parallel_loop3A_300 = math.exp %parallel_loop3A_299 : vector<16xf32>
        %parallel_loop3A_301 = arith.index_cast %parallel_loop3A_282 : i32 to index
        %parallel_loop3A_302 = arith.constant 64 : index
        %parallel_loop3A_303 = tpu.vector_load %arg15[%parallel_loop3A_301, %parallel_loop3A_302] {strides = array<i32>} : memref<80x80xf32, #tpu.memory_space<vmem>>, vector<1x16xf32>,
        %parallel_loop3A_304 = vector.shape_cast %parallel_loop3A_303 : vector<1x16xf32> to vector<16xf32>
        %parallel_loop3A_305 = vector.shape_cast %parallel_loop3A_300 : vector<16xf32> to vector<1x16xf32>
        tpu.vector_store %arg15[%parallel_loop3A_301, %parallel_loop3A_302], %parallel_loop3A_305 {strides = array<i32>} : memref<80x80xf32, #tpu.memory_space<vmem>>, vector<1x16xf32>,
        %parallel_loop3A_306 = arith.constant 0 : i32
        %parallel_loop3A_307 = vector.broadcast %parallel_loop3A_306 : i32 to vector<16x1xi32>
        %parallel_loop3A_308 = vector.shape_cast %parallel_loop3A_307 : vector<16x1xi32> to vector<16xi32>
        %parallel_loop3A_309 = tpu.dynamic_gather %parallel_loop3A_300[%parallel_loop3A_308] in [0] : vector<16xf32>, vector<16xi32> -> vector<16xf32>
        %parallel_loop3A_310 = arith.index_cast %parallel_loop3A_282 : i32 to index
        %parallel_loop3A_311 = arith.constant 0 : index
        %parallel_loop3A_312 = tpu.vector_load %arg11[%parallel_loop3A_310, %parallel_loop3A_311] {strides = array<i32>} : memref<80x80xf32, #tpu.memory_space<vmem>>, vector<1x16xf32>,
        %parallel_loop3A_313 = vector.shape_cast %parallel_loop3A_312 : vector<1x16xf32> to vector<16xf32>
        %parallel_loop3A_314 = arith.mulf %parallel_loop3A_313, %parallel_loop3A_309 : vector<16xf32>
        %parallel_loop3A_315 = arith.index_cast %parallel_loop3A_282 : i32 to index
        %parallel_loop3A_316 = arith.constant 0 : index
        %parallel_loop3A_317 = tpu.vector_load %arg15[%parallel_loop3A_315, %parallel_loop3A_316] {strides = array<i32>} : memref<80x80xf32, #tpu.memory_space<vmem>>, vector<1x16xf32>,
        %parallel_loop3A_318 = vector.shape_cast %parallel_loop3A_317 : vector<1x16xf32> to vector<16xf32>
        %parallel_loop3A_319 = vector.shape_cast %parallel_loop3A_314 : vector<16xf32> to vector<1x16xf32>
        tpu.vector_store %arg15[%parallel_loop3A_315, %parallel_loop3A_316], %parallel_loop3A_319 {strides = array<i32>} : memref<80x80xf32, #tpu.memory_space<vmem>>, vector<1x16xf32>,
        %parallel_loop3A_320 = arith.index_cast %parallel_loop3A_282 : i32 to index
        %parallel_loop3A_321 = arith.constant 16 : index
        %parallel_loop3A_322 = tpu.vector_load %arg11[%parallel_loop3A_320, %parallel_loop3A_321] {strides = array<i32>} : memref<80x80xf32, #tpu.memory_space<vmem>>, vector<1x16xf32>,
        %parallel_loop3A_323 = vector.shape_cast %parallel_loop3A_322 : vector<1x16xf32> to vector<16xf32>
        %parallel_loop3A_324 = arith.mulf %parallel_loop3A_323, %parallel_loop3A_309 : vector<16xf32>
        %parallel_loop3A_325 = arith.index_cast %parallel_loop3A_282 : i32 to index
        %parallel_loop3A_326 = arith.constant 16 : index
        %parallel_loop3A_327 = tpu.vector_load %arg15[%parallel_loop3A_325, %parallel_loop3A_326] {strides = array<i32>} : memref<80x80xf32, #tpu.memory_space<vmem>>, vector<1x16xf32>,
        %parallel_loop3A_328 = vector.shape_cast %parallel_loop3A_327 : vector<1x16xf32> to vector<16xf32>
        %parallel_loop3A_329 = vector.shape_cast %parallel_loop3A_324 : vector<16xf32> to vector<1x16xf32>
        tpu.vector_store %arg15[%parallel_loop3A_325, %parallel_loop3A_326], %parallel_loop3A_329 {strides = array<i32>} : memref<80x80xf32, #tpu.memory_space<vmem>>, vector<1x16xf32>,
        %parallel_loop3A_330 = arith.index_cast %parallel_loop3A_282 : i32 to index
        %parallel_loop3A_331 = arith.constant 32 : index
        %parallel_loop3A_332 = tpu.vector_load %arg11[%parallel_loop3A_330, %parallel_loop3A_331] {strides = array<i32>} : memref<80x80xf32, #tpu.memory_space<vmem>>, vector<1x16xf32>,
        %parallel_loop3A_333 = vector.shape_cast %parallel_loop3A_332 : vector<1x16xf32> to vector<16xf32>
        %parallel_loop3A_334 = arith.mulf %parallel_loop3A_333, %parallel_loop3A_309 : vector<16xf32>
        %parallel_loop3A_335 = arith.index_cast %parallel_loop3A_282 : i32 to index
        %parallel_loop3A_336 = arith.constant 32 : index
        %parallel_loop3A_337 = tpu.vector_load %arg15[%parallel_loop3A_335, %parallel_loop3A_336] {strides = array<i32>} : memref<80x80xf32, #tpu.memory_space<vmem>>, vector<1x16xf32>,
        %parallel_loop3A_338 = vector.shape_cast %parallel_loop3A_337 : vector<1x16xf32> to vector<16xf32>
        %parallel_loop3A_339 = vector.shape_cast %parallel_loop3A_334 : vector<16xf32> to vector<1x16xf32>
        tpu.vector_store %arg15[%parallel_loop3A_335, %parallel_loop3A_336], %parallel_loop3A_339 {strides = array<i32>} : memref<80x80xf32, #tpu.memory_space<vmem>>, vector<1x16xf32>,
        %parallel_loop3A_340 = arith.index_cast %parallel_loop3A_282 : i32 to index
        %parallel_loop3A_341 = arith.constant 48 : index
        %parallel_loop3A_342 = tpu.vector_load %arg11[%parallel_loop3A_340, %parallel_loop3A_341] {strides = array<i32>} : memref<80x80xf32, #tpu.memory_space<vmem>>, vector<1x16xf32>,
        %parallel_loop3A_343 = vector.shape_cast %parallel_loop3A_342 : vector<1x16xf32> to vector<16xf32>
        %parallel_loop3A_344 = arith.mulf %parallel_loop3A_343, %parallel_loop3A_309 : vector<16xf32>
        %parallel_loop3A_345 = arith.index_cast %parallel_loop3A_282 : i32 to index
        %parallel_loop3A_346 = arith.constant 48 : index
        %parallel_loop3A_347 = tpu.vector_load %arg15[%parallel_loop3A_345, %parallel_loop3A_346] {strides = array<i32>} : memref<80x80xf32, #tpu.memory_space<vmem>>, vector<1x16xf32>,
        %parallel_loop3A_348 = vector.shape_cast %parallel_loop3A_347 : vector<1x16xf32> to vector<16xf32>
        %parallel_loop3A_349 = vector.shape_cast %parallel_loop3A_344 : vector<16xf32> to vector<1x16xf32>
        tpu.vector_store %arg15[%parallel_loop3A_345, %parallel_loop3A_346], %parallel_loop3A_349 {strides = array<i32>} : memref<80x80xf32, #tpu.memory_space<vmem>>, vector<1x16xf32>,
      } {sc.loop_unroll_factor = 8 : i64, sc.parallel_access}
      %add3A_235 = arith.constant 2 : i32
      %add3A_236 = arith.addi %add3A_219, %add3A_235 : i32
      %lt3A = arith.constant 250 : i32
      %lt3A_237 = arith.cmpi slt, %add3A_236, %lt3A : i32
      %convert_element_type3A_238 = arith.extui %lt3A_237 : i1 to i32
      %cond3A_239 = arith.constant 0 : i32
      %cond3A_240 = arith.cmpi ne, %convert_element_type3A_238, %cond3A_239 : i32
      scf.if %cond3A_240 {
        %get3A_282 = arith.index_cast %add3A_236 : i32 to index
        %get3A_283 = arith.constant 0 : index
        %get3A_284 = tpu.vector_load %arg7[%get3A_282, %get3A_283] {strides = array<i32>} : memref<250x80xi32, #tpu.memory_space<vmem>>, vector<1x16xi32>,
        %get3A_285 = vector.shape_cast %get3A_284 : vector<1x16xi32> to vector<16xi32>
        %mul3A_286 = arith.constant 2 : i32
        %mul3A_287 = vector.broadcast %mul3A_286 : i32 to vector<16xi32>
        %mul3A_288 = arith.muli %get3A_285, %mul3A_287 : vector<16xi32>
        %add3A_289 = vector.broadcast %arg0 : i32 to vector<16xi32>
        %add3A_290 = arith.addi %mul3A_288, %add3A_289 : vector<16xi32>
        %swap3A_291 = arith.constant 0 : index
        %swap3A_292 = tpu.vector_load %arg9[%swap3A_291] {strides = array<i32>} : memref<80xi32, #tpu.memory_space<vmem>>, vector<16xi32>,
        %swap3A_293 = vector.shape_cast %swap3A_292 : vector<16xi32> to vector<16xi32>
        %swap3A_294 = vector.shape_cast %add3A_290 : vector<16xi32> to vector<16xi32>
        tpu.vector_store %arg9[%swap3A_291], %swap3A_294 {strides = array<i32>} : memref<80xi32, #tpu.memory_space<vmem>>, vector<16xi32>,
        %get3A_295 = arith.index_cast %add3A_236 : i32 to index
        %get3A_296 = arith.constant 16 : index
        %get3A_297 = tpu.vector_load %arg7[%get3A_295, %get3A_296] {strides = array<i32>} : memref<250x80xi32, #tpu.memory_space<vmem>>, vector<1x16xi32>,
        %get3A_298 = vector.shape_cast %get3A_297 : vector<1x16xi32> to vector<16xi32>
        %mul3A_299 = arith.constant 2 : i32
        %mul3A_300 = vector.broadcast %mul3A_299 : i32 to vector<16xi32>
        %mul3A_301 = arith.muli %get3A_298, %mul3A_300 : vector<16xi32>
        %add3A_302 = vector.broadcast %arg0 : i32 to vector<16xi32>
        %add3A_303 = arith.addi %mul3A_301, %add3A_302 : vector<16xi32>
        %swap3A_304 = arith.constant 16 : index
        %swap3A_305 = tpu.vector_load %arg9[%swap3A_304] {strides = array<i32>} : memref<80xi32, #tpu.memory_space<vmem>>, vector<16xi32>,
        %swap3A_306 = vector.shape_cast %swap3A_305 : vector<16xi32> to vector<16xi32>
        %swap3A_307 = vector.shape_cast %add3A_303 : vector<16xi32> to vector<16xi32>
        tpu.vector_store %arg9[%swap3A_304], %swap3A_307 {strides = array<i32>} : memref<80xi32, #tpu.memory_space<vmem>>, vector<16xi32>,
        %get3A_308 = arith.index_cast %add3A_236 : i32 to index
        %get3A_309 = arith.constant 32 : index
        %get3A_310 = tpu.vector_load %arg7[%get3A_308, %get3A_309] {strides = array<i32>} : memref<250x80xi32, #tpu.memory_space<vmem>>, vector<1x16xi32>,
        %get3A_311 = vector.shape_cast %get3A_310 : vector<1x16xi32> to vector<16xi32>
        %mul3A_312 = arith.constant 2 : i32
        %mul3A_313 = vector.broadcast %mul3A_312 : i32 to vector<16xi32>
        %mul3A_314 = arith.muli %get3A_311, %mul3A_313 : vector<16xi32>
        %add3A_315 = vector.broadcast %arg0 : i32 to vector<16xi32>
        %add3A_316 = arith.addi %mul3A_314, %add3A_315 : vector<16xi32>
        %swap3A_317 = arith.constant 32 : index
        %swap3A_318 = tpu.vector_load %arg9[%swap3A_317] {strides = array<i32>} : memref<80xi32, #tpu.memory_space<vmem>>, vector<16xi32>,
        %swap3A_319 = vector.shape_cast %swap3A_318 : vector<16xi32> to vector<16xi32>
        %swap3A_320 = vector.shape_cast %add3A_316 : vector<16xi32> to vector<16xi32>
        tpu.vector_store %arg9[%swap3A_317], %swap3A_320 {strides = array<i32>} : memref<80xi32, #tpu.memory_space<vmem>>, vector<16xi32>,
        %get3A_321 = arith.index_cast %add3A_236 : i32 to index
        %get3A_322 = arith.constant 48 : index
        %get3A_323 = tpu.vector_load %arg7[%get3A_321, %get3A_322] {strides = array<i32>} : memref<250x80xi32, #tpu.memory_space<vmem>>, vector<1x16xi32>,
        %get3A_324 = vector.shape_cast %get3A_323 : vector<1x16xi32> to vector<16xi32>
        %mul3A_325 = arith.constant 2 : i32
        %mul3A_326 = vector.broadcast %mul3A_325 : i32 to vector<16xi32>
        %mul3A_327 = arith.muli %get3A_324, %mul3A_326 : vector<16xi32>
        %add3A_328 = vector.broadcast %arg0 : i32 to vector<16xi32>
        %add3A_329 = arith.addi %mul3A_327, %add3A_328 : vector<16xi32>
        %swap3A_330 = arith.constant 48 : index
        %swap3A_331 = tpu.vector_load %arg9[%swap3A_330] {strides = array<i32>} : memref<80xi32, #tpu.memory_space<vmem>>, vector<16xi32>,
        %swap3A_332 = vector.shape_cast %swap3A_331 : vector<16xi32> to vector<16xi32>
        %swap3A_333 = vector.shape_cast %add3A_329 : vector<16xi32> to vector<16xi32>
        tpu.vector_store %arg9[%swap3A_330], %swap3A_333 {strides = array<i32>} : memref<80xi32, #tpu.memory_space<vmem>>, vector<16xi32>,
        %get3A_334 = arith.index_cast %add3A_236 : i32 to index
        %get3A_335 = arith.constant 64 : index
        %get3A_336 = tpu.vector_load %arg7[%get3A_334, %get3A_335] {strides = array<i32>} : memref<250x80xi32, #tpu.memory_space<vmem>>, vector<1x16xi32>,
        %get3A_337 = vector.shape_cast %get3A_336 : vector<1x16xi32> to vector<16xi32>
        %mul3A_338 = arith.constant 2 : i32
        %mul3A_339 = vector.broadcast %mul3A_338 : i32 to vector<16xi32>
        %mul3A_340 = arith.muli %get3A_337, %mul3A_339 : vector<16xi32>
        %add3A_341 = vector.broadcast %arg0 : i32 to vector<16xi32>
        %add3A_342 = arith.addi %mul3A_340, %add3A_341 : vector<16xi32>
        %swap3A_343 = arith.constant 64 : index
        %swap3A_344 = tpu.vector_load %arg9[%swap3A_343] {strides = array<i32>} : memref<80xi32, #tpu.memory_space<vmem>>, vector<16xi32>,
        %swap3A_345 = vector.shape_cast %swap3A_344 : vector<16xi32> to vector<16xi32>
        %swap3A_346 = vector.shape_cast %add3A_342 : vector<16xi32> to vector<16xi32>
        tpu.vector_store %arg9[%swap3A_343], %swap3A_346 {strides = array<i32>} : memref<80xi32, #tpu.memory_space<vmem>>, vector<16xi32>,
        %dma_start3A_347 = arith.constant 0 : i32
        %dma_start3A_348 = arith.constant 0 : i32
        %dma_start3A_349 = tpu.memref_slice %arg3[%dma_start3A_347, %dma_start3A_348] : memref<20000x80xf32, #tpu.memory_space<hbm>> -> memref<20000x80xf32, #tpu.memory_space<hbm>>
        tpu.enqueue_indirect_dma source(%dma_start3A_349 : memref<20000x80xf32, #tpu.memory_space<hbm>>) target(%arg11 : memref<80x80xf32, #tpu.memory_space<vmem>>) offsets(%arg9 : memref<80xi32, #tpu.memory_space<vmem>>) semaphore(%arg19 : memref<!tpu.dma_semaphore, #tpu.memory_space<semaphore_mem>>)
        %dma_start3A_350 = arith.constant 0 : i32
        %dma_start3A_351 = tpu.memref_slice %arg8[%add3A_236, %dma_start3A_350] : memref<250x80xi32, #tpu.memory_space<vmem>> -> memref<1x80xi32, #tpu.memory_space<vmem>>
        %dma_start3A_352 = tpu.memref_squeeze %dma_start3A_351 : memref<1x80xi32, #tpu.memory_space<vmem>> -> memref<80xi32, #tpu.memory_space<vmem>>
        %dma_start3A_353 = arith.constant 0 : i32
        %dma_start3A_354 = arith.constant 0 : i32
        %dma_start3A_355 = tpu.memref_slice %arg4[%dma_start3A_353, %dma_start3A_354] : memref<10000x16xf32, #tpu.memory_space<hbm>> -> memref<10000x16xf32, #tpu.memory_space<hbm>>
        tpu.enqueue_indirect_dma source(%dma_start3A_355 : memref<10000x16xf32, #tpu.memory_space<hbm>>) target(%arg13 : memref<80x16xf32, #tpu.memory_space<vmem>>) offsets(%dma_start3A_352 : memref<80xi32, #tpu.memory_space<vmem>>) semaphore(%arg21 : memref<!tpu.dma_semaphore, #tpu.memory_space<semaphore_mem>>)
      } else {
      }
      %dma_start3A_241 = arith.constant 0 : i32
      %dma_start3A_242 = tpu.memref_slice %arg8[%add3A_219, %dma_start3A_241] : memref<250x80xi32, #tpu.memory_space<vmem>> -> memref<1x80xi32, #tpu.memory_space<vmem>>
      %dma_start3A_243 = tpu.memref_squeeze %dma_start3A_242 : memref<1x80xi32, #tpu.memory_space<vmem>> -> memref<80xi32, #tpu.memory_space<vmem>>
      %dma_start3A_244 = arith.constant 0 : i32
      %dma_start3A_245 = arith.constant 0 : i32
      %dma_start3A_246 = tpu.memref_slice %arg18[%dma_start3A_244, %dma_start3A_245] : memref<10000x80xf32, #tpu.memory_space<vmem_shared>> -> memref<10000x80xf32, #tpu.memory_space<vmem_shared>>
      tpu.enqueue_indirect_dma source(%arg15 : memref<80x80xf32, #tpu.memory_space<vmem>>) target(%dma_start3A_246 : memref<10000x80xf32, #tpu.memory_space<vmem_shared>>) offsets(%dma_start3A_243 : memref<80xi32, #tpu.memory_space<vmem>>) semaphore(%arg23 : memref<!tpu.dma_semaphore, #tpu.memory_space<semaphore_mem>>) {add = true}
      %mul3A_247 = arith.constant 2 : i32
      %mul3A_248 = arith.muli %scan3A_214, %mul3A_247 : i32
      %add3A_249 = arith.constant 1 : i32
      %add3A_250 = arith.addi %mul3A_248, %add3A_249 : i32
      %dma_wait3A_251 = arith.constant 0 : i32
      %dma_wait3A_252 = arith.constant 0 : i32
      %dma_wait3A_253 = tpu.memref_slice %arg3[%dma_wait3A_251, %dma_wait3A_252] : memref<20000x80xf32, #tpu.memory_space<hbm>> -> memref<20000x80xf32, #tpu.memory_space<hbm>>
      tpu.wait_indirect_dma semaphore(%arg20 : memref<!tpu.dma_semaphore, #tpu.memory_space<semaphore_mem>>) src(%dma_wait3A_253 : memref<20000x80xf32, #tpu.memory_space<hbm>>) dst(%arg12 : memref<80x80xf32, #tpu.memory_space<vmem>>)
      %dma_wait3A_254 = arith.constant 0 : i32
      %dma_wait3A_255 = tpu.memref_slice %arg8[%add3A_250, %dma_wait3A_254] : memref<250x80xi32, #tpu.memory_space<vmem>> -> memref<1x80xi32, #tpu.memory_space<vmem>>
      %dma_wait3A_256 = tpu.memref_squeeze %dma_wait3A_255 : memref<1x80xi32, #tpu.memory_space<vmem>> -> memref<80xi32, #tpu.memory_space<vmem>>
      %dma_wait3A_257 = arith.constant 0 : i32
      %dma_wait3A_258 = arith.constant 0 : i32
      %dma_wait3A_259 = tpu.memref_slice %arg4[%dma_wait3A_257, %dma_wait3A_258] : memref<10000x16xf32, #tpu.memory_space<hbm>> -> memref<10000x16xf32, #tpu.memory_space<hbm>>
      tpu.wait_indirect_dma semaphore(%arg22 : memref<!tpu.dma_semaphore, #tpu.memory_space<semaphore_mem>>) src(%dma_wait3A_259 : memref<10000x16xf32, #tpu.memory_space<hbm>>) dst(%arg14 : memref<80x16xf32, #tpu.memory_space<vmem>>)
      %gt3A_260 = arith.constant 0 : i32
      %gt3A_261 = arith.cmpi sgt, %scan3A_214, %gt3A_260 : i32
      %convert_element_type3A_262 = arith.extui %gt3A_261 : i1 to i32
      %cond3A_263 = arith.constant 0 : i32
      %cond3A_264 = arith.cmpi ne, %convert_element_type3A_262, %cond3A_263 : i32
      scf.if %cond3A_264 {
        %dma_wait3A_282 = arith.constant 0 : i32
        %dma_wait3A_283 = tpu.memref_slice %arg8[%add3A_250, %dma_wait3A_282] : memref<250x80xi32, #tpu.memory_space<vmem>> -> memref<1x80xi32, #tpu.memory_space<vmem>>
        %dma_wait3A_284 = tpu.memref_squeeze %dma_wait3A_283 : memref<1x80xi32, #tpu.memory_space<vmem>> -> memref<80xi32, #tpu.memory_space<vmem>>
        %dma_wait3A_285 = arith.constant 0 : i32
        %dma_wait3A_286 = arith.constant 0 : i32
        %dma_wait3A_287 = tpu.memref_slice %arg18[%dma_wait3A_285, %dma_wait3A_286] : memref<10000x80xf32, #tpu.memory_space<vmem_shared>> -> memref<10000x80xf32, #tpu.memory_space<vmem_shared>>
        tpu.wait_indirect_dma semaphore(%arg24 : memref<!tpu.dma_semaphore, #tpu.memory_space<semaphore_mem>>) src(%arg16 : memref<80x80xf32, #tpu.memory_space<vmem>>) dst(%dma_wait3A_287 : memref<10000x80xf32, #tpu.memory_space<vmem_shared>>)
      } else {
      }
      %parallel_loop3A_265 = arith.constant 0 : i32
      %parallel_loop3A_266 = arith.constant 80 : i32
      %parallel_loop3A_267 = arith.constant 1 : i32
      scf.for %parallel_loop3A_282 = %parallel_loop3A_265 to %parallel_loop3A_266 step %parallel_loop3A_267  : i32 {
        %parallel_loop3A_283 = arith.index_cast %parallel_loop3A_282 : i32 to index
        %parallel_loop3A_284 = arith.constant 64 : index
        %parallel_loop3A_285 = tpu.vector_load %arg12[%parallel_loop3A_283, %parallel_loop3A_284] {strides = array<i32>} : memref<80x80xf32, #tpu.memory_space<vmem>>, vector<1x16xf32>,
        %parallel_loop3A_286 = vector.shape_cast %parallel_loop3A_285 : vector<1x16xf32> to vector<16xf32>
        %parallel_loop3A_287 = arith.index_cast %parallel_loop3A_282 : i32 to index
        %parallel_loop3A_288 = arith.constant 0 : index
        %parallel_loop3A_289 = tpu.vector_load %arg14[%parallel_loop3A_287, %parallel_loop3A_288] {strides = array<i32>} : memref<80x16xf32, #tpu.memory_space<vmem>>, vector<1x16xf32>,
        %parallel_loop3A_290 = vector.shape_cast %parallel_loop3A_289 : vector<1x16xf32> to vector<16xf32>
        %parallel_loop3A_291 = arith.addf %parallel_loop3A_286, %parallel_loop3A_290 : vector<16xf32>
        %parallel_loop3A_292 = arith.constant 0.000000e+00 : f32
        %parallel_loop3A_293 = vector.broadcast %parallel_loop3A_292 : f32 to vector<16xf32>
        %parallel_loop3A_294 = arith.cmpf ogt, %parallel_loop3A_291, %parallel_loop3A_293 : vector<16xf32>
        %parallel_loop3A_295 = arith.constant 2.000000e-01 : f32
        %parallel_loop3A_296 = vector.broadcast %parallel_loop3A_295 : f32 to vector<16xf32>
        %parallel_loop3A_297 = arith.mulf %parallel_loop3A_296, %parallel_loop3A_291 : vector<16xf32>
        %parallel_loop3A_298 = arith.select %parallel_loop3A_294, %parallel_loop3A_291, %parallel_loop3A_297 : vector<16xi1>, vector<16xf32>
        %parallel_loop3A_299 = arith.subf %parallel_loop3A_298, %get3A_29 : vector<16xf32>
        %parallel_loop3A_300 = math.exp %parallel_loop3A_299 : vector<16xf32>
        %parallel_loop3A_301 = arith.index_cast %parallel_loop3A_282 : i32 to index
        %parallel_loop3A_302 = arith.constant 64 : index
        %parallel_loop3A_303 = tpu.vector_load %arg16[%parallel_loop3A_301, %parallel_loop3A_302] {strides = array<i32>} : memref<80x80xf32, #tpu.memory_space<vmem>>, vector<1x16xf32>,
        %parallel_loop3A_304 = vector.shape_cast %parallel_loop3A_303 : vector<1x16xf32> to vector<16xf32>
        %parallel_loop3A_305 = vector.shape_cast %parallel_loop3A_300 : vector<16xf32> to vector<1x16xf32>
        tpu.vector_store %arg16[%parallel_loop3A_301, %parallel_loop3A_302], %parallel_loop3A_305 {strides = array<i32>} : memref<80x80xf32, #tpu.memory_space<vmem>>, vector<1x16xf32>,
        %parallel_loop3A_306 = arith.constant 0 : i32
        %parallel_loop3A_307 = vector.broadcast %parallel_loop3A_306 : i32 to vector<16x1xi32>
        %parallel_loop3A_308 = vector.shape_cast %parallel_loop3A_307 : vector<16x1xi32> to vector<16xi32>
        %parallel_loop3A_309 = tpu.dynamic_gather %parallel_loop3A_300[%parallel_loop3A_308] in [0] : vector<16xf32>, vector<16xi32> -> vector<16xf32>
        %parallel_loop3A_310 = arith.index_cast %parallel_loop3A_282 : i32 to index
        %parallel_loop3A_311 = arith.constant 0 : index
        %parallel_loop3A_312 = tpu.vector_load %arg12[%parallel_loop3A_310, %parallel_loop3A_311] {strides = array<i32>} : memref<80x80xf32, #tpu.memory_space<vmem>>, vector<1x16xf32>,
        %parallel_loop3A_313 = vector.shape_cast %parallel_loop3A_312 : vector<1x16xf32> to vector<16xf32>
        %parallel_loop3A_314 = arith.mulf %parallel_loop3A_313, %parallel_loop3A_309 : vector<16xf32>
        %parallel_loop3A_315 = arith.index_cast %parallel_loop3A_282 : i32 to index
        %parallel_loop3A_316 = arith.constant 0 : index
        %parallel_loop3A_317 = tpu.vector_load %arg16[%parallel_loop3A_315, %parallel_loop3A_316] {strides = array<i32>} : memref<80x80xf32, #tpu.memory_space<vmem>>, vector<1x16xf32>,
        %parallel_loop3A_318 = vector.shape_cast %parallel_loop3A_317 : vector<1x16xf32> to vector<16xf32>
        %parallel_loop3A_319 = vector.shape_cast %parallel_loop3A_314 : vector<16xf32> to vector<1x16xf32>
        tpu.vector_store %arg16[%parallel_loop3A_315, %parallel_loop3A_316], %parallel_loop3A_319 {strides = array<i32>} : memref<80x80xf32, #tpu.memory_space<vmem>>, vector<1x16xf32>,
        %parallel_loop3A_320 = arith.index_cast %parallel_loop3A_282 : i32 to index
        %parallel_loop3A_321 = arith.constant 16 : index
        %parallel_loop3A_322 = tpu.vector_load %arg12[%parallel_loop3A_320, %parallel_loop3A_321] {strides = array<i32>} : memref<80x80xf32, #tpu.memory_space<vmem>>, vector<1x16xf32>,
        %parallel_loop3A_323 = vector.shape_cast %parallel_loop3A_322 : vector<1x16xf32> to vector<16xf32>
        %parallel_loop3A_324 = arith.mulf %parallel_loop3A_323, %parallel_loop3A_309 : vector<16xf32>
        %parallel_loop3A_325 = arith.index_cast %parallel_loop3A_282 : i32 to index
        %parallel_loop3A_326 = arith.constant 16 : index
        %parallel_loop3A_327 = tpu.vector_load %arg16[%parallel_loop3A_325, %parallel_loop3A_326] {strides = array<i32>} : memref<80x80xf32, #tpu.memory_space<vmem>>, vector<1x16xf32>,
        %parallel_loop3A_328 = vector.shape_cast %parallel_loop3A_327 : vector<1x16xf32> to vector<16xf32>
        %parallel_loop3A_329 = vector.shape_cast %parallel_loop3A_324 : vector<16xf32> to vector<1x16xf32>
        tpu.vector_store %arg16[%parallel_loop3A_325, %parallel_loop3A_326], %parallel_loop3A_329 {strides = array<i32>} : memref<80x80xf32, #tpu.memory_space<vmem>>, vector<1x16xf32>,
        %parallel_loop3A_330 = arith.index_cast %parallel_loop3A_282 : i32 to index
        %parallel_loop3A_331 = arith.constant 32 : index
        %parallel_loop3A_332 = tpu.vector_load %arg12[%parallel_loop3A_330, %parallel_loop3A_331] {strides = array<i32>} : memref<80x80xf32, #tpu.memory_space<vmem>>, vector<1x16xf32>,
        %parallel_loop3A_333 = vector.shape_cast %parallel_loop3A_332 : vector<1x16xf32> to vector<16xf32>
        %parallel_loop3A_334 = arith.mulf %parallel_loop3A_333, %parallel_loop3A_309 : vector<16xf32>
        %parallel_loop3A_335 = arith.index_cast %parallel_loop3A_282 : i32 to index
        %parallel_loop3A_336 = arith.constant 32 : index
        %parallel_loop3A_337 = tpu.vector_load %arg16[%parallel_loop3A_335, %parallel_loop3A_336] {strides = array<i32>} : memref<80x80xf32, #tpu.memory_space<vmem>>, vector<1x16xf32>,
        %parallel_loop3A_338 = vector.shape_cast %parallel_loop3A_337 : vector<1x16xf32> to vector<16xf32>
        %parallel_loop3A_339 = vector.shape_cast %parallel_loop3A_334 : vector<16xf32> to vector<1x16xf32>
        tpu.vector_store %arg16[%parallel_loop3A_335, %parallel_loop3A_336], %parallel_loop3A_339 {strides = array<i32>} : memref<80x80xf32, #tpu.memory_space<vmem>>, vector<1x16xf32>,
        %parallel_loop3A_340 = arith.index_cast %parallel_loop3A_282 : i32 to index
        %parallel_loop3A_341 = arith.constant 48 : index
        %parallel_loop3A_342 = tpu.vector_load %arg12[%parallel_loop3A_340, %parallel_loop3A_341] {strides = array<i32>} : memref<80x80xf32, #tpu.memory_space<vmem>>, vector<1x16xf32>,
        %parallel_loop3A_343 = vector.shape_cast %parallel_loop3A_342 : vector<1x16xf32> to vector<16xf32>
        %parallel_loop3A_344 = arith.mulf %parallel_loop3A_343, %parallel_loop3A_309 : vector<16xf32>
        %parallel_loop3A_345 = arith.index_cast %parallel_loop3A_282 : i32 to index
        %parallel_loop3A_346 = arith.constant 48 : index
        %parallel_loop3A_347 = tpu.vector_load %arg16[%parallel_loop3A_345, %parallel_loop3A_346] {strides = array<i32>} : memref<80x80xf32, #tpu.memory_space<vmem>>, vector<1x16xf32>,
        %parallel_loop3A_348 = vector.shape_cast %parallel_loop3A_347 : vector<1x16xf32> to vector<16xf32>
        %parallel_loop3A_349 = vector.shape_cast %parallel_loop3A_344 : vector<16xf32> to vector<1x16xf32>
        tpu.vector_store %arg16[%parallel_loop3A_345, %parallel_loop3A_346], %parallel_loop3A_349 {strides = array<i32>} : memref<80x80xf32, #tpu.memory_space<vmem>>, vector<1x16xf32>,
      } {sc.loop_unroll_factor = 8 : i64, sc.parallel_access}
      %add3A_268 = arith.constant 2 : i32
      %add3A_269 = arith.addi %add3A_250, %add3A_268 : i32
      %lt3A_270 = arith.constant 250 : i32
      %lt3A_271 = arith.cmpi slt, %add3A_269, %lt3A_270 : i32
      %convert_element_type3A_272 = arith.extui %lt3A_271 : i1 to i32
      %cond3A_273 = arith.constant 0 : i32
      %cond3A_274 = arith.cmpi ne, %convert_element_type3A_272, %cond3A_273 : i32
      scf.if %cond3A_274 {
        %get3A_282 = arith.index_cast %add3A_269 : i32 to index
        %get3A_283 = arith.constant 0 : index
        %get3A_284 = tpu.vector_load %arg7[%get3A_282, %get3A_283] {strides = array<i32>} : memref<250x80xi32, #tpu.memory_space<vmem>>, vector<1x16xi32>,
        %get3A_285 = vector.shape_cast %get3A_284 : vector<1x16xi32> to vector<16xi32>
        %mul3A_286 = arith.constant 2 : i32
        %mul3A_287 = vector.broadcast %mul3A_286 : i32 to vector<16xi32>
        %mul3A_288 = arith.muli %get3A_285, %mul3A_287 : vector<16xi32>
        %add3A_289 = vector.broadcast %arg0 : i32 to vector<16xi32>
        %add3A_290 = arith.addi %mul3A_288, %add3A_289 : vector<16xi32>
        %swap3A_291 = arith.constant 0 : index
        %swap3A_292 = tpu.vector_load %arg10[%swap3A_291] {strides = array<i32>} : memref<80xi32, #tpu.memory_space<vmem>>, vector<16xi32>,
        %swap3A_293 = vector.shape_cast %swap3A_292 : vector<16xi32> to vector<16xi32>
        %swap3A_294 = vector.shape_cast %add3A_290 : vector<16xi32> to vector<16xi32>
        tpu.vector_store %arg10[%swap3A_291], %swap3A_294 {strides = array<i32>} : memref<80xi32, #tpu.memory_space<vmem>>, vector<16xi32>,
        %get3A_295 = arith.index_cast %add3A_269 : i32 to index
        %get3A_296 = arith.constant 16 : index
        %get3A_297 = tpu.vector_load %arg7[%get3A_295, %get3A_296] {strides = array<i32>} : memref<250x80xi32, #tpu.memory_space<vmem>>, vector<1x16xi32>,
        %get3A_298 = vector.shape_cast %get3A_297 : vector<1x16xi32> to vector<16xi32>
        %mul3A_299 = arith.constant 2 : i32
        %mul3A_300 = vector.broadcast %mul3A_299 : i32 to vector<16xi32>
        %mul3A_301 = arith.muli %get3A_298, %mul3A_300 : vector<16xi32>
        %add3A_302 = vector.broadcast %arg0 : i32 to vector<16xi32>
        %add3A_303 = arith.addi %mul3A_301, %add3A_302 : vector<16xi32>
        %swap3A_304 = arith.constant 16 : index
        %swap3A_305 = tpu.vector_load %arg10[%swap3A_304] {strides = array<i32>} : memref<80xi32, #tpu.memory_space<vmem>>, vector<16xi32>,
        %swap3A_306 = vector.shape_cast %swap3A_305 : vector<16xi32> to vector<16xi32>
        %swap3A_307 = vector.shape_cast %add3A_303 : vector<16xi32> to vector<16xi32>
        tpu.vector_store %arg10[%swap3A_304], %swap3A_307 {strides = array<i32>} : memref<80xi32, #tpu.memory_space<vmem>>, vector<16xi32>,
        %get3A_308 = arith.index_cast %add3A_269 : i32 to index
        %get3A_309 = arith.constant 32 : index
        %get3A_310 = tpu.vector_load %arg7[%get3A_308, %get3A_309] {strides = array<i32>} : memref<250x80xi32, #tpu.memory_space<vmem>>, vector<1x16xi32>,
        %get3A_311 = vector.shape_cast %get3A_310 : vector<1x16xi32> to vector<16xi32>
        %mul3A_312 = arith.constant 2 : i32
        %mul3A_313 = vector.broadcast %mul3A_312 : i32 to vector<16xi32>
        %mul3A_314 = arith.muli %get3A_311, %mul3A_313 : vector<16xi32>
        %add3A_315 = vector.broadcast %arg0 : i32 to vector<16xi32>
        %add3A_316 = arith.addi %mul3A_314, %add3A_315 : vector<16xi32>
        %swap3A_317 = arith.constant 32 : index
        %swap3A_318 = tpu.vector_load %arg10[%swap3A_317] {strides = array<i32>} : memref<80xi32, #tpu.memory_space<vmem>>, vector<16xi32>,
        %swap3A_319 = vector.shape_cast %swap3A_318 : vector<16xi32> to vector<16xi32>
        %swap3A_320 = vector.shape_cast %add3A_316 : vector<16xi32> to vector<16xi32>
        tpu.vector_store %arg10[%swap3A_317], %swap3A_320 {strides = array<i32>} : memref<80xi32, #tpu.memory_space<vmem>>, vector<16xi32>,
        %get3A_321 = arith.index_cast %add3A_269 : i32 to index
        %get3A_322 = arith.constant 48 : index
        %get3A_323 = tpu.vector_load %arg7[%get3A_321, %get3A_322] {strides = array<i32>} : memref<250x80xi32, #tpu.memory_space<vmem>>, vector<1x16xi32>,
        %get3A_324 = vector.shape_cast %get3A_323 : vector<1x16xi32> to vector<16xi32>
        %mul3A_325 = arith.constant 2 : i32
        %mul3A_326 = vector.broadcast %mul3A_325 : i32 to vector<16xi32>
        %mul3A_327 = arith.muli %get3A_324, %mul3A_326 : vector<16xi32>
        %add3A_328 = vector.broadcast %arg0 : i32 to vector<16xi32>
        %add3A_329 = arith.addi %mul3A_327, %add3A_328 : vector<16xi32>
        %swap3A_330 = arith.constant 48 : index
        %swap3A_331 = tpu.vector_load %arg10[%swap3A_330] {strides = array<i32>} : memref<80xi32, #tpu.memory_space<vmem>>, vector<16xi32>,
        %swap3A_332 = vector.shape_cast %swap3A_331 : vector<16xi32> to vector<16xi32>
        %swap3A_333 = vector.shape_cast %add3A_329 : vector<16xi32> to vector<16xi32>
        tpu.vector_store %arg10[%swap3A_330], %swap3A_333 {strides = array<i32>} : memref<80xi32, #tpu.memory_space<vmem>>, vector<16xi32>,
        %get3A_334 = arith.index_cast %add3A_269 : i32 to index
        %get3A_335 = arith.constant 64 : index
        %get3A_336 = tpu.vector_load %arg7[%get3A_334, %get3A_335] {strides = array<i32>} : memref<250x80xi32, #tpu.memory_space<vmem>>, vector<1x16xi32>,
        %get3A_337 = vector.shape_cast %get3A_336 : vector<1x16xi32> to vector<16xi32>
        %mul3A_338 = arith.constant 2 : i32
        %mul3A_339 = vector.broadcast %mul3A_338 : i32 to vector<16xi32>
        %mul3A_340 = arith.muli %get3A_337, %mul3A_339 : vector<16xi32>
        %add3A_341 = vector.broadcast %arg0 : i32 to vector<16xi32>
        %add3A_342 = arith.addi %mul3A_340, %add3A_341 : vector<16xi32>
        %swap3A_343 = arith.constant 64 : index
        %swap3A_344 = tpu.vector_load %arg10[%swap3A_343] {strides = array<i32>} : memref<80xi32, #tpu.memory_space<vmem>>, vector<16xi32>,
        %swap3A_345 = vector.shape_cast %swap3A_344 : vector<16xi32> to vector<16xi32>
        %swap3A_346 = vector.shape_cast %add3A_342 : vector<16xi32> to vector<16xi32>
        tpu.vector_store %arg10[%swap3A_343], %swap3A_346 {strides = array<i32>} : memref<80xi32, #tpu.memory_space<vmem>>, vector<16xi32>,
        %dma_start3A_347 = arith.constant 0 : i32
        %dma_start3A_348 = arith.constant 0 : i32
        %dma_start3A_349 = tpu.memref_slice %arg3[%dma_start3A_347, %dma_start3A_348] : memref<20000x80xf32, #tpu.memory_space<hbm>> -> memref<20000x80xf32, #tpu.memory_space<hbm>>
        tpu.enqueue_indirect_dma source(%dma_start3A_349 : memref<20000x80xf32, #tpu.memory_space<hbm>>) target(%arg12 : memref<80x80xf32, #tpu.memory_space<vmem>>) offsets(%arg10 : memref<80xi32, #tpu.memory_space<vmem>>) semaphore(%arg20 : memref<!tpu.dma_semaphore, #tpu.memory_space<semaphore_mem>>)
        %dma_start3A_350 = arith.constant 0 : i32
        %dma_start3A_351 = tpu.memref_slice %arg8[%add3A_269, %dma_start3A_350] : memref<250x80xi32, #tpu.memory_space<vmem>> -> memref<1x80xi32, #tpu.memory_space<vmem>>
        %dma_start3A_352 = tpu.memref_squeeze %dma_start3A_351 : memref<1x80xi32, #tpu.memory_space<vmem>> -> memref<80xi32, #tpu.memory_space<vmem>>
        %dma_start3A_353 = arith.constant 0 : i32
        %dma_start3A_354 = arith.constant 0 : i32
        %dma_start3A_355 = tpu.memref_slice %arg4[%dma_start3A_353, %dma_start3A_354] : memref<10000x16xf32, #tpu.memory_space<hbm>> -> memref<10000x16xf32, #tpu.memory_space<hbm>>
        tpu.enqueue_indirect_dma source(%dma_start3A_355 : memref<10000x16xf32, #tpu.memory_space<hbm>>) target(%arg14 : memref<80x16xf32, #tpu.memory_space<vmem>>) offsets(%dma_start3A_352 : memref<80xi32, #tpu.memory_space<vmem>>) semaphore(%arg22 : memref<!tpu.dma_semaphore, #tpu.memory_space<semaphore_mem>>)
      } else {
      }
      %dma_start3A_275 = arith.constant 0 : i32
      %dma_start3A_276 = tpu.memref_slice %arg8[%add3A_250, %dma_start3A_275] : memref<250x80xi32, #tpu.memory_space<vmem>> -> memref<1x80xi32, #tpu.memory_space<vmem>>
      %dma_start3A_277 = tpu.memref_squeeze %dma_start3A_276 : memref<1x80xi32, #tpu.memory_space<vmem>> -> memref<80xi32, #tpu.memory_space<vmem>>
      %dma_start3A_278 = arith.constant 0 : i32
      %dma_start3A_279 = arith.constant 0 : i32
      %dma_start3A_280 = tpu.memref_slice %arg18[%dma_start3A_278, %dma_start3A_279] : memref<10000x80xf32, #tpu.memory_space<vmem_shared>> -> memref<10000x80xf32, #tpu.memory_space<vmem_shared>>
      tpu.enqueue_indirect_dma source(%arg16 : memref<80x80xf32, #tpu.memory_space<vmem>>) target(%dma_start3A_280 : memref<10000x80xf32, #tpu.memory_space<vmem_shared>>) offsets(%dma_start3A_277 : memref<80xi32, #tpu.memory_space<vmem>>) semaphore(%arg24 : memref<!tpu.dma_semaphore, #tpu.memory_space<semaphore_mem>>) {add = true}
      %scan3A_281 = arith.constant 0 : i32
      scf.yield %scan3A_281 : i32
    }
    %scan3A_194 = arith.constant 125 : i32
    %dma_wait3A = arith.constant 0 : i32
    %dma_wait3A_195 = arith.constant 0 : i32
    %dma_wait3A_196 = tpu.memref_slice %arg8[%dma_wait3A, %dma_wait3A_195] : memref<250x80xi32, #tpu.memory_space<vmem>> -> memref<1x80xi32, #tpu.memory_space<vmem>>
    %dma_wait3A_197 = tpu.memref_squeeze %dma_wait3A_196 : memref<1x80xi32, #tpu.memory_space<vmem>> -> memref<80xi32, #tpu.memory_space<vmem>>
    %dma_wait3A_198 = arith.constant 0 : i32
    %dma_wait3A_199 = arith.constant 0 : i32
    %dma_wait3A_200 = tpu.memref_slice %arg18[%dma_wait3A_198, %dma_wait3A_199] : memref<10000x80xf32, #tpu.memory_space<vmem_shared>> -> memref<10000x80xf32, #tpu.memory_space<vmem_shared>>
    tpu.wait_indirect_dma semaphore(%arg23 : memref<!tpu.dma_semaphore, #tpu.memory_space<semaphore_mem>>) src(%arg15 : memref<80x80xf32, #tpu.memory_space<vmem>>) dst(%dma_wait3A_200 : memref<10000x80xf32, #tpu.memory_space<vmem_shared>>)
    %dma_wait3A_201 = arith.constant 1 : i32
    %dma_wait3A_202 = arith.constant 0 : i32
    %dma_wait3A_203 = tpu.memref_slice %arg8[%dma_wait3A_201, %dma_wait3A_202] : memref<250x80xi32, #tpu.memory_space<vmem>> -> memref<1x80xi32, #tpu.memory_space<vmem>>
    %dma_wait3A_204 = tpu.memref_squeeze %dma_wait3A_203 : memref<1x80xi32, #tpu.memory_space<vmem>> -> memref<80xi32, #tpu.memory_space<vmem>>
    %dma_wait3A_205 = arith.constant 0 : i32
    %dma_wait3A_206 = arith.constant 0 : i32
    %dma_wait3A_207 = tpu.memref_slice %arg18[%dma_wait3A_205, %dma_wait3A_206] : memref<10000x80xf32, #tpu.memory_space<vmem_shared>> -> memref<10000x80xf32, #tpu.memory_space<vmem_shared>>
    tpu.wait_indirect_dma semaphore(%arg24 : memref<!tpu.dma_semaphore, #tpu.memory_space<semaphore_mem>>) src(%arg16 : memref<80x80xf32, #tpu.memory_space<vmem>>) dst(%dma_wait3A_207 : memref<10000x80xf32, #tpu.memory_space<vmem_shared>>)
    %barrier3A_208 = arith.constant 0 : index
    tpu.barrier barrier_id(%barrier3A_208)
    "tpu.region"() ({
      %run_scoped3A_214 = tpu.sem_alloc : memref<!tpu.dma_semaphore, #tpu.memory_space<semaphore_mem>>
      %dma_start3A_215 = arith.constant 0 : i32
      %dma_start3A_216 = tpu.memref_slice %arg6[%arg0, %mul3A_0, %dma_start3A_215] : memref<2x10000x80xf32, #tpu.memory_space<hbm>> -> memref<1x624x80xf32, #tpu.memory_space<hbm>>
      %dma_start3A_217 = tpu.memref_squeeze %dma_start3A_216 : memref<1x624x80xf32, #tpu.memory_space<hbm>> -> memref<624x80xf32, #tpu.memory_space<hbm>>
      %dma_start3A_218 = arith.constant 0 : i32
      %dma_start3A_219 = tpu.memref_slice %arg18[%mul3A_0, %dma_start3A_218] : memref<10000x80xf32, #tpu.memory_space<vmem_shared>> -> memref<624x80xf32, #tpu.memory_space<vmem_shared>>
      tpu.enqueue_dma source(%dma_start3A_219 : memref<624x80xf32, #tpu.memory_space<vmem_shared>>) target(%dma_start3A_217 : memref<624x80xf32, #tpu.memory_space<hbm>>) target_semaphore(%run_scoped3A_214 : memref<!tpu.dma_semaphore, #tpu.memory_space<semaphore_mem>>)
      %dma_wait3A_220 = arith.constant 0 : i32
      %dma_wait3A_221 = tpu.memref_slice %arg6[%arg0, %mul3A_0, %dma_wait3A_220] : memref<2x10000x80xf32, #tpu.memory_space<hbm>> -> memref<1x624x80xf32, #tpu.memory_space<hbm>>
      %dma_wait3A_222 = tpu.memref_squeeze %dma_wait3A_221 : memref<1x624x80xf32, #tpu.memory_space<hbm>> -> memref<624x80xf32, #tpu.memory_space<hbm>>
      %dma_wait3A_223 = arith.constant 0 : i32
      %dma_wait3A_224 = tpu.memref_slice %arg18[%mul3A_0, %dma_wait3A_223] : memref<10000x80xf32, #tpu.memory_space<vmem_shared>> -> memref<624x80xf32, #tpu.memory_space<vmem_shared>>
      tpu.wait_dma2 semaphore(%run_scoped3A_214 : memref<!tpu.dma_semaphore, #tpu.memory_space<semaphore_mem>>) src(%dma_wait3A_224 : memref<624x80xf32, #tpu.memory_space<vmem_shared>>) dst(%dma_wait3A_222 : memref<624x80xf32, #tpu.memory_space<hbm>>)
      tpu.yield
    }) : () -> ()
    %eq3A_209 = arith.constant 0 : i32
    %eq3A_210 = arith.cmpi eq, %arg1, %eq3A_209 : i32
    %convert_element_type3A_211 = arith.extui %eq3A_210 : i1 to i32
    %cond3A_212 = arith.constant 0 : i32
    %cond3A_213 = arith.cmpi ne, %convert_element_type3A_211, %cond3A_212 : i32
    scf.if %cond3A_213 {
      "tpu.region"() ({
        %run_scoped3A_214 = tpu.sem_alloc : memref<!tpu.dma_semaphore, #tpu.memory_space<semaphore_mem>>
        %dma_start3A_215 = arith.constant 9984 : i32
        %dma_start3A_216 = arith.constant 0 : i32
        %dma_start3A_217 = tpu.memref_slice %arg6[%arg0, %dma_start3A_215, %dma_start3A_216] : memref<2x10000x80xf32, #tpu.memory_space<hbm>> -> memref<1x16x80xf32, #tpu.memory_space<hbm>>
        %dma_start3A_218 = tpu.memref_squeeze %dma_start3A_217 : memref<1x16x80xf32, #tpu.memory_space<hbm>> -> memref<16x80xf32, #tpu.memory_space<hbm>>
        %dma_start3A_219 = arith.constant 9984 : i32
        %dma_start3A_220 = arith.constant 0 : i32
        %dma_start3A_221 = tpu.memref_slice %arg18[%dma_start3A_219, %dma_start3A_220] : memref<10000x80xf32, #tpu.memory_space<vmem_shared>> -> memref<16x80xf32, #tpu.memory_space<vmem_shared>>
        tpu.enqueue_dma source(%dma_start3A_221 : memref<16x80xf32, #tpu.memory_space<vmem_shared>>) target(%dma_start3A_218 : memref<16x80xf32, #tpu.memory_space<hbm>>) target_semaphore(%run_scoped3A_214 : memref<!tpu.dma_semaphore, #tpu.memory_space<semaphore_mem>>)
        %dma_wait3A_222 = arith.constant 9984 : i32
        %dma_wait3A_223 = arith.constant 0 : i32
        %dma_wait3A_224 = tpu.memref_slice %arg6[%arg0, %dma_wait3A_222, %dma_wait3A_223] : memref<2x10000x80xf32, #tpu.memory_space<hbm>> -> memref<1x16x80xf32, #tpu.memory_space<hbm>>
        %dma_wait3A_225 = tpu.memref_squeeze %dma_wait3A_224 : memref<1x16x80xf32, #tpu.memory_space<hbm>> -> memref<16x80xf32, #tpu.memory_space<hbm>>
        %dma_wait3A_226 = arith.constant 9984 : i32
        %dma_wait3A_227 = arith.constant 0 : i32
        %dma_wait3A_228 = tpu.memref_slice %arg18[%dma_wait3A_226, %dma_wait3A_227] : memref<10000x80xf32, #tpu.memory_space<vmem_shared>> -> memref<16x80xf32, #tpu.memory_space<vmem_shared>>
        tpu.wait_dma2 semaphore(%run_scoped3A_214 : memref<!tpu.dma_semaphore, #tpu.memory_space<semaphore_mem>>) src(%dma_wait3A_228 : memref<16x80xf32, #tpu.memory_space<vmem_shared>>) dst(%dma_wait3A_225 : memref<16x80xf32, #tpu.memory_space<hbm>>)
        tpu.yield
      }) : () -> ()
    } else {
    }
    return
  }
}

module attributes {stable_mosaic.version = 14 : i64} {
  func.func @_prep_body(%arg0: memref<10000x128xf32, #tpu.memory_space<vmem>>, %arg1: memref<128x128xf32, #tpu.memory_space<vmem>>, %arg2: memref<128x16xf32, #tpu.memory_space<vmem>>, %arg3: memref<128x16xf32, #tpu.memory_space<vmem>>, %arg4: memref<10000x2x80xf32, #tpu.memory_space<vmem>>, %arg5: memref<10000x16xf32, #tpu.memory_space<vmem>>, %arg6: memref<1x128xf32, #tpu.memory_space<vmem>>) attributes {dimension_semantics = [], scalar_prefetch = 0 : i64, scratch_operands = 0 : i64, tpu.core_type = #tpu.core_type<tc>} {
    %get3A = arith.constant 0 : index
    %get3A_0 = arith.constant 0 : index
    %get3A_1 = vector.load %arg0[%get3A, %get3A_0] : memref<10000x128xf32, #tpu.memory_space<vmem>>, vector<10000x128xf32>
    %get3A_2 = arith.constant 0 : index
    %get3A_3 = arith.constant 0 : index
    %get3A_4 = vector.load %arg1[%get3A_2, %get3A_3] : memref<128x128xf32, #tpu.memory_space<vmem>>, vector<128x128xf32>
    %dot_general3A = arith.constant dense<0.000000e+00> : vector<10000x128xf32>
    %dot_general3A_5 = tpu.matmul %get3A_1, %get3A_4, %dot_general3A {dimension_numbers = #tpu.dot_dimension_numbers<[1], [0], [0], [1], [0, 0, 1, 1], [], []>, transpose_lhs_hint = false} : vector<10000x128xf32>, vector<128x128xf32>, vector<10000x128xf32> -> vector<10000x128xf32>
    %get3A_6 = arith.constant 0 : index
    %get3A_7 = arith.constant 0 : index
    %get3A_8 = vector.load %arg2[%get3A_6, %get3A_7] : memref<128x16xf32, #tpu.memory_space<vmem>>, vector<128x16xf32>
    %dot_general3A_9 = arith.constant dense<0.000000e+00> : vector<10000x16xf32>
    %dot_general3A_10 = tpu.matmul %get3A_1, %get3A_8, %dot_general3A_9 {dimension_numbers = #tpu.dot_dimension_numbers<[1], [0], [0], [1], [0, 0, 1, 1], [], []>, transpose_lhs_hint = false} : vector<10000x128xf32>, vector<128x16xf32>, vector<10000x16xf32> -> vector<10000x16xf32>
    %get3A_11 = arith.constant 0 : index
    %get3A_12 = arith.constant 0 : index
    %get3A_13 = vector.load %arg3[%get3A_11, %get3A_12] : memref<128x16xf32, #tpu.memory_space<vmem>>, vector<128x16xf32>
    %dot_general3A_14 = arith.constant dense<0.000000e+00> : vector<10000x16xf32>
    %dot_general3A_15 = tpu.matmul %get3A_1, %get3A_13, %dot_general3A_14 {dimension_numbers = #tpu.dot_dimension_numbers<[1], [0], [0], [1], [0, 0, 1, 1], [], []>, transpose_lhs_hint = false} : vector<10000x128xf32>, vector<128x16xf32>, vector<10000x16xf32> -> vector<10000x16xf32>
    %reshape3A = vector.shape_cast %dot_general3A_5 : vector<10000x128xf32> to vector<10000x2x64xf32>
    %broadcast_in_dim3A = vector.shape_cast %dot_general3A_10 : vector<10000x16xf32> to vector<10000x1x16xf32>
    %broadcast_in_dim3A_16 = vector.shape_cast %broadcast_in_dim3A : vector<10000x1x16xf32> to vector<10000x1x16xf32>
    %broadcast_in_dim3A_17 = vector.broadcast %broadcast_in_dim3A_16 : vector<10000x1x16xf32> to vector<10000x2x16xf32>
    %concatenate3A = tpu.concatenate %reshape3A, %broadcast_in_dim3A_17 in 2 : vector<10000x2x64xf32>, vector<10000x2x16xf32> -> vector<10000x2x80xf32>
    %swap3A = arith.constant 0 : index
    %swap3A_18 = arith.constant 0 : index
    %swap3A_19 = arith.constant 0 : index
    %swap3A_20 = vector.load %arg4[%swap3A, %swap3A_18, %swap3A_19] : memref<10000x2x80xf32, #tpu.memory_space<vmem>>, vector<10000x2x80xf32>
    tpu.vector_store %arg4[%swap3A, %swap3A_18, %swap3A_19], %concatenate3A {strides = array<i32>} : memref<10000x2x80xf32, #tpu.memory_space<vmem>>, vector<10000x2x80xf32>,
    %swap3A_21 = arith.constant 0 : index
    %swap3A_22 = arith.constant 0 : index
    %swap3A_23 = vector.load %arg5[%swap3A_21, %swap3A_22] : memref<10000x16xf32, #tpu.memory_space<vmem>>, vector<10000x16xf32>
    tpu.vector_store %arg5[%swap3A_21, %swap3A_22], %dot_general3A_15 {strides = array<i32>} : memref<10000x16xf32, #tpu.memory_space<vmem>>, vector<10000x16xf32>,
    %iota3A = tpu.iota {dimensions = array<i32: 1>} : vector<10000x16xi32>
    %iota3A_24 = tpu.iota {dimensions = array<i32: 1>} : vector<10000x16xi32>
    %lt3A = arith.constant 8 : i32
    %lt3A_25 = vector.broadcast %lt3A : i32 to vector<10000x16xi32>
    %lt3A_26 = arith.cmpi slt, %iota3A, %lt3A_25 : vector<10000x16xi32>
    %jit3A = arith.constant 0xFF800000 : f32
    %broadcast_in_dim3A_27 = vector.broadcast %jit3A : f32 to vector<10000x16xf32>
    %select_n3A = arith.select %lt3A_26, %dot_general3A_10, %broadcast_in_dim3A_27 : vector<10000x16xi1>, vector<10000x16xf32>
    %reduce_max3A = vector.shape_cast %select_n3A : vector<10000x16xf32> to vector<1x10000x16xf32>
    %reduce_max3A_28 = arith.constant dense<0xFF800000> : vector<1xf32>
    %reduce_max3A_29 = vector.multi_reduction <maximumf>, %reduce_max3A, %reduce_max3A_28 [1, 2] : vector<1x10000x16xf32> to vector<1xf32>
    %reduce_max3A_30 = vector.shape_cast %reduce_max3A_29 : vector<1xf32> to vector<1x1x1xf32>
    %reduce_max3A_31 = vector.extract %reduce_max3A_30[0, 0, 0] : f32 from vector<1x1x1xf32>
    %lt3A_32 = arith.constant 8 : i32
    %lt3A_33 = vector.broadcast %lt3A_32 : i32 to vector<10000x16xi32>
    %lt3A_34 = arith.cmpi slt, %iota3A_24, %lt3A_33 : vector<10000x16xi32>
    %jit3A_35 = arith.constant 0xFF800000 : f32
    %broadcast_in_dim3A_36 = vector.broadcast %jit3A_35 : f32 to vector<10000x16xf32>
    %select_n3A_37 = arith.select %lt3A_34, %dot_general3A_15, %broadcast_in_dim3A_36 : vector<10000x16xi1>, vector<10000x16xf32>
    %reduce_max3A_38 = vector.shape_cast %select_n3A_37 : vector<10000x16xf32> to vector<1x10000x16xf32>
    %reduce_max3A_39 = arith.constant dense<0xFF800000> : vector<1xf32>
    %reduce_max3A_40 = vector.multi_reduction <maximumf>, %reduce_max3A_38, %reduce_max3A_39 [1, 2] : vector<1x10000x16xf32> to vector<1xf32>
    %reduce_max3A_41 = vector.shape_cast %reduce_max3A_40 : vector<1xf32> to vector<1x1x1xf32>
    %reduce_max3A_42 = vector.extract %reduce_max3A_41[0, 0, 0] : f32 from vector<1x1x1xf32>
    %add3A = arith.addf %reduce_max3A_31, %reduce_max3A_42 : f32
    %max3A = arith.constant 0.000000e+00 : f32
    %max3A_43 = arith.maximumf %add3A, %max3A : f32
    %broadcast_in_dim3A_44 = vector.broadcast %max3A_43 : f32 to vector<1x128xf32>
    %swap3A_45 = arith.constant 0 : index
    %swap3A_46 = arith.constant 0 : index
    %swap3A_47 = vector.load %arg6[%swap3A_45, %swap3A_46] : memref<1x128xf32, #tpu.memory_space<vmem>>, vector<1x128xf32>
    tpu.vector_store %arg6[%swap3A_45, %swap3A_46], %broadcast_in_dim3A_44 {strides = array<i32>} : memref<1x128xf32, #tpu.memory_space<vmem>>, vector<1x128xf32>,
    return
  }
}

module attributes {stable_mosaic.version = 14 : i64} {
  func.func @_mid_body(%arg0: memref<2x10000x80xf32, #tpu.memory_space<vmem>>, %arg1: memref<1x128xf32, #tpu.memory_space<vmem>>, %arg2: memref<128x128xf32, #tpu.memory_space<vmem>>, %arg3: memref<128x16xf32, #tpu.memory_space<vmem>>, %arg4: memref<128x16xf32, #tpu.memory_space<vmem>>, %arg5: memref<10000x2x80xf32, #tpu.memory_space<vmem>>, %arg6: memref<10000x16xf32, #tpu.memory_space<vmem>>, %arg7: memref<1x128xf32, #tpu.memory_space<vmem>>) attributes {dimension_semantics = [], scalar_prefetch = 0 : i64, scratch_operands = 0 : i64, tpu.core_type = #tpu.core_type<tc>} {
    %get3A = arith.constant 0 : index
    %get3A_0 = arith.constant 0 : index
    %get3A_1 = arith.constant 0 : index
    %get3A_2 = vector.load %arg0[%get3A, %get3A_0, %get3A_1] : memref<2x10000x80xf32, #tpu.memory_space<vmem>>, vector<1x10000x64xf32>
    %get3A_3 = vector.shape_cast %get3A_2 : vector<1x10000x64xf32> to vector<10000x64xf32>
    %get3A_4 = arith.constant 1 : index
    %get3A_5 = arith.constant 0 : index
    %get3A_6 = arith.constant 0 : index
    %get3A_7 = vector.load %arg0[%get3A_4, %get3A_5, %get3A_6] : memref<2x10000x80xf32, #tpu.memory_space<vmem>>, vector<1x10000x64xf32>
    %get3A_8 = vector.shape_cast %get3A_7 : vector<1x10000x64xf32> to vector<10000x64xf32>
    %concatenate3A = tpu.concatenate %get3A_3, %get3A_8 in 1 : vector<10000x64xf32>, vector<10000x64xf32> -> vector<10000x128xf32>
    %get3A_9 = arith.constant 0 : index
    %get3A_10 = arith.constant 0 : index
    %get3A_11 = arith.constant 64 : index
    %get3A_12 = vector.load %arg0[%get3A_9, %get3A_10, %get3A_11] : memref<2x10000x80xf32, #tpu.memory_space<vmem>>, vector<1x10000x16xf32>
    %get3A_13 = vector.shape_cast %get3A_12 : vector<1x10000x16xf32> to vector<10000x16xf32>
    %iota3A = tpu.iota {dimensions = array<i32: 0>} : vector<16x128xi32>
    %iota3A_14 = tpu.iota {dimensions = array<i32: 1>} : vector<16x128xi32>
    %jit3A = arith.constant 16 : i32
    %div3A = vector.broadcast %jit3A : i32 to vector<16x128xi32>
    %div3A_15 = arith.divsi %iota3A_14, %div3A : vector<16x128xi32>
    %sign3A = arith.constant 0 : i32
    %sign3A_16 = vector.broadcast %sign3A : i32 to vector<16x128xi32>
    %sign3A_17 = arith.cmpi sgt, %iota3A_14, %sign3A_16 : vector<16x128xi32>
    %sign3A_18 = arith.extui %sign3A_17 : vector<16x128xi1> to vector<16x128xi32>
    %sign3A_19 = arith.constant 0 : i32
    %sign3A_20 = vector.broadcast %sign3A_19 : i32 to vector<16x128xi32>
    %sign3A_21 = arith.cmpi slt, %iota3A_14, %sign3A_20 : vector<16x128xi32>
    %sign3A_22 = arith.extui %sign3A_21 : vector<16x128xi1> to vector<16x128xi32>
    %sign3A_23 = arith.subi %sign3A_18, %sign3A_22 : vector<16x128xi32>
    %sign3A_24 = arith.constant 0 : i32
    %sign3A_25 = arith.cmpi sgt, %jit3A, %sign3A_24 : i32
    %sign3A_26 = arith.extui %sign3A_25 : i1 to i32
    %sign3A_27 = arith.constant 0 : i32
    %sign3A_28 = arith.cmpi slt, %jit3A, %sign3A_27 : i32
    %sign3A_29 = arith.extui %sign3A_28 : i1 to i32
    %sign3A_30 = arith.subi %sign3A_26, %sign3A_29 : i32
    %ne3A = vector.broadcast %sign3A_30 : i32 to vector<16x128xi32>
    %ne3A_31 = arith.cmpi ne, %sign3A_23, %ne3A : vector<16x128xi32>
    %rem3A = vector.broadcast %jit3A : i32 to vector<16x128xi32>
    %rem3A_32 = arith.remsi %iota3A_14, %rem3A : vector<16x128xi32>
    %ne3A_33 = arith.constant 0 : i32
    %ne3A_34 = vector.broadcast %ne3A_33 : i32 to vector<16x128xi32>
    %ne3A_35 = arith.cmpi ne, %rem3A_32, %ne3A_34 : vector<16x128xi32>
    %and3A = arith.andi %ne3A_31, %ne3A_35 : vector<16x128xi1>
    %sub3A = arith.constant 1 : i32
    %sub3A_36 = vector.broadcast %sub3A : i32 to vector<16x128xi32>
    %sub3A_37 = arith.subi %div3A_15, %sub3A_36 : vector<16x128xi32>
    %select_n3A = arith.select %and3A, %sub3A_37, %div3A_15 : vector<16x128xi1>, vector<16x128xi32>
    %eq3A = arith.cmpi eq, %iota3A, %select_n3A : vector<16x128xi32>
    %convert_element_type3A = arith.extui %eq3A : vector<16x128xi1> to vector<16x128xi32>
    %convert_element_type3A_38 = arith.sitofp %convert_element_type3A : vector<16x128xi32> to vector<16x128xf32>
    %dot_general3A = arith.constant dense<0.000000e+00> : vector<10000x128xf32>
    %dot_general3A_39 = tpu.matmul %get3A_13, %convert_element_type3A_38, %dot_general3A {dimension_numbers = #tpu.dot_dimension_numbers<[1], [0], [0], [1], [0, 0, 1, 1], [], []>, transpose_lhs_hint = false} : vector<10000x16xf32>, vector<16x128xf32>, vector<10000x128xf32> -> vector<10000x128xf32>
    %add3A = arith.constant 1.000000e-16 : f32
    %add3A_40 = vector.broadcast %add3A : f32 to vector<10000x128xf32>
    %add3A_41 = arith.addf %dot_general3A_39, %add3A_40 : vector<10000x128xf32>
    %div3A_42 = arith.divf %concatenate3A, %add3A_41 : vector<10000x128xf32>
    %get3A_43 = arith.constant 0 : index
    %get3A_44 = arith.constant 0 : index
    %get3A_45 = vector.load %arg1[%get3A_43, %get3A_44] : memref<1x128xf32, #tpu.memory_space<vmem>>, vector<1x128xf32>
    %add3A_46 = vector.broadcast %get3A_45 : vector<1x128xf32> to vector<10000x128xf32>
    %add3A_47 = arith.addf %div3A_42, %add3A_46 : vector<10000x128xf32>
    %gt3A = arith.constant 0.000000e+00 : f32
    %gt3A_48 = vector.broadcast %gt3A : f32 to vector<10000x128xf32>
    %gt3A_49 = arith.cmpf ogt, %add3A_47, %gt3A_48 : vector<10000x128xf32>
    %exp3A = math.exp %add3A_47 : vector<10000x128xf32>
    %sub3A_50 = arith.constant 1.000000e+00 : f32
    %sub3A_51 = vector.broadcast %sub3A_50 : f32 to vector<10000x128xf32>
    %sub3A_52 = arith.subf %exp3A, %sub3A_51 : vector<10000x128xf32>
    %select_n3A_53 = arith.select %gt3A_49, %add3A_47, %sub3A_52 : vector<10000x128xi1>, vector<10000x128xf32>
    %get3A_54 = arith.constant 0 : index
    %get3A_55 = arith.constant 0 : index
    %get3A_56 = vector.load %arg2[%get3A_54, %get3A_55] : memref<128x128xf32, #tpu.memory_space<vmem>>, vector<128x128xf32>
    %dot_general3A_57 = arith.constant dense<0.000000e+00> : vector<10000x128xf32>
    %dot_general3A_58 = tpu.matmul %select_n3A_53, %get3A_56, %dot_general3A_57 {dimension_numbers = #tpu.dot_dimension_numbers<[1], [0], [0], [1], [0, 0, 1, 1], [], []>, transpose_lhs_hint = false} : vector<10000x128xf32>, vector<128x128xf32>, vector<10000x128xf32> -> vector<10000x128xf32>
    %get3A_59 = arith.constant 0 : index
    %get3A_60 = arith.constant 0 : index
    %get3A_61 = vector.load %arg3[%get3A_59, %get3A_60] : memref<128x16xf32, #tpu.memory_space<vmem>>, vector<128x16xf32>
    %dot_general3A_62 = arith.constant dense<0.000000e+00> : vector<10000x16xf32>
    %dot_general3A_63 = tpu.matmul %select_n3A_53, %get3A_61, %dot_general3A_62 {dimension_numbers = #tpu.dot_dimension_numbers<[1], [0], [0], [1], [0, 0, 1, 1], [], []>, transpose_lhs_hint = false} : vector<10000x128xf32>, vector<128x16xf32>, vector<10000x16xf32> -> vector<10000x16xf32>
    %get3A_64 = arith.constant 0 : index
    %get3A_65 = arith.constant 0 : index
    %get3A_66 = vector.load %arg4[%get3A_64, %get3A_65] : memref<128x16xf32, #tpu.memory_space<vmem>>, vector<128x16xf32>
    %dot_general3A_67 = arith.constant dense<0.000000e+00> : vector<10000x16xf32>
    %dot_general3A_68 = tpu.matmul %select_n3A_53, %get3A_66, %dot_general3A_67 {dimension_numbers = #tpu.dot_dimension_numbers<[1], [0], [0], [1], [0, 0, 1, 1], [], []>, transpose_lhs_hint = false} : vector<10000x128xf32>, vector<128x16xf32>, vector<10000x16xf32> -> vector<10000x16xf32>
    %reshape3A = vector.shape_cast %dot_general3A_58 : vector<10000x128xf32> to vector<10000x2x64xf32>
    %broadcast_in_dim3A = vector.shape_cast %dot_general3A_63 : vector<10000x16xf32> to vector<10000x1x16xf32>
    %broadcast_in_dim3A_69 = vector.shape_cast %broadcast_in_dim3A : vector<10000x1x16xf32> to vector<10000x1x16xf32>
    %broadcast_in_dim3A_70 = vector.broadcast %broadcast_in_dim3A_69 : vector<10000x1x16xf32> to vector<10000x2x16xf32>
    %concatenate3A_71 = tpu.concatenate %reshape3A, %broadcast_in_dim3A_70 in 2 : vector<10000x2x64xf32>, vector<10000x2x16xf32> -> vector<10000x2x80xf32>
    %swap3A = arith.constant 0 : index
    %swap3A_72 = arith.constant 0 : index
    %swap3A_73 = arith.constant 0 : index
    %swap3A_74 = vector.load %arg5[%swap3A, %swap3A_72, %swap3A_73] : memref<10000x2x80xf32, #tpu.memory_space<vmem>>, vector<10000x2x80xf32>
    tpu.vector_store %arg5[%swap3A, %swap3A_72, %swap3A_73], %concatenate3A_71 {strides = array<i32>} : memref<10000x2x80xf32, #tpu.memory_space<vmem>>, vector<10000x2x80xf32>,
    %swap3A_75 = arith.constant 0 : index
    %swap3A_76 = arith.constant 0 : index
    %swap3A_77 = vector.load %arg6[%swap3A_75, %swap3A_76] : memref<10000x16xf32, #tpu.memory_space<vmem>>, vector<10000x16xf32>
    tpu.vector_store %arg6[%swap3A_75, %swap3A_76], %dot_general3A_68 {strides = array<i32>} : memref<10000x16xf32, #tpu.memory_space<vmem>>, vector<10000x16xf32>,
    %iota3A_78 = tpu.iota {dimensions = array<i32: 1>} : vector<10000x16xi32>
    %iota3A_79 = tpu.iota {dimensions = array<i32: 1>} : vector<10000x16xi32>
    %lt3A = arith.constant 1 : i32
    %lt3A_80 = vector.broadcast %lt3A : i32 to vector<10000x16xi32>
    %lt3A_81 = arith.cmpi slt, %iota3A_78, %lt3A_80 : vector<10000x16xi32>
    %jit3A_82 = arith.constant 0xFF800000 : f32
    %broadcast_in_dim3A_83 = vector.broadcast %jit3A_82 : f32 to vector<10000x16xf32>
    %select_n3A_84 = arith.select %lt3A_81, %dot_general3A_63, %broadcast_in_dim3A_83 : vector<10000x16xi1>, vector<10000x16xf32>
    %reduce_max3A = vector.shape_cast %select_n3A_84 : vector<10000x16xf32> to vector<1x10000x16xf32>
    %reduce_max3A_85 = arith.constant dense<0xFF800000> : vector<1xf32>
    %reduce_max3A_86 = vector.multi_reduction <maximumf>, %reduce_max3A, %reduce_max3A_85 [1, 2] : vector<1x10000x16xf32> to vector<1xf32>
    %reduce_max3A_87 = vector.shape_cast %reduce_max3A_86 : vector<1xf32> to vector<1x1x1xf32>
    %reduce_max3A_88 = vector.extract %reduce_max3A_87[0, 0, 0] : f32 from vector<1x1x1xf32>
    %lt3A_89 = arith.constant 1 : i32
    %lt3A_90 = vector.broadcast %lt3A_89 : i32 to vector<10000x16xi32>
    %lt3A_91 = arith.cmpi slt, %iota3A_79, %lt3A_90 : vector<10000x16xi32>
    %jit3A_92 = arith.constant 0xFF800000 : f32
    %broadcast_in_dim3A_93 = vector.broadcast %jit3A_92 : f32 to vector<10000x16xf32>
    %select_n3A_94 = arith.select %lt3A_91, %dot_general3A_68, %broadcast_in_dim3A_93 : vector<10000x16xi1>, vector<10000x16xf32>
    %reduce_max3A_95 = vector.shape_cast %select_n3A_94 : vector<10000x16xf32> to vector<1x10000x16xf32>
    %reduce_max3A_96 = arith.constant dense<0xFF800000> : vector<1xf32>
    %reduce_max3A_97 = vector.multi_reduction <maximumf>, %reduce_max3A_95, %reduce_max3A_96 [1, 2] : vector<1x10000x16xf32> to vector<1xf32>
    %reduce_max3A_98 = vector.shape_cast %reduce_max3A_97 : vector<1xf32> to vector<1x1x1xf32>
    %reduce_max3A_99 = vector.extract %reduce_max3A_98[0, 0, 0] : f32 from vector<1x1x1xf32>
    %add3A_100 = arith.addf %reduce_max3A_88, %reduce_max3A_99 : f32
    %max3A = arith.constant 0.000000e+00 : f32
    %max3A_101 = arith.maximumf %add3A_100, %max3A : f32
    %broadcast_in_dim3A_102 = vector.broadcast %max3A_101 : f32 to vector<1x128xf32>
    %swap3A_103 = arith.constant 0 : index
    %swap3A_104 = arith.constant 0 : index
    %swap3A_105 = vector.load %arg7[%swap3A_103, %swap3A_104] : memref<1x128xf32, #tpu.memory_space<vmem>>, vector<1x128xf32>
    tpu.vector_store %arg7[%swap3A_103, %swap3A_104], %broadcast_in_dim3A_102 {strides = array<i32>} : memref<1x128xf32, #tpu.memory_space<vmem>>, vector<1x128xf32>,
    return
  }
}

module attributes {stable_mosaic.version = 14 : i64} {
  func.func @_final_body(%arg0: memref<2x10000x80xf32, #tpu.memory_space<vmem>>, %arg1: memref<1x128xf32, #tpu.memory_space<vmem>>, %arg2: memref<10000x128xf32, #tpu.memory_space<vmem>>) attributes {dimension_semantics = [], scalar_prefetch = 0 : i64, scratch_operands = 0 : i64, tpu.core_type = #tpu.core_type<tc>} {
    %get3A = arith.constant 0 : index
    %get3A_0 = arith.constant 0 : index
    %get3A_1 = arith.constant 0 : index
    %get3A_2 = vector.load %arg0[%get3A, %get3A_0, %get3A_1] : memref<2x10000x80xf32, #tpu.memory_space<vmem>>, vector<1x10000x64xf32>
    %get3A_3 = vector.shape_cast %get3A_2 : vector<1x10000x64xf32> to vector<10000x64xf32>
    %get3A_4 = arith.constant 1 : index
    %get3A_5 = arith.constant 0 : index
    %get3A_6 = arith.constant 0 : index
    %get3A_7 = vector.load %arg0[%get3A_4, %get3A_5, %get3A_6] : memref<2x10000x80xf32, #tpu.memory_space<vmem>>, vector<1x10000x64xf32>
    %get3A_8 = vector.shape_cast %get3A_7 : vector<1x10000x64xf32> to vector<10000x64xf32>
    %concatenate3A = tpu.concatenate %get3A_3, %get3A_8 in 1 : vector<10000x64xf32>, vector<10000x64xf32> -> vector<10000x128xf32>
    %get3A_9 = arith.constant 0 : index
    %get3A_10 = arith.constant 0 : index
    %get3A_11 = arith.constant 64 : index
    %get3A_12 = vector.load %arg0[%get3A_9, %get3A_10, %get3A_11] : memref<2x10000x80xf32, #tpu.memory_space<vmem>>, vector<1x10000x16xf32>
    %get3A_13 = vector.shape_cast %get3A_12 : vector<1x10000x16xf32> to vector<10000x16xf32>
    %iota3A = tpu.iota {dimensions = array<i32: 0>} : vector<16x128xi32>
    %eq3A = arith.constant 0 : i32
    %eq3A_14 = vector.broadcast %eq3A : i32 to vector<16x128xi32>
    %eq3A_15 = arith.cmpi eq, %iota3A, %eq3A_14 : vector<16x128xi32>
    %convert_element_type3A = arith.extui %eq3A_15 : vector<16x128xi1> to vector<16x128xi32>
    %convert_element_type3A_16 = arith.sitofp %convert_element_type3A : vector<16x128xi32> to vector<16x128xf32>
    %dot_general3A = arith.constant dense<0.000000e+00> : vector<10000x128xf32>
    %dot_general3A_17 = tpu.matmul %get3A_13, %convert_element_type3A_16, %dot_general3A {dimension_numbers = #tpu.dot_dimension_numbers<[1], [0], [0], [1], [0, 0, 1, 1], [], []>, transpose_lhs_hint = false} : vector<10000x16xf32>, vector<16x128xf32>, vector<10000x128xf32> -> vector<10000x128xf32>
    %add3A = arith.constant 1.000000e-16 : f32
    %add3A_18 = vector.broadcast %add3A : f32 to vector<10000x128xf32>
    %add3A_19 = arith.addf %dot_general3A_17, %add3A_18 : vector<10000x128xf32>
    %div3A = arith.divf %concatenate3A, %add3A_19 : vector<10000x128xf32>
    %get3A_20 = arith.constant 0 : index
    %get3A_21 = arith.constant 0 : index
    %get3A_22 = vector.load %arg1[%get3A_20, %get3A_21] : memref<1x128xf32, #tpu.memory_space<vmem>>, vector<1x128xf32>
    %add3A_23 = vector.broadcast %get3A_22 : vector<1x128xf32> to vector<10000x128xf32>
    %add3A_24 = arith.addf %div3A, %add3A_23 : vector<10000x128xf32>
    %swap3A = arith.constant 0 : index
    %swap3A_25 = arith.constant 0 : index
    %swap3A_26 = vector.load %arg2[%swap3A, %swap3A_25] : memref<10000x128xf32, #tpu.memory_space<vmem>>, vector<10000x128xf32>
    tpu.vector_store %arg2[%swap3A, %swap3A_25], %add3A_24 {strides = array<i32>} : memref<10000x128xf32, #tpu.memory_space<vmem>>, vector<10000x128xf32>,
    return
  }
}

</mosaic_0001>

<sc_bundles>
// kernel: kernel.10.cloned.1.call-start
scs
__scs_entry_jumppad:
0x0: {  	(pc) =	sbr.rel $0x88, $3  }
0x1: {  	(tag) =	ssettag $0x0;
	lr =	simm.s32 $0x1  }
0x2: {  	[smem:$0x3F97] =	sst lr;
	_ =	strace $0xD0000000  }
0x3: {  	_ = 	snop  }
0x4: {  	_ = 	snop  }
0x5: {  	_ = 	snop  }
0x6: {  	_ = 	snop  }
0x7: {  	_ = 	snop  }
__scs_overlays_trampoline_lowered:
0x8: {  	[smem:$0x3FA6] =	sst s0  }
0x9: {  	[smem:$0x3FA7] =	sst s1  }
0xa: {  	[smem:$0x3FA8] =	sst s2  }
0xb: {  	[smem:$0x3FA9] =	sst s3  }
0xc: {  	[smem:$0x3FAA] =	sst s4  }
0xd: {  	[smem:$0x3FAB] =	sst s5  }
0xe: {  	[smem:$0x3FAC] =	sst s6  }
0xf: {  	[smem:$0x3FAD] =	sst s7  }
0x10: {  	[smem:$0x3FAE] =	sst s8  }
0x11: {  	[smem:$0x3FAF] =	sst s9;
	s0 =	simm.s32 @!p0 $0x0  }
0x12: {  	s1 =	sld [smem:$0x3F95];
	s0 =	simm.s32 @p0 $0x1  }
0x13: {  	[smem:$0x3FB0] =	sst s0;
	s0 =	simm.s32 @!p1 $0x0  }
0x14: {  	s2 =	sld [smem:$0x3F94];
	s0 =	simm.s32 @p1 $0x1  }
0x15: {  	[smem:$0x3FB1] =	sst s0;
	s0 =	simm.s32 @!p2 $0x0  }
0x16: {  	s3 =	sld [smem:$0x3FDB];
	s0 =	simm.s32 @p2 $0x1  }
0x17: {  	s4 =	simm.s32 $0x1BF5;
	[smem:$0x3FB3] =	sst s0  }
0x18: {  	s0 =	sld [smem:$0x3F96];
	_ =	swait.ge [sflag:s4], $0x0  }
0x19: {  	s7 =	sld [smem:$0x3F97]  }
0x1a: {  	s8 =	sadd.s32 $0xFFFFE003, lr  }
0x1b: {  	s9 =	sadd.s32 $0xFFFFFEF7, lr;
	s5 =	simm.s32 $0xFFFFFFFF;
	p2 =	slt.u32 s8, $0xFFFFF086  }
0x1c: {  	p1 =	slt.u32 s9, $0xF7A;
	s5 =	simm.s32 @!p2 $0x0  }
0x1d: {  	s5 =	simm.s32 @p1 $0x1;
	p0 =	seq.s32 s7, s2  }
0x1e: {  	s7 =	smul.u32 @!p0 $0xF7A, s2;
	p2 =	seq.s32 @!p0 s5, $0x0  }
0x1f: {  	s9 =	smul.u32 $0xF7A, s1;
	s8 =	simm.s32 @!p0 $0x1BF5;
	p2 =	por !p2, p0  }
0x20: {  	[sflag:s8] =	ssyncset.s32 @!p0 $0xFFFFF086;
	s6 =	sadd.s32 @!p0 s3, s7;
	s7 =	simm.s32 @!p0 $0x108  }
0x21: {  	s3 =	sadd.s32 s3, s9;
	s6 =	sadd.s32 @!p0 $0x88, s6;
	s7 =	simm.s32 @p2 $0x1082  }
0x22: {  	[simem:s7], [sflag:s8] =	dma.local @!p0 [hbm:s6], $0xF7A  }
0x23: {  	s9 =	sor.u32 $0xD0000000, s2;
	s6 =	simm.s32 $0x108;
	_ =	swait.ge @!p0 [sflag:s8], $0x0  }
0x24: {  	s3 =	sadd.s32 $0x88, s3;
	s6 =	simm.s32 @!p1 $0x1082;
	[sflag:s4] =	ssyncset.s32 $0xFFFFF086  }
0x25: {  	[simem:s6], [sflag:s4] =	dma.local [hbm:s3], $0xF7A  }
0x26: {  	[smem:$0x3F97] =	sst s1;
	(tag) =	ssettag s2;
	_ =	strace s9  }
0x27: {  	s1 =	sld [smem:$0x3FA7]  }
0x28: {  	s2 =	sld [smem:$0x3FA8]  }
0x29: {  	s4 =	sld [smem:$0x3FAA]  }
0x2a: {  	p0 =	seq.s32 s5, $0x0;
	s5 =	sld [smem:$0x3FAB]  }
0x2b: {  	s6 =	sld [smem:$0x3FAC]  }
0x2c: {  	s7 =	sld [smem:$0x3FAD]  }
0x2d: {  	s3 =	simm.s32 $0x108;
	s8 =	sld [smem:$0x3FAE]  }
0x2e: {  	s3 =	simm.s32 @!p0 $0x1082;
	s9 =	sld [smem:$0x3FAF]  }
0x2f: {  	lr =	sadd.s32 s0, s3;
	s0 =	sld [smem:$0x3FA6]  }
0x30: {  	s3 =	sld [smem:$0x3FA9]  }
0x31: {  	[smem:$0x3FB2] =	sst s10  }
0x32: {  	s10 =	sld [smem:$0x3FB0];
	_ =	sdelay $0x3  }
0x33: {  	p0 =	seq.s32 s10, $0x1;
	s10 =	sld [smem:$0x3FB2];
	_ =	sdelay $0x3  }
0x34: {  	[smem:$0x3FB2] =	sst s10  }
0x35: {  	s10 =	sld [smem:$0x3FB1];
	_ =	sdelay $0x3  }
0x36: {  	p1 =	seq.s32 s10, $0x1;
	s10 =	sld [smem:$0x3FB2];
	_ =	sdelay $0x3  }
0x37: {  	[smem:$0x3FB2] =	sst s10  }
0x38: {  	s10 =	sld [smem:$0x3FB3]  }
0x39: {  	_ = 	snop;
	(pc) =	sbr.ind lr, $3  }
0x3a: {  	_ = 	snop  }
0x3b: {  	_ = 	snop  }
0x3c: {  	p2 =	seq.s32 s10, $0x1;
	s10 =	sld [smem:$0x3FB2]  }
0x3d: {  	_ =	shalt  }
0x3e: {  	_ =	shalt  }
0x3f: {  	_ =	shalt  }
0x40: {  	_ =	shalt  }
0x41: {  	_ =	shalt  }
0x42: {  	_ =	shalt  }
0x43: {  	_ =	shalt  }
0x44: {  	_ =	shalt  }
0x45: {  	_ =	shalt  }
0x46: {  	_ =	shalt  }
0x47: {  	_ =	shalt  }
0x48: {  	_ =	shalt  }
0x49: {  	_ =	shalt  }
0x4a: {  	_ =	shalt  }
0x4b: {  	_ =	shalt  }
0x4c: {  	_ =	shalt  }
0x4d: {  	_ =	shalt  }
0x4e: {  	_ =	shalt  }
0x4f: {  	_ =	shalt  }
0x50: {  	_ =	shalt  }
0x51: {  	_ =	shalt  }
0x52: {  	_ =	shalt  }
0x53: {  	_ =	shalt  }
0x54: {  	_ =	shalt  }
0x55: {  	_ =	shalt  }
0x56: {  	_ =	shalt  }
0x57: {  	_ =	shalt  }
0x58: {  	_ =	shalt  }
0x59: {  	_ =	shalt  }
0x5a: {  	_ =	shalt  }
0x5b: {  	_ =	shalt  }
0x5c: {  	_ =	shalt  }
0x5d: {  	_ =	shalt  }
0x5e: {  	_ =	shalt  }
0x5f: {  	_ =	shalt  }
0x60: {  	_ =	shalt  }
0x61: {  	_ =	shalt  }
0x62: {  	_ =	shalt  }
0x63: {  	_ =	shalt  }
0x64: {  	_ =	shalt  }
0x65: {  	_ =	shalt  }
0x66: {  	_ =	shalt  }
0x67: {  	_ =	shalt  }
0x68: {  	_ =	shalt  }
0x69: {  	_ =	shalt  }
0x6a: {  	_ =	shalt  }
0x6b: {  	_ =	shalt  }
0x6c: {  	_ =	shalt  }
0x6d: {  	_ =	shalt  }
0x6e: {  	_ =	shalt  }
0x6f: {  	_ =	shalt  }
0x70: {  	_ =	shalt  }
0x71: {  	_ =	shalt  }
0x72: {  	_ =	shalt  }
0x73: {  	_ =	shalt  }
0x74: {  	_ =	shalt  }
0x75: {  	_ =	shalt  }
0x76: {  	_ =	shalt  }
0x77: {  	_ =	shalt  }
0x78: {  	_ =	shalt  }
0x79: {  	_ =	shalt  }
0x7a: {  	_ =	shalt  }
0x7b: {  	_ =	shalt  }
0x7c: {  	_ =	shalt  }
0x7d: {  	_ =	shalt  }
0x7e: {  	_ =	shalt  }
0x7f: {  	_ =	shalt  }
0x80: {  	_ =	shalt  }
0x81: {  	_ =	shalt  }
0x82: {  	_ =	shalt  }
0x83: {  	_ =	shalt  }
0x84: {  	_ =	shalt  }
0x85: {  	_ =	shalt  }
0x86: {  	_ =	shalt  }
0x87: {  	_ =	shalt  }
.Lfunc_end0:
.L_simem_size_0:
called_computation.1_lowered:
.L_overlay_start_0:
0x88: {  	s2 =	sld [smem:$0x3FD9]  }
0x89: {  	s3 =	sld [smem:$0x3FFE];
	_ =	sdelay $0x1  }
0x8a: {  	s1 =	srdreg.scid  }
0x8b: {  	s0 =	sand.u32 $0x1, s1  }
0x8c: {  	s17 =	sshll.u32 s0, $0xA;
	s2 =	sadd.s32 s3, s2  }
0x8d: {  	s2 =	sadd.s32 s2, s17  }
0x8e: {  	[smem:$0x3FBE] =	sst s2  }
0x8f: {  	_ = 	snop  }
0x90: {  	s2 =	sld [smem:$0x3FD0];
	(tm) =	ssettm $0x1  }
0x91: {  	s18 =	sld [smem:$0x3FFB];
	_ =	sdelay $0x3  }
0x92: {  	_ =	strace s18  }
0x93: {  	s3 =	sld [smem:$0x3FFC];
	_ =	sdelay $0x3  }
0x94: {  	_ =	strace s3  }
0x95: {  	s3 =	sld [smem:$0x3FFD];
	_ =	sdelay $0x3  }
0x96: {  	_ =	strace s3  }
0x97: {  	_ =	strace $0x8FFFFFFF  }
0x98: {  	s19 =	sld [smem:$0x3FDB];
	_ =	sdelay $0x1  }
0x99: {  	s4 =	simm.s32 $_scs_section_size  }
0x9a: {  	s5 =	simm.s32 $_size__tile_overlayer_lowered;
	s6 =	simm.s32 $_tile_overlayer_lowered  }
0x9b: {  	s22 =	simm.s32 $0x1BFF;
	s21 =	sshll.u32 s6, $0x1;
	s3 =	sadd.s32 s4, s19  }
0x9c: {  	s7 =	simm.s32 $0x0;
	s20 =	sshll.u32 s5, $0x1;
	s5 =	sadd.s32 s21, s3  }
0x9d: {  	[timem:s7], [sflag:s22] =	dma.local [hbm:s5], s20  }
0x9e: {  	_ =	swait.ge [sflag:s22], s20  }
0x9f: {  	s4 =	ssub.s32 $0x0, s20;
	[sflag:s22] =	ssyncset.done $0x0  }
0xa0: {  	[sflag:s22] =	ssyncadd.s32 s4;
	_ =	sdelay $0x1  }
0xa1: {  	s23 =	simm.s32 $0x1B8B  }
0xa2: {  	_ =	swait.ge [sflag:s23], $0x1  }
0xa3: {  	[sflag:s23] =	ssyncset.done $0x0  }
0xa4: {  	s25 =	simm.s32 $0x1B8E;
	s24 =	sld [smem:$0x3FFE];
	[sflag:s23] =	ssyncadd.s32 $0xFFFFFFFF  }
0xa5: {  	s26 =	simm.s32 $execute0_lowered;
	[smem:$0x3FD2] =	sst s25  }
0xa6: {  	s5 =	sshll.u32 s26, $0x1;
	_ =	strace $0x80000049;
	[dreg:$0x1] =	wrdreg $0xFFFFFFFF  }
0xa7: {  	s28 =	simm.s32 $_size_execute0_lowered;
	s3 =	sadd.s32 s3, s5;
	[dreg:$0x0] =	wrdreg $0x0  }
0xa8: {  	s5 =	sshll.u32 s28, $0x1;
	[dreg:$0x2] =	wrdreg s3  }
0xa9: {  	[dreg:$0x3] =	wrdreg s5  }
0xaa: {  	[dreg:$0x4] =	wrdreg $0xC0  }
0xab: {  	_ =	task [dreg:s7], $0x5FFFF  }
0xac: {  	[dreg:$0x1] =	wrdreg $0xFFFFFFFF  }
0xad: {  	[dreg:$0x0] =	wrdreg $0x60  }
0xae: {  	[dreg:$0x2] =	wrdreg s2  }
0xaf: {  	[dreg:$0x3] =	wrdreg s24  }
0xb0: {  	[dreg:$0x4] =	wrdreg $0x10AF00  }
0xb1: {  	[dreg:$0x5] =	wrdreg $0x9  }
0xb2: {  	_ =	task.clear_ibuf [dreg:s7], $0x6FFFF;
	_ =	strace $0x90000049  }
0xb3: {  	s29 =	simm.s32 $0x9;
	_ =	strace $0x8000004B  }
0xb4: {  	_ =	swait.ge [sflag:s29], $0x1  }
0xb5: {  	[sflag:s29] =	ssyncadd.s32 $0xFFFFFFFF  }
0xb6: {  	_ =	strace $0x9000004B  }
0xb7: {  	_ =	sfence  }
0xb8: {  	s30 =	sld [smem:$0x0];
	_ =	sdelay $0x2  }
0xb9: {  	s31 =	sshll.u32 s1, $0xD;
	s1 =	sshrl.u32 s1, $0x2  }
0xba: {  	s3 =	sand.u32 $0x4000, s31;
	s1 =	sadd.s32 s1, s30  }
0xbb: {  	s0 =	sor.u32 s3, s0;
	s1 =	sshll.u32 s1, $0x11  }
0xbc: {  	s0 =	sor.u32 s1, s0  }
0xbd: {  	s0 =	sadd.s32 $0x8F2B, s0  }
0xbe: {  	[sflag:s0] =	ssyncadd.remote.s32 $0x1  }
0xbf: {  	_ =	sfence.sel $0xFFFF  }
0xc0: {  	[dreg:$0x0] =	wrdreg $0xFFFFFFFF;
	(pc) =	sbr.abs _section_cstart, $3  }
0xc1: {  	[dreg:$0x1] =	wrdreg $0xFFFFFFFF  }
0xc2: {  	_ =	task.clear_ibuf [dreg:s7], $0x2FFFF;
	_ =	strace $0x9FFFFFFF  }
0xc3: {  	(tm) =	ssettm $0x7FFFFFFF  }
tec
execute0_lowered:
.L_overlay_start_1:
0x0: {  	(tag) =	ssettag $0x1  }
0x1: {  	s0 =	rddreg [dreg:$0x0]  }
0x2: {  	s3 =	rddreg [dreg:$0x1]  }
0x3: {  	s1 =	rddreg [dreg:$0x2]  }
0x4: {  	s2 =	simm.s32 $0x0;
	s13 =	stileid.u32;
	s6 =	srdreg.scid  }
0x5: {  	s30 =	simm.s32 $0x9C90;
	s31 =	simm.s32 $0xB5E0;
	s28 =	simm.s32 $0x3  }
0x6: {  	s29 =	simm.s32 $0x2;
	[smem:$0x7FF] =	sst s2;
	s4 =	sadd.s32 $0x1C00, s3  }
0x7: {  	s7 =	smul.u32 $0x30C00, s13;
	s5 =	sadd.s32 $0x32A00, s3;
	s8 =	sadd.s32 $0x1A00, s3  }
0x8: {  	s6 =	sand.u32 $0x1, s6;
	s9 =	smul.u32 $0xC300, s13;
	s3 =	sadd.s32 $0x37A00, s3  }
0x9: {  	s19 =	smul.u32 $0x4E20, s13;
	p0 =	sne.s32 s13, $0x0;
	_ =	strace $0x8000004A  }
0xa: {  	[dreg:$0x4] =	wrdreg s8;
	s15 =	ssub.s32 $0x2, s6;
	s21 =	smul.u32 $0xC3500, s6  }
0xb: {  	v0 =	vmov s6;
	s6 =	simm.s32 $0x6;
	s7 =	sshrl.u32 s7, $0x2;
	s10 =	sshrl.u32 s15, $0x1  }
0xc: {  	s11 =	sadd.s32 s7, s1;
	s8 =	ssub.s32 s15, s10;
	s7 =	sadd.s32 s9, s1  }
0xd: {  	s15 =	sadd.s32 $0xC3000, s1;
	s10 =	sshrl.u32 s19, $0x3;
	s16 =	sadd.s32 $0x1900, s11  }
0xe: {  	s9 =	sadd.s32 s9, s21;
	s17 =	sadd.s32 $0x3200, s11;
	[dreg:$0x5] =	wrdreg s16  }
0xf: {  	s22 =	sshrl.u32 s21, $0x3;
	s18 =	sadd.s32 $0x4B00, s11;
	[dreg:$0x6] =	wrdreg s17  }
0x10: {  	s21 =	simm.s32 $0xD8E0;
	s12 =	sadd.s32 $0x6400, s11;
	[dreg:$0x7] =	wrdreg s18  }
0x11: {  	s20 =	sadd.s32 $0x7D00, s11;
	s14 =	sadd.s32 $0x9600, s11;
	[dreg:$0x8] =	wrdreg s12  }
0x12: {  	s11 =	sadd.s32 $0xAF00, s11;
	s10 =	sadd.s32 s0, s10;
	[dreg:$0x9] =	wrdreg s20  }
0x13: {  	s23 =	sshrl.u32 s9, $0x3;
	s24 =	sadd.s32 s3, s22;
	[dreg:$0xa] =	wrdreg s14  }
0x14: {  	s26 =	smax.u32 s8, $0x1;
	s22 =	simm.s32 $0x7;
	[dreg:$0xb] =	wrdreg s11  }
.Ltmp0:
0x15: {  	[dreg:$0xc] =	wrdreg s10;
	s10 =	sadd.s32 $0x9C40, s10;
	(pc) =	sbr.rel .LBB2_1-.Ltmp0, $4  }
0x16: {  	s0 =	sadd.s32 s3, s23;
	s25 =	sadd.s32 $0x18600, s24;
	[dreg:$0x10] =	wrdreg s26  }
0x17: {  	s24 =	simm.s32 $0xD3E0;
	s26 =	simm.s32 $0x1;
	[dreg:$0xd] =	wrdreg s10  }
0x18: {  	s3 =	simm.s32 $0xF1E0;
	s23 =	simm.s32 $0x5;
	[dreg:$0xe] =	wrdreg s0  }
0x19: {  	v1 =	vimm.f32 $0.0e+00;
	v2 =	vimm.s32 $0x0;
	[dreg:$0xf] =	wrdreg s25;
	s25 =	simm.s32 $0x50;
	s0 =	simm.s32 $0x4  }
.LBB2_10:
0x1a: {  	[spmem:s1] =	stream.indirect.scatter.add.f32 [tilespmem:s3], [sflag:$0x6], $0x50, s9, s25, $0xb8;
	[tilespmem:$0x1CE40] =	vst v63  }
0x1b: {  	_ =	swait.ge [sflag:s23], $0x1900  }
0x1c: {  	[sflag:s23] =	ssyncset.done $0x0  }
0x1d: {  	[sflag:s23] =	ssyncadd.s32 $0xFFFFE700  }
0x1e: {  	_ =	swait.ge [sflag:s6], $0x1900  }
0x1f: {  	[sflag:s6] =	ssyncset.done $0x0  }
0x20: {  	s8 =	stileid.u32;
	[sflag:s6] =	ssyncadd.s32 $0xFFFFE700  }
0x21: {  	s8 =	sshll.u32 s8, $0x6;
	[bflag:$0x0] =	sbarrier.arrive $0xFFFF  }
0x22: {  	s19 =	sshrl.u32 s7, $0x3;
	s8 =	sor.u32 $0x1C07, s8;
	s10 =	rddreg [dreg:$0xe]  }
0x23: {  	[hbm:s10], [sflag:s8] =	dma.local [spmem:s19], $0x1860  }
0x24: {  	_ =	swait.ge [sflag:s22], $0x1860  }
0x25: {  	[sflag:s22] =	ssyncset.done $0x0  }
0x26: {  	s9 =	sshrl.u32 @!p0 s15, $0x3;
	s10 =	rddreg [dreg:$0xf];
	[sflag:s22] =	ssyncadd.s32 $0xFFFFE7A0  }
0x27: {  	[hbm:s10], [sflag:s8] =	dma.local @!p0 [spmem:s9], $0xA0  }
0x28: {  	s8 =	simm.s32 @!p0 $0x7  }
0x29: {  	_ =	swait.ge @!p0 [sflag:s8], $0xA0  }
0x2a: {  	s2 =	sadd.s32 $0x1, s2;
	s20 =	rddreg [dreg:$0x10]  }
0x2b: {  	p1 =	sne.s32 s2, s20  }
.Ltmp1:
0x2c: {  	_ = 	snop;
	(pc) =	sbr.rel @!p1 .LBB2_11-.Ltmp1, $3  }
0x2d: {  	_ =	sdelay $0x1  }
0x2e: {  	[sflag:s8] =	ssyncset.done @!p0 $0x0  }
0x2f: {  	[sflag:s8] =	ssyncadd.s32 @!p0 $0xFFFFFF60  }
.LBB2_1:
0x30: {  	s9 =	simm.s32 $0x140;
	s8 =	simm.s32 $0x0  }
.LBB2_2:
0x31: {  	p1 =	sne.s32 s9, $0x62C0;
	[tilespmem:s8+$0xD920] =	vst v1;
	s10 =	smov.u32 s9;
	s9 =	sadd.s32 $0x140, s9  }
.Ltmp2:
0x32: {  	[tilespmem:s8+$0xD910] =	vst v1;
	(pc) =	sbr.rel @p1 .LBB2_2-.Ltmp2, $4  }
0x33: {  	[tilespmem:s8+$0xD900] =	vst v1  }
0x34: {  	[tilespmem:s8+$0xD8E0] =	vst v1  }
0x35: {  	[tilespmem:s8+$0xD8F0] =	vst v1  }
0x36: {  	s8 =	sshra.s32 s10, $0x2  }
0x37: {  	[tilespmem:s8+$0xD920] =	vst v1  }
0x38: {  	[tilespmem:s8+$0xD910] =	vst v1  }
0x39: {  	[tilespmem:s8+$0xD900] =	vst v1  }
0x3a: {  	[tilespmem:s8+$0xD8E0] =	vst v1  }
0x3b: {  	[tilespmem:s8+$0xD8F0] =	vst v1  }
0x3c: {  	[spmem:s7] =	stream.linear.scatter [tilespmem:s21], [sflag:$0x7], $0x1900, $0x38;
	[tilespmem:$0x1CE40] =	vst v63  }
0x3d: {  	_ =	swait.ge [sflag:s22], $0x1900  }
0x3e: {  	[sflag:s22] =	ssyncset.done $0x0  }
0x3f: {  	s19 =	rddreg [dreg:$0x5];
	[sflag:s22] =	ssyncadd.s32 $0xFFFFE700  }
0x40: {  	[spmem:s19] =	stream.linear.scatter [tilespmem:s21], [sflag:$0x7], $0x1900, $0x38;
	[tilespmem:$0x1CE40] =	vst v63  }
0x41: {  	_ =	swait.ge [sflag:s22], $0x1900  }
0x42: {  	[sflag:s22] =	ssyncset.done $0x0  }
0x43: {  	s20 =	rddreg [dreg:$0x6];
	[sflag:s22] =	ssyncadd.s32 $0xFFFFE700  }
0x44: {  	[spmem:s20] =	stream.linear.scatter [tilespmem:s21], [sflag:$0x7], $0x1900, $0x38;
	[tilespmem:$0x1CE40] =	vst v63  }
0x45: {  	_ =	swait.ge [sflag:s22], $0x1900  }
0x46: {  	[sflag:s22] =	ssyncset.done $0x0  }
0x47: {  	s9 =	rddreg [dreg:$0x7];
	[sflag:s22] =	ssyncadd.s32 $0xFFFFE700  }
0x48: {  	[spmem:s9] =	stream.linear.scatter [tilespmem:s21], [sflag:$0x7], $0x1900, $0x38;
	[tilespmem:$0x1CE40] =	vst v63  }
0x49: {  	_ =	swait.ge [sflag:s22], $0x1900  }
0x4a: {  	[sflag:s22] =	ssyncset.done $0x0  }
0x4b: {  	s10 =	rddreg [dreg:$0x8];
	[sflag:s22] =	ssyncadd.s32 $0xFFFFE700  }
0x4c: {  	[spmem:s10] =	stream.linear.scatter [tilespmem:s21], [sflag:$0x7], $0x1900, $0x38;
	[tilespmem:$0x1CE40] =	vst v63  }
0x4d: {  	_ =	swait.ge [sflag:s22], $0x1900  }
0x4e: {  	[sflag:s22] =	ssyncset.done $0x0  }
0x4f: {  	s11 =	rddreg [dreg:$0x9];
	[sflag:s22] =	ssyncadd.s32 $0xFFFFE700  }
0x50: {  	[spmem:s11] =	stream.linear.scatter [tilespmem:s21], [sflag:$0x7], $0x1900, $0x38;
	[tilespmem:$0x1CE40] =	vst v63  }
0x51: {  	_ =	swait.ge [sflag:s22], $0x1900  }
0x52: {  	[sflag:s22] =	ssyncset.done $0x0  }
0x53: {  	s12 =	rddreg [dreg:$0xa];
	[sflag:s22] =	ssyncadd.s32 $0xFFFFE700  }
0x54: {  	[spmem:s12] =	stream.linear.scatter [tilespmem:s21], [sflag:$0x7], $0x1900, $0x38;
	[tilespmem:$0x1CE40] =	vst v63  }
0x55: {  	_ =	swait.ge [sflag:s22], $0x1900  }
0x56: {  	[sflag:s22] =	ssyncset.done $0x0  }
0x57: {  	s13 =	rddreg [dreg:$0xb];
	[sflag:s22] =	ssyncadd.s32 $0xFFFFE700  }
0x58: {  	[spmem:s13] =	stream.linear.scatter [tilespmem:s21], [sflag:$0x7], $0x1400, $0x38;
	[tilespmem:$0x1CE40] =	vst v63  }
0x59: {  	_ =	swait.ge [sflag:s22], $0x1400  }
0x5a: {  	[sflag:s22] =	ssyncset.done $0x0  }
0x5b: {  	s8 =	simm.s32 @!p0 $0xD8E0;
	[sflag:s22] =	ssyncadd.s32 $0xFFFFEC00  }
0x5c: {  	[spmem:s15] =	stream.linear.scatter @!p0 [tilespmem:s8], [sflag:$0x7], $0x500, $0x38;
	[tilespmem:$0x1CE40] =	vst v63  }
0x5d: {  	s8 =	simm.s32 @!p0 $0x7  }
0x5e: {  	_ =	swait.ge @!p0 [sflag:s8], $0x500  }
0x5f: {  	[sflag:s8] =	ssyncset.done @!p0 $0x0  }
0x60: {  	[sflag:s8] =	ssyncadd.s32 @!p0 $0xFFFFFB00  }
0x61: {  	[bflag:$0x0] =	sbarrier.arrive $0xFFFF  }
0x62: {  	s8 =	simm.s32 $0x0;
	s9 =	rddreg [dreg:$0xc]  }
0x63: {  	[tilespmem:s8], [sflag:$0x7] =	stream.linear.gather [hbm4b:s9+s8], $0x4E20, $0x38;
	[tilespmem:$0x1CE40] =	vst v63  }
0x64: {  	_ =	swait.ge [sflag:s22], $0x4E20  }
0x65: {  	[sflag:s22] =	ssyncset.done $0x0  }
0x66: {  	s10 =	simm.s32 $0x4E20;
	s14 =	rddreg [dreg:$0xd];
	[sflag:s22] =	ssyncadd.s32 $0xFFFFB1E0  }
0x67: {  	[tilespmem:s10], [sflag:$0x7] =	stream.linear.gather [hbm4b:s14+s8], $0x4E20, $0x38;
	[tilespmem:$0x1CE40] =	vst v63  }
0x68: {  	_ =	swait.ge [sflag:s22], $0x4E20  }
0x69: {  	[sflag:s22] =	ssyncset.done $0x0  }
0x6a: {  	s11 =	simm.s32 $0x10AE0;
	s16 =	rddreg [dreg:$0x4];
	[sflag:s22] =	ssyncadd.s32 $0xFFFFB1E0  }
0x6b: {  	[tilespmem:s11], [sflag:$0x7] =	stream.linear.gather [hbm4b:s16+s8], $0x10, $0x38;
	[tilespmem:$0x1CE40] =	vst v63  }
0x6c: {  	_ =	swait.ge [sflag:s22], $0x10  }
0x6d: {  	[sflag:s22] =	ssyncset.done $0x0  }
0x6e: {  	[sflag:s22] =	ssyncadd.s32 $0xFFFFFFF0  }
0x6f: {  	v3 =	vld [tilespmem:$0x0]  }
0x70: {  	v4 =	vld [tilespmem:$0x10]  }
0x71: {  	v5 =	vld [tilespmem:$0x20]  }
0x72: {  	v6 =	vld [tilespmem:$0x30]  }
0x73: {  	v7 =	vld [tilespmem:$0x40]  }
0x74: {  	v3 =	vshll.u32 v3, $0x1  }
0x75: {  	v4 =	vshll.u32 v4, $0x1;
	v3 =	vor.u32 v0, v3  }
0x76: {  	[tilespmem:$0x9C40] =	vst v3;
	v3 =	vor.u32 v0, v4;
	v4 =	vshll.u32 v5, $0x1  }
0x77: {  	[tilespmem:$0x9C50] =	vst v3;
	v3 =	vor.u32 v0, v4;
	v4 =	vshll.u32 v6, $0x1  }
0x78: {  	[tilespmem:$0x9C60] =	vst v3;
	v3 =	vor.u32 v0, v4;
	v4 =	vshll.u32 v7, $0x1  }
0x79: {  	[tilespmem:$0x9C70] =	vst v3;
	v4 =	vor.u32 v0, v4  }
0x7a: {  	s17 =	simm.s32 $0x9C40;
	s18 =	simm.s32 $0x9CE0;
	[tilespmem:$0x9C80] =	vst v4  }
0x7b: {  	v3 =	vld [tilespmem:$0x10AE0];
	[tilespmem:s18], [sflag:$0x1] =	stream.indirect.gather [hbm4b:s4+s25], $0x50, s17, s25, $0xb8  }
0x7c: {  	s19 =	simm.s32 $0xCEE0  }
0x7d: {  	[tilespmem:s19], [sflag:$0x3] =	stream.indirect.gather [hbm4b:s5+s25], $0x10, s10, s25, $0xb8;
	[tilespmem:$0x1CE40] =	vst v63  }
0x7e: {  	v4 =	vld [tilespmem:$0x50]  }
0x7f: {  	v5 =	vld [tilespmem:$0x60]  }
0x80: {  	v62 =	vld [tilespmem:$0x70]  }
0x81: {  	v63 =	vld [tilespmem:$0x80]  }
0x82: {  	v8 =	vld [tilespmem:$0x90]  }
0x83: {  	v4 =	vshll.u32 v4, $0x1  }
0x84: {  	v5 =	vshll.u32 v5, $0x1;
	v4 =	vor.u32 v0, v4  }
0x85: {  	[tilespmem:$0x9C90] =	vst v4;
	v4 =	vor.u32 v0, v5;
	v5 =	vshll.u32 v62, $0x1  }
0x86: {  	[tilespmem:$0x9CA0] =	vst v4;
	v4 =	vor.u32 v0, v5;
	v5 =	vshll.u32 v63, $0x1  }
0x87: {  	[tilespmem:$0x9CB0] =	vst v4;
	v4 =	vor.u32 v0, v5;
	v5 =	vshll.u32 v8, $0x1  }
0x88: {  	[tilespmem:$0x9CC0] =	vst v4;
	v4 =	vor.u32 v0, v5  }
0x89: {  	[tilespmem:$0x9CD0] =	vst v4  }
0x8a: {  	[tilespmem:s31], [sflag:$0x2] =	stream.indirect.gather [hbm4b:s4+s25], $0x50, s30, s25, $0xb8;
	[tilespmem:$0x1CE40] =	vst v63  }
0x8b: {  	s20 =	simm.s32 $0x4E70  }
0x8c: {  	[tilespmem:s24], [sflag:$0x4] =	stream.indirect.gather [hbm4b:s5+s25], $0x10, s20, s25, $0xb8;
	[tilespmem:$0x1CE40] =	vst v63  }
.LBB2_4:
0x8d: {  	_ =	swait.ge [sflag:s26], $0x1900  }
0x8e: {  	[sflag:s26] =	ssyncset.done $0x0  }
0x8f: {  	[sflag:s26] =	ssyncadd.s32 $0xFFFFE700  }
0x90: {  	_ =	swait.ge [sflag:s28], $0x500  }
0x91: {  	p1 =	seq.s32 s8, $0x0;
	[sflag:s28] =	ssyncset.done $0x0  }
0x92: {  	s9 =	simm.s32 @!p1 $0x5;
	[sflag:s28] =	ssyncadd.s32 $0xFFFFFB00  }
0x93: {  	_ =	swait.ge @!p1 [sflag:s9], $0x1900  }
0x94: {  	[sflag:s9] =	ssyncset.done @!p1 $0x0  }
0x95: {  	s14 =	simm.s32 $0x9E20;
	[sflag:s9] =	ssyncadd.s32 @!p1 $0xFFFFE700  }
0x96: {  	s20 =	simm.s32 $0xCF20;
	v4 =	vld [tilespmem:s14+$0x130]  }
0x97: {  	v5 =	vld [tilespmem:s20+$0x30]  }
0x98: {  	v6 =	vld [tilespmem:s20+$0xFFFFFFC0]  }
0x99: {  	v7 =	vld [tilespmem:s14+$0xFFFFFF50]  }
0x9a: {  	v8 =	vld [tilespmem:s14+$0xFFFFFFA0]  }
0x9b: {  	v10 =	vld [tilespmem:s20+$0xFFFFFFE0]  }
0x9c: {  	v11 =	vld [tilespmem:s14+$0xFFFFFFF0];
	v4 =	vadd.f32 v5, v4  }
0x9d: {  	v12 =	vld [tilespmem:s14+$0x40]  }
0x9e: {  	v5 =	vld [tilespmem:s20+$0xFFFFFFD0];
	v9 =	vmul.f32 $2.000000030e-01, v4  }
0x9f: {  	v13 =	vld [tilespmem:s20+$0x0];
	vm0 =	vgt.f32 v4, $0.0e+00  }
0xa0: {  	v14 =	vld [tilespmem:s14+$0xFFFFFF00];
	v4 =	vsel vm0, v4, v9  }
0xa1: {  	v9 =	vld [tilespmem:s20+$0xFFFFFFF0];
	v4 =	vsub.f32 v4, v3  }
0xa2: {  	v8 =	vadd.f32 v10, v8  }
0xa3: {  	v10 =	vld [tilespmem:s20+$0x10];
	v5 =	vadd.f32 v5, v7;
	v4 =	vmul.f32 $1.442695020e+00, v4  }
0xa4: {  	v12 =	vadd.f32 v13, v12;
	v15 =	vmul.f32 $2.000000030e-01, v8;
	v7 =	vld [tilespmem:s14+$0x90]  }
0xa5: {  	v6 =	vadd.f32 v6, v14;
	(erf) = vpow2.f32 v4;
	v4 =	vmul.f32 $2.000000030e-01, v5  }
0xa6: {  	vm1 =	vgt.f32 v8, $0.0e+00;
	vm10 =	vgt.f32 v5, $0.0e+00;
	v9 =	vadd.f32 v9, v11;
	v11 =	vld [tilespmem:s14+$0xE0]  }
0xa7: {  	v8 =	vsel vm1, v8, v15;
	v4 =	vsel vm10, v5, v4;
	v5 =	vld [tilespmem:s20+$0x20]  }
0xa8: {  	vm12 =	vgt.f32 v12, $0.0e+00;
	vm14 =	vgt.f32 v6, $0.0e+00;
	v8 =	vsub.f32 v8, v3  }
0xa9: {  	v7 =	vadd.f32 v10, v7;
	v10 =	vmul.f32 $2.000000030e-01, v12;
	v13 =	vmul.f32 $2.000000030e-01, v9  }
0xaa: {  	v8 =	vmul.f32 $1.442695020e+00, v8;
	vm11 =	vgt.f32 v9, $0.0e+00;
	v4 =	vsub.f32 v4, v3  }
0xab: {  	vm13 =	vgt.f32 v7, $0.0e+00;
	v10 =	vsel vm12, v12, v10;
	v9 =	vsel vm11, v9, v13  }
0xac: {  	v4 =	vmul.f32 $1.442695020e+00, v4;
	v5 =	vadd.f32 v5, v11;
	v11 =	vmul.f32 $2.000000030e-01, v6  }
0xad: {  	s10 =	simm.s32 $0xA0A0;
	v13 =	vmul.f32 $2.000000030e-01, v7;
	v10 =	vsub.f32 v10, v3;
	v9 =	vsub.f32 v9, v3  }
0xae: {  	s11 =	simm.s32 $0xCFA0;
	s9 =	simm.s32 $0xDA20;
	v16 =	vld [tilespmem:s10+$0x130];
	v12 =	vpop (erf);
	v6 =	vsel vm14, v6, v11;
	v11 =	vmul.f32 $2.000000030e-01, v5;
	(erf) = vpow2.f32 v4  }
0xaf: {  	v23 =	vld [tilespmem:s11+$0xFFFFFFC0];
	v7 =	vsel vm13, v7, v13;
	v9 =	vmul.f32 $1.442695020e+00, v9;
	vm15 =	vgt.f32 v5, $0.0e+00;
	[tilespmem:s9+$0x130] =	vst v12  }
0xb0: {  	v4 =	vsub.f32 v7, v3;
	v6 =	vsub.f32 v6, v3;
	v13 =	vld [tilespmem:s14+$0xF0];
	v5 =	vsel vm15, v5, v11  }
0xb1: {  	v24 =	vld [tilespmem:s10+$0xFFFFFF50];
	v7 =	vmul.f32 $1.442695020e+00, v10;
	(erf) = vpow2.f32 v8;
	v5 =	vsub.f32 v5, v3  }
0xb2: {  	v25 =	vld [tilespmem:s11+$0xFFFFFFD0];
	v8 =	vperm.xlane v12, v2;
	v6 =	vmul.f32 $1.442695020e+00, v6  }
0xb3: {  	v26 =	vld [tilespmem:s10+$0xFFFFFFA0];
	(erf) = vpow2.f32 v9;
	v5 =	vmul.f32 $1.442695020e+00, v5  }
0xb4: {  	v28 =	vld [tilespmem:s10+$0xFFFFFFF0];
	v4 =	vmul.f32 $1.442695020e+00, v4;
	(erf) = vpow2.f32 v6  }
0xb5: {  	v29 =	vld [tilespmem:s11+$0x0];
	(erf) = vpow2.f32 v7;
	v6 =	vmul.f32 v13, v8  }
0xb6: {  	s12 =	simm.s32 $0xA320;
	v31 =	vld [tilespmem:s10+$0xE0];
	(erf) = vpow2.f32 v4  }
0xb7: {  	v36 =	vld [tilespmem:s12+$0x130];
	(erf) = vpow2.f32 v5;
	[tilespmem:s9+$0xF0] =	vst v6;
	v5 =	vpop (erf)  }
0xb8: {  	v4 =	vld [tilespmem:s14+$0x100];
	[tilespmem:s9+$0xFFFFFF50] =	vst v5  }
0xb9: {  	s13 =	simm.s32 $0xD020;
	v7 =	vld [tilespmem:s14+$0xFFFFFF10]  }
0xba: {  	v37 =	vld [tilespmem:s13+$0x30]  }
0xbb: {  	v39 =	vld [tilespmem:s13+$0xFFFFFFC0];
	v6 =	vpop (erf)  }
0xbc: {  	v41 =	vld [tilespmem:s12+$0xFFFFFF50];
	v9 =	vperm.xlane v5, v2;
	[tilespmem:s9+$0xFFFFFFA0] =	vst v6  }
0xbd: {  	v10 =	vpop (erf);
	v11 =	vld [tilespmem:s14+$0xFFFFFF60]  }
0xbe: {  	v24 =	vadd.f32 v25, v24;
	v25 =	vld [tilespmem:s10+$0x90];
	[tilespmem:s9+$0xFFFFFFF0] =	vst v10;
	v12 =	vpop (erf);
	v4 =	vmul.f32 v4, v8;
	v7 =	vmul.f32 v7, v9  }
0xbf: {  	v14 =	vld [tilespmem:s14+$0xFFFFFFB0];
	[tilespmem:s9+$0xFFFFFF00] =	vst v12  }
0xc0: {  	v13 =	vperm.xlane v6, v2;
	v15 =	vpop (erf);
	[tilespmem:s9+$0xFFFFFF10] =	vst v7;
	v7 =	vld [tilespmem:s11+$0x30]  }
0xc1: {  	v18 =	vld [tilespmem:s14+$0xFFFFFEC0];
	[tilespmem:s9+$0x40] =	vst v15  }
0xc2: {  	[tilespmem:s9+$0x100] =	vst v4;
	v20 =	vld [tilespmem:s14+$0x0];
	v11 =	vmul.f32 v11, v13;
	v4 =	vpop (erf)  }
0xc3: {  	v19 =	vld [tilespmem:s14+$0x110];
	[tilespmem:s9+$0x90] =	vst v4  }
0xc4: {  	[tilespmem:s9+$0xFFFFFF60] =	vst v11;
	v6 =	vld [tilespmem:s14+$0x50]  }
0xc5: {  	v11 =	vld [tilespmem:s14+$0xFFFFFF70];
	v7 =	vadd.f32 v7, v16  }
0xc6: {  	v5 =	vpop (erf);
	v16 =	vperm.xlane v10, v2;
	v10 =	vperm.xlane v12, v2;
	v12 =	vld [tilespmem:s11+$0xFFFFFFE0]  }
0xc7: {  	v17 =	vperm.xlane v15, v2;
	v22 =	vld [tilespmem:s14+$0xFFFFFF20];
	[tilespmem:s9+$0xE0] =	vst v5;
	v27 =	vmul.f32 $2.000000030e-01, v7  }
0xc8: {  	v15 =	vperm.xlane v4, v2;
	v4 =	vperm.xlane v5, v2;
	v21 =	vld [tilespmem:s14+$0xA0];
	vm4 =	vgt.f32 v7, $0.0e+00  }
0xc9: {  	v20 =	vmul.f32 v20, v17;
	v5 =	vmul.f32 v14, v16;
	v14 =	vld [tilespmem:s11+$0xFFFFFFF0];
	v7 =	vsel vm4, v7, v27  }
0xca: {  	v6 =	vmul.f32 v6, v15;
	v27 =	vld [tilespmem:s10+$0x40];
	v7 =	vsub.f32 v7, v3  }
0xcb: {  	[tilespmem:s9+$0x0] =	vst v20;
	v30 =	vmul.f32 v11, v13;
	v11 =	vadd.f32 v12, v26;
	v12 =	vld [tilespmem:s11+$0x10];
	v26 =	vmul.f32 $2.000000030e-01, v24  }
0xcc: {  	vm5 =	vgt.f32 v24, $0.0e+00;
	v19 =	vmul.f32 v19, v8;
	[tilespmem:s9+$0x50] =	vst v6;
	v6 =	vld [tilespmem:s14+$0x10];
	v7 =	vmul.f32 $1.442695020e+00, v7  }
0xcd: {  	v43 =	vld [tilespmem:s13+$0xFFFFFFD0];
	v22 =	vmul.f32 v22, v9;
	v18 =	vmul.f32 v18, v10;
	v24 =	vsel vm5, v24, v26  }
0xce: {  	v24 =	vsub.f32 v24, v3;
	(erf) = vpow2.f32 v7;
	v7 =	vadd.f32 v14, v28;
	v14 =	vld [tilespmem:s10+$0xFFFFFF00]  }
0xcf: {  	v49 =	vld [tilespmem:s12+$0xFFFFFFA0];
	v21 =	vmul.f32 v21, v4;
	vm6 =	vgt.f32 v11, $0.0e+00;
	v28 =	vmul.f32 $2.000000030e-01, v11  }
0xd0: {  	v26 =	vld [tilespmem:s11+$0x20];
	v27 =	vadd.f32 v29, v27;
	v12 =	vadd.f32 v12, v25;
	v24 =	vmul.f32 $1.442695020e+00, v24  }
0xd1: {  	v50 =	vld [tilespmem:s13+$0xFFFFFFF0];
	v6 =	vmul.f32 v6, v17;
	vm7 =	vgt.f32 v7, $0.0e+00;
	v29 =	vmul.f32 $2.000000030e-01, v7  }
0xd2: {  	v51 =	vld [tilespmem:s12+$0x40];
	v11 =	vsel vm6, v11, v28;
	vm8 =	vgt.f32 v27, $0.0e+00;
	v25 =	vmul.f32 $2.000000030e-01, v27  }
0xd3: {  	v45 =	vld [tilespmem:s13+$0x0];
	v28 =	vsub.f32 v11, v3;
	v11 =	vmul.f32 $2.000000030e-01, v12;
	v14 =	vadd.f32 v23, v14  }
0xd4: {  	v52 =	vld [tilespmem:s12+$0x90];
	vm9 =	vgt.f32 v12, $0.0e+00;
	(erf) = vpow2.f32 v24;
	v7 =	vsel vm7, v7, v29  }
0xd5: {  	v53 =	vld [tilespmem:s13+$0x10];
	[tilespmem:s9+$0x110] =	vst v19;
	v19 =	vsel vm8, v27, v25;
	v23 =	vadd.f32 v26, v31;
	v25 =	vmul.f32 $2.000000030e-01, v14  }
0xd6: {  	v47 =	vld [tilespmem:s12+$0xE0];
	[tilespmem:s9+$0xFFFFFEC0] =	vst v18;
	v7 =	vsub.f32 v7, v3;
	v12 =	vsel vm9, v12, v11;
	vm10 =	vgt.f32 v14, $0.0e+00  }
0xd7: {  	[tilespmem:s9+$0xFFFFFF20] =	vst v22;
	v27 =	vld [tilespmem:s14+$0xFFFFFED0];
	v28 =	vmul.f32 $1.442695020e+00, v28;
	v12 =	vsub.f32 v12, v3;
	v14 =	vsel vm10, v14, v25  }
0xd8: {  	[tilespmem:s9+$0xFFFFFFB0] =	vst v5;
	v22 =	vld [tilespmem:s14+$0xFFFFFF30];
	v18 =	vmul.f32 $2.000000030e-01, v23;
	v5 =	vmul.f32 $1.442695020e+00, v7;
	v7 =	vsub.f32 v14, v3  }
0xd9: {  	v20 =	vld [tilespmem:s14+$0xFFFFFFC0];
	s11 =	simm.s32 $0xDCA0;
	v19 =	vsub.f32 v19, v3;
	vm11 =	vgt.f32 v23, $0.0e+00;
	(erf) = vpow2.f32 v28;
	v26 =	vpop (erf)  }
0xda: {  	v25 =	vmul.f32 $1.442695020e+00, v12;
	v12 =	vsel vm11, v23, v18;
	v18 =	vld [tilespmem:s14+$0x60];
	[tilespmem:s11+$0x130] =	vst v26;
	v7 =	vmul.f32 $1.442695020e+00, v7  }
0xdb: {  	[tilespmem:s9+$0xFFFFFF70] =	vst v30;
	(erf) = vpow2.f32 v5;
	v14 =	vmul.f32 $1.442695020e+00, v19;
	v19 =	vld [tilespmem:s10+$0xF0]  }
0xdc: {  	v54 =	vld [tilespmem:s12+$0xFFFFFF00];
	[tilespmem:s9+$0xA0] =	vst v21;
	(erf) = vpow2.f32 v7;
	v7 =	vmul.f32 v27, v10  }
0xdd: {  	v56 =	vld [tilespmem:s13+$0x20];
	[tilespmem:s9+$0x10] =	vst v6;
	v21 =	vsub.f32 v12, v3;
	v12 =	vperm.xlane v26, v2  }
0xde: {  	v24 =	vld [tilespmem:s14+$0xFFFFFF80];
	(erf) = vpow2.f32 v14;
	[tilespmem:s9+$0xFFFFFED0] =	vst v7;
	v7 =	vmul.f32 v20, v16  }
0xdf: {  	v40 =	vmul.f32 v22, v9;
	(erf) = vpow2.f32 v25;
	v25 =	vld [tilespmem:s14+$0x20]  }
0xe0: {  	v11 =	vld [tilespmem:s14+$0x120];
	v19 =	vmul.f32 v19, v12;
	[tilespmem:s9+$0xFFFFFFC0] =	vst v7;
	v7 =	vmul.f32 v18, v15  }
0xe1: {  	[tilespmem:s9+$0xFFFFFF30] =	vst v40;
	v5 =	vld [tilespmem:s14+$0xB0]  }
0xe2: {  	v6 =	vpop (erf);
	[tilespmem:s11+$0xF0] =	vst v19;
	v19 =	vld [tilespmem:s14+$0xFFFFFEE0]  }
0xe3: {  	v21 =	vmul.f32 $1.442695020e+00, v21;
	[tilespmem:s11+$0xFFFFFF50] =	vst v6;
	v14 =	vld [tilespmem:s10+$0x100]  }
0xe4: {  	v18 =	vld [tilespmem:s10+$0xFFFFFF10];
	[tilespmem:s9+$0x60] =	vst v7;
	v25 =	vmul.f32 v25, v17;
	v7 =	vpop (erf)  }
0xe5: {  	v36 =	vadd.f32 v37, v36;
	(erf) = vpow2.f32 v21;
	v21 =	vld [tilespmem:s14+$0xFFFFFFD0];
	[tilespmem:s11+$0xFFFFFFA0] =	vst v7  }
0xe6: {  	v26 =	vld [tilespmem:s14+$0x70];
	v20 =	vpop (erf);
	[tilespmem:s9+$0x20] =	vst v25  }
0xe7: {  	v44 =	vmul.f32 $2.000000030e-01, v36;
	v42 =	vmul.f32 v19, v10;
	v23 =	vld [tilespmem:s10+$0xFFFFFF60];
	[tilespmem:s11+$0xFFFFFFF0] =	vst v20;
	v28 =	vpop (erf)  }
0xe8: {  	v41 =	vadd.f32 v43, v41;
	vm12 =	vgt.f32 v36, $0.0e+00;
	v27 =	vmul.f32 v14, v12;
	[tilespmem:s11+$0xFFFFFF00] =	vst v28;
	v29 =	vld [tilespmem:s10+$0xFFFFFFB0]  }
0xe9: {  	v36 =	vsel vm12, v36, v44;
	v14 =	vperm.xlane v6, v2;
	v6 =	vpop (erf);
	v19 =	vperm.xlane v28, v2;
	[tilespmem:s9+$0xFFFFFEE0] =	vst v42;
	v30 =	vld [tilespmem:s10+$0xFFFFFEC0]  }
0xea: {  	v36 =	vsub.f32 v36, v3;
	v28 =	vmul.f32 v21, v16;
	[tilespmem:s11+$0x40] =	vst v6;
	v22 =	vperm.xlane v6, v2;
	v6 =	vld [tilespmem:s13+$0xFFFFFFE0]  }
0xeb: {  	v46 =	vmul.f32 $2.000000030e-01, v41;
	v44 =	vadd.f32 v45, v51;
	[tilespmem:s11+$0x100] =	vst v27;
	v33 =	vmul.f32 v18, v14;
	v40 =	vld [tilespmem:s14+$0xFFFFFEF0]  }
0xec: {  	vm13 =	vgt.f32 v41, $0.0e+00;
	v36 =	vmul.f32 $1.442695020e+00, v36;
	v26 =	vmul.f32 v26, v15;
	v31 =	vld [tilespmem:s10+$0x110];
	[tilespmem:s9+$0xFFFFFFD0] =	vst v28  }
0xed: {  	v55 =	vsel vm13, v41, v46;
	v24 =	vmul.f32 v24, v13;
	v18 =	vperm.xlane v7, v2;
	v34 =	vld [tilespmem:s10+$0x0];
	[tilespmem:s11+$0xFFFFFF10] =	vst v33  }
0xee: {  	v20 =	vperm.xlane v20, v2;
	v27 =	vpop (erf);
	(erf) = vpow2.f32 v36;
	v36 =	vsub.f32 v55, v3;
	[tilespmem:s9+$0x70] =	vst v26;
	v35 =	vld [tilespmem:s10+$0xFFFFFF20]  }
0xef: {  	v61 =	vadd.f32 v56, v47;
	v32 =	vpop (erf);
	[tilespmem:s11+$0x90] =	vst v27;
	v23 =	vmul.f32 v23, v18;
	v21 =	vperm.xlane v27, v2;
	v27 =	vld [tilespmem:s12+$0xFFFFFFF0]  }
0xf0: {  	vm4 =	vgt.f32 v44, $0.0e+00;
	v7 =	vld [tilespmem:s10+$0x50];
	[tilespmem:s11+$0xE0] =	vst v32;
	v36 =	vmul.f32 $1.442695020e+00, v36;
	v30 =	vmul.f32 v30, v19  }
0xf1: {  	v29 =	vmul.f32 v29, v20;
	v48 =	vld [tilespmem:s10+$0xA0];
	[tilespmem:s11+$0xFFFFFF60] =	vst v23;
	v6 =	vadd.f32 v6, v49;
	v31 =	vmul.f32 v31, v12  }
0xf2: {  	vm7 =	vgt.f32 v61, $0.0e+00;
	v25 =	vld [tilespmem:s14+$0xFFFFFFE0];
	v34 =	vmul.f32 v34, v22;
	(erf) = vpow2.f32 v36;
	[tilespmem:s11+$0xFFFFFEC0] =	vst v30  }
0xf3: {  	v38 =	vld [tilespmem:s10+$0xFFFFFF70];
	vm14 =	vgt.f32 v6, $0.0e+00;
	v30 =	vmul.f32 $2.000000030e-01, v6;
	[tilespmem:s11+$0x110] =	vst v31;
	v31 =	vmul.f32 v5, v4  }
0xf4: {  	v26 =	vld [tilespmem:s14+$0x30];
	[tilespmem:s11+$0xFFFFFFB0] =	vst v29;
	v5 =	vperm.xlane v32, v2;
	v35 =	vmul.f32 v35, v14;
	v27 =	vadd.f32 v50, v27  }
0xf5: {  	v58 =	vld [tilespmem:s10+$0xFFFFFFC0];
	v32 =	vadd.f32 v39, v54;
	v7 =	vmul.f32 v7, v21;
	v6 =	vsel vm14, v6, v30  }
0xf6: {  	v57 =	vld [tilespmem:s10+$0xFFFFFED0];
	[tilespmem:s11+$0x0] =	vst v34;
	v30 =	vadd.f32 v53, v52;
	v33 =	vmul.f32 v48, v5;
	vm15 =	vgt.f32 v27, $0.0e+00  }
0xf7: {  	v23 =	vld [tilespmem:s10+$0x120];
	v29 =	vmul.f32 $2.000000030e-01, v27;
	v6 =	vsub.f32 v6, v3;
	[tilespmem:s11+$0xFFFFFF20] =	vst v35;
	v62 =	vmul.f32 $2.000000030e-01, v32  }
0xf8: {  	v59 =	vld [tilespmem:s10+$0x10];
	[tilespmem:s9+$0xB0] =	vst v31;
	v31 =	vmul.f32 $2.000000030e-01, v61;
	vm6 =	vgt.f32 v32, $0.0e+00;
	v38 =	vmul.f32 v38, v18  }
0xf9: {  	v35 =	vld [tilespmem:s14+$0x80];
	[tilespmem:s11+$0x50] =	vst v7;
	v7 =	vmul.f32 $2.000000030e-01, v44;
	vm5 =	vgt.f32 v30, $0.0e+00;
	v27 =	vsel vm15, v27, v29  }
0xfa: {  	[tilespmem:s9+$0xFFFFFF80] =	vst v24;
	v51 =	vpop (erf);
	v29 =	vmul.f32 $2.000000030e-01, v30;
	v60 =	vld [tilespmem:s10+$0x60];
	v6 =	vmul.f32 $1.442695020e+00, v6;
	v32 =	vsel vm6, v32, v62  }
0xfb: {  	s13 =	simm.s32 $0xDF20;
	[tilespmem:s11+$0xA0] =	vst v33;
	v24 =	vsel vm7, v61, v31;
	v31 =	vld [tilespmem:s14+$0xFFFFFF40];
	v28 =	vperm.xlane v51, v2;
	v27 =	vsub.f32 v27, v3  }
0xfc: {  	[tilespmem:s13+$0x130] =	vst v51;
	v39 =	vld [tilespmem:s10+$0xB0];
	v7 =	vsel vm4, v44, v7;
	v32 =	vsub.f32 v32, v3;
	v29 =	vsel vm5, v30, v29  }
0xfd: {  	[tilespmem:s11+$0xFFFFFF70] =	vst v38;
	v52 =	vld [tilespmem:s12+$0xF0];
	v7 =	vsub.f32 v7, v3;
	(erf) = vpow2.f32 v6;
	v6 =	vsub.f32 v24, v3  }
0xfe: {  	v63 =	vld [tilespmem:s10+$0xFFFFFF80];
	v23 =	vmul.f32 v23, v12;
	v29 =	vsub.f32 v29, v3;
	v27 =	vmul.f32 $1.442695020e+00, v27  }
0xff: {  	v24 =	vld [tilespmem:s14+$0xFFFFFF90];
	v32 =	vmul.f32 $1.442695020e+00, v32;
	v7 =	vmul.f32 $1.442695020e+00, v7  }
0x100: {  	v44 =	vld [tilespmem:s14+$0xC0];
	v6 =	vmul.f32 $1.442695020e+00, v6;
	v29 =	vmul.f32 $1.442695020e+00, v29  }
0x101: {  	s17 =	simm.s32 $0xA5A0;
	v30 =	vld [tilespmem:s10+$0xFFFFFF30];
	(erf) = vpow2.f32 v27;
	v27 =	vmul.f32 v57, v19  }
0x102: {  	[tilespmem:s11+$0x120] =	vst v23;
	v23 =	vld [tilespmem:s17+$0xFFFFFFF0];
	(erf) = vpow2.f32 v32;
	v53 =	vmul.f32 v52, v28  }
0x103: {  	s19 =	simm.s32 $0xD0A0;
	(erf) = vpow2.f32 v7;
	v41 =	vmul.f32 v63, v18;
	v63 =	vld [tilespmem:s17+$0x130]  }
0x104: {  	[tilespmem:s11+$0xFFFFFED0] =	vst v27;
	v7 =	vmul.f32 v58, v20;
	v13 =	vmul.f32 v24, v13;
	v24 =	vld [tilespmem:s19+$0xFFFFFFD0]  }
0x105: {  	(erf) = vpow2.f32 v29;
	[tilespmem:s13+$0xF0] =	vst v53;
	v27 =	vld [tilespmem:s10+$0xFFFFFEE0];
	v29 =	vmul.f32 v59, v22  }
0x106: {  	v53 =	vld [tilespmem:s19+$0x30];
	[tilespmem:s11+$0xFFFFFFC0] =	vst v7;
	v7 =	vmul.f32 v60, v21  }
0x107: {  	(erf) = vpow2.f32 v6;
	v6 =	vld [tilespmem:s12+$0x100]  }
0x108: {  	v32 =	vld [tilespmem:s10+$0xFFFFFFD0];
	[tilespmem:s11+$0x10] =	vst v29  }
0x109: {  	v33 =	vld [tilespmem:s10+$0x20];
	[tilespmem:s11+$0x60] =	vst v7;
	v29 =	vpop (erf)  }
0x10a: {  	v34 =	vld [tilespmem:s10+$0x70];
	[tilespmem:s13+$0xFFFFFF50] =	vst v29;
	v7 =	vpop (erf)  }
0x10b: {  	v54 =	vld [tilespmem:s12+$0xFFFFFF10];
	[tilespmem:s13+$0xFFFFFFA0] =	vst v7;
	v37 =	vpop (erf)  }
0x10c: {  	v55 =	vld [tilespmem:s12+$0xFFFFFF60];
	[tilespmem:s13+$0xFFFFFFF0] =	vst v37  }
0x10d: {  	v56 =	vmul.f32 v6, v28;
	v57 =	vpop (erf);
	v58 =	vld [tilespmem:s12+$0xFFFFFFB0]  }
0x10e: {  	[tilespmem:s13+$0xFFFFFF00] =	vst v57;
	v12 =	vperm.xlane v57, v2;
	v57 =	vld [tilespmem:s17+$0xFFFFFFA0]  }
0x10f: {  	[tilespmem:s13+$0x100] =	vst v56;
	v56 =	vadd.f32 v53, v63;
	v63 =	vld [tilespmem:s19+$0x0]  }
0x110: {  	v40 =	vmul.f32 v40, v10;
	v16 =	vmul.f32 v25, v16;
	v59 =	vld [tilespmem:s12+$0xFFFFFEC0]  }
0x111: {  	v17 =	vmul.f32 v26, v17;
	v6 =	vperm.xlane v29, v2;
	v29 =	vpop (erf);
	v61 =	vld [tilespmem:s12+$0x110]  }
0x112: {  	v51 =	vmul.f32 v11, v8;
	[tilespmem:s13+$0x40] =	vst v29;
	v11 =	vperm.xlane v29, v2;
	v29 =	vld [tilespmem:s17+$0xFFFFFF50]  }
0x113: {  	v15 =	vmul.f32 v35, v15;
	v31 =	vmul.f32 v31, v9;
	v60 =	vpop (erf);
	v49 =	vld [tilespmem:s12+$0x0]  }
0x114: {  	v7 =	vperm.xlane v7, v2;
	v48 =	vpop (erf);
	[tilespmem:s13+$0x90] =	vst v60;
	v10 =	vperm.xlane v60, v2;
	v60 =	vld [tilespmem:s19+$0xFFFFFFF0]  }
0x115: {  	v9 =	vperm.xlane v37, v2;
	v36 =	vmul.f32 v54, v6;
	v50 =	vld [tilespmem:s12+$0x50];
	[tilespmem:s13+$0xE0] =	vst v48  }
0x116: {  	[tilespmem:s9+$0xFFFFFFE0] =	vst v16;
	v44 =	vmul.f32 v44, v4;
	v26 =	vmul.f32 $2.000000030e-01, v56;
	v62 =	vld [tilespmem:s12+$0xA0]  }
0x117: {  	vm8 =	vgt.f32 v56, $0.0e+00;
	v38 =	vmul.f32 v55, v7;
	[tilespmem:s13+$0xFFFFFF10] =	vst v36;
	v55 =	vmul.f32 v58, v9;
	v58 =	vld [tilespmem:s19+$0xFFFFFFE0]  }
0x118: {  	[tilespmem:s9+$0x30] =	vst v17;
	v30 =	vmul.f32 v30, v14;
	v27 =	vmul.f32 v27, v19;
	v26 =	vsel vm8, v56, v26;
	v52 =	vld [tilespmem:s12+$0xFFFFFF20]  }
0x119: {  	[tilespmem:s9+$0x120] =	vst v51;
	v26 =	vsub.f32 v26, v3;
	v8 =	vmul.f32 v61, v28;
	v25 =	vmul.f32 v59, v12;
	v61 =	vld [tilespmem:s17+$0x40]  }
0x11a: {  	[tilespmem:s9+$0x80] =	vst v15;
	v32 =	vmul.f32 v32, v20;
	v24 =	vadd.f32 v24, v29;
	v29 =	vld [tilespmem:s17+$0x90];
	v59 =	vmul.f32 v49, v11  }
0x11b: {  	v49 =	vld [tilespmem:s19+$0x10];
	v26 =	vmul.f32 $1.442695020e+00, v26;
	[tilespmem:s13+$0xFFFFFEC0] =	vst v25;
	v25 =	vmul.f32 v50, v10  }
0x11c: {  	v33 =	vmul.f32 v33, v22;
	v34 =	vmul.f32 v34, v21;
	[tilespmem:s13+$0xFFFFFF60] =	vst v38;
	v50 =	vld [tilespmem:s17+$0xE0]  }
0x11d: {  	v23 =	vadd.f32 v60, v23;
	(erf) = vpow2.f32 v26;
	v26 =	vld [tilespmem:s19+$0x20];
	[tilespmem:s13+$0x50] =	vst v25;
	v25 =	vmul.f32 v52, v6  }
0x11e: {  	v38 =	vmul.f32 v39, v5;
	v39 =	vld [tilespmem:s12+$0xFFFFFF70];
	[tilespmem:s13+$0x110] =	vst v8;
	v8 =	vperm.xlane v48, v2  }
0x11f: {  	v37 =	vld [tilespmem:s19+$0xFFFFFFC0];
	vm9 =	vgt.f32 v24, $0.0e+00;
	vm11 =	vgt.f32 v23, $0.0e+00;
	[tilespmem:s13+$0xFFFFFF20] =	vst v25;
	v25 =	vmul.f32 $2.000000030e-01, v24  }
0x120: {  	[tilespmem:s11+$0xFFFFFEE0] =	vst v27;
	v54 =	vld [tilespmem:s12+$0x120];
	v27 =	vmul.f32 $2.000000030e-01, v23;
	v62 =	vmul.f32 v62, v8;
	v29 =	vadd.f32 v49, v29  }
0x121: {  	[tilespmem:s13+$0xFFFFFFB0] =	vst v55;
	v48 =	vadd.f32 v58, v57;
	v36 =	vadd.f32 v63, v61;
	v24 =	vsel vm9, v24, v25;
	v25 =	vld [tilespmem:s17+$0xFFFFFF00]  }
0x122: {  	[tilespmem:s11+$0xB0] =	vst v38;
	v53 =	vld [tilespmem:s12+$0xFFFFFFC0];
	v23 =	vsel vm11, v23, v27;
	v27 =	vmul.f32 $2.000000030e-01, v29;
	v26 =	vadd.f32 v26, v50  }
0x123: {  	[tilespmem:s9+$0xFFFFFF40] =	vst v31;
	v60 =	vld [tilespmem:s10+$0xC0];
	v39 =	vmul.f32 v39, v7;
	vm10 =	vgt.f32 v48, $0.0e+00;
	vm13 =	vgt.f32 v29, $0.0e+00  }
0x124: {  	[tilespmem:s11+$0xFFFFFF30] =	vst v30;
	v52 =	vld [tilespmem:s12+$0xFFFFFED0];
	v51 =	vmul.f32 $2.000000030e-01, v48;
	v27 =	vsel vm13, v29, v27;
	v29 =	vmul.f32 $2.000000030e-01, v26  }
0x125: {  	[tilespmem:s13+$0x0] =	vst v59;
	v55 =	vld [tilespmem:s12+$0x60];
	v23 =	vsub.f32 v23, v3;
	vm12 =	vgt.f32 v36, $0.0e+00;
	v24 =	vsub.f32 v24, v3  }
0x126: {  	[tilespmem:s11+$0xFFFFFFD0] =	vst v32;
	v28 =	vmul.f32 v54, v28;
	v35 =	vsel vm10, v48, v51;
	v54 =	vld [tilespmem:s12+$0x10];
	v25 =	vadd.f32 v37, v25  }
0x127: {  	v63 =	vld [tilespmem:s10+$0xFFFFFF40];
	[tilespmem:s13+$0xA0] =	vst v62;
	v61 =	vmul.f32 $1.442695020e+00, v23;
	vm14 =	vgt.f32 v26, $0.0e+00;
	v24 =	vmul.f32 $1.442695020e+00, v24  }
0x128: {  	s18 =	simm.s32 $0xE1A0;
	v49 =	vld [tilespmem:s10+$0xFFFFFFE0];
	v30 =	vsub.f32 v35, v3;
	[tilespmem:s13+$0x120] =	vst v28;
	v26 =	vsel vm14, v26, v29;
	v29 =	vpop (erf);
	v58 =	vmul.f32 $2.000000030e-01, v25  }
0x129: {  	v56 =	vld [tilespmem:s12+$0xB0];
	v28 =	vmul.f32 $2.000000030e-01, v36;
	(erf) = vpow2.f32 v24;
	[tilespmem:s18+$0x130] =	vst v29;
	vm15 =	vgt.f32 v25, $0.0e+00  }
0x12a: {  	[tilespmem:s11+$0xFFFFFF80] =	vst v41;
	v30 =	vmul.f32 $1.442695020e+00, v30;
	v23 =	vsub.f32 v26, v3;
	v62 =	vld [tilespmem:s17+$0xF0];
	v25 =	vsel vm15, v25, v58  }
0x12b: {  	[tilespmem:s9+$0xFFFFFF90] =	vst v13;
	v57 =	vld [tilespmem:s12+$0xFFFFFF30];
	v28 =	vsel vm12, v36, v28;
	v16 =	vmul.f32 v54, v11;
	v25 =	vsub.f32 v25, v3  }
0x12c: {  	[tilespmem:s11+$0x20] =	vst v33;
	v48 =	vld [tilespmem:s10+$0xFFFFFF90];
	v28 =	vsub.f32 v28, v3;
	v31 =	vmul.f32 $1.442695020e+00, v23;
	(erf) = vpow2.f32 v30  }
0x12d: {  	[tilespmem:s11+$0x70] =	vst v34;
	v50 =	vld [tilespmem:s10+$0x30];
	v23 =	vperm.xlane v29, v2;
	v13 =	vmul.f32 $1.442695020e+00, v25  }
0x12e: {  	[tilespmem:s13+$0xFFFFFF70] =	vst v39;
	v51 =	vld [tilespmem:s10+$0x80];
	v27 =	vsub.f32 v27, v3;
	v28 =	vmul.f32 $1.442695020e+00, v28;
	(erf) = vpow2.f32 v61  }
0x12f: {  	[tilespmem:s9+$0xC0] =	vst v44;
	v59 =	vld [tilespmem:s12+$0xFFFFFF80];
	v15 =	vmul.f32 v62, v23;
	(erf) = vpow2.f32 v13  }
0x130: {  	v26 =	vld [tilespmem:s10+$0xFFFFFEF0];
	v27 =	vmul.f32 $1.442695020e+00, v27;
	[tilespmem:s13+$0x10] =	vst v16;
	v13 =	vmul.f32 v52, v12  }
0x131: {  	v20 =	vmul.f32 v49, v20;
	[tilespmem:s18+$0xF0] =	vst v15;
	v52 =	vld [tilespmem:s12+$0x20];
	(erf) = vpow2.f32 v28  }
0x132: {  	v16 =	vpop (erf);
	v17 =	vld [tilespmem:s17+$0x100];
	(erf) = vpow2.f32 v27;
	[tilespmem:s13+$0xFFFFFED0] =	vst v13;
	v13 =	vmul.f32 v53, v9  }
0x133: {  	v18 =	vmul.f32 v48, v18;
	[tilespmem:s18+$0xFFFFFF50] =	vst v16;
	(erf) = vpow2.f32 v31;
	v15 =	vld [tilespmem:s12+$0xFFFFFEE0]  }
0x134: {  	v22 =	vmul.f32 v50, v22;
	v27 =	vld [tilespmem:s14+$0xD0];
	[tilespmem:s13+$0xFFFFFFC0] =	vst v13;
	v13 =	vmul.f32 v55, v10  }
0x135: {  	[tilespmem:s9+$0xFFFFFEF0] =	vst v40;
	v21 =	vmul.f32 v51, v21;
	v30 =	vmul.f32 v56, v8;
	v54 =	vld [tilespmem:s17+$0xFFFFFF10]  }
0x136: {  	v25 =	vmul.f32 v63, v14;
	v31 =	vld [tilespmem:s12+$0xFFFFFFD0];
	[tilespmem:s13+$0x60] =	vst v13;
	v13 =	vperm.xlane v16, v2;
	v16 =	vpop (erf)  }
0x137: {  	v17 =	vmul.f32 v17, v23;
	v53 =	vld [tilespmem:s12+$0x70];
	[tilespmem:s18+$0xFFFFFFA0] =	vst v16;
	v14 =	vperm.xlane v16, v2;
	v16 =	vpop (erf)  }
0x138: {  	v33 =	vmul.f32 v15, v12;
	v55 =	vld [tilespmem:s17+$0xFFFFFF60];
	[tilespmem:s18+$0xFFFFFFF0] =	vst v16;
	v15 =	vperm.xlane v16, v2;
	v16 =	vpop (erf)  }
0x139: {  	v29 =	vmul.f32 v57, v6;
	v24 =	vmul.f32 v26, v19;
	v56 =	vld [tilespmem:s17+$0xFFFFFFB0];
	[tilespmem:s18+$0xFFFFFF00] =	vst v16  }
0x13a: {  	v26 =	vmul.f32 v60, v5;
	v28 =	vmul.f32 v59, v7;
	[tilespmem:s18+$0x100] =	vst v17;
	v57 =	vpop (erf);
	v58 =	vld [tilespmem:s17+$0xFFFFFEC0]  }
0x13b: {  	v34 =	vmul.f32 v52, v11;
	v59 =	vld [tilespmem:s17+$0x110];
	v32 =	vmul.f32 v31, v9;
	v31 =	vpop (erf);
	[tilespmem:s18+$0x40] =	vst v57  }
0x13c: {  	v61 =	vmul.f32 v54, v13;
	v19 =	vperm.xlane v16, v2;
	v60 =	vpop (erf);
	v36 =	vld [tilespmem:s17+$0x0];
	[tilespmem:s18+$0x90] =	vst v31  }
0x13d: {  	v16 =	vperm.xlane v57, v2;
	v62 =	vmul.f32 v55, v14;
	v37 =	vld [tilespmem:s17+$0x50];
	[tilespmem:s18+$0xE0] =	vst v60  }
0x13e: {  	[tilespmem:s18+$0xFFFFFF10] =	vst v61;
	v17 =	vperm.xlane v31, v2;
	v63 =	vmul.f32 v56, v15;
	v38 =	vld [tilespmem:s17+$0xA0]  }
0x13f: {  	v39 =	vld [tilespmem:s17+$0xFFFFFF20];
	v35 =	vmul.f32 v53, v10;
	[tilespmem:s18+$0xFFFFFF60] =	vst v62;
	v41 =	vmul.f32 v58, v19  }
0x140: {  	s20 =	simm.s32 $0xA820;
	s14 =	simm.s32 $0x18;
	v31 =	vperm.xlane v60, v2;
	v42 =	vmul.f32 v59, v23;
	v40 =	vld [tilespmem:s17+$0xFFFFFF70];
	[tilespmem:s18+$0xFFFFFFB0] =	vst v63  }
.LBB2_5:
0x141: {  	v43 =	vld [tilespmem:s20+$0x130];
	[tilespmem:s18+$0xFFFFFEC0] =	vst v41;
	v36 =	vmul.f32 v36, v16;
	s19 =	sadd.s32 $0x80, s19;
	v27 =	vmul.f32 v27, v4;
	v4 =	vmovc v5;
	v5 =	vmov v8  }
0x142: {  	s14 =	sadd.s32 $0x8, s14;
	v8 =	vmov v31;
	v41 =	vld [tilespmem:s19+$0x30];
	v37 =	vmul.f32 v37, v17;
	[tilespmem:s18+$0x110] =	vst v42  }
0x143: {  	p2 =	slt.u32 s14, $0x48;
	[tilespmem:s18+$0x0] =	vst v36;
	v31 =	vmul.f32 v38, v8;
	v36 =	vld [tilespmem:s17+$0x120]  }
0x144: {  	v38 =	vld [tilespmem:s19+$0xFFFFFFC0];
	v39 =	vmul.f32 v39, v13;
	[tilespmem:s18+$0x50] =	vst v37  }
0x145: {  	v37 =	vld [tilespmem:s20+$0xFFFFFF50];
	v40 =	vmul.f32 v40, v14;
	[tilespmem:s18+$0xA0] =	vst v31  }
0x146: {  	v31 =	vld [tilespmem:s19+$0xFFFFFFD0];
	[tilespmem:s18+$0xFFFFFF20] =	vst v39  }
0x147: {  	v39 =	vld [tilespmem:s20+$0xFFFFFFA0];
	v41 =	vadd.f32 v41, v43;
	[tilespmem:s18+$0xFFFFFF70] =	vst v40  }
0x148: {  	v40 =	vld [tilespmem:s19+$0xFFFFFFE0];
	v23 =	vmul.f32 v36, v23;
	[tilespmem:s13+$0xB0] =	vst v30  }
0x149: {  	v30 =	vld [tilespmem:s20+$0xFFFFFFF0];
	v36 =	vmul.f32 $2.000000030e-01, v41;
	[tilespmem:s13+$0xFFFFFEE0] =	vst v33  }
0x14a: {  	vm0 =	vgt.f32 v41, $0.0e+00;
	v33 =	vld [tilespmem:s19+$0xFFFFFFF0];
	[tilespmem:s18+$0x120] =	vst v23  }
0x14b: {  	v23 =	vadd.f32 v31, v37;
	v31 =	vld [tilespmem:s20+$0x40];
	v36 =	vsel vm0, v41, v36;
	[tilespmem:s13+$0xFFFFFF30] =	vst v29  }
0x14c: {  	v29 =	vld [tilespmem:s19+$0x0];
	v36 =	vsub.f32 v36, v3;
	[tilespmem:s13+$0xFFFFFF80] =	vst v28  }
0x14d: {  	vm0 =	vgt.f32 v23, $0.0e+00;
	v28 =	vmul.f32 $2.000000030e-01, v23;
	v37 =	vadd.f32 v40, v39;
	v39 =	vld [tilespmem:s20+$0x90];
	[tilespmem:s13+$0xFFFFFFD0] =	vst v32  }
0x14e: {  	v32 =	vld [tilespmem:s19+$0x10];
	v36 =	vmul.f32 $1.442695020e+00, v36;
	[tilespmem:s13+$0x20] =	vst v34  }
0x14f: {  	vm1 =	vgt.f32 v37, $0.0e+00;
	v34 =	vmul.f32 $2.000000030e-01, v37;
	v30 =	vadd.f32 v33, v30;
	v33 =	vld [tilespmem:s20+$0xE0];
	[tilespmem:s13+$0x70] =	vst v35  }
0x150: {  	v23 =	vsel vm0, v23, v28;
	v28 =	vld [tilespmem:s19+$0x20];
	(erf) = vpow2.f32 v36;
	[tilespmem:s11+$0xC0] =	vst v26  }
0x151: {  	v26 =	vld [tilespmem:s20+$0xFFFFFF00];
	vm0 =	vgt.f32 v30, $0.0e+00;
	v35 =	vmul.f32 $2.000000030e-01, v30;
	v29 =	vadd.f32 v29, v31;
	[tilespmem:s11+$0xFFFFFEF0] =	vst v24  }
0x152: {  	v23 =	vsub.f32 v23, v3;
	v24 =	vsel vm1, v37, v34;
	v31 =	vld [tilespmem:s17+$0xFFFFFED0];
	[tilespmem:s11+$0xFFFFFF40] =	vst v25  }
0x153: {  	vm1 =	vgt.f32 v29, $0.0e+00;
	v25 =	vmul.f32 $2.000000030e-01, v29;
	v32 =	vadd.f32 v32, v39;
	v34 =	vld [tilespmem:s17+$0xFFFFFFC0];
	[tilespmem:s11+$0xFFFFFF90] =	vst v18  }
0x154: {  	v18 =	vmul.f32 $1.442695020e+00, v23;
	v23 =	vsub.f32 v24, v3;
	v24 =	vsel vm0, v30, v35;
	v30 =	vld [tilespmem:s17+$0x10];
	[tilespmem:s11+$0xFFFFFFE0] =	vst v20  }
0x155: {  	vm0 =	vgt.f32 v32, $0.0e+00;
	v20 =	vmul.f32 $2.000000030e-01, v32;
	v28 =	vadd.f32 v28, v33;
	v33 =	vld [tilespmem:s17+$0x60];
	[tilespmem:s11+$0x30] =	vst v22  }
0x156: {  	v24 =	vsub.f32 v24, v3;
	v25 =	vsel vm1, v29, v25;
	v22 =	vadd.f32 v38, v26;
	v26 =	vld [tilespmem:s17+$0xB0];
	[tilespmem:s11+$0x80] =	vst v21  }
0x157: {  	v20 =	vsel vm0, v32, v20;
	vm0 =	vgt.f32 v28, $0.0e+00;
	v21 =	vmul.f32 $2.000000030e-01, v28;
	v29 =	vld [tilespmem:s17+$0xFFFFFF30];
	[tilespmem:s9+$0xD0] =	vst v27;
	s9 =	smov.u32 s11;
	s11 =	smov.u32 s13;
	s13 =	smov.u32 s18  }
0x158: {  	v25 =	vsub.f32 v25, v3;
	vm1 =	vgt.f32 v22, $0.0e+00;
	v27 =	vmul.f32 $2.000000030e-01, v22;
	v32 =	vld [tilespmem:s17+$0xFFFFFF80]  }
0x159: {  	v23 =	vmul.f32 $1.442695020e+00, v23;
	s18 =	sadd.s32 $0x280, s18;
	v20 =	vsub.f32 v20, v3;
	v21 =	vsel vm0, v28, v21;
	v28 =	vpop (erf);
	v35 =	vld [tilespmem:s12+$0xC0]  }
0x15a: {  	v24 =	vmul.f32 $1.442695020e+00, v24;
	v22 =	vsel vm1, v22, v27;
	v21 =	vsub.f32 v21, v3;
	[tilespmem:s18+$0x130] =	vst v28;
	v36 =	vld [tilespmem:s12+$0xFFFFFEF0]  }
0x15b: {  	v25 =	vmul.f32 $1.442695020e+00, v25;
	v20 =	vmul.f32 $1.442695020e+00, v20;
	v22 =	vsub.f32 v22, v3;
	v27 =	vld [tilespmem:s20+$0xF0]  }
0x15c: {  	v21 =	vmul.f32 $1.442695020e+00, v21;
	(erf) = vpow2.f32 v18;
	v18 =	vld [tilespmem:s12+$0xFFFFFF40]  }
0x15d: {  	v22 =	vmul.f32 $1.442695020e+00, v22;
	(erf) = vpow2.f32 v23;
	v38 =	vld [tilespmem:s12+$0xFFFFFF90]  }
0x15e: {  	v23 =	vperm.xlane v28, v2;
	(erf) = vpow2.f32 v24;
	v39 =	vld [tilespmem:s12+$0xFFFFFFE0]  }
0x15f: {  	(erf) = vpow2.f32 v22;
	v22 =	vmul.f32 v31, v19;
	v40 =	vld [tilespmem:s12+$0x30]  }
0x160: {  	v24 =	vmul.f32 v27, v23;
	(erf) = vpow2.f32 v25;
	v43 =	vld [tilespmem:s12+$0x80]  }
0x161: {  	(erf) = vpow2.f32 v20;
	[tilespmem:s13+$0xFFFFFED0] =	vst v22;
	v20 =	vmul.f32 v34, v15;
	v27 =	vld [tilespmem:s10+$0xD0];
	s10 =	smov.u32 s12;
	s12 =	smov.u32 s17;
	s17 =	smov.u32 s20  }
0x162: {  	[tilespmem:s18+$0xF0] =	vst v24;
	(erf) = vpow2.f32 v21;
	v21 =	vld [tilespmem:s12+$0xFFFFFEE0];
	v24 =	vmul.f32 v30, v16  }
0x163: {  	v30 =	vmul.f32 v26, v8;
	v31 =	vld [tilespmem:s20+$0x100];
	[tilespmem:s13+$0xFFFFFFC0] =	vst v20;
	v20 =	vmul.f32 v33, v17  }
0x164: {  	v29 =	vmul.f32 v29, v13;
	v28 =	vmul.f32 v32, v14;
	v32 =	vld [tilespmem:s12+$0xFFFFFFD0];
	[tilespmem:s13+$0x10] =	vst v24  }
0x165: {  	v26 =	vmul.f32 v35, v5;
	v24 =	vmul.f32 v36, v12;
	v12 =	vmov v19;
	v22 =	vpop (erf);
	v34 =	vld [tilespmem:s12+$0x20];
	[tilespmem:s13+$0x60] =	vst v20  }
0x166: {  	v25 =	vmul.f32 v18, v6;
	v6 =	vmov v13;
	[tilespmem:s18+$0xFFFFFF50] =	vst v22;
	v19 =	vpop (erf);
	v20 =	vld [tilespmem:s12+$0x70];
	v13 =	vperm.xlane v22, v2  }
0x167: {  	v18 =	vld [tilespmem:s20+$0xFFFFFF10];
	[tilespmem:s18+$0xFFFFFFA0] =	vst v19;
	v22 =	vperm.xlane v19, v2;
	v19 =	vpop (erf);
	v33 =	vmul.f32 v21, v12  }
0x168: {  	v21 =	vld [tilespmem:s20+$0xFFFFFF60];
	[tilespmem:s18+$0xFFFFFFF0] =	vst v19;
	v41 =	vperm.xlane v19, v2;
	v36 =	vmul.f32 v31, v23;
	v19 =	vpop (erf)  }
0x169: {  	[tilespmem:s18+$0xFFFFFF00] =	vst v19;
	v19 =	vperm.xlane v19, v2;
	v42 =	vld [tilespmem:s20+$0xFFFFFFB0];
	v35 =	vpop (erf);
	v32 =	vmul.f32 v32, v15  }
0x16a: {  	v44 =	vld [tilespmem:s20+$0xFFFFFEC0];
	v45 =	vperm.xlane v35, v2;
	[tilespmem:s18+$0x100] =	vst v36;
	v31 =	vpop (erf);
	v34 =	vmul.f32 v34, v16  }
0x16b: {  	[tilespmem:s18+$0x40] =	vst v35;
	v46 =	vperm.xlane v31, v2;
	v47 =	vld [tilespmem:s20+$0x110];
	v48 =	vpop (erf);
	v35 =	vmul.f32 v20, v17  }
.Ltmp3:
0x16c: {  	v20 =	vmul.f32 v18, v13;
	v36 =	vld [tilespmem:s20+$0x0];
	[tilespmem:s18+$0x90] =	vst v31;
	v31 =	vperm.xlane v48, v2;
	(pc) =	sbr.rel @p2 .LBB2_5-.Ltmp3, $4  }
0x16d: {  	v18 =	vmul.f32 v38, v7;
	v7 =	vmovc v14;
	v14 =	vmov v22;
	v21 =	vmul.f32 v21, v22;
	v37 =	vld [tilespmem:s20+$0x50];
	[tilespmem:s18+$0xE0] =	vst v48  }
0x16e: {  	[tilespmem:s18+$0xFFFFFF10] =	vst v20;
	v42 =	vmul.f32 v42, v41;
	v38 =	vld [tilespmem:s20+$0xA0];
	v20 =	vmul.f32 v39, v9;
	v9 =	vmovc v15;
	v15 =	vmov v41  }
0x16f: {  	v22 =	vmul.f32 v40, v11;
	v11 =	vmovc v16;
	v16 =	vmov v45;
	v41 =	vmul.f32 v44, v19;
	v39 =	vld [tilespmem:s20+$0xFFFFFF20];
	[tilespmem:s18+$0xFFFFFF60] =	vst v21  }
0x170: {  	s20 =	sadd.s32 $0x280, s20;
	v21 =	vmul.f32 v43, v10;
	v10 =	vmovc v17;
	v17 =	vmov v46;
	v40 =	vld [tilespmem:s17+$0xFFFFFF70];
	[tilespmem:s18+$0xFFFFFFB0] =	vst v42;
	v42 =	vmul.f32 v47, v23  }
0x171: {  	[tilespmem:s18+$0xFFFFFEC0] =	vst v41  }
0x172: {  	[tilespmem:s13+$0xB0] =	vst v30  }
0x173: {  	[tilespmem:s13+$0xFFFFFEE0] =	vst v33  }
0x174: {  	[tilespmem:s13+$0xFFFFFF30] =	vst v29  }
0x175: {  	[tilespmem:s13+$0xFFFFFF80] =	vst v28  }
0x176: {  	[tilespmem:s13+$0xFFFFFFD0] =	vst v32  }
0x177: {  	[tilespmem:s18+$0x110] =	vst v42  }
0x178: {  	[tilespmem:s13+$0x20] =	vst v34;
	v52 =	vld [tilespmem:s17+$0x120]  }
0x179: {  	[tilespmem:s13+$0x70] =	vst v35  }
0x17a: {  	[tilespmem:s11+$0xC0] =	vst v26  }
0x17b: {  	[tilespmem:s11+$0xFFFFFEF0] =	vst v24  }
0x17c: {  	[tilespmem:s11+$0xFFFFFF40] =	vst v25  }
0x17d: {  	[tilespmem:s11+$0xFFFFFF90] =	vst v18;
	v23 =	vmul.f32 v52, v23  }
0x17e: {  	[tilespmem:s11+$0xFFFFFFE0] =	vst v20  }
0x17f: {  	v36 =	vmul.f32 v36, v16;
	[tilespmem:s18+$0x120] =	vst v23;
	v23 =	vld [tilespmem:s17+$0xFFFFFED0]  }
0x180: {  	[tilespmem:s11+$0x30] =	vst v22;
	v37 =	vmul.f32 v37, v17  }
0x181: {  	v24 =	vld [tilespmem:s17+$0xFFFFFFC0];
	[tilespmem:s18+$0x0] =	vst v36  }
0x182: {  	v51 =	vmul.f32 v38, v31;
	[tilespmem:s18+$0x50] =	vst v37;
	v25 =	vld [tilespmem:s17+$0x10]  }
0x183: {  	[tilespmem:s11+$0x80] =	vst v21;
	v39 =	vmul.f32 v39, v13;
	v18 =	vld [tilespmem:s17+$0x60]  }
0x184: {  	[tilespmem:s18+$0xA0] =	vst v51;
	v23 =	vmul.f32 v23, v19  }
0x185: {  	v53 =	vmul.f32 v40, v14;
	[tilespmem:s18+$0xFFFFFF20] =	vst v39;
	v20 =	vld [tilespmem:s17+$0xB0]  }
0x186: {  	v22 =	vmul.f32 v24, v15;
	v21 =	vld [tilespmem:s17+$0xFFFFFF30];
	[tilespmem:s18+$0xFFFFFED0] =	vst v23  }
0x187: {  	[tilespmem:s18+$0xFFFFFF70] =	vst v53;
	v24 =	vmul.f32 v25, v16;
	v23 =	vld [tilespmem:s17+$0xFFFFFEE0]  }
0x188: {  	[tilespmem:s18+$0xFFFFFFC0] =	vst v22;
	v25 =	vld [tilespmem:s17+$0xFFFFFF80];
	v18 =	vmul.f32 v18, v17  }
0x189: {  	v4 =	vmul.f32 v27, v4;
	v22 =	vld [tilespmem:s17+$0xFFFFFFD0];
	[tilespmem:s18+$0x10] =	vst v24  }
0x18a: {  	v20 =	vmul.f32 v20, v31;
	v24 =	vld [tilespmem:s17+$0x20];
	[tilespmem:s18+$0x60] =	vst v18  }
0x18b: {  	[tilespmem:s9+$0xD0] =	vst v4;
	v21 =	vmul.f32 v21, v13;
	v4 =	vld [tilespmem:s17+$0x70]  }
0x18c: {  	[tilespmem:s18+$0xB0] =	vst v20;
	v20 =	vld [tilespmem:s12+$0xFFFFFEF0];
	v18 =	vmul.f32 v23, v19  }
0x18d: {  	v25 =	vmul.f32 v25, v14;
	[tilespmem:s18+$0xFFFFFF30] =	vst v21;
	v21 =	vld [tilespmem:s12+$0xFFFFFF90]  }
0x18e: {  	v22 =	vmul.f32 v22, v15;
	[tilespmem:s18+$0xFFFFFEE0] =	vst v18;
	v18 =	vld [tilespmem:s12+$0xFFFFFF40]  }
0x18f: {  	[tilespmem:s18+$0xFFFFFF80] =	vst v25;
	v25 =	vld [tilespmem:s12+$0xFFFFFFE0];
	v24 =	vmul.f32 v24, v16  }
0x190: {  	[tilespmem:s18+$0xFFFFFFD0] =	vst v22;
	v22 =	vld [tilespmem:s12+$0x30];
	v4 =	vmul.f32 v4, v17  }
0x191: {  	v12 =	vmul.f32 v20, v12;
	[tilespmem:s18+$0x20] =	vst v24;
	v24 =	vld [tilespmem:s12+$0x80]  }
0x192: {  	v7 =	vmul.f32 v21, v7;
	[tilespmem:s18+$0x70] =	vst v4;
	v4 =	vld [tilespmem:s10+$0xD0]  }
0x193: {  	[tilespmem:s13+$0xFFFFFEF0] =	vst v12;
	v23 =	vld [tilespmem:s12+$0xC0];
	v6 =	vmul.f32 v18, v6  }
0x194: {  	v12 =	vld [tilespmem:s17+$0xC0];
	v9 =	vmul.f32 v25, v9;
	[tilespmem:s13+$0xFFFFFF90] =	vst v7  }
0x195: {  	v11 =	vmul.f32 v22, v11;
	[tilespmem:s13+$0xFFFFFF40] =	vst v6;
	v6 =	vld [tilespmem:s17+$0xFFFFFEF0]  }
0x196: {  	v7 =	vld [tilespmem:s17+$0xFFFFFF40];
	[tilespmem:s13+$0xFFFFFFE0] =	vst v9;
	v10 =	vmul.f32 v24, v10  }
0x197: {  	v9 =	vld [tilespmem:s17+$0xFFFFFF90];
	[tilespmem:s13+$0x30] =	vst v11;
	v4 =	vmul.f32 v4, v5  }
0x198: {  	v5 =	vld [tilespmem:s17+$0xFFFFFFE0];
	[tilespmem:s13+$0x80] =	vst v10;
	v23 =	vmul.f32 v23, v8  }
0x199: {  	v11 =	vmul.f32 v12, v31;
	v10 =	vld [tilespmem:s17+$0x30];
	[tilespmem:s11+$0xD0] =	vst v4  }
0x19a: {  	v4 =	vld [tilespmem:s17+$0x80];
	[tilespmem:s13+$0xC0] =	vst v23;
	v6 =	vmul.f32 v6, v19  }
0x19b: {  	v7 =	vmul.f32 v7, v13;
	[tilespmem:s18+$0xC0] =	vst v11;
	v12 =	vld [tilespmem:s12+$0xD0]  }
0x19c: {  	v9 =	vmul.f32 v9, v14;
	[tilespmem:s18+$0xFFFFFEF0] =	vst v6;
	v6 =	vld [tilespmem:s17+$0xD0]  }
0x19d: {  	[tilespmem:s18+$0xFFFFFF40] =	vst v7;
	v5 =	vmul.f32 v5, v15  }
0x19e: {  	[tilespmem:s18+$0xFFFFFF90] =	vst v9;
	v7 =	vmul.f32 v10, v16  }
0x19f: {  	v4 =	vmul.f32 v4, v17;
	[tilespmem:s18+$0xFFFFFFE0] =	vst v5  }
0x1a0: {  	[tilespmem:s18+$0x30] =	vst v7;
	v5 =	vmul.f32 v12, v8  }
0x1a1: {  	p2 =	seq.s32 s8, $0x7C;
	[tilespmem:s18+$0x80] =	vst v4;
	v4 =	vmul.f32 v6, v31  }
0x1a2: {  	s9 =	smul.u32 @!p2 $0xA0, s8;
	[tilespmem:s13+$0xD0] =	vst v5  }
0x1a3: {  	[tilespmem:s18+$0xD0] =	vst v4  }
0x1a4: {  	v4 =	vld @!p2 [tilespmem:s9+$0xA0];
	_ =	sdelay $0x4  }
0x1a5: {  	v4 =	vshll.u32 @!p2 v4, $0x1  }
0x1a6: {  	v4 =	vor.u32 @!p2 v0, v4  }
0x1a7: {  	[tilespmem:$0x9C40] =	vst @!p2 v4  }
0x1a8: {  	v4 =	vld @!p2 [tilespmem:s9+$0xB0];
	_ =	sdelay $0x4  }
0x1a9: {  	v4 =	vshll.u32 @!p2 v4, $0x1  }
0x1aa: {  	v4 =	vor.u32 @!p2 v0, v4  }
0x1ab: {  	[tilespmem:$0x9C50] =	vst @!p2 v4  }
0x1ac: {  	v4 =	vld @!p2 [tilespmem:s9+$0xC0];
	_ =	sdelay $0x4  }
0x1ad: {  	v4 =	vshll.u32 @!p2 v4, $0x1  }
0x1ae: {  	v4 =	vor.u32 @!p2 v0, v4  }
0x1af: {  	[tilespmem:$0x9C60] =	vst @!p2 v4  }
0x1b0: {  	v4 =	vld @!p2 [tilespmem:s9+$0xD0];
	_ =	sdelay $0x4  }
0x1b1: {  	v4 =	vshll.u32 @!p2 v4, $0x1  }
0x1b2: {  	v4 =	vor.u32 @!p2 v0, v4  }
0x1b3: {  	[tilespmem:$0x9C70] =	vst @!p2 v4  }
0x1b4: {  	v4 =	vld @!p2 [tilespmem:s9+$0xE0];
	_ =	sdelay $0x4  }
0x1b5: {  	v4 =	vshll.u32 @!p2 v4, $0x1  }
0x1b6: {  	v4 =	vor.u32 @!p2 v0, v4  }
0x1b7: {  	s10 =	simm.s32 @!p2 $0x50;
	s11 =	simm.s32 @!p2 $0x9C40;
	s12 =	simm.s32 @!p2 $0x9CE0;
	[tilespmem:$0x9C80] =	vst @!p2 v4  }
0x1b8: {  	[tilespmem:s12], [sflag:$0x1] =	stream.indirect.gather @!p2 [hbm4b:s4+s10], $0x50, s11, s10, $0xb8;
	[tilespmem:$0x1CE40] =	vst v63  }
0x1b9: {  	s13 =	smul.u32 $0x280, s8;
	s9 =	sadd.s32 @!p2 $0x4EC0, s9;
	s11 =	simm.s32 @!p2 $0xCEE0  }
0x1ba: {  	[tilespmem:s11], [sflag:$0x3] =	stream.indirect.gather @!p2 [hbm4b:s5+s10], $0x10, s9, s10, $0xb8;
	[tilespmem:$0x1CE40] =	vst v63  }
0x1bb: {  	s9 =	sshra.s32 s13, $0x2  }
0x1bc: {  	s14 =	sadd.s32 $0x4E20, s9  }
0x1bd: {  	[spmem:s1] =	stream.indirect.scatter.add.f32 [tilespmem:s21], [sflag:$0x5], $0x50, s14, s25, $0xb8;
	[tilespmem:$0x1CE40] =	vst v63  }
0x1be: {  	_ =	swait.ge [sflag:s29], $0x1900  }
0x1bf: {  	[sflag:s29] =	ssyncset.done $0x0  }
0x1c0: {  	[sflag:s29] =	ssyncadd.s32 $0xFFFFE700  }
0x1c1: {  	_ =	swait.ge [sflag:s0], $0x500  }
0x1c2: {  	[sflag:s0] =	ssyncset.done $0x0  }
0x1c3: {  	s10 =	simm.s32 @!p1 $0x6;
	[sflag:s0] =	ssyncadd.s32 $0xFFFFFB00  }
0x1c4: {  	_ =	swait.ge @!p1 [sflag:s10], $0x1900  }
0x1c5: {  	[sflag:s10] =	ssyncset.done @!p1 $0x0  }
0x1c6: {  	s16 =	simm.s32 $0xB720;
	[sflag:s10] =	ssyncadd.s32 @!p1 $0xFFFFE700  }
0x1c7: {  	s19 =	simm.s32 $0xD420;
	v4 =	vld [tilespmem:s16+$0x130]  }
0x1c8: {  	v5 =	vld [tilespmem:s19+$0x30]  }
0x1c9: {  	v6 =	vld [tilespmem:s19+$0xFFFFFFC0]  }
0x1ca: {  	v7 =	vld [tilespmem:s16+$0xFFFFFF50]  }
0x1cb: {  	v8 =	vld [tilespmem:s16+$0xFFFFFFA0]  }
0x1cc: {  	v10 =	vld [tilespmem:s19+$0xFFFFFFE0]  }
0x1cd: {  	v11 =	vld [tilespmem:s16+$0xFFFFFFF0];
	v4 =	vadd.f32 v5, v4  }
0x1ce: {  	v12 =	vld [tilespmem:s16+$0x40]  }
0x1cf: {  	v5 =	vld [tilespmem:s19+$0xFFFFFFD0];
	v9 =	vmul.f32 $2.000000030e-01, v4  }
0x1d0: {  	v13 =	vld [tilespmem:s19+$0x0];
	vm0 =	vgt.f32 v4, $0.0e+00  }
0x1d1: {  	v14 =	vld [tilespmem:s16+$0xFFFFFF00];
	v4 =	vsel vm0, v4, v9  }
0x1d2: {  	v9 =	vld [tilespmem:s19+$0xFFFFFFF0];
	v4 =	vsub.f32 v4, v3  }
0x1d3: {  	v8 =	vadd.f32 v10, v8  }
0x1d4: {  	v10 =	vld [tilespmem:s19+$0x10];
	v5 =	vadd.f32 v5, v7;
	v4 =	vmul.f32 $1.442695020e+00, v4  }
0x1d5: {  	v12 =	vadd.f32 v13, v12;
	v15 =	vmul.f32 $2.000000030e-01, v8;
	v7 =	vld [tilespmem:s16+$0x90]  }
0x1d6: {  	v6 =	vadd.f32 v6, v14;
	(erf) = vpow2.f32 v4;
	v4 =	vmul.f32 $2.000000030e-01, v5  }
0x1d7: {  	vm1 =	vgt.f32 v8, $0.0e+00;
	vm10 =	vgt.f32 v5, $0.0e+00;
	v9 =	vadd.f32 v9, v11;
	v11 =	vld [tilespmem:s16+$0xE0]  }
0x1d8: {  	v8 =	vsel vm1, v8, v15;
	v4 =	vsel vm10, v5, v4;
	v5 =	vld [tilespmem:s19+$0x20]  }
0x1d9: {  	vm12 =	vgt.f32 v12, $0.0e+00;
	vm14 =	vgt.f32 v6, $0.0e+00;
	v8 =	vsub.f32 v8, v3  }
0x1da: {  	v7 =	vadd.f32 v10, v7;
	v10 =	vmul.f32 $2.000000030e-01, v12;
	v13 =	vmul.f32 $2.000000030e-01, v9  }
0x1db: {  	v8 =	vmul.f32 $1.442695020e+00, v8;
	vm11 =	vgt.f32 v9, $0.0e+00;
	v4 =	vsub.f32 v4, v3  }
0x1dc: {  	vm13 =	vgt.f32 v7, $0.0e+00;
	v10 =	vsel vm12, v12, v10;
	v9 =	vsel vm11, v9, v13  }
0x1dd: {  	v4 =	vmul.f32 $1.442695020e+00, v4;
	v5 =	vadd.f32 v5, v11;
	v11 =	vmul.f32 $2.000000030e-01, v6  }
0x1de: {  	v13 =	vmul.f32 $2.000000030e-01, v7;
	v10 =	vsub.f32 v10, v3;
	v9 =	vsub.f32 v9, v3  }
0x1df: {  	s11 =	simm.s32 $0xB9A0;
	s10 =	simm.s32 $0xF320;
	v12 =	vpop (erf);
	v6 =	vsel vm14, v6, v11;
	v11 =	vmul.f32 $2.000000030e-01, v5;
	(erf) = vpow2.f32 v4  }
0x1e0: {  	v16 =	vld [tilespmem:s11+$0x130];
	v7 =	vsel vm13, v7, v13;
	v9 =	vmul.f32 $1.442695020e+00, v9;
	vm15 =	vgt.f32 v5, $0.0e+00;
	[tilespmem:s10+$0x130] =	vst v12  }
0x1e1: {  	s20 =	simm.s32 $0xD4A0;
	v4 =	vsub.f32 v7, v3;
	v6 =	vsub.f32 v6, v3;
	v13 =	vld [tilespmem:s16+$0xF0];
	v5 =	vsel vm15, v5, v11  }
0x1e2: {  	v23 =	vld [tilespmem:s20+$0xFFFFFFC0];
	v7 =	vmul.f32 $1.442695020e+00, v10;
	(erf) = vpow2.f32 v8;
	v5 =	vsub.f32 v5, v3  }
0x1e3: {  	v24 =	vld [tilespmem:s11+$0xFFFFFF50];
	v8 =	vperm.xlane v12, v2;
	v6 =	vmul.f32 $1.442695020e+00, v6  }
0x1e4: {  	v25 =	vld [tilespmem:s20+$0xFFFFFFD0];
	(erf) = vpow2.f32 v9;
	v5 =	vmul.f32 $1.442695020e+00, v5  }
0x1e5: {  	v26 =	vld [tilespmem:s11+$0xFFFFFFA0];
	v4 =	vmul.f32 $1.442695020e+00, v4;
	(erf) = vpow2.f32 v6  }
0x1e6: {  	v28 =	vld [tilespmem:s11+$0xFFFFFFF0];
	(erf) = vpow2.f32 v7;
	v6 =	vmul.f32 v13, v8  }
0x1e7: {  	v29 =	vld [tilespmem:s20+$0x0];
	(erf) = vpow2.f32 v4  }
0x1e8: {  	v31 =	vld [tilespmem:s11+$0xE0];
	(erf) = vpow2.f32 v5;
	[tilespmem:s10+$0xF0] =	vst v6;
	v5 =	vpop (erf)  }
0x1e9: {  	v4 =	vld [tilespmem:s16+$0x100];
	[tilespmem:s10+$0xFFFFFF50] =	vst v5  }
0x1ea: {  	s13 =	simm.s32 $0xBC20;
	v7 =	vld [tilespmem:s16+$0xFFFFFF10]  }
0x1eb: {  	s14 =	simm.s32 $0xD520;
	v59 =	vld [tilespmem:s13+$0x130]  }
0x1ec: {  	v60 =	vld [tilespmem:s14+$0x30];
	v6 =	vpop (erf)  }
0x1ed: {  	v62 =	vld [tilespmem:s14+$0xFFFFFFC0];
	v9 =	vperm.xlane v5, v2;
	[tilespmem:s10+$0xFFFFFFA0] =	vst v6  }
0x1ee: {  	v10 =	vpop (erf);
	v11 =	vld [tilespmem:s16+$0xFFFFFF60]  }
0x1ef: {  	v24 =	vadd.f32 v25, v24;
	v25 =	vld [tilespmem:s11+$0x90];
	[tilespmem:s10+$0xFFFFFFF0] =	vst v10;
	v12 =	vpop (erf);
	v4 =	vmul.f32 v4, v8;
	v7 =	vmul.f32 v7, v9  }
0x1f0: {  	v14 =	vld [tilespmem:s16+$0xFFFFFFB0];
	[tilespmem:s10+$0xFFFFFF00] =	vst v12  }
0x1f1: {  	v13 =	vperm.xlane v6, v2;
	v15 =	vpop (erf);
	[tilespmem:s10+$0xFFFFFF10] =	vst v7;
	v7 =	vld [tilespmem:s20+$0x30]  }
0x1f2: {  	v18 =	vld [tilespmem:s16+$0xFFFFFEC0];
	[tilespmem:s10+$0x40] =	vst v15  }
0x1f3: {  	[tilespmem:s10+$0x100] =	vst v4;
	v20 =	vld [tilespmem:s16+$0x0];
	v11 =	vmul.f32 v11, v13;
	v4 =	vpop (erf)  }
0x1f4: {  	v19 =	vld [tilespmem:s16+$0x110];
	[tilespmem:s10+$0x90] =	vst v4  }
0x1f5: {  	[tilespmem:s10+$0xFFFFFF60] =	vst v11;
	v6 =	vld [tilespmem:s16+$0x50]  }
0x1f6: {  	v11 =	vld [tilespmem:s16+$0xFFFFFF70];
	v7 =	vadd.f32 v7, v16  }
0x1f7: {  	v5 =	vpop (erf);
	v16 =	vperm.xlane v10, v2;
	v10 =	vperm.xlane v12, v2;
	v12 =	vld [tilespmem:s20+$0xFFFFFFE0]  }
0x1f8: {  	v17 =	vperm.xlane v15, v2;
	v22 =	vld [tilespmem:s16+$0xFFFFFF20];
	[tilespmem:s10+$0xE0] =	vst v5;
	v27 =	vmul.f32 $2.000000030e-01, v7  }
0x1f9: {  	v15 =	vperm.xlane v4, v2;
	v4 =	vperm.xlane v5, v2;
	v21 =	vld [tilespmem:s16+$0xA0];
	vm4 =	vgt.f32 v7, $0.0e+00  }
0x1fa: {  	v20 =	vmul.f32 v20, v17;
	v5 =	vmul.f32 v14, v16;
	v14 =	vld [tilespmem:s20+$0xFFFFFFF0];
	v7 =	vsel vm4, v7, v27  }
0x1fb: {  	v6 =	vmul.f32 v6, v15;
	v27 =	vld [tilespmem:s11+$0x40];
	v7 =	vsub.f32 v7, v3  }
0x1fc: {  	v19 =	vmul.f32 v19, v8;
	[tilespmem:s10+$0x0] =	vst v20;
	v30 =	vmul.f32 v11, v13;
	v11 =	vadd.f32 v12, v26;
	v12 =	vld [tilespmem:s20+$0x10]  }
0x1fd: {  	v26 =	vmul.f32 $2.000000030e-01, v24;
	[tilespmem:s10+$0x50] =	vst v6;
	v6 =	vld [tilespmem:s16+$0x10];
	v7 =	vmul.f32 $1.442695020e+00, v7  }
0x1fe: {  	v63 =	vld [tilespmem:s13+$0xFFFFFF50];
	vm5 =	vgt.f32 v24, $0.0e+00;
	v22 =	vmul.f32 v22, v9;
	v18 =	vmul.f32 v18, v10  }
0x1ff: {  	v24 =	vsel vm5, v24, v26;
	(erf) = vpow2.f32 v7;
	v7 =	vadd.f32 v14, v28;
	v14 =	vld [tilespmem:s11+$0xFFFFFF00]  }
0x200: {  	v43 =	vld [tilespmem:s14+$0xFFFFFFD0];
	v21 =	vmul.f32 v21, v4;
	vm6 =	vgt.f32 v11, $0.0e+00;
	v24 =	vsub.f32 v24, v3  }
0x201: {  	v49 =	vld [tilespmem:s13+$0xFFFFFFA0];
	v28 =	vmul.f32 $2.000000030e-01, v11;
	v27 =	vadd.f32 v29, v27;
	v12 =	vadd.f32 v12, v25  }
0x202: {  	v26 =	vld [tilespmem:s20+$0x20];
	v24 =	vmul.f32 $1.442695020e+00, v24;
	v6 =	vmul.f32 v6, v17;
	vm7 =	vgt.f32 v7, $0.0e+00  }
0x203: {  	v50 =	vld [tilespmem:s14+$0xFFFFFFF0];
	v29 =	vmul.f32 $2.000000030e-01, v7;
	v11 =	vsel vm6, v11, v28;
	vm8 =	vgt.f32 v27, $0.0e+00  }
0x204: {  	v51 =	vld [tilespmem:s13+$0x40];
	v25 =	vmul.f32 $2.000000030e-01, v27;
	v28 =	vsub.f32 v11, v3;
	v14 =	vadd.f32 v23, v14  }
0x205: {  	v45 =	vld [tilespmem:s14+$0x0];
	v11 =	vmul.f32 $2.000000030e-01, v12;
	vm9 =	vgt.f32 v12, $0.0e+00;
	(erf) = vpow2.f32 v24  }
0x206: {  	v52 =	vld [tilespmem:s13+$0x90];
	[tilespmem:s10+$0x110] =	vst v19;
	v7 =	vsel vm7, v7, v29;
	v19 =	vsel vm8, v27, v25;
	v25 =	vmul.f32 $2.000000030e-01, v14  }
0x207: {  	v53 =	vld [tilespmem:s14+$0x10];
	[tilespmem:s10+$0xFFFFFEC0] =	vst v18;
	v23 =	vadd.f32 v26, v31;
	v7 =	vsub.f32 v7, v3;
	vm10 =	vgt.f32 v14, $0.0e+00  }
0x208: {  	v27 =	vld [tilespmem:s16+$0xFFFFFED0];
	v12 =	vsel vm9, v12, v11;
	v28 =	vmul.f32 $1.442695020e+00, v28;
	v14 =	vsel vm10, v14, v25  }
0x209: {  	s12 =	simm.s32 $0xF5A0;
	v47 =	vld [tilespmem:s13+$0xE0];
	[tilespmem:s10+$0xFFFFFFB0] =	vst v5;
	v19 =	vsub.f32 v19, v3;
	v5 =	vmul.f32 $1.442695020e+00, v7;
	v26 =	vpop (erf);
	v7 =	vsub.f32 v14, v3  }
0x20a: {  	v20 =	vld [tilespmem:s16+$0xFFFFFFC0];
	v12 =	vsub.f32 v12, v3;
	v18 =	vmul.f32 $2.000000030e-01, v23;
	(erf) = vpow2.f32 v28;
	[tilespmem:s12+$0x130] =	vst v26  }
0x20b: {  	[tilespmem:s10+$0xFFFFFF20] =	vst v22;
	vm11 =	vgt.f32 v23, $0.0e+00;
	v14 =	vmul.f32 $1.442695020e+00, v19;
	v19 =	vld [tilespmem:s11+$0xF0];
	v7 =	vmul.f32 $1.442695020e+00, v7  }
0x20c: {  	[tilespmem:s10+$0xFFFFFF70] =	vst v30;
	v25 =	vmul.f32 $1.442695020e+00, v12;
	v12 =	vsel vm11, v23, v18;
	v18 =	vld [tilespmem:s16+$0x60];
	(erf) = vpow2.f32 v5  }
0x20d: {  	v22 =	vld [tilespmem:s16+$0xFFFFFF30];
	[tilespmem:s10+$0xA0] =	vst v21;
	(erf) = vpow2.f32 v7;
	v7 =	vmul.f32 v27, v10  }
0x20e: {  	v24 =	vld [tilespmem:s16+$0xFFFFFF80];
	[tilespmem:s10+$0x10] =	vst v6;
	v21 =	vsub.f32 v12, v3;
	v12 =	vperm.xlane v26, v2  }
0x20f: {  	v11 =	vld [tilespmem:s16+$0x120];
	v6 =	vpop (erf);
	[tilespmem:s10+$0xFFFFFED0] =	vst v7;
	v7 =	vmul.f32 v20, v16  }
0x210: {  	v5 =	vld [tilespmem:s16+$0xB0];
	[tilespmem:s12+$0xFFFFFF50] =	vst v6;
	(erf) = vpow2.f32 v14;
	v19 =	vmul.f32 v19, v12  }
0x211: {  	(erf) = vpow2.f32 v25;
	v25 =	vld [tilespmem:s16+$0x20];
	[tilespmem:s10+$0xFFFFFFC0] =	vst v7;
	v7 =	vmul.f32 v18, v15  }
0x212: {  	v40 =	vmul.f32 v22, v9;
	[tilespmem:s12+$0xF0] =	vst v19;
	v19 =	vld [tilespmem:s16+$0xFFFFFEE0]  }
0x213: {  	v21 =	vmul.f32 $1.442695020e+00, v21;
	v18 =	vld [tilespmem:s11+$0xFFFFFF10]  }
0x214: {  	[tilespmem:s10+$0xFFFFFF30] =	vst v40;
	v14 =	vld [tilespmem:s11+$0x100]  }
0x215: {  	(erf) = vpow2.f32 v21;
	v21 =	vld [tilespmem:s16+$0xFFFFFFD0];
	[tilespmem:s10+$0x60] =	vst v7;
	v7 =	vpop (erf)  }
0x216: {  	v36 =	vadd.f32 v60, v59;
	v26 =	vld [tilespmem:s16+$0x70];
	[tilespmem:s12+$0xFFFFFFA0] =	vst v7;
	v20 =	vpop (erf)  }
0x217: {  	v48 =	vmul.f32 v19, v10;
	v23 =	vld [tilespmem:s11+$0xFFFFFF60];
	[tilespmem:s12+$0xFFFFFFF0] =	vst v20;
	v28 =	vpop (erf)  }
0x218: {  	v44 =	vmul.f32 $2.000000030e-01, v36;
	[tilespmem:s12+$0xFFFFFF00] =	vst v28;
	v29 =	vld [tilespmem:s11+$0xFFFFFFB0]  }
0x219: {  	v27 =	vmul.f32 v14, v12;
	v14 =	vperm.xlane v6, v2;
	v6 =	vpop (erf);
	[tilespmem:s10+$0xFFFFFEE0] =	vst v48;
	v30 =	vld [tilespmem:s11+$0xFFFFFEC0]  }
0x21a: {  	vm12 =	vgt.f32 v36, $0.0e+00;
	v25 =	vmul.f32 v25, v17;
	[tilespmem:s12+$0x40] =	vst v6;
	v22 =	vperm.xlane v6, v2;
	v6 =	vld [tilespmem:s14+$0xFFFFFFE0]  }
0x21b: {  	v36 =	vsel vm12, v36, v44;
	v19 =	vperm.xlane v28, v2;
	v28 =	vmul.f32 v21, v16;
	[tilespmem:s12+$0x100] =	vst v27;
	v40 =	vld [tilespmem:s16+$0xFFFFFEF0]  }
0x21c: {  	v41 =	vadd.f32 v43, v63;
	v36 =	vsub.f32 v36, v3;
	[tilespmem:s10+$0x20] =	vst v25;
	v55 =	vmul.f32 v18, v14;
	v31 =	vld [tilespmem:s11+$0x110]  }
0x21d: {  	v26 =	vmul.f32 v26, v15;
	v56 =	vld [tilespmem:s11+$0x0];
	[tilespmem:s10+$0xFFFFFFD0] =	vst v28  }
0x21e: {  	v46 =	vmul.f32 $2.000000030e-01, v41;
	v36 =	vmul.f32 $1.442695020e+00, v36;
	[tilespmem:s12+$0xFFFFFF10] =	vst v55;
	v25 =	vld [tilespmem:s16+$0xFFFFFFE0]  }
0x21f: {  	vm13 =	vgt.f32 v41, $0.0e+00;
	v18 =	vperm.xlane v7, v2;
	[tilespmem:s10+$0x70] =	vst v26;
	v26 =	vld [tilespmem:s16+$0x30]  }
0x220: {  	v20 =	vperm.xlane v20, v2;
	v27 =	vpop (erf);
	(erf) = vpow2.f32 v36;
	v55 =	vsel vm13, v41, v46;
	v58 =	vld [tilespmem:s11+$0xFFFFFF20]  }
0x221: {  	v54 =	vpop (erf);
	[tilespmem:s12+$0x90] =	vst v27;
	v23 =	vmul.f32 v23, v18;
	v21 =	vperm.xlane v27, v2;
	v27 =	vld [tilespmem:s13+$0xFFFFFFF0];
	v36 =	vsub.f32 v55, v3  }
0x222: {  	v44 =	vadd.f32 v45, v51;
	v24 =	vmul.f32 v24, v13;
	v7 =	vld [tilespmem:s11+$0x50];
	[tilespmem:s12+$0xE0] =	vst v54;
	v29 =	vmul.f32 v29, v20  }
0x223: {  	v57 =	vld [tilespmem:s11+$0xA0];
	[tilespmem:s12+$0xFFFFFF60] =	vst v23;
	v30 =	vmul.f32 v30, v19;
	v6 =	vadd.f32 v6, v49;
	v36 =	vmul.f32 $1.442695020e+00, v36  }
0x224: {  	vm4 =	vgt.f32 v44, $0.0e+00;
	v31 =	vmul.f32 v31, v12;
	v61 =	vld [tilespmem:s11+$0xFFFFFF70];
	v34 =	vmul.f32 v56, v22;
	[tilespmem:s12+$0xFFFFFFB0] =	vst v29  }
0x225: {  	v56 =	vld [tilespmem:s14+$0x20];
	vm14 =	vgt.f32 v6, $0.0e+00;
	[tilespmem:s12+$0xFFFFFEC0] =	vst v30;
	v30 =	vmul.f32 $2.000000030e-01, v6;
	(erf) = vpow2.f32 v36  }
0x226: {  	[tilespmem:s12+$0x110] =	vst v31;
	v31 =	vmul.f32 v5, v4;
	v5 =	vperm.xlane v54, v2;
	v27 =	vadd.f32 v50, v27;
	v54 =	vld [tilespmem:s13+$0xFFFFFF00]  }
0x227: {  	v35 =	vmul.f32 v58, v14;
	v58 =	vld [tilespmem:s11+$0xFFFFFFC0];
	v7 =	vmul.f32 v7, v21;
	v6 =	vsel vm14, v6, v30  }
0x228: {  	[tilespmem:s12+$0x0] =	vst v34;
	v23 =	vld [tilespmem:s11+$0x120];
	v30 =	vadd.f32 v53, v52;
	v33 =	vmul.f32 v57, v5;
	vm15 =	vgt.f32 v27, $0.0e+00  }
0x229: {  	v59 =	vld [tilespmem:s11+$0x10];
	v29 =	vmul.f32 $2.000000030e-01, v27;
	v6 =	vsub.f32 v6, v3;
	v38 =	vmul.f32 v61, v18  }
0x22a: {  	v57 =	vld [tilespmem:s11+$0xFFFFFED0];
	[tilespmem:s12+$0x50] =	vst v7;
	v7 =	vmul.f32 $2.000000030e-01, v44;
	vm5 =	vgt.f32 v30, $0.0e+00;
	v61 =	vadd.f32 v56, v47  }
0x22b: {  	[tilespmem:s12+$0xFFFFFF20] =	vst v35;
	v35 =	vld [tilespmem:s16+$0x80];
	v51 =	vpop (erf);
	v27 =	vsel vm15, v27, v29;
	v29 =	vmul.f32 $2.000000030e-01, v30;
	v6 =	vmul.f32 $1.442695020e+00, v6  }
0x22c: {  	[tilespmem:s12+$0xA0] =	vst v33;
	v60 =	vld [tilespmem:s11+$0x60];
	v28 =	vperm.xlane v51, v2;
	v32 =	vadd.f32 v62, v54;
	v27 =	vsub.f32 v27, v3  }
0x22d: {  	s14 =	simm.s32 $0xF820;
	[tilespmem:s10+$0xB0] =	vst v31;
	v39 =	vld [tilespmem:s11+$0xB0];
	v7 =	vsel vm4, v44, v7;
	v31 =	vmul.f32 $2.000000030e-01, v61;
	vm7 =	vgt.f32 v61, $0.0e+00  }
0x22e: {  	[tilespmem:s14+$0x130] =	vst v51;
	v44 =	vld [tilespmem:s16+$0xC0];
	v29 =	vsel vm5, v30, v29;
	v7 =	vsub.f32 v7, v3;
	v62 =	vmul.f32 $2.000000030e-01, v32  }
0x22f: {  	[tilespmem:s12+$0xFFFFFF70] =	vst v38;
	v52 =	vld [tilespmem:s13+$0xF0];
	(erf) = vpow2.f32 v6;
	v23 =	vmul.f32 v23, v12;
	vm6 =	vgt.f32 v32, $0.0e+00  }
0x230: {  	v63 =	vld [tilespmem:s11+$0xFFFFFF80];
	v29 =	vsub.f32 v29, v3;
	v27 =	vmul.f32 $1.442695020e+00, v27;
	v32 =	vsel vm6, v32, v62  }
0x231: {  	[tilespmem:s10+$0xFFFFFF80] =	vst v24;
	v30 =	vld [tilespmem:s11+$0xFFFFFF30];
	v24 =	vsel vm7, v61, v31;
	v7 =	vmul.f32 $1.442695020e+00, v7;
	v32 =	vsub.f32 v32, v3  }
0x232: {  	v31 =	vld [tilespmem:s16+$0xFFFFFF40];
	v6 =	vsub.f32 v24, v3;
	v29 =	vmul.f32 $1.442695020e+00, v29;
	(erf) = vpow2.f32 v27  }
0x233: {  	s18 =	simm.s32 $0xBEA0;
	v24 =	vld [tilespmem:s16+$0xFFFFFF90];
	v27 =	vmul.f32 v57, v19;
	v32 =	vmul.f32 $1.442695020e+00, v32  }
0x234: {  	[tilespmem:s12+$0x120] =	vst v23;
	v23 =	vld [tilespmem:s18+$0xFFFFFFF0];
	v6 =	vmul.f32 $1.442695020e+00, v6;
	v53 =	vmul.f32 v52, v28  }
0x235: {  	[tilespmem:s12+$0xFFFFFED0] =	vst v27;
	v41 =	vmul.f32 v63, v18;
	v63 =	vld [tilespmem:s18+$0x130];
	(erf) = vpow2.f32 v32  }
0x236: {  	s20 =	simm.s32 $0xD5A0;
	v27 =	vld [tilespmem:s11+$0xFFFFFEE0];
	(erf) = vpow2.f32 v7;
	v7 =	vmul.f32 v58, v20  }
0x237: {  	[tilespmem:s14+$0xF0] =	vst v53;
	v53 =	vld [tilespmem:s20+$0x30];
	(erf) = vpow2.f32 v29;
	v29 =	vmul.f32 v59, v22  }
0x238: {  	v13 =	vmul.f32 v24, v13;
	v24 =	vld [tilespmem:s20+$0xFFFFFFD0];
	[tilespmem:s12+$0xFFFFFFC0] =	vst v7;
	v7 =	vmul.f32 v60, v21  }
0x239: {  	(erf) = vpow2.f32 v6;
	v6 =	vld [tilespmem:s13+$0x100]  }
0x23a: {  	v32 =	vld [tilespmem:s11+$0xFFFFFFD0];
	[tilespmem:s12+$0x10] =	vst v29  }
0x23b: {  	v33 =	vld [tilespmem:s11+$0x20];
	[tilespmem:s12+$0x60] =	vst v7;
	v29 =	vpop (erf)  }
0x23c: {  	v34 =	vld [tilespmem:s11+$0x70];
	[tilespmem:s14+$0xFFFFFF50] =	vst v29;
	v7 =	vpop (erf)  }
0x23d: {  	v54 =	vld [tilespmem:s13+$0xFFFFFF10];
	[tilespmem:s14+$0xFFFFFFA0] =	vst v7;
	v37 =	vpop (erf)  }
0x23e: {  	v55 =	vld [tilespmem:s13+$0xFFFFFF60];
	[tilespmem:s14+$0xFFFFFFF0] =	vst v37  }
0x23f: {  	v56 =	vmul.f32 v6, v28;
	v57 =	vpop (erf);
	v58 =	vld [tilespmem:s13+$0xFFFFFFB0]  }
0x240: {  	[tilespmem:s14+$0xFFFFFF00] =	vst v57;
	v12 =	vperm.xlane v57, v2;
	v57 =	vld [tilespmem:s18+$0xFFFFFFA0]  }
0x241: {  	[tilespmem:s14+$0x100] =	vst v56;
	v56 =	vadd.f32 v53, v63;
	v63 =	vld [tilespmem:s20+$0x0]  }
0x242: {  	v40 =	vmul.f32 v40, v10;
	v16 =	vmul.f32 v25, v16;
	v59 =	vld [tilespmem:s13+$0xFFFFFEC0]  }
0x243: {  	v17 =	vmul.f32 v26, v17;
	v6 =	vperm.xlane v29, v2;
	v29 =	vpop (erf);
	v61 =	vld [tilespmem:s13+$0x110]  }
0x244: {  	v51 =	vmul.f32 v11, v8;
	[tilespmem:s14+$0x40] =	vst v29;
	v11 =	vperm.xlane v29, v2;
	v29 =	vld [tilespmem:s18+$0xFFFFFF50]  }
0x245: {  	v15 =	vmul.f32 v35, v15;
	v31 =	vmul.f32 v31, v9;
	v60 =	vpop (erf);
	v49 =	vld [tilespmem:s13+$0x0]  }
0x246: {  	v7 =	vperm.xlane v7, v2;
	v48 =	vpop (erf);
	[tilespmem:s14+$0x90] =	vst v60;
	v10 =	vperm.xlane v60, v2;
	v60 =	vld [tilespmem:s20+$0xFFFFFFF0]  }
0x247: {  	v9 =	vperm.xlane v37, v2;
	v36 =	vmul.f32 v54, v6;
	v50 =	vld [tilespmem:s13+$0x50];
	[tilespmem:s14+$0xE0] =	vst v48  }
0x248: {  	[tilespmem:s10+$0xFFFFFFE0] =	vst v16;
	v44 =	vmul.f32 v44, v4;
	v26 =	vmul.f32 $2.000000030e-01, v56;
	v62 =	vld [tilespmem:s13+$0xA0]  }
0x249: {  	vm8 =	vgt.f32 v56, $0.0e+00;
	v38 =	vmul.f32 v55, v7;
	[tilespmem:s14+$0xFFFFFF10] =	vst v36;
	v55 =	vmul.f32 v58, v9;
	v58 =	vld [tilespmem:s20+$0xFFFFFFE0]  }
0x24a: {  	[tilespmem:s10+$0x30] =	vst v17;
	v30 =	vmul.f32 v30, v14;
	v27 =	vmul.f32 v27, v19;
	v26 =	vsel vm8, v56, v26;
	v52 =	vld [tilespmem:s13+$0xFFFFFF20]  }
0x24b: {  	[tilespmem:s10+$0x120] =	vst v51;
	v26 =	vsub.f32 v26, v3;
	v8 =	vmul.f32 v61, v28;
	v25 =	vmul.f32 v59, v12;
	v61 =	vld [tilespmem:s18+$0x40]  }
0x24c: {  	[tilespmem:s10+$0x80] =	vst v15;
	v32 =	vmul.f32 v32, v20;
	v24 =	vadd.f32 v24, v29;
	v29 =	vld [tilespmem:s18+$0x90];
	v59 =	vmul.f32 v49, v11  }
0x24d: {  	v49 =	vld [tilespmem:s20+$0x10];
	v26 =	vmul.f32 $1.442695020e+00, v26;
	[tilespmem:s14+$0xFFFFFEC0] =	vst v25;
	v25 =	vmul.f32 v50, v10  }
0x24e: {  	v33 =	vmul.f32 v33, v22;
	v34 =	vmul.f32 v34, v21;
	[tilespmem:s14+$0xFFFFFF60] =	vst v38;
	v50 =	vld [tilespmem:s18+$0xE0]  }
0x24f: {  	v23 =	vadd.f32 v60, v23;
	(erf) = vpow2.f32 v26;
	v26 =	vld [tilespmem:s20+$0x20];
	[tilespmem:s14+$0x50] =	vst v25;
	v25 =	vmul.f32 v52, v6  }
0x250: {  	v38 =	vmul.f32 v39, v5;
	v39 =	vld [tilespmem:s13+$0xFFFFFF70];
	[tilespmem:s14+$0x110] =	vst v8;
	v8 =	vperm.xlane v48, v2  }
0x251: {  	v37 =	vld [tilespmem:s20+$0xFFFFFFC0];
	vm9 =	vgt.f32 v24, $0.0e+00;
	vm11 =	vgt.f32 v23, $0.0e+00;
	[tilespmem:s14+$0xFFFFFF20] =	vst v25;
	v25 =	vmul.f32 $2.000000030e-01, v24  }
0x252: {  	[tilespmem:s12+$0xFFFFFEE0] =	vst v27;
	v54 =	vld [tilespmem:s13+$0x120];
	v27 =	vmul.f32 $2.000000030e-01, v23;
	v62 =	vmul.f32 v62, v8;
	v29 =	vadd.f32 v49, v29  }
0x253: {  	[tilespmem:s14+$0xFFFFFFB0] =	vst v55;
	v48 =	vadd.f32 v58, v57;
	v36 =	vadd.f32 v63, v61;
	v24 =	vsel vm9, v24, v25;
	v25 =	vld [tilespmem:s18+$0xFFFFFF00]  }
0x254: {  	[tilespmem:s12+$0xB0] =	vst v38;
	v53 =	vld [tilespmem:s13+$0xFFFFFFC0];
	v23 =	vsel vm11, v23, v27;
	v27 =	vmul.f32 $2.000000030e-01, v29;
	v26 =	vadd.f32 v26, v50  }
0x255: {  	[tilespmem:s12+$0xFFFFFF30] =	vst v30;
	v60 =	vld [tilespmem:s11+$0xC0];
	v39 =	vmul.f32 v39, v7;
	vm10 =	vgt.f32 v48, $0.0e+00;
	vm13 =	vgt.f32 v29, $0.0e+00  }
0x256: {  	[tilespmem:s12+$0xFFFFFF80] =	vst v41;
	v52 =	vld [tilespmem:s13+$0xFFFFFED0];
	v51 =	vmul.f32 $2.000000030e-01, v48;
	v27 =	vsel vm13, v29, v27;
	v29 =	vmul.f32 $2.000000030e-01, v26  }
0x257: {  	[tilespmem:s14+$0x0] =	vst v59;
	v55 =	vld [tilespmem:s13+$0x60];
	v23 =	vsub.f32 v23, v3;
	vm12 =	vgt.f32 v36, $0.0e+00;
	v24 =	vsub.f32 v24, v3  }
0x258: {  	[tilespmem:s12+$0xFFFFFFD0] =	vst v32;
	v28 =	vmul.f32 v54, v28;
	v35 =	vsel vm10, v48, v51;
	v54 =	vld [tilespmem:s13+$0x10];
	v25 =	vadd.f32 v37, v25  }
0x259: {  	v63 =	vld [tilespmem:s11+$0xFFFFFF40];
	[tilespmem:s14+$0xA0] =	vst v62;
	v61 =	vmul.f32 $1.442695020e+00, v23;
	vm14 =	vgt.f32 v26, $0.0e+00;
	v24 =	vmul.f32 $1.442695020e+00, v24  }
0x25a: {  	s19 =	simm.s32 $0xFAA0;
	v49 =	vld [tilespmem:s11+$0xFFFFFFE0];
	v30 =	vsub.f32 v35, v3;
	[tilespmem:s14+$0x120] =	vst v28;
	v26 =	vsel vm14, v26, v29;
	v29 =	vpop (erf);
	v58 =	vmul.f32 $2.000000030e-01, v25  }
0x25b: {  	v56 =	vld [tilespmem:s13+$0xB0];
	v28 =	vmul.f32 $2.000000030e-01, v36;
	(erf) = vpow2.f32 v24;
	[tilespmem:s19+$0x130] =	vst v29;
	vm15 =	vgt.f32 v25, $0.0e+00  }
0x25c: {  	[tilespmem:s10+$0xFFFFFF40] =	vst v31;
	v30 =	vmul.f32 $1.442695020e+00, v30;
	v23 =	vsub.f32 v26, v3;
	v62 =	vld [tilespmem:s18+$0xF0];
	v25 =	vsel vm15, v25, v58  }
0x25d: {  	[tilespmem:s10+$0xFFFFFF90] =	vst v13;
	v57 =	vld [tilespmem:s13+$0xFFFFFF30];
	v28 =	vsel vm12, v36, v28;
	v16 =	vmul.f32 v54, v11;
	v25 =	vsub.f32 v25, v3  }
0x25e: {  	[tilespmem:s12+$0x20] =	vst v33;
	v48 =	vld [tilespmem:s11+$0xFFFFFF90];
	v28 =	vsub.f32 v28, v3;
	v31 =	vmul.f32 $1.442695020e+00, v23;
	(erf) = vpow2.f32 v30  }
0x25f: {  	[tilespmem:s12+$0x70] =	vst v34;
	v50 =	vld [tilespmem:s11+$0x30];
	v23 =	vperm.xlane v29, v2;
	v13 =	vmul.f32 $1.442695020e+00, v25  }
0x260: {  	[tilespmem:s14+$0xFFFFFF70] =	vst v39;
	v51 =	vld [tilespmem:s11+$0x80];
	v27 =	vsub.f32 v27, v3;
	v28 =	vmul.f32 $1.442695020e+00, v28;
	(erf) = vpow2.f32 v61  }
0x261: {  	[tilespmem:s10+$0xC0] =	vst v44;
	v59 =	vld [tilespmem:s13+$0xFFFFFF80];
	v15 =	vmul.f32 v62, v23;
	(erf) = vpow2.f32 v13  }
0x262: {  	v26 =	vld [tilespmem:s11+$0xFFFFFEF0];
	v27 =	vmul.f32 $1.442695020e+00, v27;
	[tilespmem:s14+$0x10] =	vst v16;
	v13 =	vmul.f32 v52, v12  }
0x263: {  	v20 =	vmul.f32 v49, v20;
	[tilespmem:s19+$0xF0] =	vst v15;
	v52 =	vld [tilespmem:s13+$0x20];
	(erf) = vpow2.f32 v28  }
0x264: {  	v16 =	vpop (erf);
	v17 =	vld [tilespmem:s18+$0x100];
	(erf) = vpow2.f32 v27;
	[tilespmem:s14+$0xFFFFFED0] =	vst v13;
	v13 =	vmul.f32 v53, v9  }
0x265: {  	v18 =	vmul.f32 v48, v18;
	[tilespmem:s19+$0xFFFFFF50] =	vst v16;
	(erf) = vpow2.f32 v31;
	v15 =	vld [tilespmem:s13+$0xFFFFFEE0]  }
0x266: {  	v22 =	vmul.f32 v50, v22;
	v27 =	vld [tilespmem:s16+$0xD0];
	[tilespmem:s14+$0xFFFFFFC0] =	vst v13;
	v13 =	vmul.f32 v55, v10  }
0x267: {  	[tilespmem:s10+$0xFFFFFEF0] =	vst v40;
	v21 =	vmul.f32 v51, v21;
	v30 =	vmul.f32 v56, v8;
	v54 =	vld [tilespmem:s18+$0xFFFFFF10]  }
0x268: {  	v25 =	vmul.f32 v63, v14;
	v31 =	vld [tilespmem:s13+$0xFFFFFFD0];
	[tilespmem:s14+$0x60] =	vst v13;
	v13 =	vperm.xlane v16, v2;
	v16 =	vpop (erf)  }
0x269: {  	v17 =	vmul.f32 v17, v23;
	v53 =	vld [tilespmem:s13+$0x70];
	[tilespmem:s19+$0xFFFFFFA0] =	vst v16;
	v14 =	vperm.xlane v16, v2;
	v16 =	vpop (erf)  }
0x26a: {  	v33 =	vmul.f32 v15, v12;
	v55 =	vld [tilespmem:s18+$0xFFFFFF60];
	[tilespmem:s19+$0xFFFFFFF0] =	vst v16;
	v15 =	vperm.xlane v16, v2;
	v16 =	vpop (erf)  }
0x26b: {  	v29 =	vmul.f32 v57, v6;
	v24 =	vmul.f32 v26, v19;
	v56 =	vld [tilespmem:s18+$0xFFFFFFB0];
	[tilespmem:s19+$0xFFFFFF00] =	vst v16  }
0x26c: {  	v26 =	vmul.f32 v60, v5;
	v28 =	vmul.f32 v59, v7;
	[tilespmem:s19+$0x100] =	vst v17;
	v57 =	vpop (erf);
	v58 =	vld [tilespmem:s18+$0xFFFFFEC0]  }
0x26d: {  	v34 =	vmul.f32 v52, v11;
	v59 =	vld [tilespmem:s18+$0x110];
	v32 =	vmul.f32 v31, v9;
	v31 =	vpop (erf);
	[tilespmem:s19+$0x40] =	vst v57  }
0x26e: {  	v61 =	vmul.f32 v54, v13;
	v19 =	vperm.xlane v16, v2;
	v60 =	vpop (erf);
	v36 =	vld [tilespmem:s18+$0x0];
	[tilespmem:s19+$0x90] =	vst v31  }
0x26f: {  	v16 =	vperm.xlane v57, v2;
	v62 =	vmul.f32 v55, v14;
	v37 =	vld [tilespmem:s18+$0x50];
	[tilespmem:s19+$0xE0] =	vst v60  }
0x270: {  	[tilespmem:s19+$0xFFFFFF10] =	vst v61;
	v17 =	vperm.xlane v31, v2;
	v63 =	vmul.f32 v56, v15;
	v38 =	vld [tilespmem:s18+$0xA0]  }
0x271: {  	v39 =	vld [tilespmem:s18+$0xFFFFFF20];
	v35 =	vmul.f32 v53, v10;
	[tilespmem:s19+$0xFFFFFF60] =	vst v62;
	v41 =	vmul.f32 v58, v19  }
0x272: {  	s17 =	simm.s32 $0x18;
	s16 =	simm.s32 $0xC120;
	v31 =	vperm.xlane v60, v2;
	v42 =	vmul.f32 v59, v23;
	v40 =	vld [tilespmem:s18+$0xFFFFFF70];
	[tilespmem:s19+$0xFFFFFFB0] =	vst v63  }
.LBB2_7:
0x273: {  	v43 =	vld [tilespmem:s16+$0x130];
	[tilespmem:s19+$0xFFFFFEC0] =	vst v41;
	v36 =	vmul.f32 v36, v16;
	s20 =	sadd.s32 $0x80, s20;
	v27 =	vmul.f32 v27, v4;
	v4 =	vmovc v5;
	v5 =	vmov v8  }
0x274: {  	s17 =	sadd.s32 $0x8, s17;
	v8 =	vmov v31;
	v41 =	vld [tilespmem:s20+$0x30];
	v37 =	vmul.f32 v37, v17;
	[tilespmem:s19+$0x110] =	vst v42  }
0x275: {  	p1 =	slt.u32 s17, $0x48;
	[tilespmem:s19+$0x0] =	vst v36;
	v31 =	vmul.f32 v38, v8;
	v36 =	vld [tilespmem:s18+$0x120]  }
0x276: {  	v38 =	vld [tilespmem:s20+$0xFFFFFFC0];
	v39 =	vmul.f32 v39, v13;
	[tilespmem:s19+$0x50] =	vst v37  }
0x277: {  	v37 =	vld [tilespmem:s16+$0xFFFFFF50];
	v40 =	vmul.f32 v40, v14;
	[tilespmem:s19+$0xA0] =	vst v31  }
0x278: {  	v31 =	vld [tilespmem:s20+$0xFFFFFFD0];
	[tilespmem:s19+$0xFFFFFF20] =	vst v39  }
0x279: {  	v39 =	vld [tilespmem:s16+$0xFFFFFFA0];
	v41 =	vadd.f32 v41, v43;
	[tilespmem:s19+$0xFFFFFF70] =	vst v40  }
0x27a: {  	v40 =	vld [tilespmem:s20+$0xFFFFFFE0];
	v23 =	vmul.f32 v36, v23;
	[tilespmem:s14+$0xB0] =	vst v30  }
0x27b: {  	v30 =	vld [tilespmem:s16+$0xFFFFFFF0];
	v36 =	vmul.f32 $2.000000030e-01, v41;
	[tilespmem:s14+$0xFFFFFEE0] =	vst v33  }
0x27c: {  	vm0 =	vgt.f32 v41, $0.0e+00;
	v33 =	vld [tilespmem:s20+$0xFFFFFFF0];
	[tilespmem:s19+$0x120] =	vst v23  }
0x27d: {  	v23 =	vadd.f32 v31, v37;
	v31 =	vld [tilespmem:s16+$0x40];
	v36 =	vsel vm0, v41, v36;
	[tilespmem:s14+$0xFFFFFF30] =	vst v29  }
0x27e: {  	v29 =	vld [tilespmem:s20+$0x0];
	v36 =	vsub.f32 v36, v3;
	[tilespmem:s14+$0xFFFFFF80] =	vst v28  }
0x27f: {  	vm0 =	vgt.f32 v23, $0.0e+00;
	v28 =	vmul.f32 $2.000000030e-01, v23;
	v37 =	vadd.f32 v40, v39;
	v39 =	vld [tilespmem:s16+$0x90];
	[tilespmem:s14+$0xFFFFFFD0] =	vst v32  }
0x280: {  	v32 =	vld [tilespmem:s20+$0x10];
	v36 =	vmul.f32 $1.442695020e+00, v36;
	[tilespmem:s14+$0x20] =	vst v34  }
0x281: {  	vm1 =	vgt.f32 v37, $0.0e+00;
	v34 =	vmul.f32 $2.000000030e-01, v37;
	v30 =	vadd.f32 v33, v30;
	v33 =	vld [tilespmem:s16+$0xE0];
	[tilespmem:s14+$0x70] =	vst v35  }
0x282: {  	v23 =	vsel vm0, v23, v28;
	v28 =	vld [tilespmem:s20+$0x20];
	(erf) = vpow2.f32 v36;
	[tilespmem:s12+$0xC0] =	vst v26  }
0x283: {  	v26 =	vld [tilespmem:s16+$0xFFFFFF00];
	vm0 =	vgt.f32 v30, $0.0e+00;
	v35 =	vmul.f32 $2.000000030e-01, v30;
	v29 =	vadd.f32 v29, v31;
	[tilespmem:s12+$0xFFFFFEF0] =	vst v24  }
0x284: {  	v23 =	vsub.f32 v23, v3;
	v24 =	vsel vm1, v37, v34;
	v31 =	vld [tilespmem:s18+$0xFFFFFED0];
	[tilespmem:s12+$0xFFFFFF40] =	vst v25  }
0x285: {  	vm1 =	vgt.f32 v29, $0.0e+00;
	v25 =	vmul.f32 $2.000000030e-01, v29;
	v32 =	vadd.f32 v32, v39;
	v34 =	vld [tilespmem:s18+$0xFFFFFFC0];
	[tilespmem:s12+$0xFFFFFF90] =	vst v18  }
0x286: {  	v18 =	vmul.f32 $1.442695020e+00, v23;
	v23 =	vsub.f32 v24, v3;
	v24 =	vsel vm0, v30, v35;
	v30 =	vld [tilespmem:s18+$0x10];
	[tilespmem:s12+$0xFFFFFFE0] =	vst v20  }
0x287: {  	vm0 =	vgt.f32 v32, $0.0e+00;
	v20 =	vmul.f32 $2.000000030e-01, v32;
	v28 =	vadd.f32 v28, v33;
	v33 =	vld [tilespmem:s18+$0x60];
	[tilespmem:s12+$0x30] =	vst v22  }
0x288: {  	v24 =	vsub.f32 v24, v3;
	v25 =	vsel vm1, v29, v25;
	v22 =	vadd.f32 v38, v26;
	v26 =	vld [tilespmem:s18+$0xB0];
	[tilespmem:s12+$0x80] =	vst v21  }
0x289: {  	v20 =	vsel vm0, v32, v20;
	vm0 =	vgt.f32 v28, $0.0e+00;
	v21 =	vmul.f32 $2.000000030e-01, v28;
	v29 =	vld [tilespmem:s18+$0xFFFFFF30];
	[tilespmem:s10+$0xD0] =	vst v27;
	s10 =	smov.u32 s12;
	s12 =	smov.u32 s14;
	s14 =	smov.u32 s19  }
0x28a: {  	v25 =	vsub.f32 v25, v3;
	vm1 =	vgt.f32 v22, $0.0e+00;
	v27 =	vmul.f32 $2.000000030e-01, v22;
	v32 =	vld [tilespmem:s18+$0xFFFFFF80]  }
0x28b: {  	v23 =	vmul.f32 $1.442695020e+00, v23;
	s19 =	sadd.s32 $0x280, s19;
	v20 =	vsub.f32 v20, v3;
	v21 =	vsel vm0, v28, v21;
	v28 =	vpop (erf);
	v35 =	vld [tilespmem:s13+$0xC0]  }
0x28c: {  	v24 =	vmul.f32 $1.442695020e+00, v24;
	v22 =	vsel vm1, v22, v27;
	v21 =	vsub.f32 v21, v3;
	[tilespmem:s19+$0x130] =	vst v28;
	v36 =	vld [tilespmem:s13+$0xFFFFFEF0]  }
0x28d: {  	v25 =	vmul.f32 $1.442695020e+00, v25;
	v20 =	vmul.f32 $1.442695020e+00, v20;
	v22 =	vsub.f32 v22, v3;
	v27 =	vld [tilespmem:s16+$0xF0]  }
0x28e: {  	v21 =	vmul.f32 $1.442695020e+00, v21;
	(erf) = vpow2.f32 v18;
	v18 =	vld [tilespmem:s13+$0xFFFFFF40]  }
0x28f: {  	v22 =	vmul.f32 $1.442695020e+00, v22;
	(erf) = vpow2.f32 v23;
	v38 =	vld [tilespmem:s13+$0xFFFFFF90]  }
0x290: {  	v23 =	vperm.xlane v28, v2;
	(erf) = vpow2.f32 v24;
	v39 =	vld [tilespmem:s13+$0xFFFFFFE0]  }
0x291: {  	(erf) = vpow2.f32 v22;
	v22 =	vmul.f32 v31, v19;
	v40 =	vld [tilespmem:s13+$0x30]  }
0x292: {  	v24 =	vmul.f32 v27, v23;
	(erf) = vpow2.f32 v25;
	v43 =	vld [tilespmem:s13+$0x80]  }
0x293: {  	(erf) = vpow2.f32 v20;
	[tilespmem:s14+$0xFFFFFED0] =	vst v22;
	v20 =	vmul.f32 v34, v15;
	v27 =	vld [tilespmem:s11+$0xD0];
	s11 =	smov.u32 s13;
	s13 =	smov.u32 s18;
	s18 =	smov.u32 s16  }
0x294: {  	[tilespmem:s19+$0xF0] =	vst v24;
	(erf) = vpow2.f32 v21;
	v21 =	vld [tilespmem:s13+$0xFFFFFEE0];
	v24 =	vmul.f32 v30, v16  }
0x295: {  	v30 =	vmul.f32 v26, v8;
	v31 =	vld [tilespmem:s16+$0x100];
	[tilespmem:s14+$0xFFFFFFC0] =	vst v20;
	v20 =	vmul.f32 v33, v17  }
0x296: {  	v29 =	vmul.f32 v29, v13;
	v28 =	vmul.f32 v32, v14;
	v32 =	vld [tilespmem:s13+$0xFFFFFFD0];
	[tilespmem:s14+$0x10] =	vst v24  }
0x297: {  	v26 =	vmul.f32 v35, v5;
	v24 =	vmul.f32 v36, v12;
	v12 =	vmov v19;
	v22 =	vpop (erf);
	v34 =	vld [tilespmem:s13+$0x20];
	[tilespmem:s14+$0x60] =	vst v20  }
0x298: {  	v25 =	vmul.f32 v18, v6;
	v6 =	vmov v13;
	[tilespmem:s19+$0xFFFFFF50] =	vst v22;
	v19 =	vpop (erf);
	v20 =	vld [tilespmem:s13+$0x70];
	v13 =	vperm.xlane v22, v2  }
0x299: {  	v18 =	vld [tilespmem:s16+$0xFFFFFF10];
	[tilespmem:s19+$0xFFFFFFA0] =	vst v19;
	v22 =	vperm.xlane v19, v2;
	v19 =	vpop (erf);
	v33 =	vmul.f32 v21, v12  }
0x29a: {  	v21 =	vld [tilespmem:s16+$0xFFFFFF60];
	[tilespmem:s19+$0xFFFFFFF0] =	vst v19;
	v41 =	vperm.xlane v19, v2;
	v36 =	vmul.f32 v31, v23;
	v19 =	vpop (erf)  }
0x29b: {  	[tilespmem:s19+$0xFFFFFF00] =	vst v19;
	v19 =	vperm.xlane v19, v2;
	v42 =	vld [tilespmem:s16+$0xFFFFFFB0];
	v35 =	vpop (erf);
	v32 =	vmul.f32 v32, v15  }
0x29c: {  	v44 =	vld [tilespmem:s16+$0xFFFFFEC0];
	v45 =	vperm.xlane v35, v2;
	[tilespmem:s19+$0x100] =	vst v36;
	v31 =	vpop (erf);
	v34 =	vmul.f32 v34, v16  }
0x29d: {  	[tilespmem:s19+$0x40] =	vst v35;
	v46 =	vperm.xlane v31, v2;
	v47 =	vld [tilespmem:s16+$0x110];
	v48 =	vpop (erf);
	v35 =	vmul.f32 v20, v17  }
.Ltmp4:
0x29e: {  	v20 =	vmul.f32 v18, v13;
	v36 =	vld [tilespmem:s16+$0x0];
	[tilespmem:s19+$0x90] =	vst v31;
	v31 =	vperm.xlane v48, v2;
	(pc) =	sbr.rel @p1 .LBB2_7-.Ltmp4, $4  }
0x29f: {  	v18 =	vmul.f32 v38, v7;
	v7 =	vmovc v14;
	v14 =	vmov v22;
	v21 =	vmul.f32 v21, v22;
	v37 =	vld [tilespmem:s16+$0x50];
	[tilespmem:s19+$0xE0] =	vst v48  }
0x2a0: {  	[tilespmem:s19+$0xFFFFFF10] =	vst v20;
	v42 =	vmul.f32 v42, v41;
	v38 =	vld [tilespmem:s16+$0xA0];
	v20 =	vmul.f32 v39, v9;
	v9 =	vmovc v15;
	v15 =	vmov v41  }
0x2a1: {  	v22 =	vmul.f32 v40, v11;
	v11 =	vmovc v16;
	v16 =	vmov v45;
	v41 =	vmul.f32 v44, v19;
	v39 =	vld [tilespmem:s16+$0xFFFFFF20];
	[tilespmem:s19+$0xFFFFFF60] =	vst v21  }
0x2a2: {  	s16 =	sadd.s32 $0x280, s16;
	v21 =	vmul.f32 v43, v10;
	v10 =	vmovc v17;
	v17 =	vmov v46;
	v40 =	vld [tilespmem:s18+$0xFFFFFF70];
	[tilespmem:s19+$0xFFFFFFB0] =	vst v42;
	v42 =	vmul.f32 v47, v23  }
0x2a3: {  	[tilespmem:s19+$0xFFFFFEC0] =	vst v41  }
0x2a4: {  	[tilespmem:s14+$0xB0] =	vst v30  }
0x2a5: {  	[tilespmem:s14+$0xFFFFFEE0] =	vst v33  }
0x2a6: {  	[tilespmem:s14+$0xFFFFFF30] =	vst v29  }
0x2a7: {  	[tilespmem:s14+$0xFFFFFF80] =	vst v28  }
0x2a8: {  	[tilespmem:s14+$0xFFFFFFD0] =	vst v32  }
0x2a9: {  	[tilespmem:s14+$0x20] =	vst v34  }
0x2aa: {  	[tilespmem:s14+$0x70] =	vst v35  }
0x2ab: {  	[tilespmem:s12+$0xC0] =	vst v26  }
0x2ac: {  	[tilespmem:s12+$0xFFFFFEF0] =	vst v24  }
0x2ad: {  	[tilespmem:s12+$0xFFFFFF40] =	vst v25  }
0x2ae: {  	[tilespmem:s12+$0xFFFFFF90] =	vst v18  }
0x2af: {  	[tilespmem:s12+$0xFFFFFFE0] =	vst v20  }
0x2b0: {  	[tilespmem:s12+$0x30] =	vst v22  }
0x2b1: {  	v36 =	vmul.f32 v36, v16;
	[tilespmem:s19+$0x110] =	vst v42  }
0x2b2: {  	v4 =	vmul.f32 v27, v4;
	[tilespmem:s12+$0x80] =	vst v21;
	v49 =	vld [tilespmem:s13+$0xFFFFFEF0]  }
0x2b3: {  	v37 =	vmul.f32 v37, v17;
	v50 =	vld [tilespmem:s13+$0xFFFFFF40];
	[tilespmem:s19+$0x0] =	vst v36  }
0x2b4: {  	v51 =	vld [tilespmem:s13+$0xFFFFFF90];
	v61 =	vmul.f32 v38, v31;
	[tilespmem:s10+$0xD0] =	vst v4  }
0x2b5: {  	v52 =	vld [tilespmem:s13+$0xFFFFFFE0];
	v39 =	vmul.f32 v39, v13;
	[tilespmem:s19+$0x50] =	vst v37  }
0x2b6: {  	v63 =	vmul.f32 v40, v14;
	[tilespmem:s19+$0xA0] =	vst v61;
	v41 =	vld [tilespmem:s18+$0x60]  }
0x2b7: {  	v62 =	vld [tilespmem:s18+$0x120];
	[tilespmem:s19+$0xFFFFFF20] =	vst v39;
	v12 =	vmul.f32 v49, v12  }
0x2b8: {  	v53 =	vld [tilespmem:s13+$0x30];
	[tilespmem:s19+$0xFFFFFF70] =	vst v63;
	v6 =	vmul.f32 v50, v6  }
0x2b9: {  	v38 =	vld [tilespmem:s18+$0xFFFFFED0];
	v7 =	vmul.f32 v51, v7;
	[tilespmem:s14+$0xFFFFFEF0] =	vst v12  }
0x2ba: {  	v40 =	vld [tilespmem:s18+$0x10];
	v9 =	vmul.f32 v52, v9;
	[tilespmem:s14+$0xFFFFFF40] =	vst v6  }
0x2bb: {  	v39 =	vld [tilespmem:s18+$0xFFFFFFC0];
	[tilespmem:s14+$0xFFFFFF90] =	vst v7;
	v18 =	vmul.f32 v41, v17  }
0x2bc: {  	v54 =	vld [tilespmem:s13+$0x80];
	v23 =	vmul.f32 v62, v23;
	[tilespmem:s14+$0xFFFFFFE0] =	vst v9  }
0x2bd: {  	v42 =	vld [tilespmem:s18+$0xB0];
	v11 =	vmul.f32 v53, v11;
	[tilespmem:s19+$0x60] =	vst v18  }
0x2be: {  	[tilespmem:s19+$0x120] =	vst v23;
	v23 =	vmul.f32 v38, v19;
	v4 =	vld [tilespmem:s18+$0x70]  }
0x2bf: {  	v44 =	vld [tilespmem:s18+$0xFFFFFF30];
	[tilespmem:s14+$0x30] =	vst v11;
	v45 =	vmul.f32 v40, v16  }
0x2c0: {  	v46 =	vld [tilespmem:s18+$0xFFFFFF80];
	v43 =	vmul.f32 v39, v15;
	[tilespmem:s19+$0xFFFFFED0] =	vst v23  }
0x2c1: {  	v10 =	vmul.f32 v54, v10;
	[tilespmem:s19+$0x10] =	vst v45;
	v23 =	vld [tilespmem:s18+$0xFFFFFEE0]  }
0x2c2: {  	v20 =	vmul.f32 v42, v31;
	[tilespmem:s19+$0xFFFFFFC0] =	vst v43;
	v24 =	vld [tilespmem:s18+$0x20]  }
0x2c3: {  	[tilespmem:s14+$0x80] =	vst v10;
	v22 =	vld [tilespmem:s18+$0xFFFFFFD0];
	v4 =	vmul.f32 v4, v17  }
0x2c4: {  	v48 =	vld [tilespmem:s13+$0xC0];
	v21 =	vmul.f32 v44, v13;
	[tilespmem:s19+$0xB0] =	vst v20  }
0x2c5: {  	v25 =	vmul.f32 v46, v14;
	[tilespmem:s19+$0x70] =	vst v4;
	v4 =	vld [tilespmem:s11+$0xD0]  }
0x2c6: {  	[tilespmem:s19+$0xFFFFFF30] =	vst v21;
	v55 =	vld [tilespmem:s18+$0xC0];
	v47 =	vmul.f32 v23, v19  }
0x2c7: {  	[tilespmem:s19+$0xFFFFFF80] =	vst v25;
	v57 =	vld [tilespmem:s18+$0xFFFFFF40];
	v24 =	vmul.f32 v24, v16  }
0x2c8: {  	v58 =	vld [tilespmem:s18+$0xFFFFFF90];
	v22 =	vmul.f32 v22, v15;
	[tilespmem:s19+$0xFFFFFEE0] =	vst v47  }
0x2c9: {  	v23 =	vmul.f32 v48, v8;
	[tilespmem:s19+$0x20] =	vst v24;
	v56 =	vld [tilespmem:s18+$0xFFFFFEF0]  }
0x2ca: {  	[tilespmem:s19+$0xFFFFFFD0] =	vst v22;
	v59 =	vld [tilespmem:s18+$0x30];
	v4 =	vmul.f32 v4, v5  }
0x2cb: {  	v60 =	vmul.f32 v55, v31;
	[tilespmem:s14+$0xC0] =	vst v23;
	v5 =	vld [tilespmem:s18+$0xFFFFFFE0]  }
0x2cc: {  	v7 =	vmul.f32 v57, v13;
	[tilespmem:s12+$0xD0] =	vst v4;
	v4 =	vld [tilespmem:s18+$0x80]  }
0x2cd: {  	v61 =	vld [tilespmem:s13+$0xD0];
	[tilespmem:s19+$0xC0] =	vst v60;
	v9 =	vmul.f32 v58, v14  }
0x2ce: {  	v62 =	vld [tilespmem:s18+$0xD0];
	[tilespmem:s19+$0xFFFFFF40] =	vst v7;
	v6 =	vmul.f32 v56, v19  }
0x2cf: {  	[tilespmem:s19+$0xFFFFFF90] =	vst v9;
	v63 =	vmul.f32 v59, v16  }
0x2d0: {  	[tilespmem:s19+$0xFFFFFEF0] =	vst v6;
	v5 =	vmul.f32 v5, v15  }
.Ltmp5:
0x2d1: {  	[tilespmem:s19+$0x30] =	vst v63;
	v4 =	vmul.f32 v4, v17;
	(pc) =	sbr.rel @p2 .LBB2_10-.Ltmp5, $4  }
0x2d2: {  	[tilespmem:s19+$0xFFFFFFE0] =	vst v5;
	v5 =	vmul.f32 v61, v8  }
0x2d3: {  	[tilespmem:s19+$0x80] =	vst v4;
	v4 =	vmul.f32 v62, v31  }
0x2d4: {  	[tilespmem:s14+$0xD0] =	vst v5  }
0x2d5: {  	s9 =	sadd.s32 $0x4E70, s9;
	[tilespmem:s19+$0xD0] =	vst v4  }
0x2d6: {  	s10 =	smul.u32 $0xA0, s8;
	_ =	sdelay $0x1  }
0x2d7: {  	v4 =	vld [tilespmem:s10+$0xF0];
	_ =	sdelay $0x4  }
0x2d8: {  	v4 =	vshll.u32 v4, $0x1  }
0x2d9: {  	v4 =	vor.u32 v0, v4  }
0x2da: {  	[tilespmem:$0x9C90] =	vst v4  }
0x2db: {  	v4 =	vld [tilespmem:s10+$0x100];
	_ =	sdelay $0x4  }
0x2dc: {  	v4 =	vshll.u32 v4, $0x1  }
0x2dd: {  	v4 =	vor.u32 v0, v4  }
0x2de: {  	[tilespmem:$0x9CA0] =	vst v4  }
0x2df: {  	v4 =	vld [tilespmem:s10+$0x110];
	_ =	sdelay $0x4  }
0x2e0: {  	v4 =	vshll.u32 v4, $0x1  }
0x2e1: {  	v4 =	vor.u32 v0, v4  }
0x2e2: {  	[tilespmem:$0x9CB0] =	vst v4  }
0x2e3: {  	v4 =	vld [tilespmem:s10+$0x120];
	_ =	sdelay $0x4  }
0x2e4: {  	v4 =	vshll.u32 v4, $0x1  }
0x2e5: {  	v4 =	vor.u32 v0, v4  }
0x2e6: {  	[tilespmem:$0x9CC0] =	vst v4  }
0x2e7: {  	v4 =	vld [tilespmem:s10+$0x130];
	_ =	sdelay $0x4  }
0x2e8: {  	v4 =	vshll.u32 v4, $0x1  }
0x2e9: {  	v4 =	vor.u32 v0, v4  }
0x2ea: {  	[tilespmem:$0x9CD0] =	vst v4  }
0x2eb: {  	[tilespmem:s31], [sflag:$0x2] =	stream.indirect.gather [hbm4b:s4+s25], $0x50, s30, s25, $0xb8;
	[tilespmem:$0x1CE40] =	vst v63  }
.Ltmp6:
0x2ec: {  	_ = 	snop;
	(pc) =	sbr.rel .LBB2_4-.Ltmp6, $4  }
0x2ed: {  	s10 =	sadd.s32 $0x4F10, s10  }
0x2ee: {  	[tilespmem:s24], [sflag:$0x4] =	stream.indirect.gather [hbm4b:s5+s25], $0x10, s10, s25, $0xb8;
	[tilespmem:$0x1CE40] =	vst v63  }
0x2ef: {  	s8 =	sadd.s32 $0x1, s8  }
0x2f0: {  	[spmem:s1] =	stream.indirect.scatter.add.f32 [tilespmem:s3], [sflag:$0x6], $0x50, s9, s25, $0xb8;
	[tilespmem:$0x1CE40] =	vst v63  }
.LBB2_11:
0x2f1: {  	_ =	sfence.sel $0x180000  }
0x2f2: {  	[bflag:$0x0] =	sbarrier.arrive $0xFFFF  }
0x2f3: {  	_ =	strace $0x9000004A  }
0x2f4: {  	[bflag:$0x2] =	sbarrier.arrive $0xFFFF  }
0x2f5: {  	s0 =	rddreg [dreg:$0x3]  }
0x2f6: {  	s0 =	sadd.s32 @!p0 $0x100000, s0  }
0x2f7: {  	[sflag:s0] =	ssyncadd.tile.s32 @!p0 $0x1;
	_ =	shalt  }
.Lfunc_end2:
_tile_overlayer_lowered:
.L_overlay_start_2:
0x2f8: {  	(tag) =	ssettag $0x2  }
0x2f9: {  	s0 =	rddreg [dreg:$0x0];
	s2 =	stileid.u32  }
0x2fa: {  	s1 =	rddreg [dreg:$0x1];
	p0 =	sne.s32 s2, $0x0  }
0x2fb: {  	s3 =	rddreg [dreg:$0x2];
	[bflag:$0x3] =	sbarrier.arrive $0xFFFF;
	s2 =	simm.s32 @!p0 $0x1C07  }
0x2fc: {  	[timem:s3], [sflag:s2] =	dma.local @!p0 [hbm:s0], s1  }
0x2fd: {  	s0 =	simm.s32 @!p0 $0x7  }
0x2fe: {  	_ =	swait.ge @!p0 [sflag:s0], s1  }
0x2ff: {  	s1 =	ssub.s32 @!p0 $0x0, s1;
	[sflag:s0] =	ssyncset.done @!p0 $0x0  }
0x300: {  	[sflag:s0] =	ssyncadd.s32 @!p0 s1  }
0x301: {  	[bflag:$0x3] =	sbarrier.arrive $0xFFFF  }
0x302: {  	_ =	shalt  }

// kernel: kernel.7.cloned.1.call-start
scs
__scs_entry_jumppad:
0x0: {  	(pc) =	sbr.rel $0x88, $3  }
0x1: {  	(tag) =	ssettag $0x0;
	lr =	simm.s32 $0x1  }
0x2: {  	[smem:$0x3F97] =	sst lr;
	_ =	strace $0xD0000000  }
0x3: {  	_ = 	snop  }
0x4: {  	_ = 	snop  }
0x5: {  	_ = 	snop  }
0x6: {  	_ = 	snop  }
0x7: {  	_ = 	snop  }
__scs_overlays_trampoline_lowered:
0x8: {  	[smem:$0x3FA6] =	sst s0  }
0x9: {  	[smem:$0x3FA7] =	sst s1  }
0xa: {  	[smem:$0x3FA8] =	sst s2  }
0xb: {  	[smem:$0x3FA9] =	sst s3  }
0xc: {  	[smem:$0x3FAA] =	sst s4  }
0xd: {  	[smem:$0x3FAB] =	sst s5  }
0xe: {  	[smem:$0x3FAC] =	sst s6  }
0xf: {  	[smem:$0x3FAD] =	sst s7  }
0x10: {  	[smem:$0x3FAE] =	sst s8  }
0x11: {  	[smem:$0x3FAF] =	sst s9;
	s0 =	simm.s32 @!p0 $0x0  }
0x12: {  	s1 =	sld [smem:$0x3F95];
	s0 =	simm.s32 @p0 $0x1  }
0x13: {  	[smem:$0x3FB0] =	sst s0;
	s0 =	simm.s32 @!p1 $0x0  }
0x14: {  	s2 =	sld [smem:$0x3F94];
	s0 =	simm.s32 @p1 $0x1  }
0x15: {  	[smem:$0x3FB1] =	sst s0;
	s0 =	simm.s32 @!p2 $0x0  }
0x16: {  	s3 =	sld [smem:$0x3FDB];
	s0 =	simm.s32 @p2 $0x1  }
0x17: {  	s4 =	simm.s32 $0x1BF5;
	[smem:$0x3FB3] =	sst s0  }
0x18: {  	s0 =	sld [smem:$0x3F96];
	_ =	swait.ge [sflag:s4], $0x0  }
0x19: {  	s7 =	sld [smem:$0x3F97]  }
0x1a: {  	s8 =	sadd.s32 $0xFFFFE003, lr  }
0x1b: {  	s9 =	sadd.s32 $0xFFFFFEF7, lr;
	s5 =	simm.s32 $0xFFFFFFFF;
	p2 =	slt.u32 s8, $0xFFFFF086  }
0x1c: {  	p1 =	slt.u32 s9, $0xF7A;
	s5 =	simm.s32 @!p2 $0x0  }
0x1d: {  	s5 =	simm.s32 @p1 $0x1;
	p0 =	seq.s32 s7, s2  }
0x1e: {  	s7 =	smul.u32 @!p0 $0xF7A, s2;
	p2 =	seq.s32 @!p0 s5, $0x0  }
0x1f: {  	s9 =	smul.u32 $0xF7A, s1;
	s8 =	simm.s32 @!p0 $0x1BF5;
	p2 =	por !p2, p0  }
0x20: {  	[sflag:s8] =	ssyncset.s32 @!p0 $0xFFFFF086;
	s6 =	sadd.s32 @!p0 s3, s7;
	s7 =	simm.s32 @!p0 $0x108  }
0x21: {  	s3 =	sadd.s32 s3, s9;
	s6 =	sadd.s32 @!p0 $0x88, s6;
	s7 =	simm.s32 @p2 $0x1082  }
0x22: {  	[simem:s7], [sflag:s8] =	dma.local @!p0 [hbm:s6], $0xF7A  }
0x23: {  	s9 =	sor.u32 $0xD0000000, s2;
	s6 =	simm.s32 $0x108;
	_ =	swait.ge @!p0 [sflag:s8], $0x0  }
0x24: {  	s3 =	sadd.s32 $0x88, s3;
	s6 =	simm.s32 @!p1 $0x1082;
	[sflag:s4] =	ssyncset.s32 $0xFFFFF086  }
0x25: {  	[simem:s6], [sflag:s4] =	dma.local [hbm:s3], $0xF7A  }
0x26: {  	[smem:$0x3F97] =	sst s1;
	(tag) =	ssettag s2;
	_ =	strace s9  }
0x27: {  	s1 =	sld [smem:$0x3FA7]  }
0x28: {  	s2 =	sld [smem:$0x3FA8]  }
0x29: {  	s4 =	sld [smem:$0x3FAA]  }
0x2a: {  	p0 =	seq.s32 s5, $0x0;
	s5 =	sld [smem:$0x3FAB]  }
0x2b: {  	s6 =	sld [smem:$0x3FAC]  }
0x2c: {  	s7 =	sld [smem:$0x3FAD]  }
0x2d: {  	s3 =	simm.s32 $0x108;
	s8 =	sld [smem:$0x3FAE]  }
0x2e: {  	s3 =	simm.s32 @!p0 $0x1082;
	s9 =	sld [smem:$0x3FAF]  }
0x2f: {  	lr =	sadd.s32 s0, s3;
	s0 =	sld [smem:$0x3FA6]  }
0x30: {  	s3 =	sld [smem:$0x3FA9]  }
0x31: {  	[smem:$0x3FB2] =	sst s10  }
0x32: {  	s10 =	sld [smem:$0x3FB0];
	_ =	sdelay $0x3  }
0x33: {  	p0 =	seq.s32 s10, $0x1;
	s10 =	sld [smem:$0x3FB2];
	_ =	sdelay $0x3  }
0x34: {  	[smem:$0x3FB2] =	sst s10  }
0x35: {  	s10 =	sld [smem:$0x3FB1];
	_ =	sdelay $0x3  }
0x36: {  	p1 =	seq.s32 s10, $0x1;
	s10 =	sld [smem:$0x3FB2];
	_ =	sdelay $0x3  }
0x37: {  	[smem:$0x3FB2] =	sst s10  }
0x38: {  	s10 =	sld [smem:$0x3FB3]  }
0x39: {  	_ = 	snop;
	(pc) =	sbr.ind lr, $3  }
0x3a: {  	_ = 	snop  }
0x3b: {  	_ = 	snop  }
0x3c: {  	p2 =	seq.s32 s10, $0x1;
	s10 =	sld [smem:$0x3FB2]  }
0x3d: {  	_ =	shalt  }
0x3e: {  	_ =	shalt  }
0x3f: {  	_ =	shalt  }
0x40: {  	_ =	shalt  }
0x41: {  	_ =	shalt  }
0x42: {  	_ =	shalt  }
0x43: {  	_ =	shalt  }
0x44: {  	_ =	shalt  }
0x45: {  	_ =	shalt  }
0x46: {  	_ =	shalt  }
0x47: {  	_ =	shalt  }
0x48: {  	_ =	shalt  }
0x49: {  	_ =	shalt  }
0x4a: {  	_ =	shalt  }
0x4b: {  	_ =	shalt  }
0x4c: {  	_ =	shalt  }
0x4d: {  	_ =	shalt  }
0x4e: {  	_ =	shalt  }
0x4f: {  	_ =	shalt  }
0x50: {  	_ =	shalt  }
0x51: {  	_ =	shalt  }
0x52: {  	_ =	shalt  }
0x53: {  	_ =	shalt  }
0x54: {  	_ =	shalt  }
0x55: {  	_ =	shalt  }
0x56: {  	_ =	shalt  }
0x57: {  	_ =	shalt  }
0x58: {  	_ =	shalt  }
0x59: {  	_ =	shalt  }
0x5a: {  	_ =	shalt  }
0x5b: {  	_ =	shalt  }
0x5c: {  	_ =	shalt  }
0x5d: {  	_ =	shalt  }
0x5e: {  	_ =	shalt  }
0x5f: {  	_ =	shalt  }
0x60: {  	_ =	shalt  }
0x61: {  	_ =	shalt  }
0x62: {  	_ =	shalt  }
0x63: {  	_ =	shalt  }
0x64: {  	_ =	shalt  }
0x65: {  	_ =	shalt  }
0x66: {  	_ =	shalt  }
0x67: {  	_ =	shalt  }
0x68: {  	_ =	shalt  }
0x69: {  	_ =	shalt  }
0x6a: {  	_ =	shalt  }
0x6b: {  	_ =	shalt  }
0x6c: {  	_ =	shalt  }
0x6d: {  	_ =	shalt  }
0x6e: {  	_ =	shalt  }
0x6f: {  	_ =	shalt  }
0x70: {  	_ =	shalt  }
0x71: {  	_ =	shalt  }
0x72: {  	_ =	shalt  }
0x73: {  	_ =	shalt  }
0x74: {  	_ =	shalt  }
0x75: {  	_ =	shalt  }
0x76: {  	_ =	shalt  }
0x77: {  	_ =	shalt  }
0x78: {  	_ =	shalt  }
0x79: {  	_ =	shalt  }
0x7a: {  	_ =	shalt  }
0x7b: {  	_ =	shalt  }
0x7c: {  	_ =	shalt  }
0x7d: {  	_ =	shalt  }
0x7e: {  	_ =	shalt  }
0x7f: {  	_ =	shalt  }
0x80: {  	_ =	shalt  }
0x81: {  	_ =	shalt  }
0x82: {  	_ =	shalt  }
0x83: {  	_ =	shalt  }
0x84: {  	_ =	shalt  }
0x85: {  	_ =	shalt  }
0x86: {  	_ =	shalt  }
0x87: {  	_ =	shalt  }
.Lfunc_end0:
.L_simem_size_0:
called_computation_lowered:
.L_overlay_start_0:
0x88: {  	s2 =	sld [smem:$0x3FD9]  }
0x89: {  	s3 =	sld [smem:$0x3FFE];
	_ =	sdelay $0x1  }
0x8a: {  	s1 =	srdreg.scid  }
0x8b: {  	s0 =	sand.u32 $0x1, s1  }
0x8c: {  	s17 =	sshll.u32 s0, $0xA;
	s2 =	sadd.s32 s3, s2  }
0x8d: {  	s2 =	sadd.s32 s2, s17  }
0x8e: {  	[smem:$0x3FBE] =	sst s2  }
0x8f: {  	_ = 	snop  }
0x90: {  	s2 =	sld [smem:$0x3FD0];
	(tm) =	ssettm $0x1  }
0x91: {  	s18 =	sld [smem:$0x3FFB];
	_ =	sdelay $0x3  }
0x92: {  	_ =	strace s18  }
0x93: {  	s3 =	sld [smem:$0x3FFC];
	_ =	sdelay $0x3  }
0x94: {  	_ =	strace s3  }
0x95: {  	s3 =	sld [smem:$0x3FFD];
	_ =	sdelay $0x3  }
0x96: {  	_ =	strace s3  }
0x97: {  	_ =	strace $0x8FFFFFFF  }
0x98: {  	s19 =	sld [smem:$0x3FDB];
	_ =	sdelay $0x1  }
0x99: {  	s4 =	simm.s32 $_scs_section_size  }
0x9a: {  	s5 =	simm.s32 $_size__tile_overlayer_lowered;
	s6 =	simm.s32 $_tile_overlayer_lowered  }
0x9b: {  	s22 =	simm.s32 $0x1BFF;
	s21 =	sshll.u32 s6, $0x1;
	s3 =	sadd.s32 s4, s19  }
0x9c: {  	s7 =	simm.s32 $0x0;
	s20 =	sshll.u32 s5, $0x1;
	s5 =	sadd.s32 s21, s3  }
0x9d: {  	[timem:s7], [sflag:s22] =	dma.local [hbm:s5], s20  }
0x9e: {  	_ =	swait.ge [sflag:s22], s20  }
0x9f: {  	s4 =	ssub.s32 $0x0, s20;
	[sflag:s22] =	ssyncset.done $0x0  }
0xa0: {  	[sflag:s22] =	ssyncadd.s32 s4;
	_ =	sdelay $0x1  }
0xa1: {  	s23 =	simm.s32 $0x1B8B  }
0xa2: {  	_ =	swait.ge [sflag:s23], $0x1  }
0xa3: {  	[sflag:s23] =	ssyncset.done $0x0  }
0xa4: {  	s25 =	simm.s32 $0x1B8E;
	s24 =	sld [smem:$0x3FFE];
	[sflag:s23] =	ssyncadd.s32 $0xFFFFFFFF  }
0xa5: {  	s26 =	simm.s32 $execute0_lowered;
	[smem:$0x3FD2] =	sst s25  }
0xa6: {  	s5 =	sshll.u32 s26, $0x1;
	_ =	strace $0x80000046;
	[dreg:$0x1] =	wrdreg $0xFFFFFFFF  }
0xa7: {  	s28 =	simm.s32 $_size_execute0_lowered;
	s3 =	sadd.s32 s3, s5;
	[dreg:$0x0] =	wrdreg $0x0  }
0xa8: {  	s5 =	sshll.u32 s28, $0x1;
	[dreg:$0x2] =	wrdreg s3  }
0xa9: {  	[dreg:$0x3] =	wrdreg s5  }
0xaa: {  	[dreg:$0x4] =	wrdreg $0xC0  }
0xab: {  	_ =	task [dreg:s7], $0x5FFFF  }
0xac: {  	[dreg:$0x1] =	wrdreg $0xFFFFFFFF  }
0xad: {  	[dreg:$0x0] =	wrdreg $0x60  }
0xae: {  	[dreg:$0x2] =	wrdreg s2  }
0xaf: {  	[dreg:$0x3] =	wrdreg s24  }
0xb0: {  	[dreg:$0x4] =	wrdreg $0x10AF00  }
0xb1: {  	[dreg:$0x5] =	wrdreg $0x9  }
0xb2: {  	_ =	task.clear_ibuf [dreg:s7], $0x6FFFF;
	_ =	strace $0x90000046  }
0xb3: {  	s29 =	simm.s32 $0x9;
	_ =	strace $0x80000048  }
0xb4: {  	_ =	swait.ge [sflag:s29], $0x1  }
0xb5: {  	[sflag:s29] =	ssyncadd.s32 $0xFFFFFFFF  }
0xb6: {  	_ =	strace $0x90000048  }
0xb7: {  	_ =	sfence  }
0xb8: {  	s30 =	sld [smem:$0x0];
	_ =	sdelay $0x2  }
0xb9: {  	s31 =	sshll.u32 s1, $0xD;
	s1 =	sshrl.u32 s1, $0x2  }
0xba: {  	s3 =	sand.u32 $0x4000, s31;
	s1 =	sadd.s32 s1, s30  }
0xbb: {  	s0 =	sor.u32 s3, s0;
	s1 =	sshll.u32 s1, $0x11  }
0xbc: {  	s0 =	sor.u32 s1, s0  }
0xbd: {  	s0 =	sadd.s32 $0x8F2B, s0  }
0xbe: {  	[sflag:s0] =	ssyncadd.remote.s32 $0x1  }
0xbf: {  	_ =	sfence.sel $0xFFFF  }
0xc0: {  	[dreg:$0x0] =	wrdreg $0xFFFFFFFF;
	(pc) =	sbr.abs _section_cstart, $3  }
0xc1: {  	[dreg:$0x1] =	wrdreg $0xFFFFFFFF  }
0xc2: {  	_ =	task.clear_ibuf [dreg:s7], $0x2FFFF;
	_ =	strace $0x9FFFFFFF  }
0xc3: {  	(tm) =	ssettm $0x7FFFFFFF  }
tec
execute0_lowered:
.L_overlay_start_1:
0x0: {  	(tag) =	ssettag $0x1  }
0x1: {  	s0 =	rddreg [dreg:$0x0]  }
0x2: {  	s5 =	rddreg [dreg:$0x1]  }
0x3: {  	s1 =	rddreg [dreg:$0x2]  }
0x4: {  	s2 =	simm.s32 $0x0;
	s6 =	srdreg.scid;
	s13 =	stileid.u32  }
0x5: {  	s30 =	simm.s32 $0x9C90;
	s31 =	simm.s32 $0xB5E0;
	s28 =	simm.s32 $0x3  }
0x6: {  	s29 =	simm.s32 $0x2;
	[smem:$0x7FF] =	sst s2;
	s3 =	sadd.s32 $0x1C00, s5  }
0x7: {  	s4 =	sadd.s32 $0x32A00, s5;
	s6 =	sand.u32 $0x1, s6;
	s8 =	smul.u32 $0x30C00, s13  }
0x8: {  	s7 =	sadd.s32 $0x1A00, s5;
	s5 =	sadd.s32 $0x37A00, s5;
	s10 =	smul.u32 $0xC300, s13  }
0x9: {  	s12 =	smul.u32 $0x4E20, s13;
	s16 =	sadd.s32 $0xC3000, s1;
	p0 =	sne.s32 s13, $0x0  }
0xa: {  	_ =	strace $0x80000047;
	[dreg:$0x4] =	wrdreg s7;
	s20 =	ssub.s32 $0x2, s6  }
0xb: {  	s11 =	sshll.u32 s6, $0x2;
	s26 =	smul.u32 $0xC3500, s6;
	s8 =	sshrl.u32 s8, $0x2  }
0xc: {  	s9 =	sshrl.u32 s20, $0x1;
	s7 =	sadd.s32 s10, s1;
	s8 =	sadd.s32 s8, s1  }
0xd: {  	s12 =	sshrl.u32 s12, $0x3;
	s15 =	sor.u32 $0x1, s11;
	s14 =	sadd.s32 $0x1900, s8  }
0xe: {  	s17 =	sor.u32 $0x2, s11;
	s21 =	sadd.s32 $0x3200, s8;
	[dreg:$0x5] =	wrdreg s14  }
0xf: {  	s9 =	ssub.s32 s20, s9;
	s22 =	sadd.s32 $0x4B00, s8;
	[dreg:$0x6] =	wrdreg s21  }
0x10: {  	s10 =	sadd.s32 s10, s26;
	s23 =	sadd.s32 $0x6400, s8;
	[dreg:$0x7] =	wrdreg s22  }
0x11: {  	s24 =	sadd.s32 $0x7D00, s8;
	s25 =	sadd.s32 $0x9600, s8;
	[dreg:$0x8] =	wrdreg s23  }
0x12: {  	s8 =	sadd.s32 $0xAF00, s8;
	s10 =	sshrl.u32 s10, $0x3;
	[dreg:$0x9] =	wrdreg s24  }
0x13: {  	s20 =	smax.u32 s9, $0x1;
	[dreg:$0xa] =	wrdreg s25;
	s14 =	sadd.s32 s0, s12  }
0x14: {  	[dreg:$0xb] =	wrdreg s8;
	s0 =	sshrl.u32 s26, $0x3;
	s18 =	sadd.s32 s5, s10  }
.Ltmp0:
0x15: {  	s23 =	sshllo.u32 s6, $0x2;
	s21 =	simm.s32 $0xD8E0;
	(pc) =	sbr.rel .LBB2_1-.Ltmp0, $4  }
0x16: {  	v0 =	vmov s6;
	s22 =	simm.s32 $0x7;
	s25 =	simm.s32 $0x50;
	s24 =	simm.s32 $0xD3E0  }
0x17: {  	v1 =	vmov s11;
	v2 =	vmov s15;
	v3 =	vmov s17;
	s26 =	simm.s32 $0x1;
	s6 =	simm.s32 $0x5;
	s12 =	sadd.s32 $0x9C40, s14  }
0x18: {  	v1 =	vbroadcast v1, $0x0;
	v2 =	vbroadcast v2, $0x0;
	s0 =	sadd.s32 s5, s0;
	v4 =	vmov s23;
	s5 =	simm.s32 $0xF1E0;
	s23 =	simm.s32 $0x6  }
0x19: {  	v5 =	vimm.f32 $0.0e+00;
	v3 =	vbroadcast v3, $0x0;
	[dreg:$0xc] =	wrdreg s12;
	s19 =	sadd.s32 $0x18600, s0;
	s0 =	simm.s32 $0x4;
	v4 =	vbroadcast v4, $0x0  }
.LBB2_10:
0x1a: {  	[spmem:s1] =	stream.indirect.scatter.add.f32 [tilespmem:s5], [sflag:$0x6], $0x50, s9, s25, $0xb8;
	[tilespmem:$0x1CE40] =	vst v63  }
0x1b: {  	_ =	swait.ge [sflag:s6], $0x1900  }
0x1c: {  	[sflag:s6] =	ssyncset.done $0x0  }
0x1d: {  	[sflag:s6] =	ssyncadd.s32 $0xFFFFE700  }
0x1e: {  	_ =	swait.ge [sflag:s23], $0x1900  }
0x1f: {  	s8 =	stileid.u32;
	[sflag:s23] =	ssyncset.done $0x0  }
0x20: {  	s8 =	sshll.u32 s8, $0x6;
	[sflag:s23] =	ssyncadd.s32 $0xFFFFE700  }
0x21: {  	s17 =	sshrl.u32 s7, $0x3;
	s8 =	sor.u32 $0x1C07, s8;
	[bflag:$0x0] =	sbarrier.arrive $0xFFFF  }
0x22: {  	[hbm:s18], [sflag:s8] =	dma.local [spmem:s17], $0x1860  }
0x23: {  	_ =	swait.ge [sflag:s22], $0x1860  }
0x24: {  	s2 =	sadd.s32 $0x1, s2;
	[sflag:s22] =	ssyncset.done $0x0  }
0x25: {  	s9 =	sshrl.u32 @!p0 s16, $0x3;
	p1 =	sne.s32 s2, s20;
	[sflag:s22] =	ssyncadd.s32 $0xFFFFE7A0  }
0x26: {  	[hbm:s19], [sflag:s8] =	dma.local @!p0 [spmem:s9], $0xA0  }
.Ltmp1:
0x27: {  	_ = 	snop;
	(pc) =	sbr.rel @!p1 .LBB2_11-.Ltmp1, $4  }
0x28: {  	s8 =	simm.s32 @!p0 $0x7  }
0x29: {  	_ =	swait.ge @!p0 [sflag:s8], $0xA0  }
0x2a: {  	[sflag:s8] =	ssyncset.done @!p0 $0x0  }
0x2b: {  	[sflag:s8] =	ssyncadd.s32 @!p0 $0xFFFFFF60  }
.LBB2_1:
0x2c: {  	s9 =	simm.s32 $0x140;
	s8 =	simm.s32 $0x0  }
.LBB2_2:
0x2d: {  	p1 =	sne.s32 s9, $0x62C0;
	[tilespmem:s8+$0xD920] =	vst v5;
	s10 =	smov.u32 s9;
	s9 =	sadd.s32 $0x140, s9  }
.Ltmp2:
0x2e: {  	[tilespmem:s8+$0xD910] =	vst v5;
	(pc) =	sbr.rel @p1 .LBB2_2-.Ltmp2, $4  }
0x2f: {  	[tilespmem:s8+$0xD900] =	vst v5  }
0x30: {  	[tilespmem:s8+$0xD8E0] =	vst v5  }
0x31: {  	[tilespmem:s8+$0xD8F0] =	vst v5  }
0x32: {  	s8 =	sshra.s32 s10, $0x2  }
0x33: {  	[tilespmem:s8+$0xD920] =	vst v5  }
0x34: {  	[tilespmem:s8+$0xD910] =	vst v5  }
0x35: {  	[tilespmem:s8+$0xD900] =	vst v5  }
0x36: {  	[tilespmem:s8+$0xD8E0] =	vst v5  }
0x37: {  	[tilespmem:s8+$0xD8F0] =	vst v5  }
0x38: {  	[spmem:s7] =	stream.linear.scatter [tilespmem:s21], [sflag:$0x7], $0x1900, $0x38;
	[tilespmem:$0x1CE40] =	vst v63  }
0x39: {  	_ =	swait.ge [sflag:s22], $0x1900  }
0x3a: {  	[sflag:s22] =	ssyncset.done $0x0  }
0x3b: {  	s17 =	rddreg [dreg:$0x5];
	[sflag:s22] =	ssyncadd.s32 $0xFFFFE700  }
0x3c: {  	[spmem:s17] =	stream.linear.scatter [tilespmem:s21], [sflag:$0x7], $0x1900, $0x38;
	[tilespmem:$0x1CE40] =	vst v63  }
0x3d: {  	_ =	swait.ge [sflag:s22], $0x1900  }
0x3e: {  	[sflag:s22] =	ssyncset.done $0x0  }
0x3f: {  	s9 =	rddreg [dreg:$0x6];
	[sflag:s22] =	ssyncadd.s32 $0xFFFFE700  }
0x40: {  	[spmem:s9] =	stream.linear.scatter [tilespmem:s21], [sflag:$0x7], $0x1900, $0x38;
	[tilespmem:$0x1CE40] =	vst v63  }
0x41: {  	_ =	swait.ge [sflag:s22], $0x1900  }
0x42: {  	[sflag:s22] =	ssyncset.done $0x0  }
0x43: {  	s10 =	rddreg [dreg:$0x7];
	[sflag:s22] =	ssyncadd.s32 $0xFFFFE700  }
0x44: {  	[spmem:s10] =	stream.linear.scatter [tilespmem:s21], [sflag:$0x7], $0x1900, $0x38;
	[tilespmem:$0x1CE40] =	vst v63  }
0x45: {  	_ =	swait.ge [sflag:s22], $0x1900  }
0x46: {  	[sflag:s22] =	ssyncset.done $0x0  }
0x47: {  	s11 =	rddreg [dreg:$0x8];
	[sflag:s22] =	ssyncadd.s32 $0xFFFFE700  }
0x48: {  	[spmem:s11] =	stream.linear.scatter [tilespmem:s21], [sflag:$0x7], $0x1900, $0x38;
	[tilespmem:$0x1CE40] =	vst v63  }
0x49: {  	_ =	swait.ge [sflag:s22], $0x1900  }
0x4a: {  	[sflag:s22] =	ssyncset.done $0x0  }
0x4b: {  	s12 =	rddreg [dreg:$0x9];
	[sflag:s22] =	ssyncadd.s32 $0xFFFFE700  }
0x4c: {  	[spmem:s12] =	stream.linear.scatter [tilespmem:s21], [sflag:$0x7], $0x1900, $0x38;
	[tilespmem:$0x1CE40] =	vst v63  }
0x4d: {  	_ =	swait.ge [sflag:s22], $0x1900  }
0x4e: {  	[sflag:s22] =	ssyncset.done $0x0  }
0x4f: {  	s13 =	rddreg [dreg:$0xa];
	[sflag:s22] =	ssyncadd.s32 $0xFFFFE700  }
0x50: {  	[spmem:s13] =	stream.linear.scatter [tilespmem:s21], [sflag:$0x7], $0x1900, $0x38;
	[tilespmem:$0x1CE40] =	vst v63  }
0x51: {  	_ =	swait.ge [sflag:s22], $0x1900  }
0x52: {  	[sflag:s22] =	ssyncset.done $0x0  }
0x53: {  	s15 =	rddreg [dreg:$0xb];
	[sflag:s22] =	ssyncadd.s32 $0xFFFFE700  }
0x54: {  	[spmem:s15] =	stream.linear.scatter [tilespmem:s21], [sflag:$0x7], $0x1400, $0x38;
	[tilespmem:$0x1CE40] =	vst v63  }
0x55: {  	_ =	swait.ge [sflag:s22], $0x1400  }
0x56: {  	[sflag:s22] =	ssyncset.done $0x0  }
0x57: {  	s8 =	simm.s32 @!p0 $0xD8E0;
	[sflag:s22] =	ssyncadd.s32 $0xFFFFEC00  }
0x58: {  	[spmem:s16] =	stream.linear.scatter @!p0 [tilespmem:s8], [sflag:$0x7], $0x500, $0x38;
	[tilespmem:$0x1CE40] =	vst v63  }
0x59: {  	s8 =	simm.s32 @!p0 $0x7  }
0x5a: {  	_ =	swait.ge @!p0 [sflag:s8], $0x500  }
0x5b: {  	[sflag:s8] =	ssyncset.done @!p0 $0x0  }
0x5c: {  	[sflag:s8] =	ssyncadd.s32 @!p0 $0xFFFFFB00  }
0x5d: {  	s8 =	simm.s32 $0x0;
	[bflag:$0x0] =	sbarrier.arrive $0xFFFF  }
0x5e: {  	[tilespmem:s8], [sflag:$0x7] =	stream.linear.gather [hbm4b:s14+s8], $0x4E20, $0x38;
	[tilespmem:$0x1CE40] =	vst v63  }
0x5f: {  	_ =	swait.ge [sflag:s22], $0x4E20  }
0x60: {  	[sflag:s22] =	ssyncset.done $0x0  }
0x61: {  	s10 =	simm.s32 $0x4E20;
	s9 =	rddreg [dreg:$0xc];
	[sflag:s22] =	ssyncadd.s32 $0xFFFFB1E0  }
0x62: {  	[tilespmem:s10], [sflag:$0x7] =	stream.linear.gather [hbm4b:s9+s8], $0x4E20, $0x38;
	[tilespmem:$0x1CE40] =	vst v63  }
0x63: {  	_ =	swait.ge [sflag:s22], $0x4E20  }
0x64: {  	[sflag:s22] =	ssyncset.done $0x0  }
0x65: {  	s11 =	simm.s32 $0x10AE0;
	s17 =	rddreg [dreg:$0x4];
	[sflag:s22] =	ssyncadd.s32 $0xFFFFB1E0  }
0x66: {  	[tilespmem:s11], [sflag:$0x7] =	stream.linear.gather [hbm4b:s17+s8], $0x10, $0x38;
	[tilespmem:$0x1CE40] =	vst v63  }
0x67: {  	_ =	swait.ge [sflag:s22], $0x10  }
0x68: {  	[sflag:s22] =	ssyncset.done $0x0  }
0x69: {  	[sflag:s22] =	ssyncadd.s32 $0xFFFFFFF0  }
0x6a: {  	v6 =	vld [tilespmem:$0x0]  }
0x6b: {  	v7 =	vld [tilespmem:$0x10]  }
0x6c: {  	v8 =	vld [tilespmem:$0x20]  }
0x6d: {  	v9 =	vld [tilespmem:$0x30]  }
0x6e: {  	v10 =	vld [tilespmem:$0x40]  }
0x6f: {  	v6 =	vshll.u32 v6, $0x1  }
0x70: {  	v7 =	vshll.u32 v7, $0x1;
	v6 =	vor.u32 v0, v6  }
0x71: {  	[tilespmem:$0x9C40] =	vst v6;
	v6 =	vor.u32 v0, v7;
	v7 =	vshll.u32 v8, $0x1  }
0x72: {  	[tilespmem:$0x9C50] =	vst v6;
	v6 =	vor.u32 v0, v7;
	v7 =	vshll.u32 v9, $0x1  }
0x73: {  	[tilespmem:$0x9C60] =	vst v6;
	v6 =	vor.u32 v0, v7;
	v7 =	vshll.u32 v10, $0x1  }
0x74: {  	[tilespmem:$0x9C70] =	vst v6;
	v7 =	vor.u32 v0, v7  }
0x75: {  	s12 =	simm.s32 $0x9C40;
	s13 =	simm.s32 $0x9CE0;
	[tilespmem:$0x9C80] =	vst v7  }
0x76: {  	v6 =	vld [tilespmem:$0x10AE0];
	[tilespmem:s13], [sflag:$0x1] =	stream.indirect.gather [hbm4b:s3+s25], $0x50, s12, s25, $0xb8  }
0x77: {  	s15 =	simm.s32 $0xCEE0  }
0x78: {  	[tilespmem:s15], [sflag:$0x3] =	stream.indirect.gather [hbm4b:s4+s25], $0x10, s10, s25, $0xb8;
	[tilespmem:$0x1CE40] =	vst v63  }
0x79: {  	v7 =	vld [tilespmem:$0x50]  }
0x7a: {  	v8 =	vld [tilespmem:$0x60]  }
0x7b: {  	v62 =	vld [tilespmem:$0x70]  }
0x7c: {  	v63 =	vld [tilespmem:$0x80]  }
0x7d: {  	v11 =	vld [tilespmem:$0x90]  }
0x7e: {  	v7 =	vshll.u32 v7, $0x1  }
0x7f: {  	v8 =	vshll.u32 v8, $0x1;
	v7 =	vor.u32 v0, v7  }
0x80: {  	[tilespmem:$0x9C90] =	vst v7;
	v7 =	vor.u32 v0, v8;
	v8 =	vshll.u32 v62, $0x1  }
0x81: {  	[tilespmem:$0x9CA0] =	vst v7;
	v7 =	vor.u32 v0, v8;
	v8 =	vshll.u32 v63, $0x1  }
0x82: {  	[tilespmem:$0x9CB0] =	vst v7;
	v7 =	vor.u32 v0, v8;
	v8 =	vshll.u32 v11, $0x1  }
0x83: {  	[tilespmem:$0x9CC0] =	vst v7;
	v7 =	vor.u32 v0, v8  }
0x84: {  	[tilespmem:$0x9CD0] =	vst v7  }
0x85: {  	[tilespmem:s31], [sflag:$0x2] =	stream.indirect.gather [hbm4b:s3+s25], $0x50, s30, s25, $0xb8;
	[tilespmem:$0x1CE40] =	vst v63  }
0x86: {  	s17 =	simm.s32 $0x4E70  }
0x87: {  	[tilespmem:s24], [sflag:$0x4] =	stream.indirect.gather [hbm4b:s4+s25], $0x10, s17, s25, $0xb8;
	[tilespmem:$0x1CE40] =	vst v63  }
.LBB2_4:
0x88: {  	_ =	swait.ge [sflag:s26], $0x1900  }
0x89: {  	[sflag:s26] =	ssyncset.done $0x0  }
0x8a: {  	[sflag:s26] =	ssyncadd.s32 $0xFFFFE700  }
0x8b: {  	_ =	swait.ge [sflag:s28], $0x500  }
0x8c: {  	p1 =	seq.s32 s8, $0x0;
	[sflag:s28] =	ssyncset.done $0x0  }
0x8d: {  	s9 =	simm.s32 @!p1 $0x5;
	[sflag:s28] =	ssyncadd.s32 $0xFFFFFB00  }
0x8e: {  	_ =	swait.ge @!p1 [sflag:s9], $0x1900  }
0x8f: {  	[sflag:s9] =	ssyncset.done @!p1 $0x0  }
0x90: {  	s12 =	simm.s32 $0x9E20;
	[sflag:s9] =	ssyncadd.s32 @!p1 $0xFFFFE700  }
0x91: {  	s17 =	simm.s32 $0xCF20;
	v7 =	vld [tilespmem:s12+$0x130]  }
0x92: {  	v8 =	vld [tilespmem:s17+$0x30];
	_ =	sdelay $0x4  }
0x93: {  	v9 =	vld [tilespmem:s12+$0xE0];
	v7 =	vadd.f32 v8, v7  }
0x94: {  	v8 =	vld [tilespmem:s17+$0x20]  }
0x95: {  	v10 =	vld [tilespmem:s17+$0x0];
	v11 =	vmul.f32 $2.000000030e-01, v7  }
0x96: {  	v12 =	vld [tilespmem:s17+$0x10];
	vm0 =	vgt.f32 v7, $0.0e+00  }
0x97: {  	v7 =	vsel vm0, v7, v11;
	v11 =	vld [tilespmem:s12+$0x90]  }
0x98: {  	v13 =	vld [tilespmem:s12+$0x40];
	v7 =	vsub.f32 v7, v6  }
0x99: {  	v14 =	vld [tilespmem:s17+$0xFFFFFFF0];
	v8 =	vadd.f32 v8, v9  }
0x9a: {  	v9 =	vld [tilespmem:s12+$0xFFFFFFF0];
	v7 =	vmul.f32 $1.442695020e+00, v7  }
0x9b: {  	v15 =	vmul.f32 $2.000000030e-01, v8  }
0x9c: {  	v16 =	vld [tilespmem:s17+$0xFFFFFFE0];
	vm0 =	vgt.f32 v8, $0.0e+00;
	(erf) = vpow2.f32 v7;
	v7 =	vadd.f32 v12, v11  }
0x9d: {  	v10 =	vadd.f32 v10, v13;
	v11 =	vld [tilespmem:s12+$0xFFFFFFA0];
	v8 =	vsel vm0, v8, v15  }
0x9e: {  	v8 =	vsub.f32 v8, v6;
	v12 =	vmul.f32 $2.000000030e-01, v7  }
0x9f: {  	v13 =	vld [tilespmem:s12+$0xFFFFFF00];
	v15 =	vmul.f32 $2.000000030e-01, v10;
	v9 =	vadd.f32 v14, v9;
	vm0 =	vgt.f32 v7, $0.0e+00  }
0xa0: {  	v8 =	vmul.f32 $1.442695020e+00, v8;
	v7 =	vsel vm0, v7, v12;
	vm0 =	vgt.f32 v10, $0.0e+00;
	v12 =	vld [tilespmem:s17+$0xFFFFFFC0]  }
0xa1: {  	v17 =	vld [tilespmem:s12+$0xFFFFFF50];
	v7 =	vsub.f32 v7, v6;
	v10 =	vsel vm0, v10, v15;
	v15 =	vmul.f32 $2.000000030e-01, v9  }
0xa2: {  	v14 =	vld [tilespmem:s17+$0xFFFFFFD0];
	vm0 =	vgt.f32 v9, $0.0e+00;
	v11 =	vadd.f32 v16, v11;
	v10 =	vsub.f32 v10, v6  }
0xa3: {  	(erf) = vpow2.f32 v8;
	v7 =	vmul.f32 $1.442695020e+00, v7;
	v8 =	vsel vm0, v9, v15  }
0xa4: {  	v8 =	vsub.f32 v8, v6;
	v9 =	vmul.f32 $1.442695020e+00, v10;
	v10 =	vmul.f32 $2.000000030e-01, v11  }
0xa5: {  	vm0 =	vgt.f32 v11, $0.0e+00;
	v21 =	vpop (erf);
	(erf) = vpow2.f32 v7;
	v7 =	vadd.f32 v12, v13  }
0xa6: {  	v8 =	vmul.f32 $1.442695020e+00, v8;
	(erf) = vpow2.f32 v9;
	v9 =	vsel vm0, v11, v10  }
0xa7: {  	s11 =	simm.s32 $0xCFA0;
	v10 =	vadd.f32 v14, v17;
	v12 =	vmul.f32 $2.000000030e-01, v7;
	v9 =	vsub.f32 v9, v6  }
0xa8: {  	s10 =	simm.s32 $0xA0A0;
	v20 =	vld [tilespmem:s11+$0x0];
	vm0 =	vgt.f32 v7, $0.0e+00;
	(erf) = vpow2.f32 v8  }
0xa9: {  	v24 =	vld [tilespmem:s10+$0x40];
	v8 =	vmul.f32 $2.000000030e-01, v10;
	v7 =	vsel vm0, v7, v12;
	v9 =	vmul.f32 $1.442695020e+00, v9  }
0xaa: {  	v32 =	vld [tilespmem:s11+$0x20];
	vm0 =	vgt.f32 v10, $0.0e+00;
	v7 =	vsub.f32 v7, v6  }
0xab: {  	v35 =	vld [tilespmem:s10+$0xE0];
	v8 =	vsel vm0, v10, v8;
	(erf) = vpow2.f32 v9  }
0xac: {  	v10 =	vld [tilespmem:s10+$0x130];
	v8 =	vsub.f32 v8, v6;
	v7 =	vmul.f32 $1.442695020e+00, v7  }
0xad: {  	v9 =	vld [tilespmem:s11+$0x30]  }
0xae: {  	s9 =	simm.s32 $0xDA20;
	v41 =	vld [tilespmem:s10+$0x90];
	v14 =	vpop (erf);
	v8 =	vmul.f32 $1.442695020e+00, v8;
	(erf) = vpow2.f32 v7  }
0xaf: {  	v51 =	vld [tilespmem:s10+$0xFFFFFFF0];
	[tilespmem:s9+$0x130] =	vst v21;
	v23 =	vpop (erf)  }
0xb0: {  	v32 =	vadd.f32 v32, v35;
	v13 =	vld [tilespmem:s12+$0xF0];
	v25 =	vpop (erf);
	(erf) = vpow2.f32 v8  }
0xb1: {  	v58 =	vld [tilespmem:s11+$0xFFFFFFF0];
	[tilespmem:s9+$0x90] =	vst v23  }
0xb2: {  	v48 =	vmul.f32 $2.000000030e-01, v32;
	v9 =	vadd.f32 v9, v10;
	v28 =	vld [tilespmem:s12+$0x50];
	v27 =	vpop (erf)  }
0xb3: {  	v16 =	vld [tilespmem:s11+$0xFFFFFFE0];
	v15 =	vperm.xlane v21, v1;
	v19 =	vperm.xlane v21, v4;
	[tilespmem:s9+$0xFFFFFFF0] =	vst v27  }
0xb4: {  	v34 =	vperm.xlane v21, v3;
	[tilespmem:s9+$0x40] =	vst v25;
	v29 =	vmul.f32 $2.000000030e-01, v9;
	v30 =	vld [tilespmem:s12+$0xFFFFFFB0];
	v22 =	vpop (erf)  }
0xb5: {  	v13 =	vmul.f32 v13, v15;
	v36 =	vperm.xlane v23, v1;
	v10 =	vld [tilespmem:s12+$0x0];
	vm0 =	vgt.f32 v9, $0.0e+00;
	[tilespmem:s9+$0xFFFFFFA0] =	vst v22  }
0xb6: {  	[tilespmem:s9+$0xE0] =	vst v14;
	v18 =	vperm.xlane v14, v3;
	v33 =	vperm.xlane v14, v2;
	v9 =	vsel vm0, v9, v29;
	v29 =	vld [tilespmem:s12+$0xFFFFFF60]  }
0xb7: {  	v26 =	vld [tilespmem:s12+$0xA0];
	[tilespmem:s9+$0xF0] =	vst v13;
	v37 =	vperm.xlane v27, v1;
	v28 =	vmul.f32 v28, v36;
	v45 =	vpop (erf)  }
0xb8: {  	v7 =	vperm.xlane v14, v4;
	v13 =	vld [tilespmem:s11+$0x10];
	v31 =	vperm.xlane v25, v1;
	[tilespmem:s9+$0xFFFFFF00] =	vst v45  }
0xb9: {  	v40 =	vperm.xlane v22, v1;
	[tilespmem:s9+$0x50] =	vst v28;
	v30 =	vmul.f32 v30, v37;
	v38 =	vpop (erf);
	v39 =	vld [tilespmem:s12+$0xFFFFFEC0]  }
0xba: {  	v14 =	vperm.xlane v14, v1;
	v46 =	vld [tilespmem:s12+$0x100];
	v31 =	vmul.f32 v10, v31;
	[tilespmem:s9+$0xFFFFFF50] =	vst v38  }
0xbb: {  	v21 =	vperm.xlane v21, v2;
	v9 =	vsub.f32 v9, v6;
	v42 =	vld [tilespmem:s12+$0xFFFFFF10];
	[tilespmem:s9+$0xFFFFFFB0] =	vst v30;
	v29 =	vmul.f32 v29, v40  }
0xbc: {  	v14 =	vmul.f32 v26, v14;
	v47 =	vperm.xlane v45, v1;
	[tilespmem:s9+$0x0] =	vst v31;
	v28 =	vld [tilespmem:s12+$0xFFFFFFC0]  }
0xbd: {  	v50 =	vperm.xlane v27, v2;
	v9 =	vmul.f32 $1.442695020e+00, v9;
	[tilespmem:s9+$0xFFFFFF60] =	vst v29;
	v29 =	vld [tilespmem:s12+$0x60]  }
0xbe: {  	v43 =	vperm.xlane v38, v1;
	v52 =	vld [tilespmem:s12+$0x10];
	v26 =	vmul.f32 v39, v47  }
0xbf: {  	[tilespmem:s9+$0xA0] =	vst v14;
	v21 =	vmul.f32 v46, v21;
	(erf) = vpow2.f32 v9;
	v49 =	vld [tilespmem:s12+$0xFFFFFF70]  }
0xc0: {  	v11 =	vld [tilespmem:s11+$0xFFFFFFD0];
	v9 =	vperm.xlane v23, v2;
	[tilespmem:s9+$0xFFFFFEC0] =	vst v26;
	v26 =	vmul.f32 v42, v43  }
0xc1: {  	[tilespmem:s9+$0x100] =	vst v21;
	v30 =	vperm.xlane v25, v2;
	v28 =	vmul.f32 v28, v50;
	v21 =	vld [tilespmem:s12+$0xFFFFFED0]  }
0xc2: {  	v53 =	vperm.xlane v22, v2;
	[tilespmem:s9+$0xFFFFFF10] =	vst v26;
	v26 =	vmul.f32 v29, v9;
	v29 =	vld [tilespmem:s12+$0x110]  }
0xc3: {  	v15 =	vperm.xlane v23, v4;
	vm0 =	vgt.f32 v32, $0.0e+00;
	v30 =	vmul.f32 v52, v30;
	[tilespmem:s9+$0xFFFFFFC0] =	vst v28;
	v28 =	vld [tilespmem:s12+$0xB0]  }
0xc4: {  	v14 =	vperm.xlane v45, v2;
	v9 =	vadd.f32 v13, v41;
	v54 =	vld [tilespmem:s12+$0xFFFFFF20];
	v35 =	vmul.f32 v49, v53  }
0xc5: {  	v17 =	vld [tilespmem:s10+$0xFFFFFFA0];
	v8 =	vperm.xlane v25, v4;
	v57 =	vperm.xlane v27, v3;
	v31 =	vsel vm0, v32, v48;
	[tilespmem:s9+$0x10] =	vst v30  }
0xc6: {  	v31 =	vsub.f32 v31, v6;
	v59 =	vld [tilespmem:s12+$0x20];
	v41 =	vmul.f32 $2.000000030e-01, v9;
	[tilespmem:s9+$0xFFFFFF70] =	vst v35;
	v14 =	vmul.f32 v21, v14  }
0xc7: {  	v55 =	vperm.xlane v38, v2;
	vm0 =	vgt.f32 v9, $0.0e+00;
	[tilespmem:s9+$0x60] =	vst v26;
	v21 =	vld [tilespmem:s12+$0xFFFFFF80];
	v26 =	vmul.f32 v29, v34  }
0xc8: {  	v31 =	vmul.f32 $1.442695020e+00, v31;
	v56 =	vld [tilespmem:s12+$0xFFFFFFD0];
	v9 =	vsel vm0, v9, v41;
	v28 =	vmul.f32 v28, v33;
	[tilespmem:s9+$0xFFFFFED0] =	vst v14  }
0xc9: {  	v23 =	vperm.xlane v23, v3;
	v30 =	vsub.f32 v9, v6;
	v29 =	vld [tilespmem:s12+$0x70];
	v37 =	vmul.f32 v54, v55;
	[tilespmem:s9+$0x110] =	vst v26  }
0xca: {  	v20 =	vadd.f32 v20, v24;
	(erf) = vpow2.f32 v31;
	v31 =	vperm.xlane v22, v3;
	v60 =	vld [tilespmem:s12+$0xFFFFFEE0];
	[tilespmem:s9+$0xB0] =	vst v28  }
0xcb: {  	v25 =	vperm.xlane v25, v3;
	v24 =	vmul.f32 $1.442695020e+00, v30;
	[tilespmem:s9+$0xFFFFFF20] =	vst v37;
	v28 =	vld [tilespmem:s12+$0x120]  }
0xcc: {  	v26 =	vmul.f32 $2.000000030e-01, v20;
	v61 =	vld [tilespmem:s12+$0xFFFFFF30];
	v21 =	vmul.f32 v21, v31  }
0xcd: {  	vm0 =	vgt.f32 v20, $0.0e+00;
	v9 =	vpop (erf);
	(erf) = vpow2.f32 v24;
	v24 =	vmul.f32 v59, v25;
	v25 =	vld [tilespmem:s12+$0xC0]  }
0xce: {  	v10 =	vperm.xlane v45, v4;
	v30 =	vperm.xlane v45, v3;
	v20 =	vsel vm0, v20, v26;
	v26 =	vld [tilespmem:s10+$0xFFFFFF50]  }
0xcf: {  	v32 =	vadd.f32 v58, v51;
	v22 =	vperm.xlane v22, v4;
	v23 =	vmul.f32 v29, v23;
	v29 =	vld [tilespmem:s11+$0xFFFFFFC0];
	s11 =	simm.s32 $0xDCA0;
	[tilespmem:s9+$0xFFFFFF80] =	vst v21  }
0xd0: {  	v31 =	vperm.xlane v38, v3;
	[tilespmem:s11+$0x130] =	vst v9;
	v30 =	vmul.f32 v60, v30;
	v62 =	vld [tilespmem:s12+$0xFFFFFF90]  }
0xd1: {  	v20 =	vsub.f32 v20, v6;
	v21 =	vperm.xlane v27, v4;
	v27 =	vmul.f32 $2.000000030e-01, v32;
	[tilespmem:s9+$0x70] =	vst v23  }
0xd2: {  	v12 =	vld [tilespmem:s10+$0xFFFFFF00];
	vm0 =	vgt.f32 v32, $0.0e+00;
	v23 =	vadd.f32 v16, v17;
	[tilespmem:s9+$0xFFFFFEE0] =	vst v30;
	v30 =	vmul.f32 v56, v57  }
0xd3: {  	v16 =	vmul.f32 $1.442695020e+00, v20;
	v27 =	vsel vm0, v32, v27;
	v63 =	vmul.f32 v28, v19;
	v19 =	vld [tilespmem:s10+$0xF0]  }
0xd4: {  	v31 =	vmul.f32 v61, v31;
	v20 =	vsub.f32 v27, v6;
	v18 =	vmul.f32 v25, v18;
	[tilespmem:s9+$0xFFFFFFD0] =	vst v30;
	v30 =	vld [tilespmem:s12+$0x80]  }
0xd5: {  	[tilespmem:s9+$0x20] =	vst v24;
	v28 =	vmul.f32 v62, v22;
	v17 =	vld [tilespmem:s12+$0xFFFFFFE0];
	v22 =	vadd.f32 v11, v26;
	v11 =	vmul.f32 $2.000000030e-01, v23  }
0xd6: {  	v13 =	vperm.xlane v38, v4;
	v14 =	vperm.xlane v9, v1;
	vm1 =	vgt.f32 v23, $0.0e+00;
	v24 =	vld [tilespmem:s12+$0xFFFFFEF0];
	[tilespmem:s9+$0xFFFFFF30] =	vst v31  }
0xd7: {  	(erf) = vpow2.f32 v16;
	v25 =	vadd.f32 v29, v12;
	[tilespmem:s9+$0xC0] =	vst v18;
	v26 =	vmul.f32 $1.442695020e+00, v20;
	v16 =	vld [tilespmem:s12+$0xFFFFFF40]  }
0xd8: {  	v12 =	vpop (erf);
	[tilespmem:s9+$0x120] =	vst v63;
	v20 =	vld [tilespmem:s12+$0xD0];
	vm0 =	vgt.f32 v22, $0.0e+00;
	v27 =	vmul.f32 $2.000000030e-01, v22;
	v18 =	vsel vm1, v23, v11  }
0xd9: {  	s13 =	simm.s32 $0x8;
	s15 =	simm.s32 $0xD020;
	[tilespmem:s9+$0xFFFFFF90] =	vst v28;
	v28 =	vmul.f32 $2.000000030e-01, v25;
	v23 =	vld [tilespmem:s12+$0x30];
	s12 =	simm.s32 $0xA0A0;
	v29 =	vsub.f32 v18, v6;
	v11 =	vpop (erf);
	v18 =	vmul.f32 v30, v15  }
.LBB2_5:
0xda: {  	v15 =	vld [tilespmem:s15+$0xFFFFFFD0];
	s13 =	sadd.s32 $0x8, s13;
	vm1 =	vgt.f32 v25, $0.0e+00;
	[tilespmem:s11+$0x90] =	vst v11;
	s10 =	sadd.s32 $0x280, s10;
	(erf) = vpow2.f32 v26;
	v26 =	vmul.f32 v17, v21  }
0xdb: {  	v22 =	vsel vm0, v22, v27;
	v21 =	vld [tilespmem:s15+$0x0];
	p2 =	slt.u32 s13, $0x48;
	v25 =	vsel vm1, v25, v28;
	v27 =	vmul.f32 $1.442695020e+00, v29;
	[tilespmem:s9+$0x80] =	vst v18  }
0xdc: {  	v10 =	vmul.f32 v24, v10;
	v22 =	vsub.f32 v22, v6;
	v17 =	vld [tilespmem:s15+$0xFFFFFFE0];
	v18 =	vsub.f32 v25, v6;
	[tilespmem:s9+$0xFFFFFFE0] =	vst v26  }
0xdd: {  	v13 =	vmul.f32 v16, v13;
	v24 =	vld [tilespmem:s10+$0x130];
	[tilespmem:s11+$0xE0] =	vst v12;
	(erf) = vpow2.f32 v27  }
0xde: {  	v26 =	vld [tilespmem:s15+$0x30];
	v18 =	vmul.f32 $1.442695020e+00, v18;
	[tilespmem:s9+$0xFFFFFEF0] =	vst v10;
	v8 =	vmul.f32 v23, v8  }
0xdf: {  	v7 =	vmul.f32 v20, v7;
	v10 =	vmul.f32 $1.442695020e+00, v22;
	v16 =	vld [tilespmem:s10+$0xFFFFFF00];
	[tilespmem:s9+$0xFFFFFF40] =	vst v13  }
0xe0: {  	v13 =	vmul.f32 v19, v14;
	v25 =	vld [tilespmem:s10+$0x40];
	(erf) = vpow2.f32 v18;
	v14 =	vpop (erf);
	[tilespmem:s9+$0x30] =	vst v8  }
0xe1: {  	v27 =	vld [tilespmem:s12+$0xA0];
	(erf) = vpow2.f32 v10;
	[tilespmem:s9+$0xD0] =	vst v7;
	s9 =	smov.u32 s11  }
0xe2: {  	v19 =	vld [tilespmem:s10+$0xFFFFFFA0];
	[tilespmem:s11+$0x40] =	vst v14  }
0xe3: {  	v22 =	vperm.xlane v9, v4;
	v7 =	vperm.xlane v12, v4;
	v8 =	vadd.f32 v26, v24;
	v10 =	vld [tilespmem:s12+$0x0];
	[tilespmem:s11+$0xF0] =	vst v13;
	v24 =	vpop (erf)  }
0xe4: {  	v20 =	vperm.xlane v12, v3;
	v18 =	vperm.xlane v11, v4;
	[tilespmem:s11+$0xFFFFFFF0] =	vst v24;
	v13 =	vld [tilespmem:s12+$0x50]  }
0xe5: {  	v29 =	vperm.xlane v14, v1;
	vm0 =	vgt.f32 v8, $0.0e+00;
	v26 =	vmul.f32 $2.000000030e-01, v8;
	v28 =	vld [tilespmem:s12+$0xFFFFFFB0]  }
0xe6: {  	v31 =	vperm.xlane v12, v2;
	v32 =	vperm.xlane v9, v3;
	v30 =	vld [tilespmem:s15+$0x20];
	v23 =	vpop (erf)  }
0xe7: {  	v39 =	vperm.xlane v11, v1;
	v33 =	vld [tilespmem:s10+$0xE0];
	v26 =	vsel vm0, v8, v26;
	[tilespmem:s11+$0xFFFFFFA0] =	vst v23;
	v8 =	vperm.xlane v14, v4  }
0xe8: {  	v36 =	vperm.xlane v24, v1;
	v26 =	vsub.f32 v26, v6;
	v35 =	vld [tilespmem:s12+$0xFFFFFF60];
	v29 =	vmul.f32 v10, v29  }
0xe9: {  	v9 =	vperm.xlane v9, v2;
	v37 =	vld [tilespmem:s15+$0x10];
	v13 =	vmul.f32 v13, v39;
	v34 =	vpop (erf)  }
0xea: {  	[tilespmem:s11+$0xFFFFFF00] =	vst v34;
	v10 =	vperm.xlane v34, v4;
	v28 =	vmul.f32 v28, v36;
	v36 =	vld [tilespmem:s12+$0x100];
	v38 =	vpop (erf)  }
0xeb: {  	v40 =	vperm.xlane v23, v1;
	v26 =	vmul.f32 $1.442695020e+00, v26;
	v39 =	vld [tilespmem:s12+$0xFFFFFEC0];
	[tilespmem:s11+$0x0] =	vst v29  }
0xec: {  	v12 =	vperm.xlane v12, v1;
	v29 =	vld [tilespmem:s10+$0x90];
	v30 =	vadd.f32 v30, v33;
	v33 =	vperm.xlane v34, v1;
	[tilespmem:s11+$0xFFFFFF50] =	vst v38  }
0xed: {  	v41 =	vld [tilespmem:s12+$0xFFFFFF10];
	v35 =	vmul.f32 v35, v40;
	[tilespmem:s11+$0xFFFFFFB0] =	vst v28;
	v28 =	vperm.xlane v14, v2  }
0xee: {  	v42 =	vperm.xlane v38, v1;
	vm0 =	vgt.f32 v30, $0.0e+00;
	v40 =	vmul.f32 $2.000000030e-01, v30;
	v43 =	vld [tilespmem:s12+$0xFFFFFFC0];
	[tilespmem:s11+$0x50] =	vst v13  }
0xef: {  	v12 =	vmul.f32 v27, v12;
	[tilespmem:s11+$0xFFFFFF60] =	vst v35;
	v13 =	vld [tilespmem:s12+$0x60];
	v9 =	vmul.f32 v36, v9  }
0xf0: {  	v35 =	vperm.xlane v24, v2;
	v27 =	vsel vm0, v30, v40;
	v30 =	vmul.f32 v39, v33;
	v33 =	vld [tilespmem:s12+$0xFFFFFF70]  }
0xf1: {  	v36 =	vld [tilespmem:s10+$0xFFFFFFF0];
	v27 =	vsub.f32 v27, v6;
	(erf) = vpow2.f32 v26;
	v26 =	vperm.xlane v11, v2;
	[tilespmem:s11+$0x100] =	vst v9  }
0xf2: {  	v39 =	vperm.xlane v14, v3;
	[tilespmem:s11+$0xFFFFFEC0] =	vst v30;
	v9 =	vmul.f32 v41, v42;
	v30 =	vld [tilespmem:s12+$0x10]  }
0xf3: {  	v14 =	vadd.f32 v37, v29;
	v37 =	vperm.xlane v23, v2;
	v29 =	vld [tilespmem:s12+$0xFFFFFED0];
	v35 =	vmul.f32 v43, v35  }
0xf4: {  	v27 =	vmul.f32 $1.442695020e+00, v27;
	[tilespmem:s11+$0xFFFFFF10] =	vst v9;
	v26 =	vmul.f32 v13, v26;
	v40 =	vld [tilespmem:s12+$0x110]  }
0xf5: {  	v13 =	vperm.xlane v38, v4;
	v41 =	vld [tilespmem:s12+$0xFFFFFF20];
	v9 =	vmul.f32 v33, v37;
	[tilespmem:s11+$0xA0] =	vst v12  }
0xf6: {  	v12 =	vperm.xlane v34, v2;
	v33 =	vperm.xlane v38, v2;
	[tilespmem:s11+$0xFFFFFFC0] =	vst v35;
	v35 =	vld [tilespmem:s12+$0xB0]  }
0xf7: {  	v37 =	vmul.f32 $2.000000030e-01, v14;
	[tilespmem:s11+$0xFFFFFF70] =	vst v9;
	v42 =	vld [tilespmem:s12+$0xFFFFFFD0];
	v43 =	vmul.f32 v30, v28  }
0xf8: {  	vm0 =	vgt.f32 v14, $0.0e+00;
	v12 =	vmul.f32 v29, v12;
	v28 =	vld [tilespmem:s12+$0xFFFFFF80];
	v29 =	vperm.xlane v24, v3  }
0xf9: {  	v14 =	vsel vm0, v14, v37;
	v30 =	vld [tilespmem:s15+$0xFFFFFFF0];
	(erf) = vpow2.f32 v27;
	v27 =	vperm.xlane v23, v3;
	[tilespmem:s11+$0x10] =	vst v43  }
0xfa: {  	v11 =	vperm.xlane v11, v3;
	v37 =	vsub.f32 v14, v6;
	v9 =	vpop (erf);
	[tilespmem:s11+$0xFFFFFED0] =	vst v12;
	v12 =	vmul.f32 v41, v33;
	v33 =	vld [tilespmem:s12+$0x20]  }
0xfb: {  	v14 =	vperm.xlane v9, v1;
	v41 =	vld [tilespmem:s12+$0xFFFFFEE0];
	[tilespmem:s11+$0x60] =	vst v26;
	v26 =	vmul.f32 v40, v32  }
0xfc: {  	v21 =	vadd.f32 v21, v25;
	v25 =	vmul.f32 $1.442695020e+00, v37;
	v31 =	vmul.f32 v35, v31;
	[tilespmem:s11+$0xFFFFFF20] =	vst v12;
	v12 =	vld [tilespmem:s12+$0x70]  }
0xfd: {  	v32 =	vperm.xlane v34, v3;
	s11 =	sadd.s32 $0x280, s11;
	v34 =	vld [tilespmem:s12+$0xFFFFFF30];
	v27 =	vmul.f32 v28, v27;
	[tilespmem:s9+$0x110] =	vst v26  }
0xfe: {  	vm0 =	vgt.f32 v21, $0.0e+00;
	v26 =	vmul.f32 $2.000000030e-01, v21;
	v28 =	vperm.xlane v38, v3;
	[tilespmem:s9+$0xB0] =	vst v31;
	v31 =	vld [tilespmem:s12+$0x120]  }
0xff: {  	v30 =	vadd.f32 v30, v36;
	(erf) = vpow2.f32 v25;
	[tilespmem:s9+$0xFFFFFF80] =	vst v27;
	v25 =	vmul.f32 v33, v39;
	v27 =	vld [tilespmem:s12+$0xC0]  }
0x100: {  	v26 =	vsel vm0, v21, v26;
	v21 =	vperm.xlane v24, v4;
	v32 =	vmul.f32 v41, v32;
	v33 =	vld [tilespmem:s12+$0xFFFFFF90]  }
0x101: {  	vm0 =	vgt.f32 v30, $0.0e+00;
	v24 =	vmul.f32 $2.000000030e-01, v30;
	v35 =	vld [tilespmem:s10+$0xFFFFFF50];
	[tilespmem:s9+$0x20] =	vst v25;
	v11 =	vmul.f32 v12, v11  }
0x102: {  	v29 =	vmul.f32 v42, v29;
	v26 =	vsub.f32 v26, v6;
	v25 =	vld [tilespmem:s15+$0xFFFFFFC0];
	v12 =	vpop (erf);
	[tilespmem:s9+$0xFFFFFEE0] =	vst v32;
	v28 =	vmul.f32 v34, v28  }
0x103: {  	v23 =	vperm.xlane v23, v4;
	v30 =	vsel vm0, v30, v24;
	v24 =	vld [tilespmem:s12+$0xFFFFFEF0];
	[tilespmem:s9+$0x70] =	vst v11;
	v31 =	vmul.f32 v31, v22  }
0x104: {  	v32 =	vmul.f32 $1.442695020e+00, v26;
	v11 =	vadd.f32 v17, v19;
	v30 =	vsub.f32 v30, v6;
	[tilespmem:s9+$0xFFFFFFD0] =	vst v29;
	v34 =	vld [tilespmem:s12+$0x80]  }
.Ltmp3:
0x105: {  	v20 =	vmul.f32 v27, v20;
	[tilespmem:s11+$0x130] =	vst v9;
	v23 =	vmul.f32 v33, v23;
	v17 =	vld [tilespmem:s12+$0xFFFFFFE0];
	(pc) =	sbr.rel @p2 .LBB2_5-.Ltmp3, $4  }
0x106: {  	vm1 =	vgt.f32 v11, $0.0e+00;
	v22 =	vadd.f32 v15, v35;
	v15 =	vmul.f32 $2.000000030e-01, v11;
	v19 =	vld [tilespmem:s10+$0xF0];
	[tilespmem:s9+$0xFFFFFF30] =	vst v28  }
0x107: {  	v26 =	vmul.f32 $1.442695020e+00, v30;
	v25 =	vadd.f32 v25, v16;
	(erf) = vpow2.f32 v32;
	v16 =	vld [tilespmem:s12+$0xFFFFFF40];
	[tilespmem:s9+$0xC0] =	vst v20  }
0x108: {  	vm0 =	vgt.f32 v22, $0.0e+00;
	v27 =	vmul.f32 $2.000000030e-01, v22;
	v15 =	vsel vm1, v11, v15;
	v11 =	vpop (erf);
	[tilespmem:s9+$0xFFFFFF90] =	vst v23;
	v20 =	vld [tilespmem:s12+$0xD0]  }
0x109: {  	s15 =	sadd.s32 $0x80, s15;
	v28 =	vmul.f32 $2.000000030e-01, v25;
	v29 =	vsub.f32 v15, v6;
	v23 =	vld [tilespmem:s12+$0x30];
	v18 =	vmul.f32 v34, v18;
	[tilespmem:s9+$0x120] =	vst v31;
	s12 =	smov.u32 s10  }
0x10a: {  	_ = 	snop  }
0x10b: {  	vm1 =	vgt.f32 v25, $0.0e+00;
	v15 =	vmul.f32 $1.442695020e+00, v29  }
0x10c: {  	(erf) = vpow2.f32 v26;
	v25 =	vsel vm1, v25, v28  }
0x10d: {  	v22 =	vsel vm0, v22, v27;
	v25 =	vsub.f32 v25, v6;
	(erf) = vpow2.f32 v15  }
0x10e: {  	v15 =	vsub.f32 v22, v6  }
0x10f: {  	v22 =	vmul.f32 $1.442695020e+00, v25  }
0x110: {  	v15 =	vmul.f32 $1.442695020e+00, v15  }
0x111: {  	v17 =	vmul.f32 v17, v21;
	(erf) = vpow2.f32 v22  }
0x112: {  	[tilespmem:s11+$0x90] =	vst v11;
	(erf) = vpow2.f32 v15;
	v15 =	vmul.f32 v24, v10  }
0x113: {  	[tilespmem:s11+$0xE0] =	vst v12  }
0x114: {  	[tilespmem:s9+$0x80] =	vst v18;
	v10 =	vpop (erf)  }
0x115: {  	[tilespmem:s9+$0xFFFFFFE0] =	vst v17;
	v17 =	vpop (erf)  }
0x116: {  	v13 =	vmul.f32 v16, v13;
	[tilespmem:s9+$0xFFFFFEF0] =	vst v15;
	v15 =	vpop (erf)  }
0x117: {  	v8 =	vmul.f32 v23, v8;
	[tilespmem:s11+$0xFFFFFFA0] =	vst v15  }
0x118: {  	[tilespmem:s9+$0xFFFFFF40] =	vst v13;
	v13 =	vld [tilespmem:s12+$0xFFFFFF60]  }
0x119: {  	[tilespmem:s9+$0x30] =	vst v8  }
0x11a: {  	v8 =	vld [tilespmem:s12+$0x50];
	[tilespmem:s11+$0xFFFFFFF0] =	vst v17;
	v16 =	vpop (erf)  }
0x11b: {  	v18 =	vld [tilespmem:s12+$0xFFFFFFB0];
	v22 =	vperm.xlane v15, v1;
	[tilespmem:s11+$0xFFFFFF00] =	vst v16;
	v21 =	vpop (erf)  }
0x11c: {  	v7 =	vmul.f32 v20, v7;
	v20 =	vld [tilespmem:s12+$0xFFFFFEC0];
	[tilespmem:s11+$0xFFFFFF50] =	vst v21  }
0x11d: {  	v23 =	vperm.xlane v11, v1;
	[tilespmem:s11+$0x40] =	vst v10;
	v24 =	vld [tilespmem:s12+$0xFFFFFF10];
	v13 =	vmul.f32 v13, v22  }
0x11e: {  	v14 =	vmul.f32 v19, v14;
	[tilespmem:s9+$0xD0] =	vst v7;
	v7 =	vld [tilespmem:s12+$0x0];
	v19 =	vperm.xlane v17, v1  }
0x11f: {  	v8 =	vmul.f32 v8, v23;
	v23 =	vperm.xlane v16, v1;
	v22 =	vld [tilespmem:s12+$0xA0];
	[tilespmem:s11+$0xFFFFFF60] =	vst v13  }
0x120: {  	[tilespmem:s11+$0xF0] =	vst v14;
	v14 =	vperm.xlane v21, v1;
	v13 =	vmul.f32 v18, v19;
	v18 =	vld [tilespmem:s12+$0xFFFFFF70]  }
0x121: {  	v25 =	vld [tilespmem:s12+$0x100];
	[tilespmem:s11+$0x50] =	vst v8;
	v19 =	vperm.xlane v10, v1;
	v8 =	vmul.f32 v20, v23  }
0x122: {  	v20 =	vperm.xlane v12, v1;
	[tilespmem:s11+$0xFFFFFFB0] =	vst v13;
	v13 =	vld [tilespmem:s12+$0x60];
	v14 =	vmul.f32 v24, v14  }
0x123: {  	v7 =	vmul.f32 v7, v19;
	v19 =	vld [tilespmem:s12+$0xFFFFFFC0];
	[tilespmem:s11+$0xFFFFFEC0] =	vst v8;
	v8 =	vperm.xlane v15, v2  }
0x124: {  	v23 =	vperm.xlane v9, v2;
	v20 =	vmul.f32 v22, v20;
	v22 =	vld [tilespmem:s12+$0xFFFFFED0];
	[tilespmem:s11+$0xFFFFFF10] =	vst v14  }
0x125: {  	[tilespmem:s11+$0x0] =	vst v7;
	v7 =	vperm.xlane v11, v2;
	v14 =	vld [tilespmem:s12+$0xFFFFFF20];
	v8 =	vmul.f32 v18, v8  }
0x126: {  	v24 =	vld [tilespmem:s12+$0x10];
	[tilespmem:s11+$0xA0] =	vst v20;
	v18 =	vmul.f32 v25, v23;
	v23 =	vperm.xlane v17, v2  }
0x127: {  	v20 =	vld [tilespmem:s12+$0xB0];
	v7 =	vmul.f32 v13, v7;
	v13 =	vperm.xlane v16, v2;
	[tilespmem:s11+$0xFFFFFF70] =	vst v8  }
0x128: {  	[tilespmem:s11+$0x100] =	vst v18;
	v8 =	vmul.f32 v19, v23;
	v18 =	vperm.xlane v21, v2;
	v19 =	vld [tilespmem:s12+$0xFFFFFF80]  }
0x129: {  	v23 =	vperm.xlane v10, v2;
	v25 =	vld [tilespmem:s12+$0x110];
	v13 =	vmul.f32 v22, v13;
	[tilespmem:s11+$0x60] =	vst v7  }
0x12a: {  	v7 =	vperm.xlane v12, v2;
	[tilespmem:s11+$0xFFFFFFC0] =	vst v8;
	v8 =	vmul.f32 v14, v18;
	v14 =	vld [tilespmem:s12+$0x70]  }
0x12b: {  	v22 =	vmul.f32 v24, v23;
	v23 =	vperm.xlane v15, v3;
	v18 =	vld [tilespmem:s12+$0xFFFFFFD0];
	[tilespmem:s11+$0xFFFFFED0] =	vst v13  }
0x12c: {  	v13 =	vperm.xlane v9, v3;
	v7 =	vmul.f32 v20, v7;
	v24 =	vld [tilespmem:s12+$0xFFFFFEE0];
	[tilespmem:s11+$0xFFFFFF20] =	vst v8  }
0x12d: {  	[tilespmem:s11+$0x10] =	vst v22;
	v8 =	vperm.xlane v11, v3;
	v20 =	vld [tilespmem:s12+$0xFFFFFF30];
	v19 =	vmul.f32 v19, v23  }
0x12e: {  	v22 =	vperm.xlane v17, v3;
	[tilespmem:s11+$0xB0] =	vst v7;
	v23 =	vld [tilespmem:s12+$0x20];
	v13 =	vmul.f32 v25, v13  }
0x12f: {  	v7 =	vperm.xlane v16, v3;
	v8 =	vmul.f32 v14, v8;
	[tilespmem:s11+$0xFFFFFF80] =	vst v19;
	v19 =	vld [tilespmem:s12+$0xC0]  }
0x130: {  	[tilespmem:s11+$0x110] =	vst v13;
	v13 =	vperm.xlane v21, v3;
	v18 =	vmul.f32 v18, v22;
	v14 =	vld [tilespmem:s12+$0xFFFFFF90]  }
0x131: {  	v22 =	vperm.xlane v10, v3;
	v25 =	vld [tilespmem:s12+$0x120];
	v7 =	vmul.f32 v24, v7;
	[tilespmem:s11+$0x70] =	vst v8  }
0x132: {  	v8 =	vperm.xlane v12, v3;
	v13 =	vmul.f32 v20, v13;
	[tilespmem:s11+$0xFFFFFFD0] =	vst v18;
	v18 =	vld [tilespmem:s12+$0x80]  }
0x133: {  	v20 =	vmul.f32 v23, v22;
	[tilespmem:s11+$0xFFFFFEE0] =	vst v7;
	v7 =	vperm.xlane v15, v4;
	v15 =	vld [tilespmem:s12+$0xFFFFFFE0]  }
0x134: {  	v9 =	vperm.xlane v9, v4;
	v22 =	vld [tilespmem:s12+$0xFFFFFEF0];
	[tilespmem:s11+$0xFFFFFF30] =	vst v13;
	v8 =	vmul.f32 v19, v8  }
0x135: {  	v11 =	vperm.xlane v11, v4;
	[tilespmem:s11+$0x20] =	vst v20;
	v13 =	vld [tilespmem:s12+$0xFFFFFF40];
	v7 =	vmul.f32 v14, v7  }
0x136: {  	v14 =	vperm.xlane v17, v4;
	v9 =	vmul.f32 v25, v9;
	[tilespmem:s11+$0xC0] =	vst v8;
	v8 =	vld [tilespmem:s12+$0x30]  }
0x137: {  	v16 =	vperm.xlane v16, v4;
	v11 =	vmul.f32 v18, v11;
	[tilespmem:s11+$0xFFFFFF90] =	vst v7;
	v7 =	vld [tilespmem:s12+$0xD0]  }
0x138: {  	v17 =	vperm.xlane v21, v4;
	[tilespmem:s11+$0x120] =	vst v9;
	v9 =	vmul.f32 v15, v14  }
0x139: {  	v10 =	vperm.xlane v10, v4;
	[tilespmem:s11+$0x80] =	vst v11;
	v11 =	vmul.f32 v22, v16  }
0x13a: {  	v12 =	vperm.xlane v12, v4;
	[tilespmem:s11+$0xFFFFFFE0] =	vst v9;
	v9 =	vmul.f32 v13, v17  }
0x13b: {  	[tilespmem:s11+$0xFFFFFEF0] =	vst v11;
	v8 =	vmul.f32 v8, v10  }
0x13c: {  	p2 =	seq.s32 s8, $0x7C;
	[tilespmem:s11+$0xFFFFFF40] =	vst v9;
	v7 =	vmul.f32 v7, v12  }
0x13d: {  	s9 =	smul.u32 @!p2 $0xA0, s8;
	[tilespmem:s11+$0x30] =	vst v8  }
0x13e: {  	[tilespmem:s11+$0xD0] =	vst v7  }
0x13f: {  	v7 =	vld @!p2 [tilespmem:s9+$0xA0];
	_ =	sdelay $0x4  }
0x140: {  	v7 =	vshll.u32 @!p2 v7, $0x1  }
0x141: {  	v7 =	vor.u32 @!p2 v0, v7  }
0x142: {  	[tilespmem:$0x9C40] =	vst @!p2 v7  }
0x143: {  	v7 =	vld @!p2 [tilespmem:s9+$0xB0];
	_ =	sdelay $0x4  }
0x144: {  	v7 =	vshll.u32 @!p2 v7, $0x1  }
0x145: {  	v7 =	vor.u32 @!p2 v0, v7  }
0x146: {  	[tilespmem:$0x9C50] =	vst @!p2 v7  }
0x147: {  	v7 =	vld @!p2 [tilespmem:s9+$0xC0];
	_ =	sdelay $0x4  }
0x148: {  	v7 =	vshll.u32 @!p2 v7, $0x1  }
0x149: {  	v7 =	vor.u32 @!p2 v0, v7  }
0x14a: {  	[tilespmem:$0x9C60] =	vst @!p2 v7  }
0x14b: {  	v7 =	vld @!p2 [tilespmem:s9+$0xD0];
	_ =	sdelay $0x4  }
0x14c: {  	v7 =	vshll.u32 @!p2 v7, $0x1  }
0x14d: {  	v7 =	vor.u32 @!p2 v0, v7  }
0x14e: {  	[tilespmem:$0x9C70] =	vst @!p2 v7  }
0x14f: {  	v7 =	vld @!p2 [tilespmem:s9+$0xE0];
	_ =	sdelay $0x4  }
0x150: {  	v7 =	vshll.u32 @!p2 v7, $0x1  }
0x151: {  	v7 =	vor.u32 @!p2 v0, v7  }
0x152: {  	s10 =	simm.s32 @!p2 $0x50;
	s12 =	simm.s32 @!p2 $0x9CE0;
	s11 =	simm.s32 @!p2 $0x9C40;
	[tilespmem:$0x9C80] =	vst @!p2 v7  }
0x153: {  	[tilespmem:s12], [sflag:$0x1] =	stream.indirect.gather @!p2 [hbm4b:s3+s10], $0x50, s11, s10, $0xb8;
	[tilespmem:$0x1CE40] =	vst v63  }
0x154: {  	s17 =	smul.u32 $0x280, s8;
	s9 =	sadd.s32 @!p2 $0x4EC0, s9;
	s11 =	simm.s32 @!p2 $0xCEE0  }
0x155: {  	[tilespmem:s11], [sflag:$0x3] =	stream.indirect.gather @!p2 [hbm4b:s4+s10], $0x10, s9, s10, $0xb8;
	[tilespmem:$0x1CE40] =	vst v63  }
0x156: {  	s9 =	sshra.s32 s17, $0x2  }
0x157: {  	s13 =	sadd.s32 $0x4E20, s9  }
0x158: {  	[spmem:s1] =	stream.indirect.scatter.add.f32 [tilespmem:s21], [sflag:$0x5], $0x50, s13, s25, $0xb8;
	[tilespmem:$0x1CE40] =	vst v63  }
0x159: {  	_ =	swait.ge [sflag:s29], $0x1900  }
0x15a: {  	[sflag:s29] =	ssyncset.done $0x0  }
0x15b: {  	[sflag:s29] =	ssyncadd.s32 $0xFFFFE700  }
0x15c: {  	_ =	swait.ge [sflag:s0], $0x500  }
0x15d: {  	[sflag:s0] =	ssyncset.done $0x0  }
0x15e: {  	s10 =	simm.s32 @!p1 $0x6;
	[sflag:s0] =	ssyncadd.s32 $0xFFFFFB00  }
0x15f: {  	_ =	swait.ge @!p1 [sflag:s10], $0x1900  }
0x160: {  	[sflag:s10] =	ssyncset.done @!p1 $0x0  }
0x161: {  	s13 =	simm.s32 $0xB720;
	[sflag:s10] =	ssyncadd.s32 @!p1 $0xFFFFE700  }
0x162: {  	s15 =	simm.s32 $0xD420;
	v7 =	vld [tilespmem:s13+$0x130]  }
0x163: {  	v8 =	vld [tilespmem:s15+$0x30];
	_ =	sdelay $0x4  }
0x164: {  	v9 =	vld [tilespmem:s13+$0xE0];
	v7 =	vadd.f32 v8, v7  }
0x165: {  	v8 =	vld [tilespmem:s15+$0x20]  }
0x166: {  	v10 =	vld [tilespmem:s15+$0x0];
	v11 =	vmul.f32 $2.000000030e-01, v7  }
0x167: {  	v12 =	vld [tilespmem:s15+$0x10];
	vm0 =	vgt.f32 v7, $0.0e+00  }
0x168: {  	v7 =	vsel vm0, v7, v11;
	v11 =	vld [tilespmem:s13+$0x90]  }
0x169: {  	v13 =	vld [tilespmem:s13+$0x40];
	v7 =	vsub.f32 v7, v6  }
0x16a: {  	v14 =	vld [tilespmem:s15+$0xFFFFFFF0];
	v8 =	vadd.f32 v8, v9  }
0x16b: {  	v9 =	vld [tilespmem:s13+$0xFFFFFFF0];
	v7 =	vmul.f32 $1.442695020e+00, v7  }
0x16c: {  	v15 =	vmul.f32 $2.000000030e-01, v8  }
0x16d: {  	v16 =	vld [tilespmem:s15+$0xFFFFFFE0];
	vm0 =	vgt.f32 v8, $0.0e+00;
	(erf) = vpow2.f32 v7;
	v7 =	vadd.f32 v12, v11  }
0x16e: {  	v10 =	vadd.f32 v10, v13;
	v11 =	vld [tilespmem:s13+$0xFFFFFFA0];
	v8 =	vsel vm0, v8, v15  }
0x16f: {  	v8 =	vsub.f32 v8, v6;
	v12 =	vmul.f32 $2.000000030e-01, v7  }
0x170: {  	v13 =	vld [tilespmem:s13+$0xFFFFFF00];
	v15 =	vmul.f32 $2.000000030e-01, v10;
	v9 =	vadd.f32 v14, v9;
	vm0 =	vgt.f32 v7, $0.0e+00  }
0x171: {  	v8 =	vmul.f32 $1.442695020e+00, v8;
	v7 =	vsel vm0, v7, v12;
	vm0 =	vgt.f32 v10, $0.0e+00;
	v12 =	vld [tilespmem:s15+$0xFFFFFFC0]  }
0x172: {  	v17 =	vld [tilespmem:s13+$0xFFFFFF50];
	v7 =	vsub.f32 v7, v6;
	v10 =	vsel vm0, v10, v15;
	v15 =	vmul.f32 $2.000000030e-01, v9  }
0x173: {  	v14 =	vld [tilespmem:s15+$0xFFFFFFD0];
	vm0 =	vgt.f32 v9, $0.0e+00;
	v11 =	vadd.f32 v16, v11;
	v10 =	vsub.f32 v10, v6  }
0x174: {  	(erf) = vpow2.f32 v8;
	v7 =	vmul.f32 $1.442695020e+00, v7;
	v8 =	vsel vm0, v9, v15  }
0x175: {  	v8 =	vsub.f32 v8, v6;
	v9 =	vmul.f32 $1.442695020e+00, v10;
	v10 =	vmul.f32 $2.000000030e-01, v11  }
0x176: {  	vm0 =	vgt.f32 v11, $0.0e+00;
	(erf) = vpow2.f32 v7;
	v7 =	vadd.f32 v12, v13  }
0x177: {  	v8 =	vmul.f32 $1.442695020e+00, v8;
	(erf) = vpow2.f32 v9;
	v9 =	vsel vm0, v11, v10  }
0x178: {  	s17 =	simm.s32 $0xD4A0;
	v10 =	vadd.f32 v14, v17;
	v12 =	vmul.f32 $2.000000030e-01, v7;
	v9 =	vsub.f32 v9, v6  }
0x179: {  	v20 =	vld [tilespmem:s17+$0x0];
	vm0 =	vgt.f32 v7, $0.0e+00;
	(erf) = vpow2.f32 v8  }
0x17a: {  	s11 =	simm.s32 $0xB9A0;
	v32 =	vld [tilespmem:s17+$0x20];
	v8 =	vmul.f32 $2.000000030e-01, v10;
	v7 =	vsel vm0, v7, v12;
	v9 =	vmul.f32 $1.442695020e+00, v9  }
0x17b: {  	v35 =	vld [tilespmem:s11+$0xE0];
	vm0 =	vgt.f32 v10, $0.0e+00;
	v7 =	vsub.f32 v7, v6  }
0x17c: {  	v24 =	vld [tilespmem:s11+$0x40];
	v21 =	vpop (erf);
	v8 =	vsel vm0, v10, v8;
	(erf) = vpow2.f32 v9  }
0x17d: {  	v10 =	vld [tilespmem:s11+$0x130];
	v8 =	vsub.f32 v8, v6;
	v7 =	vmul.f32 $1.442695020e+00, v7  }
0x17e: {  	v9 =	vld [tilespmem:s17+$0x30]  }
0x17f: {  	s10 =	simm.s32 $0xF320;
	v41 =	vld [tilespmem:s11+$0x90];
	v14 =	vpop (erf);
	v8 =	vmul.f32 $1.442695020e+00, v8;
	(erf) = vpow2.f32 v7  }
0x180: {  	v51 =	vld [tilespmem:s11+$0xFFFFFFF0];
	v32 =	vadd.f32 v32, v35;
	[tilespmem:s10+$0x130] =	vst v21;
	v23 =	vpop (erf)  }
0x181: {  	v13 =	vld [tilespmem:s13+$0xF0];
	v25 =	vpop (erf);
	(erf) = vpow2.f32 v8  }
0x182: {  	v58 =	vld [tilespmem:s17+$0xFFFFFFF0];
	v48 =	vmul.f32 $2.000000030e-01, v32;
	[tilespmem:s10+$0x90] =	vst v23  }
0x183: {  	v15 =	vperm.xlane v21, v1;
	v19 =	vperm.xlane v21, v4;
	v9 =	vadd.f32 v9, v10;
	v28 =	vld [tilespmem:s13+$0x50];
	v27 =	vpop (erf)  }
0x184: {  	v16 =	vld [tilespmem:s17+$0xFFFFFFE0];
	v34 =	vperm.xlane v21, v3;
	v21 =	vperm.xlane v21, v2;
	[tilespmem:s10+$0xFFFFFFF0] =	vst v27  }
0x185: {  	v18 =	vperm.xlane v14, v3;
	[tilespmem:s10+$0x40] =	vst v25;
	v29 =	vmul.f32 $2.000000030e-01, v9;
	v30 =	vld [tilespmem:s13+$0xFFFFFFB0];
	v22 =	vpop (erf)  }
0x186: {  	v13 =	vmul.f32 v13, v15;
	v36 =	vperm.xlane v23, v1;
	v10 =	vld [tilespmem:s13+$0x0];
	vm0 =	vgt.f32 v9, $0.0e+00;
	[tilespmem:s10+$0xFFFFFFA0] =	vst v22  }
0x187: {  	[tilespmem:s10+$0xE0] =	vst v14;
	v33 =	vperm.xlane v14, v2;
	v7 =	vperm.xlane v14, v4;
	v9 =	vsel vm0, v9, v29;
	v29 =	vld [tilespmem:s13+$0xFFFFFF60]  }
0x188: {  	v26 =	vld [tilespmem:s13+$0xA0];
	[tilespmem:s10+$0xF0] =	vst v13;
	v37 =	vperm.xlane v27, v1;
	v28 =	vmul.f32 v28, v36;
	v45 =	vpop (erf)  }
0x189: {  	v13 =	vld [tilespmem:s17+$0x10];
	v14 =	vperm.xlane v14, v1;
	v31 =	vperm.xlane v25, v1;
	[tilespmem:s10+$0xFFFFFF00] =	vst v45  }
0x18a: {  	v40 =	vperm.xlane v22, v1;
	[tilespmem:s10+$0x50] =	vst v28;
	v30 =	vmul.f32 v30, v37;
	v38 =	vpop (erf);
	v39 =	vld [tilespmem:s13+$0xFFFFFEC0]  }
0x18b: {  	v15 =	vperm.xlane v23, v4;
	v46 =	vld [tilespmem:s13+$0x100];
	v31 =	vmul.f32 v10, v31;
	[tilespmem:s10+$0xFFFFFF50] =	vst v38  }
0x18c: {  	v8 =	vperm.xlane v25, v4;
	v9 =	vsub.f32 v9, v6;
	v42 =	vld [tilespmem:s13+$0xFFFFFF10];
	[tilespmem:s10+$0xFFFFFFB0] =	vst v30;
	v29 =	vmul.f32 v29, v40  }
0x18d: {  	v14 =	vmul.f32 v26, v14;
	v47 =	vperm.xlane v45, v1;
	[tilespmem:s10+$0x0] =	vst v31;
	v28 =	vld [tilespmem:s13+$0xFFFFFFC0]  }
0x18e: {  	v50 =	vperm.xlane v27, v2;
	v9 =	vmul.f32 $1.442695020e+00, v9;
	[tilespmem:s10+$0xFFFFFF60] =	vst v29;
	v29 =	vld [tilespmem:s13+$0x60]  }
0x18f: {  	v43 =	vperm.xlane v38, v1;
	v52 =	vld [tilespmem:s13+$0x10];
	v26 =	vmul.f32 v39, v47  }
0x190: {  	[tilespmem:s10+$0xA0] =	vst v14;
	v21 =	vmul.f32 v46, v21;
	(erf) = vpow2.f32 v9;
	v49 =	vld [tilespmem:s13+$0xFFFFFF70]  }
0x191: {  	v11 =	vld [tilespmem:s17+$0xFFFFFFD0];
	v9 =	vperm.xlane v23, v2;
	[tilespmem:s10+$0xFFFFFEC0] =	vst v26;
	v26 =	vmul.f32 v42, v43  }
0x192: {  	[tilespmem:s10+$0x100] =	vst v21;
	v30 =	vperm.xlane v25, v2;
	v28 =	vmul.f32 v28, v50;
	v21 =	vld [tilespmem:s13+$0xFFFFFED0]  }
0x193: {  	v53 =	vperm.xlane v22, v2;
	[tilespmem:s10+$0xFFFFFF10] =	vst v26;
	v26 =	vmul.f32 v29, v9;
	v29 =	vld [tilespmem:s13+$0x110]  }
0x194: {  	v57 =	vperm.xlane v27, v3;
	vm0 =	vgt.f32 v32, $0.0e+00;
	v30 =	vmul.f32 v52, v30;
	[tilespmem:s10+$0xFFFFFFC0] =	vst v28;
	v28 =	vld [tilespmem:s13+$0xB0]  }
0x195: {  	v14 =	vperm.xlane v45, v2;
	v9 =	vadd.f32 v13, v41;
	v54 =	vld [tilespmem:s13+$0xFFFFFF20];
	v35 =	vmul.f32 v49, v53  }
0x196: {  	v17 =	vld [tilespmem:s11+$0xFFFFFFA0];
	v10 =	vperm.xlane v45, v4;
	v31 =	vsel vm0, v32, v48;
	v55 =	vperm.xlane v38, v2;
	[tilespmem:s10+$0x10] =	vst v30  }
0x197: {  	v31 =	vsub.f32 v31, v6;
	v59 =	vld [tilespmem:s13+$0x20];
	v41 =	vmul.f32 $2.000000030e-01, v9;
	[tilespmem:s10+$0xFFFFFF70] =	vst v35;
	v14 =	vmul.f32 v21, v14  }
0x198: {  	v23 =	vperm.xlane v23, v3;
	vm0 =	vgt.f32 v9, $0.0e+00;
	[tilespmem:s10+$0x60] =	vst v26;
	v21 =	vld [tilespmem:s13+$0xFFFFFF80];
	v26 =	vmul.f32 v29, v34  }
0x199: {  	v31 =	vmul.f32 $1.442695020e+00, v31;
	v56 =	vld [tilespmem:s13+$0xFFFFFFD0];
	v9 =	vsel vm0, v9, v41;
	v28 =	vmul.f32 v28, v33;
	[tilespmem:s10+$0xFFFFFED0] =	vst v14  }
0x19a: {  	v25 =	vperm.xlane v25, v3;
	v30 =	vsub.f32 v9, v6;
	v29 =	vld [tilespmem:s13+$0x70];
	v37 =	vmul.f32 v54, v55;
	[tilespmem:s10+$0x110] =	vst v26  }
0x19b: {  	v20 =	vadd.f32 v20, v24;
	(erf) = vpow2.f32 v31;
	v31 =	vperm.xlane v22, v3;
	v60 =	vld [tilespmem:s13+$0xFFFFFEE0];
	[tilespmem:s10+$0xB0] =	vst v28  }
0x19c: {  	v24 =	vmul.f32 $1.442695020e+00, v30;
	v30 =	vperm.xlane v45, v3;
	[tilespmem:s10+$0xFFFFFF20] =	vst v37;
	v28 =	vld [tilespmem:s13+$0x120]  }
0x19d: {  	v32 =	vadd.f32 v58, v51;
	v26 =	vmul.f32 $2.000000030e-01, v20;
	v61 =	vld [tilespmem:s13+$0xFFFFFF30];
	v21 =	vmul.f32 v21, v31  }
0x19e: {  	vm0 =	vgt.f32 v20, $0.0e+00;
	v9 =	vpop (erf);
	(erf) = vpow2.f32 v24;
	v24 =	vmul.f32 v59, v25;
	v25 =	vld [tilespmem:s13+$0xC0]  }
0x19f: {  	s12 =	simm.s32 $0xF5A0;
	v22 =	vperm.xlane v22, v4;
	v20 =	vsel vm0, v20, v26;
	v26 =	vld [tilespmem:s11+$0xFFFFFF50];
	v23 =	vmul.f32 v29, v23;
	[tilespmem:s10+$0xFFFFFF80] =	vst v21  }
0x1a0: {  	[tilespmem:s12+$0x130] =	vst v9;
	v31 =	vperm.xlane v38, v3;
	v30 =	vmul.f32 v60, v30;
	v62 =	vld [tilespmem:s13+$0xFFFFFF90]  }
0x1a1: {  	v12 =	vld [tilespmem:s11+$0xFFFFFF00];
	v20 =	vsub.f32 v20, v6;
	v21 =	vperm.xlane v27, v4;
	v27 =	vmul.f32 $2.000000030e-01, v32;
	[tilespmem:s10+$0x70] =	vst v23  }
0x1a2: {  	vm0 =	vgt.f32 v32, $0.0e+00;
	v29 =	vld [tilespmem:s17+$0xFFFFFFC0];
	v23 =	vadd.f32 v16, v17;
	[tilespmem:s10+$0xFFFFFEE0] =	vst v30;
	v30 =	vmul.f32 v56, v57  }
0x1a3: {  	v16 =	vmul.f32 $1.442695020e+00, v20;
	v27 =	vsel vm0, v32, v27;
	v63 =	vmul.f32 v28, v19;
	v19 =	vld [tilespmem:s11+$0xF0]  }
0x1a4: {  	v31 =	vmul.f32 v61, v31;
	v20 =	vsub.f32 v27, v6;
	v18 =	vmul.f32 v25, v18;
	[tilespmem:s10+$0xFFFFFFD0] =	vst v30;
	v30 =	vld [tilespmem:s13+$0x80]  }
0x1a5: {  	[tilespmem:s10+$0x20] =	vst v24;
	v28 =	vmul.f32 v62, v22;
	v17 =	vld [tilespmem:s13+$0xFFFFFFE0];
	v22 =	vadd.f32 v11, v26;
	v11 =	vmul.f32 $2.000000030e-01, v23  }
0x1a6: {  	v13 =	vperm.xlane v38, v4;
	v14 =	vperm.xlane v9, v1;
	vm1 =	vgt.f32 v23, $0.0e+00;
	v24 =	vld [tilespmem:s13+$0xFFFFFEF0];
	[tilespmem:s10+$0xFFFFFF30] =	vst v31  }
0x1a7: {  	(erf) = vpow2.f32 v16;
	v25 =	vadd.f32 v29, v12;
	[tilespmem:s10+$0xC0] =	vst v18;
	v26 =	vmul.f32 $1.442695020e+00, v20;
	v16 =	vld [tilespmem:s13+$0xFFFFFF40]  }
0x1a8: {  	v12 =	vpop (erf);
	[tilespmem:s10+$0x120] =	vst v63;
	v20 =	vld [tilespmem:s13+$0xD0];
	vm0 =	vgt.f32 v22, $0.0e+00;
	v27 =	vmul.f32 $2.000000030e-01, v22;
	v18 =	vsel vm1, v23, v11  }
0x1a9: {  	s15 =	simm.s32 $0x8;
	s17 =	simm.s32 $0xD520;
	[tilespmem:s10+$0xFFFFFF90] =	vst v28;
	v28 =	vmul.f32 $2.000000030e-01, v25;
	v23 =	vld [tilespmem:s13+$0x30];
	s13 =	simm.s32 $0xB9A0;
	v29 =	vsub.f32 v18, v6;
	v11 =	vpop (erf);
	v18 =	vmul.f32 v30, v15  }
.LBB2_7:
0x1aa: {  	v15 =	vld [tilespmem:s17+$0xFFFFFFD0];
	s15 =	sadd.s32 $0x8, s15;
	vm1 =	vgt.f32 v25, $0.0e+00;
	[tilespmem:s12+$0x90] =	vst v11;
	s11 =	sadd.s32 $0x280, s11;
	(erf) = vpow2.f32 v26;
	v26 =	vmul.f32 v17, v21  }
0x1ab: {  	v22 =	vsel vm0, v22, v27;
	v21 =	vld [tilespmem:s17+$0x0];
	p1 =	slt.u32 s15, $0x48;
	v25 =	vsel vm1, v25, v28;
	v27 =	vmul.f32 $1.442695020e+00, v29;
	[tilespmem:s10+$0x80] =	vst v18  }
0x1ac: {  	v10 =	vmul.f32 v24, v10;
	v22 =	vsub.f32 v22, v6;
	v17 =	vld [tilespmem:s17+$0xFFFFFFE0];
	v18 =	vsub.f32 v25, v6;
	[tilespmem:s10+$0xFFFFFFE0] =	vst v26  }
0x1ad: {  	v13 =	vmul.f32 v16, v13;
	v24 =	vld [tilespmem:s11+$0x130];
	[tilespmem:s12+$0xE0] =	vst v12;
	(erf) = vpow2.f32 v27  }
0x1ae: {  	v26 =	vld [tilespmem:s17+$0x30];
	v18 =	vmul.f32 $1.442695020e+00, v18;
	[tilespmem:s10+$0xFFFFFEF0] =	vst v10;
	v8 =	vmul.f32 v23, v8  }
0x1af: {  	v7 =	vmul.f32 v20, v7;
	v10 =	vmul.f32 $1.442695020e+00, v22;
	v16 =	vld [tilespmem:s11+$0xFFFFFF00];
	[tilespmem:s10+$0xFFFFFF40] =	vst v13  }
0x1b0: {  	v13 =	vmul.f32 v19, v14;
	v25 =	vld [tilespmem:s11+$0x40];
	(erf) = vpow2.f32 v18;
	v14 =	vpop (erf);
	[tilespmem:s10+$0x30] =	vst v8  }
0x1b1: {  	v27 =	vld [tilespmem:s13+$0xA0];
	(erf) = vpow2.f32 v10;
	[tilespmem:s10+$0xD0] =	vst v7;
	s10 =	smov.u32 s12  }
0x1b2: {  	v19 =	vld [tilespmem:s11+$0xFFFFFFA0];
	[tilespmem:s12+$0x40] =	vst v14  }
0x1b3: {  	v22 =	vperm.xlane v9, v4;
	v7 =	vperm.xlane v12, v4;
	v8 =	vadd.f32 v26, v24;
	v10 =	vld [tilespmem:s13+$0x0];
	[tilespmem:s12+$0xF0] =	vst v13;
	v24 =	vpop (erf)  }
0x1b4: {  	v20 =	vperm.xlane v12, v3;
	v18 =	vperm.xlane v11, v4;
	[tilespmem:s12+$0xFFFFFFF0] =	vst v24;
	v13 =	vld [tilespmem:s13+$0x50]  }
0x1b5: {  	v29 =	vperm.xlane v14, v1;
	vm0 =	vgt.f32 v8, $0.0e+00;
	v26 =	vmul.f32 $2.000000030e-01, v8;
	v28 =	vld [tilespmem:s13+$0xFFFFFFB0]  }
0x1b6: {  	v31 =	vperm.xlane v12, v2;
	v32 =	vperm.xlane v9, v3;
	v30 =	vld [tilespmem:s17+$0x20];
	v23 =	vpop (erf)  }
0x1b7: {  	v39 =	vperm.xlane v11, v1;
	v33 =	vld [tilespmem:s11+$0xE0];
	v26 =	vsel vm0, v8, v26;
	[tilespmem:s12+$0xFFFFFFA0] =	vst v23;
	v8 =	vperm.xlane v14, v4  }
0x1b8: {  	v36 =	vperm.xlane v24, v1;
	v26 =	vsub.f32 v26, v6;
	v35 =	vld [tilespmem:s13+$0xFFFFFF60];
	v29 =	vmul.f32 v10, v29  }
0x1b9: {  	v9 =	vperm.xlane v9, v2;
	v37 =	vld [tilespmem:s17+$0x10];
	v13 =	vmul.f32 v13, v39;
	v34 =	vpop (erf)  }
0x1ba: {  	[tilespmem:s12+$0xFFFFFF00] =	vst v34;
	v10 =	vperm.xlane v34, v4;
	v28 =	vmul.f32 v28, v36;
	v36 =	vld [tilespmem:s13+$0x100];
	v38 =	vpop (erf)  }
0x1bb: {  	v40 =	vperm.xlane v23, v1;
	v26 =	vmul.f32 $1.442695020e+00, v26;
	v39 =	vld [tilespmem:s13+$0xFFFFFEC0];
	[tilespmem:s12+$0x0] =	vst v29  }
0x1bc: {  	v12 =	vperm.xlane v12, v1;
	v29 =	vld [tilespmem:s11+$0x90];
	v30 =	vadd.f32 v30, v33;
	v33 =	vperm.xlane v34, v1;
	[tilespmem:s12+$0xFFFFFF50] =	vst v38  }
0x1bd: {  	v41 =	vld [tilespmem:s13+$0xFFFFFF10];
	v35 =	vmul.f32 v35, v40;
	[tilespmem:s12+$0xFFFFFFB0] =	vst v28;
	v28 =	vperm.xlane v14, v2  }
0x1be: {  	v42 =	vperm.xlane v38, v1;
	vm0 =	vgt.f32 v30, $0.0e+00;
	v40 =	vmul.f32 $2.000000030e-01, v30;
	v43 =	vld [tilespmem:s13+$0xFFFFFFC0];
	[tilespmem:s12+$0x50] =	vst v13  }
0x1bf: {  	v12 =	vmul.f32 v27, v12;
	[tilespmem:s12+$0xFFFFFF60] =	vst v35;
	v13 =	vld [tilespmem:s13+$0x60];
	v9 =	vmul.f32 v36, v9  }
0x1c0: {  	v35 =	vperm.xlane v24, v2;
	v27 =	vsel vm0, v30, v40;
	v30 =	vmul.f32 v39, v33;
	v33 =	vld [tilespmem:s13+$0xFFFFFF70]  }
0x1c1: {  	v36 =	vld [tilespmem:s11+$0xFFFFFFF0];
	v27 =	vsub.f32 v27, v6;
	(erf) = vpow2.f32 v26;
	v26 =	vperm.xlane v11, v2;
	[tilespmem:s12+$0x100] =	vst v9  }
0x1c2: {  	v39 =	vperm.xlane v14, v3;
	[tilespmem:s12+$0xFFFFFEC0] =	vst v30;
	v9 =	vmul.f32 v41, v42;
	v30 =	vld [tilespmem:s13+$0x10]  }
0x1c3: {  	v14 =	vadd.f32 v37, v29;
	v37 =	vperm.xlane v23, v2;
	v29 =	vld [tilespmem:s13+$0xFFFFFED0];
	v35 =	vmul.f32 v43, v35  }
0x1c4: {  	v27 =	vmul.f32 $1.442695020e+00, v27;
	[tilespmem:s12+$0xFFFFFF10] =	vst v9;
	v26 =	vmul.f32 v13, v26;
	v40 =	vld [tilespmem:s13+$0x110]  }
0x1c5: {  	v13 =	vperm.xlane v38, v4;
	v41 =	vld [tilespmem:s13+$0xFFFFFF20];
	v9 =	vmul.f32 v33, v37;
	[tilespmem:s12+$0xA0] =	vst v12  }
0x1c6: {  	v12 =	vperm.xlane v34, v2;
	v33 =	vperm.xlane v38, v2;
	[tilespmem:s12+$0xFFFFFFC0] =	vst v35;
	v35 =	vld [tilespmem:s13+$0xB0]  }
0x1c7: {  	v37 =	vmul.f32 $2.000000030e-01, v14;
	[tilespmem:s12+$0xFFFFFF70] =	vst v9;
	v42 =	vld [tilespmem:s13+$0xFFFFFFD0];
	v43 =	vmul.f32 v30, v28  }
0x1c8: {  	vm0 =	vgt.f32 v14, $0.0e+00;
	v12 =	vmul.f32 v29, v12;
	v28 =	vld [tilespmem:s13+$0xFFFFFF80];
	v29 =	vperm.xlane v24, v3  }
0x1c9: {  	v14 =	vsel vm0, v14, v37;
	v30 =	vld [tilespmem:s17+$0xFFFFFFF0];
	(erf) = vpow2.f32 v27;
	v27 =	vperm.xlane v23, v3;
	[tilespmem:s12+$0x10] =	vst v43  }
0x1ca: {  	v11 =	vperm.xlane v11, v3;
	v37 =	vsub.f32 v14, v6;
	v9 =	vpop (erf);
	[tilespmem:s12+$0xFFFFFED0] =	vst v12;
	v12 =	vmul.f32 v41, v33;
	v33 =	vld [tilespmem:s13+$0x20]  }
0x1cb: {  	v14 =	vperm.xlane v9, v1;
	v41 =	vld [tilespmem:s13+$0xFFFFFEE0];
	[tilespmem:s12+$0x60] =	vst v26;
	v26 =	vmul.f32 v40, v32  }
0x1cc: {  	v21 =	vadd.f32 v21, v25;
	v25 =	vmul.f32 $1.442695020e+00, v37;
	v31 =	vmul.f32 v35, v31;
	[tilespmem:s12+$0xFFFFFF20] =	vst v12;
	v12 =	vld [tilespmem:s13+$0x70]  }
0x1cd: {  	v32 =	vperm.xlane v34, v3;
	s12 =	sadd.s32 $0x280, s12;
	v34 =	vld [tilespmem:s13+$0xFFFFFF30];
	v27 =	vmul.f32 v28, v27;
	[tilespmem:s10+$0x110] =	vst v26  }
0x1ce: {  	vm0 =	vgt.f32 v21, $0.0e+00;
	v26 =	vmul.f32 $2.000000030e-01, v21;
	v28 =	vperm.xlane v38, v3;
	[tilespmem:s10+$0xB0] =	vst v31;
	v31 =	vld [tilespmem:s13+$0x120]  }
0x1cf: {  	v30 =	vadd.f32 v30, v36;
	(erf) = vpow2.f32 v25;
	[tilespmem:s10+$0xFFFFFF80] =	vst v27;
	v25 =	vmul.f32 v33, v39;
	v27 =	vld [tilespmem:s13+$0xC0]  }
0x1d0: {  	v26 =	vsel vm0, v21, v26;
	v21 =	vperm.xlane v24, v4;
	v32 =	vmul.f32 v41, v32;
	v33 =	vld [tilespmem:s13+$0xFFFFFF90]  }
0x1d1: {  	vm0 =	vgt.f32 v30, $0.0e+00;
	v24 =	vmul.f32 $2.000000030e-01, v30;
	v35 =	vld [tilespmem:s11+$0xFFFFFF50];
	[tilespmem:s10+$0x20] =	vst v25;
	v11 =	vmul.f32 v12, v11  }
0x1d2: {  	v29 =	vmul.f32 v42, v29;
	v26 =	vsub.f32 v26, v6;
	v25 =	vld [tilespmem:s17+$0xFFFFFFC0];
	v12 =	vpop (erf);
	[tilespmem:s10+$0xFFFFFEE0] =	vst v32;
	v28 =	vmul.f32 v34, v28  }
0x1d3: {  	v23 =	vperm.xlane v23, v4;
	v30 =	vsel vm0, v30, v24;
	v24 =	vld [tilespmem:s13+$0xFFFFFEF0];
	[tilespmem:s10+$0x70] =	vst v11;
	v31 =	vmul.f32 v31, v22  }
0x1d4: {  	v32 =	vmul.f32 $1.442695020e+00, v26;
	v11 =	vadd.f32 v17, v19;
	v30 =	vsub.f32 v30, v6;
	[tilespmem:s10+$0xFFFFFFD0] =	vst v29;
	v34 =	vld [tilespmem:s13+$0x80]  }
.Ltmp4:
0x1d5: {  	v20 =	vmul.f32 v27, v20;
	[tilespmem:s12+$0x130] =	vst v9;
	v23 =	vmul.f32 v33, v23;
	v17 =	vld [tilespmem:s13+$0xFFFFFFE0];
	(pc) =	sbr.rel @p1 .LBB2_7-.Ltmp4, $4  }
0x1d6: {  	vm1 =	vgt.f32 v11, $0.0e+00;
	v22 =	vadd.f32 v15, v35;
	v15 =	vmul.f32 $2.000000030e-01, v11;
	v19 =	vld [tilespmem:s11+$0xF0];
	[tilespmem:s10+$0xFFFFFF30] =	vst v28  }
0x1d7: {  	v26 =	vmul.f32 $1.442695020e+00, v30;
	v25 =	vadd.f32 v25, v16;
	(erf) = vpow2.f32 v32;
	v16 =	vld [tilespmem:s13+$0xFFFFFF40];
	[tilespmem:s10+$0xC0] =	vst v20  }
0x1d8: {  	vm0 =	vgt.f32 v22, $0.0e+00;
	v27 =	vmul.f32 $2.000000030e-01, v22;
	v15 =	vsel vm1, v11, v15;
	v11 =	vpop (erf);
	[tilespmem:s10+$0xFFFFFF90] =	vst v23;
	v20 =	vld [tilespmem:s13+$0xD0]  }
0x1d9: {  	s17 =	sadd.s32 $0x80, s17;
	v28 =	vmul.f32 $2.000000030e-01, v25;
	v29 =	vsub.f32 v15, v6;
	v23 =	vld [tilespmem:s13+$0x30];
	v18 =	vmul.f32 v34, v18;
	[tilespmem:s10+$0x120] =	vst v31;
	s13 =	smov.u32 s11  }
0x1da: {  	_ = 	snop  }
0x1db: {  	vm1 =	vgt.f32 v25, $0.0e+00;
	v15 =	vmul.f32 $1.442695020e+00, v29  }
0x1dc: {  	(erf) = vpow2.f32 v26;
	v25 =	vsel vm1, v25, v28  }
0x1dd: {  	v22 =	vsel vm0, v22, v27;
	v25 =	vsub.f32 v25, v6;
	(erf) = vpow2.f32 v15  }
0x1de: {  	v45 =	vsub.f32 v22, v6  }
0x1df: {  	v46 =	vmul.f32 $1.442695020e+00, v25  }
0x1e0: {  	v15 =	vmul.f32 $1.442695020e+00, v45  }
0x1e1: {  	[tilespmem:s12+$0x90] =	vst v11;
	v17 =	vmul.f32 v17, v21;
	(erf) = vpow2.f32 v46  }
0x1e2: {  	v10 =	vmul.f32 v24, v10;
	[tilespmem:s12+$0xE0] =	vst v12;
	(erf) = vpow2.f32 v15  }
0x1e3: {  	[tilespmem:s10+$0xFFFFFFE0] =	vst v17;
	v7 =	vmul.f32 v20, v7  }
0x1e4: {  	[tilespmem:s10+$0xFFFFFEF0] =	vst v10;
	v15 =	vpop (erf)  }
0x1e5: {  	[tilespmem:s10+$0xD0] =	vst v7;
	v17 =	vpop (erf)  }
0x1e6: {  	[tilespmem:s12+$0x40] =	vst v15;
	v10 =	vpop (erf)  }
0x1e7: {  	v8 =	vmul.f32 v23, v8;
	v7 =	vld [tilespmem:s13+$0x0];
	[tilespmem:s12+$0xFFFFFFA0] =	vst v10  }
0x1e8: {  	[tilespmem:s10+$0x80] =	vst v18;
	v47 =	vld [tilespmem:s13+$0xFFFFFF60]  }
0x1e9: {  	[tilespmem:s10+$0x30] =	vst v8  }
0x1ea: {  	v13 =	vmul.f32 v16, v13;
	v8 =	vld [tilespmem:s13+$0x50];
	v59 =	vperm.xlane v15, v1;
	[tilespmem:s12+$0xFFFFFFF0] =	vst v17;
	v16 =	vpop (erf)  }
0x1eb: {  	v48 =	vld [tilespmem:s13+$0xFFFFFFB0];
	v49 =	vperm.xlane v10, v1;
	[tilespmem:s12+$0xFFFFFF00] =	vst v16;
	v21 =	vpop (erf)  }
0x1ec: {  	v7 =	vmul.f32 v7, v59;
	v50 =	vld [tilespmem:s13+$0xFFFFFEC0];
	[tilespmem:s12+$0xFFFFFF50] =	vst v21  }
0x1ed: {  	v51 =	vperm.xlane v11, v1;
	[tilespmem:s10+$0xFFFFFF40] =	vst v13;
	v52 =	vld [tilespmem:s13+$0xFFFFFF10];
	v13 =	vmul.f32 v47, v49  }
0x1ee: {  	v14 =	vmul.f32 v19, v14;
	v54 =	vld [tilespmem:s13+$0xA0];
	v53 =	vperm.xlane v17, v1;
	[tilespmem:s12+$0x0] =	vst v7  }
0x1ef: {  	v8 =	vmul.f32 v8, v51;
	v55 =	vperm.xlane v16, v1;
	v31 =	vld [tilespmem:s13+$0x10];
	[tilespmem:s12+$0xFFFFFF60] =	vst v13  }
0x1f0: {  	[tilespmem:s12+$0xF0] =	vst v14;
	v56 =	vmul.f32 v48, v53;
	v57 =	vperm.xlane v21, v1;
	v58 =	vld [tilespmem:s13+$0xFFFFFF70]  }
0x1f1: {  	v61 =	vperm.xlane v12, v1;
	v60 =	vld [tilespmem:s13+$0x100];
	[tilespmem:s12+$0x50] =	vst v8;
	v8 =	vmul.f32 v50, v55  }
0x1f2: {  	v35 =	vperm.xlane v15, v2;
	v62 =	vld [tilespmem:s13+$0x60];
	[tilespmem:s12+$0xFFFFFFB0] =	vst v56;
	v14 =	vmul.f32 v52, v57  }
0x1f3: {  	v20 =	vmul.f32 v54, v61;
	v63 =	vld [tilespmem:s13+$0xFFFFFFC0];
	[tilespmem:s12+$0xFFFFFEC0] =	vst v8;
	v8 =	vperm.xlane v10, v2  }
0x1f4: {  	v27 =	vperm.xlane v9, v2;
	v39 =	vmul.f32 v31, v35;
	v28 =	vld [tilespmem:s13+$0xFFFFFED0];
	[tilespmem:s12+$0xFFFFFF10] =	vst v14  }
0x1f5: {  	[tilespmem:s12+$0xA0] =	vst v20;
	v7 =	vperm.xlane v11, v2;
	v14 =	vld [tilespmem:s13+$0xFFFFFF20];
	v8 =	vmul.f32 v58, v8  }
0x1f6: {  	v29 =	vmul.f32 v60, v27;
	v20 =	vld [tilespmem:s13+$0xB0];
	v30 =	vperm.xlane v17, v2;
	[tilespmem:s12+$0x10] =	vst v39  }
0x1f7: {  	v32 =	vperm.xlane v16, v2;
	v7 =	vmul.f32 v62, v7;
	v45 =	vld [tilespmem:s13+$0x20];
	[tilespmem:s12+$0xFFFFFF70] =	vst v8  }
0x1f8: {  	[tilespmem:s12+$0x100] =	vst v29;
	v33 =	vperm.xlane v21, v2;
	v8 =	vmul.f32 v63, v30;
	v34 =	vld [tilespmem:s13+$0xFFFFFF80]  }
0x1f9: {  	v36 =	vld [tilespmem:s13+$0x110];
	[tilespmem:s12+$0x60] =	vst v7;
	v7 =	vperm.xlane v12, v2;
	v13 =	vmul.f32 v28, v32  }
0x1fa: {  	v49 =	vperm.xlane v15, v3;
	v37 =	vld [tilespmem:s13+$0x70];
	[tilespmem:s12+$0xFFFFFFC0] =	vst v8;
	v8 =	vmul.f32 v14, v33  }
0x1fb: {  	v40 =	vperm.xlane v10, v3;
	v7 =	vmul.f32 v20, v7;
	v38 =	vld [tilespmem:s13+$0xFFFFFFD0];
	[tilespmem:s12+$0xFFFFFED0] =	vst v13  }
0x1fc: {  	v41 =	vperm.xlane v9, v3;
	v52 =	vmul.f32 v45, v49;
	v42 =	vld [tilespmem:s13+$0xFFFFFEE0];
	[tilespmem:s12+$0xFFFFFF20] =	vst v8  }
0x1fd: {  	[tilespmem:s12+$0xB0] =	vst v7;
	v8 =	vperm.xlane v11, v3;
	v43 =	vld [tilespmem:s13+$0xFFFFFF30];
	v19 =	vmul.f32 v34, v40  }
0x1fe: {  	v44 =	vperm.xlane v17, v3;
	v46 =	vld [tilespmem:s13+$0xC0];
	v13 =	vmul.f32 v36, v41;
	[tilespmem:s12+$0x20] =	vst v52  }
0x1ff: {  	v7 =	vperm.xlane v16, v3;
	v8 =	vmul.f32 v37, v8;
	[tilespmem:s12+$0xFFFFFF80] =	vst v19  }
0x200: {  	v47 =	vperm.xlane v21, v3;
	[tilespmem:s12+$0x110] =	vst v13;
	v18 =	vmul.f32 v38, v44;
	v48 =	vld [tilespmem:s13+$0xFFFFFF90]  }
0x201: {  	v50 =	vld [tilespmem:s13+$0x120];
	[tilespmem:s12+$0x70] =	vst v8;
	v8 =	vperm.xlane v12, v3;
	v7 =	vmul.f32 v42, v7  }
0x202: {  	v51 =	vld [tilespmem:s13+$0x80];
	v13 =	vmul.f32 v43, v47;
	[tilespmem:s12+$0xFFFFFFD0] =	vst v18  }
0x203: {  	v8 =	vmul.f32 v46, v8;
	[tilespmem:s12+$0xFFFFFEE0] =	vst v7;
	v7 =	vperm.xlane v10, v4;
	v53 =	vld [tilespmem:s13+$0xFFFFFFE0]  }
0x204: {  	v54 =	vperm.xlane v9, v4;
	v55 =	vld [tilespmem:s13+$0xFFFFFEF0];
	[tilespmem:s12+$0xFFFFFF30] =	vst v13  }
0x205: {  	v56 =	vperm.xlane v11, v4;
	[tilespmem:s12+$0xC0] =	vst v8;
	v8 =	vld [tilespmem:s13+$0x30];
	v7 =	vmul.f32 v48, v7  }
0x206: {  	v57 =	vperm.xlane v17, v4;
	v9 =	vmul.f32 v50, v54;
	v13 =	vld [tilespmem:s13+$0xFFFFFF40]  }
0x207: {  	v16 =	vperm.xlane v16, v4;
	v11 =	vmul.f32 v51, v56;
	[tilespmem:s12+$0xFFFFFF90] =	vst v7;
	v7 =	vld [tilespmem:s13+$0xD0]  }
0x208: {  	v60 =	vperm.xlane v15, v4;
	[tilespmem:s12+$0x120] =	vst v9;
	v59 =	vmul.f32 v53, v57  }
0x209: {  	v58 =	vperm.xlane v21, v4;
	[tilespmem:s12+$0x80] =	vst v11;
	v61 =	vmul.f32 v55, v16  }
.Ltmp5:
0x20a: {  	v62 =	vperm.xlane v12, v4;
	v8 =	vmul.f32 v8, v60;
	[tilespmem:s12+$0xFFFFFFE0] =	vst v59;
	(pc) =	sbr.rel @p2 .LBB2_10-.Ltmp5, $4  }
0x20b: {  	v63 =	vmul.f32 v13, v58;
	[tilespmem:s12+$0xFFFFFEF0] =	vst v61  }
0x20c: {  	[tilespmem:s12+$0x30] =	vst v8;
	v7 =	vmul.f32 v7, v62  }
0x20d: {  	[tilespmem:s12+$0xFFFFFF40] =	vst v63  }
0x20e: {  	s9 =	sadd.s32 $0x4E70, s9;
	[tilespmem:s12+$0xD0] =	vst v7  }
0x20f: {  	s10 =	smul.u32 $0xA0, s8;
	_ =	sdelay $0x1  }
0x210: {  	v7 =	vld [tilespmem:s10+$0xF0];
	_ =	sdelay $0x4  }
0x211: {  	v7 =	vshll.u32 v7, $0x1  }
0x212: {  	v7 =	vor.u32 v0, v7  }
0x213: {  	[tilespmem:$0x9C90] =	vst v7  }
0x214: {  	v7 =	vld [tilespmem:s10+$0x100];
	_ =	sdelay $0x4  }
0x215: {  	v7 =	vshll.u32 v7, $0x1  }
0x216: {  	v7 =	vor.u32 v0, v7  }
0x217: {  	[tilespmem:$0x9CA0] =	vst v7  }
0x218: {  	v7 =	vld [tilespmem:s10+$0x110];
	_ =	sdelay $0x4  }
0x219: {  	v7 =	vshll.u32 v7, $0x1  }
0x21a: {  	v7 =	vor.u32 v0, v7  }
0x21b: {  	[tilespmem:$0x9CB0] =	vst v7  }
0x21c: {  	v7 =	vld [tilespmem:s10+$0x120];
	_ =	sdelay $0x4  }
0x21d: {  	v7 =	vshll.u32 v7, $0x1  }
0x21e: {  	v7 =	vor.u32 v0, v7  }
0x21f: {  	[tilespmem:$0x9CC0] =	vst v7  }
0x220: {  	v7 =	vld [tilespmem:s10+$0x130];
	_ =	sdelay $0x4  }
0x221: {  	v7 =	vshll.u32 v7, $0x1  }
0x222: {  	v7 =	vor.u32 v0, v7  }
0x223: {  	[tilespmem:$0x9CD0] =	vst v7  }
0x224: {  	[tilespmem:s31], [sflag:$0x2] =	stream.indirect.gather [hbm4b:s3+s25], $0x50, s30, s25, $0xb8;
	[tilespmem:$0x1CE40] =	vst v63  }
.Ltmp6:
0x225: {  	_ = 	snop;
	(pc) =	sbr.rel .LBB2_4-.Ltmp6, $4  }
0x226: {  	s10 =	sadd.s32 $0x4F10, s10  }
0x227: {  	[tilespmem:s24], [sflag:$0x4] =	stream.indirect.gather [hbm4b:s4+s25], $0x10, s10, s25, $0xb8;
	[tilespmem:$0x1CE40] =	vst v63  }
0x228: {  	s8 =	sadd.s32 $0x1, s8  }
0x229: {  	[spmem:s1] =	stream.indirect.scatter.add.f32 [tilespmem:s5], [sflag:$0x6], $0x50, s9, s25, $0xb8;
	[tilespmem:$0x1CE40] =	vst v63  }
.LBB2_11:
0x22a: {  	_ =	sfence.sel $0x180000  }
0x22b: {  	[bflag:$0x0] =	sbarrier.arrive $0xFFFF  }
0x22c: {  	_ =	strace $0x90000047  }
0x22d: {  	[bflag:$0x2] =	sbarrier.arrive $0xFFFF  }
0x22e: {  	s0 =	rddreg [dreg:$0x3]  }
0x22f: {  	s0 =	sadd.s32 @!p0 $0x100000, s0  }
0x230: {  	[sflag:s0] =	ssyncadd.tile.s32 @!p0 $0x1;
	_ =	shalt  }
.Lfunc_end2:
_tile_overlayer_lowered:
.L_overlay_start_2:
0x231: {  	(tag) =	ssettag $0x2  }
0x232: {  	s0 =	rddreg [dreg:$0x0];
	s2 =	stileid.u32  }
0x233: {  	s1 =	rddreg [dreg:$0x1];
	p0 =	sne.s32 s2, $0x0  }
0x234: {  	s3 =	rddreg [dreg:$0x2];
	[bflag:$0x3] =	sbarrier.arrive $0xFFFF;
	s2 =	simm.s32 @!p0 $0x1C07  }
0x235: {  	[timem:s3], [sflag:s2] =	dma.local @!p0 [hbm:s0], s1  }
0x236: {  	s0 =	simm.s32 @!p0 $0x7  }
0x237: {  	_ =	swait.ge @!p0 [sflag:s0], s1  }
0x238: {  	s1 =	ssub.s32 @!p0 $0x0, s1;
	[sflag:s0] =	ssyncset.done @!p0 $0x0  }
0x239: {  	[sflag:s0] =	ssyncadd.s32 @!p0 s1  }
0x23a: {  	[bflag:$0x3] =	sbarrier.arrive $0xFFFF  }
0x23b: {  	_ =	shalt  }

</sc_bundles>
